<compile_context>
chip_gen: v7x
topology: tpu7x:2x2x1
jax: 0.10.2.dev20260603
libtpu: 0.0.44.dev20260713+nightly
codegen_flags: <defaults>
</compile_context>

<pallas_src>
import functools

import jax
import jax.numpy as jnp
from jax import lax
from jax.experimental import pallas as pl
from jax.experimental.pallas import tpu as pltpu
from jax.experimental.pallas import tpu_sc as plsc

SCORE_THRESHOLD = 0.01
NMS_THRESHOLD = 0.5
MAX_DETECTIONS = 100
NEG = -1e30
CAP = 192
HOTW = 2 * CAP


def _greedy(active_ref, ext_ref, x1, y1, x2, y2, idx_of_lane, n_classes,
            width):
    C, W = n_classes, width
    areas = (x2 - x1) * (y2 - y1)
    lane = lax.broadcasted_iota(jnp.int32, (C, W), 1)
    lane_k = lax.broadcasted_iota(jnp.int32, (C, 128), 1)
    BIG = jnp.int32(2**30)
    kept0 = (jnp.zeros((C, 128), jnp.int32), jnp.zeros((C, 128), jnp.int32),
             jnp.full((C, 128), NEG, jnp.float32))

    def nms_iter(it, carry):
        kept_idx, kept_val, kept_sc = carry
        act = active_ref[...]
        m = jnp.max(act, axis=1, keepdims=True)
        ismax = act == m
        psel = jnp.min(jnp.where(ismax, lane, BIG), axis=1, keepdims=True)
        onehot = lane == psel
        valid = m > -1e20
        ext_ref[0 * C:1 * C, :] = jnp.where(onehot, x1, NEG)
        ext_ref[1 * C:2 * C, :] = jnp.where(onehot, y1, NEG)
        ext_ref[2 * C:3 * C, :] = jnp.where(onehot, x2, NEG)
        ext_ref[3 * C:4 * C, :] = jnp.where(onehot, y2, NEG)
        ext_ref[4 * C:5 * C, :] = jnp.where(
            onehot, idx_of_lane.astype(jnp.float32), NEG)
        red = jnp.max(ext_ref[...], axis=1, keepdims=True)
        x1s = red[0 * C:1 * C]
        y1s = red[1 * C:2 * C]
        x2s = red[2 * C:3 * C]
        y2s = red[3 * C:4 * C]
        isel = jnp.where(valid, red[4 * C:5 * C], 0.0).astype(jnp.int32)
        area_s = (x2s - x1s) * (y2s - y1s)
        w = jnp.maximum(0.0, jnp.minimum(x2s, x2) - jnp.maximum(x1s, x1))
        h = jnp.maximum(0.0, jnp.minimum(y2s, y2) - jnp.maximum(y1s, y1))
        inter = w * h
        iou = inter / (area_s + areas - inter + 1e-9)
        suppress = valid & ((iou > NMS_THRESHOLD) | onehot)
        active_ref[...] = jnp.where(suppress, NEG, act)
        slot = lane_k == it
        kept_idx = jnp.where(slot, jnp.where(valid, isel, 0), kept_idx)
        kept_val = jnp.where(slot, valid.astype(jnp.int32), kept_val)
        kept_sc = jnp.where(slot, m, kept_sc)
        return kept_idx, kept_val, kept_sc

    return lax.fori_loop(0, MAX_DETECTIONS, nms_iter, kept0)


def _merge(kept_idx, kept_val, kept_sc, idx_out, lab_out, valid_out,
           score_out):
    C = kept_idx.shape[0]
    row_i = lax.broadcasted_iota(jnp.int32, (128, 128), 0)
    col_i = lax.broadcasted_iota(jnp.int32, (128, 128), 1)
    eye = row_i == col_i
    lane_t = lax.broadcasted_iota(jnp.int32, (1, 128), 1)
    rcol = lax.broadcasted_iota(jnp.int32, (128, 1), 0)

    sbits = lax.bitcast_convert_type(kept_sc, jnp.int32)
    acc = jnp.zeros((10, 128), jnp.float32)
    for cc in range(C):
        srow_c = kept_sc[cc:cc + 1, :]
        scol = jnp.max(jnp.where(eye, jnp.broadcast_to(srow_c, (128, 128)),
                                 NEG), axis=1, keepdims=True)
        fcol = cc * 128 + rcol
        pre = jnp.zeros((128, 128), jnp.int32)
        for c2 in range(C):
            srow = kept_sc[c2:c2 + 1, :]
            frow = c2 * 128 + lane_t
            pre = pre + ((srow > scol)
                         | ((srow == scol) & (frow < fcol))).astype(jnp.int32)
        rank_c = jnp.sum(pre, axis=1, keepdims=True)
        onehot = (rank_c == lane_t).astype(jnp.float32)
        u = sbits[cc:cc + 1, :]
        iv = kept_idx[cc:cc + 1, :]
        rows = [lax.shift_right_logical(u, 7 * k) & 127 for k in range(4)]
        rows.append(lax.shift_right_logical(u, 28) & 15)
        rows.append(iv & 127)
        rows.append(lax.shift_right_logical(iv, 7) & 127)
        rows.append(lax.shift_right_logical(iv, 14) & 127)
        rows.append(kept_val[cc:cc + 1, :])
        rows.append(jnp.full((1, 128), cc, jnp.int32))
        vals = jnp.concatenate([r.astype(jnp.float32) for r in rows], axis=0)
        acc = acc + jnp.dot(vals, onehot,
                            preferred_element_type=jnp.float32)
    d = (acc + 0.5).astype(jnp.int32)
    sb = (d[0:1] | (d[1:2] << 7) | (d[2:3] << 14) | (d[3:4] << 21)
          | (d[4:5] << 28))
    score_out[...] = lax.bitcast_convert_type(sb, jnp.float32)
    idx_out[...] = d[5:6] | (d[6:7] << 7) | (d[7:8] << 14)
    valid_out[...] = d[8:9]
    lab_out[...] = d[9:10]


def _tau_body(cls_ref, tau_out, cnt_out, act_ref):
    C, NPAD = cls_ref.shape
    cls = cls_ref[...]
    act = jnp.where(cls > SCORE_THRESHOLD, cls, NEG)
    act_ref[...] = act
    cntall = jnp.sum((act > -1e20).astype(jnp.int32), axis=1, keepdims=True)
    mx = jnp.max(act, axis=1, keepdims=True)
    lo0 = jnp.full((C, 1), SCORE_THRESHOLD, jnp.float32)
    hi0 = jnp.maximum(mx, lo0)

    def step(_, carry):
        lo, hi = carry
        mid = 0.5 * (lo + hi)
        a = act_ref[...]
        cnt = jnp.sum((a > mid).astype(jnp.int32), axis=1, keepdims=True)
        over = cnt > CAP
        return jnp.where(over, mid, lo), jnp.where(over, hi, mid)

    _, hi = lax.fori_loop(0, 20, step, (lo0, hi0))
    tau_out[...] = jnp.broadcast_to(hi, (C, 128))
    cnt_out[...] = jnp.broadcast_to(cntall, (C, 128))


def _run_tau(cls_t):
    C, NPAD = cls_t.shape
    return pl.pallas_call(
        _tau_body,
        out_shape=[
            jax.ShapeDtypeStruct((C, 128), jnp.float32),
            jax.ShapeDtypeStruct((C, 128), jnp.int32),
        ],
        scratch_shapes=[pltpu.VMEM((C, NPAD), jnp.float32)],
    )(cls_t)


def _make_sc_compact(n_classes, npad):
    half = npad // 2
    nv = half // 16
    info = plsc.get_sparse_core_info()
    nc = info.num_cores
    mesh = plsc.VectorSubcoreMesh(core_axis_name="c", subcore_axis_name="s")
    C = n_classes

    @functools.partial(
        pl.kernel, mesh=mesh,
        compiler_params=pltpu.CompilerParams(use_tc_tiling_on_sc=False,
                                             needs_layout_passes=False),
        out_type=[
            jax.ShapeDtypeStruct((C, HOTW), jnp.float32),
            jax.ShapeDtypeStruct((C, HOTW), jnp.int32),
            jax.ShapeDtypeStruct((C, HOTW), jnp.float32),
            jax.ShapeDtypeStruct((C, HOTW), jnp.float32),
            jax.ShapeDtypeStruct((C, HOTW), jnp.float32),
            jax.ShapeDtypeStruct((C, HOTW), jnp.float32),
        ],
        scratch_types=[
            pltpu.VMEM((half,), jnp.float32),
            pltpu.VMEM((half,), jnp.float32),
            pltpu.VMEM((half,), jnp.float32),
            pltpu.VMEM((half,), jnp.float32),
            pltpu.VMEM((half,), jnp.float32),
            pltpu.VMEM((16,), jnp.float32),
            pltpu.VMEM((CAP,), jnp.float32),
            pltpu.VMEM((CAP,), jnp.int32),
            pltpu.VMEM((CAP,), jnp.float32),
            pltpu.VMEM((CAP,), jnp.float32),
            pltpu.VMEM((CAP,), jnp.float32),
            pltpu.VMEM((CAP,), jnp.float32),
        ],
    )
    def compact_k(cls_hbm, bx_hbm, tau_hbm,
                  hsc_hbm, hidx_hbm, hx1_hbm, hy1_hbm, hx2_hbm, hy2_hbm,
                  srow, rx1, ry1, rx2, ry2, tau_v,
                  osc, oidx, ox1, oy1, ox2, oy2):
        wid = lax.axis_index("s") * nc + lax.axis_index("c")

        @pl.when(wid < 2 * C)
        def _():
            c = wid // 2
            hf = wid % 2
            base = hf * half
            pltpu.sync_copy(cls_hbm.at[c, pl.ds(base, half)], srow)
            pltpu.sync_copy(bx_hbm.at[0, pl.ds(base, half)], rx1)
            pltpu.sync_copy(bx_hbm.at[1, pl.ds(base, half)], ry1)
            pltpu.sync_copy(bx_hbm.at[2, pl.ds(base, half)], rx2)
            pltpu.sync_copy(bx_hbm.at[3, pl.ds(base, half)], ry2)
            pltpu.sync_copy(tau_hbm, tau_v)

            iota16 = lax.iota(jnp.int32, 16)
            zf = jnp.zeros((16,), jnp.float32)
            for k in range(CAP // 16):
                osc[pl.ds(k * 16, 16)] = zf + NEG
                oidx[pl.ds(k * 16, 16)] = iota16 * 0
                ox1[pl.ds(k * 16, 16)] = zf
                oy1[pl.ds(k * 16, 16)] = zf
                ox2[pl.ds(k * 16, 16)] = zf
                oy2[pl.ds(k * 16, 16)] = zf

            tau_c = plsc.load_gather(tau_v, [iota16 * 0 + c])
            base16 = iota16 + base

            def body(j, cnt):
                for u in range(4):
                    o = j * 64 + u * 16
                    s = srow[pl.ds(o, 16)]
                    mask = s > tau_c
                    pos = cnt + plsc.cumsum(mask.astype(jnp.int32)) - 1
                    wr = mask & (pos < CAP)
                    plsc.store_scatter(osc, [pos], s, mask=wr)
                    plsc.store_scatter(oidx, [pos], base16 + o, mask=wr)
                    plsc.store_scatter(ox1, [pos], rx1[pl.ds(o, 16)],
                                       mask=wr)
                    plsc.store_scatter(oy1, [pos], ry1[pl.ds(o, 16)],
                                       mask=wr)
                    plsc.store_scatter(ox2, [pos], rx2[pl.ds(o, 16)],
                                       mask=wr)
                    plsc.store_scatter(oy2, [pos], ry2[pl.ds(o, 16)],
                                       mask=wr)
                    cnt = cnt + plsc.all_reduce_population_count(mask)
                return cnt

            cnt = lax.fori_loop(0, nv // 4, body,
                                jnp.zeros((16,), jnp.int32))
            for jt in range(4 * (nv // 4), nv):
                o = jt * 16
                s = srow[pl.ds(o, 16)]
                mask = s > tau_c
                pos = cnt + plsc.cumsum(mask.astype(jnp.int32)) - 1
                wr = mask & (pos < CAP)
                plsc.store_scatter(osc, [pos], s, mask=wr)
                plsc.store_scatter(oidx, [pos], base16 + o, mask=wr)
                plsc.store_scatter(ox1, [pos], rx1[pl.ds(o, 16)], mask=wr)
                plsc.store_scatter(oy1, [pos], ry1[pl.ds(o, 16)], mask=wr)
                plsc.store_scatter(ox2, [pos], rx2[pl.ds(o, 16)], mask=wr)
                plsc.store_scatter(oy2, [pos], ry2[pl.ds(o, 16)], mask=wr)
                cnt = cnt + plsc.all_reduce_population_count(mask)

            hout = hf * CAP
            pltpu.sync_copy(osc, hsc_hbm.at[c, pl.ds(hout, CAP)])
            pltpu.sync_copy(oidx, hidx_hbm.at[c, pl.ds(hout, CAP)])
            pltpu.sync_copy(ox1, hx1_hbm.at[c, pl.ds(hout, CAP)])
            pltpu.sync_copy(oy1, hy1_hbm.at[c, pl.ds(hout, CAP)])
            pltpu.sync_copy(ox2, hx2_hbm.at[c, pl.ds(hout, CAP)])
            pltpu.sync_copy(oy2, hy2_hbm.at[c, pl.ds(hout, CAP)])

    return compact_k


def _hot_body(hsc_ref, hidx_ref, hx1_ref, hy1_ref, hx2_ref, hy2_ref,
              cnt_ref, cls_ref, bx_ref,
              idx_out, lab_out, valid_out, score_out, hact_ref, act_ref,
              exth_ref, extf_ref):
    C, NPAD = cls_ref.shape
    hact_ref[...] = hsc_ref[...]
    w_hot = jnp.sum((hsc_ref[...] > -1e20).astype(jnp.int32), axis=1,
                    keepdims=True)
    kept_hot = _greedy(hact_ref, exth_ref, hx1_ref[...], hy1_ref[...],
                       hx2_ref[...], hy2_ref[...], hidx_ref[...], C, HOTW)
    nkept = jnp.sum(kept_hot[1], axis=1, keepdims=True)
    need_fb = (nkept < MAX_DETECTIONS) & (cnt_ref[:, 0:1] > w_hot)
    fb = jnp.max(need_fb.astype(jnp.int32)) > 0

    def full_fn(_):
        cls = cls_ref[...]
        act_ref[...] = jnp.where(cls > SCORE_THRESHOLD, cls, NEG)
        lane = lax.broadcasted_iota(jnp.int32, (C, NPAD), 1)
        return _greedy(act_ref, extf_ref, bx_ref[0:1, :], bx_ref[1:2, :],
                       bx_ref[2:3, :], bx_ref[3:4, :], lane, C, NPAD)

    kept_idx, kept_val, kept_sc = lax.cond(fb, full_fn, lambda _: kept_hot,
                                           None)
    _merge(kept_idx, kept_val, kept_sc, idx_out, lab_out, valid_out,
           score_out)


def _run_hot(hsc, hidx, hx1, hy1, hx2, hy2, cnt128, cls_t, bx):
    C, NPAD = cls_t.shape
    return pl.pallas_call(
        _hot_body,
        out_shape=[
            jax.ShapeDtypeStruct((1, 128), jnp.int32),
            jax.ShapeDtypeStruct((1, 128), jnp.int32),
            jax.ShapeDtypeStruct((1, 128), jnp.int32),
            jax.ShapeDtypeStruct((1, 128), jnp.float32),
        ],
        scratch_shapes=[pltpu.VMEM((C, HOTW), jnp.float32),
                        pltpu.VMEM((C, NPAD), jnp.float32),
                        pltpu.VMEM((5 * C, HOTW), jnp.float32),
                        pltpu.VMEM((5 * C, NPAD), jnp.float32)],
    )(hsc, hidx, hx1, hy1, hx2, hy2, cnt128, cls_t, bx)


def _make_sc_gather(n, d_feat):
    info = plsc.get_sparse_core_info()
    nc = info.num_cores
    mesh = plsc.VectorSubcoreMesh(core_axis_name="c", subcore_axis_name="s")

    @functools.partial(
        pl.kernel, mesh=mesh,
        compiler_params=pltpu.CompilerParams(use_tc_tiling_on_sc=False),
        out_type=jax.ShapeDtypeStruct((128, d_feat), jnp.float32),
        scratch_types=[
            pltpu.VMEM((32,), jnp.int32),
            pltpu.VMEM((32, d_feat), jnp.float32),
            pltpu.SemaphoreType.DMA,
        ],
    )
    def gather_k(idx_hbm, feat_hbm, out_feat, idx_v, feat_v, sem):
        wid = lax.axis_index("s") * nc + lax.axis_index("c")

        @pl.when(wid < 4)
        def _():
            pltpu.sync_copy(idx_hbm.at[pl.ds(wid * 32, 32)], idx_v)
            pltpu.async_copy(feat_hbm.at[idx_v], feat_v, sem).wait()
            pltpu.sync_copy(feat_v, out_feat.at[pl.ds(wid * 32, 32)])

    return gather_k


def kernel(boxes, classification, rotation, translation, hand):
    b = boxes[0]
    c = classification[0]
    r = rotation[0]
    t = translation[0]
    h = hand[0]
    n, nclass = c.shape
    npad = ((n + 127) // 128) * 128

    cls_t = jnp.pad(c.T, ((0, 0), (0, npad - n)), constant_values=-1.0)
    bx = jnp.pad(b.T, ((0, 8 - b.shape[1]), (0, npad - n)))

    tau128, cnt128 = _run_tau(cls_t)
    tau16 = jnp.pad(tau128[:, 0], (0, 16 - nclass))
    hsc, hidx, hx1, hy1, hx2, hy2 = _make_sc_compact(nclass, npad)(
        cls_t, bx, tau16)
    sidx, slab, sval, ssc = _run_hot(hsc, hidx, hx1, hy1, hx2, hy2,
                                     cnt128, cls_t, bx)
    idx128 = sidx[0]

    db, dr, dt, dh = b.shape[1], r.shape[1], t.shape[1], h.shape[1]
    d_used = db + dr + dt + dh
    d_feat = ((d_used + 15) // 16) * 16
    feat = jnp.concatenate(
        [b, r, t, h, jnp.zeros((n, d_feat - d_used), jnp.float32)], axis=1)
    g = _make_sc_gather(n, d_feat)(idx128, feat)

    m = MAX_DETECTIONS
    valid = sval[0, :m] > 0
    out_boxes = jnp.where(valid[:, None], g[:m, :db], -1.0)
    out_scores = jnp.where(valid, ssc[0, :m], -1.0)
    out_labels = jnp.where(valid, slab[0, :m], -1).astype(jnp.int32)
    out_rot = jnp.where(valid[:, None], g[:m, db:db + dr], -1.0)
    out_tr = jnp.where(valid[:, None], g[:m, db + dr:db + dr + dt], -1.0)
    out_hand = jnp.where(valid[:, None], g[:m, db + dr + dt:d_used], -1.0)
    return (out_boxes, out_scores, out_labels, out_rot, out_tr, out_hand)

# --- scband reference (transcript-rebuilt; emitter-appended) ---
"""Pipeline reference for scband-filter-detections-29978871726712 (READ-ONLY COPY).

The authoritative reference and input builder live on the scoring server;
editing this copy changes nothing except your own understanding.
"""

import jax, jax.numpy as jnp
import numpy as np

SCORE_THRESHOLD = 0.01
NMS_THRESHOLD = 0.5
MAX_DETECTIONS = 100


def _nms_jax(boxes, scores_c):
    x1, y1, x2, y2 = boxes[:, 0], boxes[:, 1], boxes[:, 2], boxes[:, 3]
    areas = (x2 - x1) * (y2 - y1)
    n = boxes.shape[0]
    active = jnp.where(scores_c > SCORE_THRESHOLD, scores_c, -jnp.inf)
    kept_idx = jnp.zeros((MAX_DETECTIONS,), dtype=jnp.int32)
    kept_valid = jnp.zeros((MAX_DETECTIONS,), dtype=bool)

    def body(it, carry):
        active, kept_idx, kept_valid = carry
        i = jnp.argmax(active)
        valid = active[i] > -jnp.inf
        xx1 = jnp.maximum(x1[i], x1)
        yy1 = jnp.maximum(y1[i], y1)
        xx2 = jnp.minimum(x2[i], x2)
        yy2 = jnp.minimum(y2[i], y2)
        w = jnp.maximum(0.0, xx2 - xx1)
        h = jnp.maximum(0.0, yy2 - yy1)
        inter = w * h
        iou = inter / (areas[i] + areas - inter + 1e-9)
        suppress = valid & ((iou > NMS_THRESHOLD) | (jnp.arange(n) == i))
        active = jnp.where(suppress, -jnp.inf, active)
        kept_idx = kept_idx.at[it].set(jnp.where(valid, i, 0).astype(jnp.int32))
        kept_valid = kept_valid.at[it].set(valid)
        return active, kept_idx, kept_valid

    active, kept_idx, kept_valid = jax.lax.fori_loop(
        0, MAX_DETECTIONS, body, (active, kept_idx, kept_valid))
    return kept_idx, kept_valid


def _compute_indices(boxes, cls):
    # class-specific filtering: per-class score threshold + NMS, then merge + top-k
    num_classes = cls.shape[1]
    kept_idx, kept_valid = jax.vmap(lambda s: _nms_jax(boxes, s))(cls.T)
    labels = jnp.broadcast_to(
        jnp.arange(num_classes, dtype=jnp.int32)[:, None], kept_idx.shape)
    idx_all = kept_idx.reshape(-1)
    lab_all = labels.reshape(-1)
    valid_all = kept_valid.reshape(-1)
    gathered = jnp.where(valid_all, cls[idx_all, lab_all], -jnp.inf)
    top = jnp.argsort(-gathered, stable=True)[:MAX_DETECTIONS]
    return idx_all[top], lab_all[top], valid_all[top]


def setup_inputs(seed: int = 0):
    key = jax.random.key(seed)
    k1, k2, k3, k4, k5, k6 = jax.random.split(key, 6)
    B, N, C = 1, 20000, 8
    xy = jax.random.uniform(k1, (B, N, 2), minval=0.0, maxval=452.0)
    wh = jax.random.uniform(k2, (B, N, 2), minval=10.0, maxval=60.0)
    boxes = jnp.concatenate([xy, xy + wh], axis=-1).astype(jnp.float32)
    classification = jax.random.uniform(k3, (B, N, C), dtype=jnp.float32)
    rotation = jax.random.normal(k4, (B, N, 3), dtype=jnp.float32)
    translation = jax.random.normal(k5, (B, N, 3), dtype=jnp.float32)
    hand = jax.random.normal(k6, (B, N, 63), dtype=jnp.float32)
    return {"boxes": boxes, "classification": classification, "rotation": rotation,
            "translation": translation, "hand": hand}


def reference(boxes, classification, rotation, translation, hand):
    batch = classification.shape[0]
    output = None
    for i in range(batch):
        b = boxes[i]; c = classification[i]; r = rotation[i]; t = translation[i]; h = hand[i]
        bi, lab, valid = _compute_indices(b, c)
        scores = c[bi, lab]
        out_boxes = jnp.where(valid[:, None], b[bi], -1.0)
        out_scores = jnp.where(valid, scores, -1.0)
        out_labels = jnp.where(valid, lab, -1).astype(jnp.int32)
        out_rot = jnp.where(valid[:, None], r[bi], -1.0)
        out_tr = jnp.where(valid[:, None], t[bi], -1.0)
        out_hand = jnp.where(valid[:, None], h[bi], -1.0)
        output = (out_boxes, out_scores, out_labels, out_rot, out_tr, out_hand)
    return output

if __name__ == "__main__":
    import jax
    _d = setup_inputs()
    print(jax.jit(kernel)(*tuple(_d.values())))

</pallas_src>

<mosaic_0001>
#map = affine_map<(d0, d1) -> (0, 0)>
#map1 = affine_map<(d0, d1) -> (0)>
module attributes {stable_mosaic.version = 14 : i64} {
  func.func @compact_k(%arg0: i32, %arg1: i32, %arg2: memref<8x20096xf32, #tpu.memory_space<hbm>>, %arg3: memref<8x20096xf32, #tpu.memory_space<hbm>>, %arg4: memref<16xf32, #tpu.memory_space<hbm>>, %arg5: memref<8x384xf32, #tpu.memory_space<hbm>>, %arg6: memref<8x384xi32, #tpu.memory_space<hbm>>, %arg7: memref<8x384xf32, #tpu.memory_space<hbm>>, %arg8: memref<8x384xf32, #tpu.memory_space<hbm>>, %arg9: memref<8x384xf32, #tpu.memory_space<hbm>>, %arg10: memref<8x384xf32, #tpu.memory_space<hbm>>, %arg11: memref<10048xf32, #tpu.memory_space<vmem>>, %arg12: memref<10048xf32, #tpu.memory_space<vmem>>, %arg13: memref<10048xf32, #tpu.memory_space<vmem>>, %arg14: memref<10048xf32, #tpu.memory_space<vmem>>, %arg15: memref<10048xf32, #tpu.memory_space<vmem>>, %arg16: memref<16xf32, #tpu.memory_space<vmem>>, %arg17: memref<192xf32, #tpu.memory_space<vmem>>, %arg18: memref<192xi32, #tpu.memory_space<vmem>>, %arg19: memref<192xf32, #tpu.memory_space<vmem>>, %arg20: memref<192xf32, #tpu.memory_space<vmem>>, %arg21: memref<192xf32, #tpu.memory_space<vmem>>, %arg22: memref<192xf32, #tpu.memory_space<vmem>>) attributes {dimension_semantics = [#tpu.dimension_semantics<core_parallel>, #tpu.dimension_semantics<subcore_parallel>], iteration_bounds = array<i64: 2, 16>, scalar_prefetch = 0 : i64, scratch_operands = 12 : i64, tpu.core_type = #tpu.core_type<sc_vector_subcore>, window_params = [{transform_indices = #map}, {transform_indices = #map}, {transform_indices = #map1}, {transform_indices = #map}, {transform_indices = #map}, {transform_indices = #map}, {transform_indices = #map}, {transform_indices = #map}, {transform_indices = #map}]} {
    %mul3A = arith.constant 2 : i32
    %mul3A_0 = arith.muli %arg1, %mul3A : i32
    %add3A = arith.addi %mul3A_0, %arg0 : i32
    %lt3A = arith.constant 16 : i32
    %lt3A_1 = arith.cmpi slt, %add3A, %lt3A : i32
    %convert_element_type3A = arith.extui %lt3A_1 : i1 to i32
    %cond3A = arith.constant 0 : i32
    %cond3A_2 = arith.cmpi ne, %convert_element_type3A, %cond3A : i32
    scf.if %cond3A_2 {
      %jit3A = arith.constant 2 : i32
      %div3A = arith.divsi %add3A, %jit3A : i32
      %sign3A = arith.constant 0 : i32
      %sign3A_3 = arith.cmpi sgt, %add3A, %sign3A : i32
      %sign3A_4 = arith.extui %sign3A_3 : i1 to i32
      %sign3A_5 = arith.constant 0 : i32
      %sign3A_6 = arith.cmpi slt, %add3A, %sign3A_5 : i32
      %sign3A_7 = arith.extui %sign3A_6 : i1 to i32
      %sign3A_8 = arith.subi %sign3A_4, %sign3A_7 : i32
      %sign3A_9 = arith.constant 0 : i32
      %sign3A_10 = arith.cmpi sgt, %jit3A, %sign3A_9 : i32
      %sign3A_11 = arith.extui %sign3A_10 : i1 to i32
      %sign3A_12 = arith.constant 0 : i32
      %sign3A_13 = arith.cmpi slt, %jit3A, %sign3A_12 : i32
      %sign3A_14 = arith.extui %sign3A_13 : i1 to i32
      %sign3A_15 = arith.subi %sign3A_11, %sign3A_14 : i32
      %ne3A = arith.cmpi ne, %sign3A_8, %sign3A_15 : i32
      %rem3A = arith.remsi %add3A, %jit3A : i32
      %ne3A_16 = arith.constant 0 : i32
      %ne3A_17 = arith.cmpi ne, %rem3A, %ne3A_16 : i32
      %and3A = arith.andi %ne3A, %ne3A_17 : i1
      %sub3A = arith.constant 1 : i32
      %sub3A_18 = arith.subi %div3A, %sub3A : i32
      %select_n3A = arith.select %and3A, %sub3A_18, %div3A : i32
      %jit3A_19 = arith.constant 2 : i32
      %eq3A = arith.constant 0 : i32
      %eq3A_20 = arith.cmpi eq, %jit3A_19, %eq3A : i32
      %jit3A_21 = arith.constant 1 : i32
      %select_n3A_22 = arith.select %eq3A_20, %jit3A_21, %jit3A_19 : i32
      %rem3A_23 = arith.remsi %add3A, %select_n3A_22 : i32
      %ne3A_24 = arith.constant 0 : i32
      %ne3A_25 = arith.cmpi ne, %rem3A_23, %ne3A_24 : i32
      %lt3A_26 = arith.constant 0 : i32
      %lt3A_27 = arith.cmpi slt, %rem3A_23, %lt3A_26 : i32
      %lt3A_28 = arith.constant 0 : i32
      %lt3A_29 = arith.cmpi slt, %select_n3A_22, %lt3A_28 : i32
      %ne3A_30 = arith.xori %lt3A_27, %lt3A_29 : i1
      %and3A_31 = arith.andi %ne3A_30, %ne3A_25 : i1
      %add3A_32 = arith.addi %rem3A_23, %select_n3A_22 : i32
      %select_n3A_33 = arith.select %and3A_31, %add3A_32, %rem3A_23 : i32
      %mul3A_34 = arith.constant 10048 : i32
      %mul3A_35 = arith.muli %select_n3A_33, %mul3A_34 : i32
      "tpu.region"() ({
        %run_scoped3A_271 = tpu.sem_alloc : memref<!tpu.dma_semaphore, #tpu.memory_space<semaphore_mem>>
        %dma_start3A = tpu.memref_slice %arg2[%select_n3A, %mul3A_35] : memref<8x20096xf32, #tpu.memory_space<hbm>> -> memref<1x10048xf32, #tpu.memory_space<hbm>>
        %dma_start3A_272 = tpu.memref_squeeze %dma_start3A : memref<1x10048xf32, #tpu.memory_space<hbm>> -> memref<10048xf32, #tpu.memory_space<hbm>>
        %dma_start3A_273 = tpu.memref_slice %arg2[%select_n3A, %mul3A_35] : memref<8x20096xf32, #tpu.memory_space<hbm>> -> memref<1x10048xf32, #tpu.memory_space<hbm>>
        %dma_start3A_274 = tpu.memref_squeeze %dma_start3A_273 : memref<1x10048xf32, #tpu.memory_space<hbm>> -> memref<10048xf32, #tpu.memory_space<hbm>>
        tpu.enqueue_dma source(%dma_start3A_274 : memref<10048xf32, #tpu.memory_space<hbm>>) target(%arg11 : memref<10048xf32, #tpu.memory_space<vmem>>) target_semaphore(%run_scoped3A_271 : memref<!tpu.dma_semaphore, #tpu.memory_space<semaphore_mem>>)
        %dma_wait3A = tpu.memref_slice %arg2[%select_n3A, %mul3A_35] : memref<8x20096xf32, #tpu.memory_space<hbm>> -> memref<1x10048xf32, #tpu.memory_space<hbm>>
        %dma_wait3A_275 = tpu.memref_squeeze %dma_wait3A : memref<1x10048xf32, #tpu.memory_space<hbm>> -> memref<10048xf32, #tpu.memory_space<hbm>>
        %dma_wait3A_276 = tpu.memref_slice %arg2[%select_n3A, %mul3A_35] : memref<8x20096xf32, #tpu.memory_space<hbm>> -> memref<1x10048xf32, #tpu.memory_space<hbm>>
        %dma_wait3A_277 = tpu.memref_squeeze %dma_wait3A_276 : memref<1x10048xf32, #tpu.memory_space<hbm>> -> memref<10048xf32, #tpu.memory_space<hbm>>
        tpu.wait_dma2 semaphore(%run_scoped3A_271 : memref<!tpu.dma_semaphore, #tpu.memory_space<semaphore_mem>>) src(%dma_wait3A_277 : memref<10048xf32, #tpu.memory_space<hbm>>) dst(%arg11 : memref<10048xf32, #tpu.memory_space<vmem>>)
        tpu.yield
      }) : () -> ()
      %run_scoped3A = arith.constant 0 : i32
      "tpu.region"() ({
        %run_scoped3A_271 = tpu.sem_alloc : memref<!tpu.dma_semaphore, #tpu.memory_space<semaphore_mem>>
        %dma_start3A = tpu.memref_slice %arg3[%run_scoped3A, %mul3A_35] : memref<8x20096xf32, #tpu.memory_space<hbm>> -> memref<1x10048xf32, #tpu.memory_space<hbm>>
        %dma_start3A_272 = tpu.memref_squeeze %dma_start3A : memref<1x10048xf32, #tpu.memory_space<hbm>> -> memref<10048xf32, #tpu.memory_space<hbm>>
        %dma_start3A_273 = tpu.memref_slice %arg3[%run_scoped3A, %mul3A_35] : memref<8x20096xf32, #tpu.memory_space<hbm>> -> memref<1x10048xf32, #tpu.memory_space<hbm>>
        %dma_start3A_274 = tpu.memref_squeeze %dma_start3A_273 : memref<1x10048xf32, #tpu.memory_space<hbm>> -> memref<10048xf32, #tpu.memory_space<hbm>>
        tpu.enqueue_dma source(%dma_start3A_274 : memref<10048xf32, #tpu.memory_space<hbm>>) target(%arg12 : memref<10048xf32, #tpu.memory_space<vmem>>) target_semaphore(%run_scoped3A_271 : memref<!tpu.dma_semaphore, #tpu.memory_space<semaphore_mem>>)
        %dma_wait3A = tpu.memref_slice %arg3[%run_scoped3A, %mul3A_35] : memref<8x20096xf32, #tpu.memory_space<hbm>> -> memref<1x10048xf32, #tpu.memory_space<hbm>>
        %dma_wait3A_275 = tpu.memref_squeeze %dma_wait3A : memref<1x10048xf32, #tpu.memory_space<hbm>> -> memref<10048xf32, #tpu.memory_space<hbm>>
        %dma_wait3A_276 = tpu.memref_slice %arg3[%run_scoped3A, %mul3A_35] : memref<8x20096xf32, #tpu.memory_space<hbm>> -> memref<1x10048xf32, #tpu.memory_space<hbm>>
        %dma_wait3A_277 = tpu.memref_squeeze %dma_wait3A_276 : memref<1x10048xf32, #tpu.memory_space<hbm>> -> memref<10048xf32, #tpu.memory_space<hbm>>
        tpu.wait_dma2 semaphore(%run_scoped3A_271 : memref<!tpu.dma_semaphore, #tpu.memory_space<semaphore_mem>>) src(%dma_wait3A_277 : memref<10048xf32, #tpu.memory_space<hbm>>) dst(%arg12 : memref<10048xf32, #tpu.memory_space<vmem>>)
        tpu.yield
      }) : () -> ()
      %run_scoped3A_36 = arith.constant 1 : i32
      "tpu.region"() ({
        %run_scoped3A_271 = tpu.sem_alloc : memref<!tpu.dma_semaphore, #tpu.memory_space<semaphore_mem>>
        %dma_start3A = tpu.memref_slice %arg3[%run_scoped3A_36, %mul3A_35] : memref<8x20096xf32, #tpu.memory_space<hbm>> -> memref<1x10048xf32, #tpu.memory_space<hbm>>
        %dma_start3A_272 = tpu.memref_squeeze %dma_start3A : memref<1x10048xf32, #tpu.memory_space<hbm>> -> memref<10048xf32, #tpu.memory_space<hbm>>
        %dma_start3A_273 = tpu.memref_slice %arg3[%run_scoped3A_36, %mul3A_35] : memref<8x20096xf32, #tpu.memory_space<hbm>> -> memref<1x10048xf32, #tpu.memory_space<hbm>>
        %dma_start3A_274 = tpu.memref_squeeze %dma_start3A_273 : memref<1x10048xf32, #tpu.memory_space<hbm>> -> memref<10048xf32, #tpu.memory_space<hbm>>
        tpu.enqueue_dma source(%dma_start3A_274 : memref<10048xf32, #tpu.memory_space<hbm>>) target(%arg13 : memref<10048xf32, #tpu.memory_space<vmem>>) target_semaphore(%run_scoped3A_271 : memref<!tpu.dma_semaphore, #tpu.memory_space<semaphore_mem>>)
        %dma_wait3A = tpu.memref_slice %arg3[%run_scoped3A_36, %mul3A_35] : memref<8x20096xf32, #tpu.memory_space<hbm>> -> memref<1x10048xf32, #tpu.memory_space<hbm>>
        %dma_wait3A_275 = tpu.memref_squeeze %dma_wait3A : memref<1x10048xf32, #tpu.memory_space<hbm>> -> memref<10048xf32, #tpu.memory_space<hbm>>
        %dma_wait3A_276 = tpu.memref_slice %arg3[%run_scoped3A_36, %mul3A_35] : memref<8x20096xf32, #tpu.memory_space<hbm>> -> memref<1x10048xf32, #tpu.memory_space<hbm>>
        %dma_wait3A_277 = tpu.memref_squeeze %dma_wait3A_276 : memref<1x10048xf32, #tpu.memory_space<hbm>> -> memref<10048xf32, #tpu.memory_space<hbm>>
        tpu.wait_dma2 semaphore(%run_scoped3A_271 : memref<!tpu.dma_semaphore, #tpu.memory_space<semaphore_mem>>) src(%dma_wait3A_277 : memref<10048xf32, #tpu.memory_space<hbm>>) dst(%arg13 : memref<10048xf32, #tpu.memory_space<vmem>>)
        tpu.yield
      }) : () -> ()
      %run_scoped3A_37 = arith.constant 2 : i32
      "tpu.region"() ({
        %run_scoped3A_271 = tpu.sem_alloc : memref<!tpu.dma_semaphore, #tpu.memory_space<semaphore_mem>>
        %dma_start3A = tpu.memref_slice %arg3[%run_scoped3A_37, %mul3A_35] : memref<8x20096xf32, #tpu.memory_space<hbm>> -> memref<1x10048xf32, #tpu.memory_space<hbm>>
        %dma_start3A_272 = tpu.memref_squeeze %dma_start3A : memref<1x10048xf32, #tpu.memory_space<hbm>> -> memref<10048xf32, #tpu.memory_space<hbm>>
        %dma_start3A_273 = tpu.memref_slice %arg3[%run_scoped3A_37, %mul3A_35] : memref<8x20096xf32, #tpu.memory_space<hbm>> -> memref<1x10048xf32, #tpu.memory_space<hbm>>
        %dma_start3A_274 = tpu.memref_squeeze %dma_start3A_273 : memref<1x10048xf32, #tpu.memory_space<hbm>> -> memref<10048xf32, #tpu.memory_space<hbm>>
        tpu.enqueue_dma source(%dma_start3A_274 : memref<10048xf32, #tpu.memory_space<hbm>>) target(%arg14 : memref<10048xf32, #tpu.memory_space<vmem>>) target_semaphore(%run_scoped3A_271 : memref<!tpu.dma_semaphore, #tpu.memory_space<semaphore_mem>>)
        %dma_wait3A = tpu.memref_slice %arg3[%run_scoped3A_37, %mul3A_35] : memref<8x20096xf32, #tpu.memory_space<hbm>> -> memref<1x10048xf32, #tpu.memory_space<hbm>>
        %dma_wait3A_275 = tpu.memref_squeeze %dma_wait3A : memref<1x10048xf32, #tpu.memory_space<hbm>> -> memref<10048xf32, #tpu.memory_space<hbm>>
        %dma_wait3A_276 = tpu.memref_slice %arg3[%run_scoped3A_37, %mul3A_35] : memref<8x20096xf32, #tpu.memory_space<hbm>> -> memref<1x10048xf32, #tpu.memory_space<hbm>>
        %dma_wait3A_277 = tpu.memref_squeeze %dma_wait3A_276 : memref<1x10048xf32, #tpu.memory_space<hbm>> -> memref<10048xf32, #tpu.memory_space<hbm>>
        tpu.wait_dma2 semaphore(%run_scoped3A_271 : memref<!tpu.dma_semaphore, #tpu.memory_space<semaphore_mem>>) src(%dma_wait3A_277 : memref<10048xf32, #tpu.memory_space<hbm>>) dst(%arg14 : memref<10048xf32, #tpu.memory_space<vmem>>)
        tpu.yield
      }) : () -> ()
      %run_scoped3A_38 = arith.constant 3 : i32
      "tpu.region"() ({
        %run_scoped3A_271 = tpu.sem_alloc : memref<!tpu.dma_semaphore, #tpu.memory_space<semaphore_mem>>
        %dma_start3A = tpu.memref_slice %arg3[%run_scoped3A_38, %mul3A_35] : memref<8x20096xf32, #tpu.memory_space<hbm>> -> memref<1x10048xf32, #tpu.memory_space<hbm>>
        %dma_start3A_272 = tpu.memref_squeeze %dma_start3A : memref<1x10048xf32, #tpu.memory_space<hbm>> -> memref<10048xf32, #tpu.memory_space<hbm>>
        %dma_start3A_273 = tpu.memref_slice %arg3[%run_scoped3A_38, %mul3A_35] : memref<8x20096xf32, #tpu.memory_space<hbm>> -> memref<1x10048xf32, #tpu.memory_space<hbm>>
        %dma_start3A_274 = tpu.memref_squeeze %dma_start3A_273 : memref<1x10048xf32, #tpu.memory_space<hbm>> -> memref<10048xf32, #tpu.memory_space<hbm>>
        tpu.enqueue_dma source(%dma_start3A_274 : memref<10048xf32, #tpu.memory_space<hbm>>) target(%arg15 : memref<10048xf32, #tpu.memory_space<vmem>>) target_semaphore(%run_scoped3A_271 : memref<!tpu.dma_semaphore, #tpu.memory_space<semaphore_mem>>)
        %dma_wait3A = tpu.memref_slice %arg3[%run_scoped3A_38, %mul3A_35] : memref<8x20096xf32, #tpu.memory_space<hbm>> -> memref<1x10048xf32, #tpu.memory_space<hbm>>
        %dma_wait3A_275 = tpu.memref_squeeze %dma_wait3A : memref<1x10048xf32, #tpu.memory_space<hbm>> -> memref<10048xf32, #tpu.memory_space<hbm>>
        %dma_wait3A_276 = tpu.memref_slice %arg3[%run_scoped3A_38, %mul3A_35] : memref<8x20096xf32, #tpu.memory_space<hbm>> -> memref<1x10048xf32, #tpu.memory_space<hbm>>
        %dma_wait3A_277 = tpu.memref_squeeze %dma_wait3A_276 : memref<1x10048xf32, #tpu.memory_space<hbm>> -> memref<10048xf32, #tpu.memory_space<hbm>>
        tpu.wait_dma2 semaphore(%run_scoped3A_271 : memref<!tpu.dma_semaphore, #tpu.memory_space<semaphore_mem>>) src(%dma_wait3A_277 : memref<10048xf32, #tpu.memory_space<hbm>>) dst(%arg15 : memref<10048xf32, #tpu.memory_space<vmem>>)
        tpu.yield
      }) : () -> ()
      "tpu.region"() ({
        %run_scoped3A_271 = tpu.sem_alloc : memref<!tpu.dma_semaphore, #tpu.memory_space<semaphore_mem>>
        tpu.enqueue_dma source(%arg4 : memref<16xf32, #tpu.memory_space<hbm>>) target(%arg16 : memref<16xf32, #tpu.memory_space<vmem>>) target_semaphore(%run_scoped3A_271 : memref<!tpu.dma_semaphore, #tpu.memory_space<semaphore_mem>>)
        tpu.wait_dma2 semaphore(%run_scoped3A_271 : memref<!tpu.dma_semaphore, #tpu.memory_space<semaphore_mem>>) src(%arg4 : memref<16xf32, #tpu.memory_space<hbm>>) dst(%arg16 : memref<16xf32, #tpu.memory_space<vmem>>)
        tpu.yield
      }) : () -> ()
      %iota3A = tpu.iota {dimensions = array<i32: 0>} : vector<16xi32>
      %broadcast_in_dim3A = arith.constant 0.000000e+00 : f32
      %broadcast_in_dim3A_39 = vector.broadcast %broadcast_in_dim3A : f32 to vector<16xf32>
      %add3A_40 = arith.constant -1.000000e+30 : f32
      %add3A_41 = vector.broadcast %add3A_40 : f32 to vector<16xf32>
      %add3A_42 = arith.addf %broadcast_in_dim3A_39, %add3A_41 : vector<16xf32>
      %swap3A = arith.constant 0 : index
      %swap3A_43 = tpu.vector_load %arg17[%swap3A] {strides = array<i32>} : memref<192xf32, #tpu.memory_space<vmem>>, vector<16xf32>,
      tpu.vector_store %arg17[%swap3A], %add3A_42 {strides = array<i32>} : memref<192xf32, #tpu.memory_space<vmem>>, vector<16xf32>,
      %mul3A_44 = arith.constant 0 : i32
      %mul3A_45 = vector.broadcast %mul3A_44 : i32 to vector<16xi32>
      %mul3A_46 = arith.muli %iota3A, %mul3A_45 : vector<16xi32>
      %swap3A_47 = arith.constant 0 : index
      %swap3A_48 = tpu.vector_load %arg18[%swap3A_47] {strides = array<i32>} : memref<192xi32, #tpu.memory_space<vmem>>, vector<16xi32>,
      tpu.vector_store %arg18[%swap3A_47], %mul3A_46 {strides = array<i32>} : memref<192xi32, #tpu.memory_space<vmem>>, vector<16xi32>,
      %swap3A_49 = arith.constant 0 : index
      %swap3A_50 = tpu.vector_load %arg19[%swap3A_49] {strides = array<i32>} : memref<192xf32, #tpu.memory_space<vmem>>, vector<16xf32>,
      tpu.vector_store %arg19[%swap3A_49], %broadcast_in_dim3A_39 {strides = array<i32>} : memref<192xf32, #tpu.memory_space<vmem>>, vector<16xf32>,
      %swap3A_51 = arith.constant 0 : index
      %swap3A_52 = tpu.vector_load %arg20[%swap3A_51] {strides = array<i32>} : memref<192xf32, #tpu.memory_space<vmem>>, vector<16xf32>,
      tpu.vector_store %arg20[%swap3A_51], %broadcast_in_dim3A_39 {strides = array<i32>} : memref<192xf32, #tpu.memory_space<vmem>>, vector<16xf32>,
      %swap3A_53 = arith.constant 0 : index
      %swap3A_54 = tpu.vector_load %arg21[%swap3A_53] {strides = array<i32>} : memref<192xf32, #tpu.memory_space<vmem>>, vector<16xf32>,
      tpu.vector_store %arg21[%swap3A_53], %broadcast_in_dim3A_39 {strides = array<i32>} : memref<192xf32, #tpu.memory_space<vmem>>, vector<16xf32>,
      %swap3A_55 = arith.constant 0 : index
      %swap3A_56 = tpu.vector_load %arg22[%swap3A_55] {strides = array<i32>} : memref<192xf32, #tpu.memory_space<vmem>>, vector<16xf32>,
      tpu.vector_store %arg22[%swap3A_55], %broadcast_in_dim3A_39 {strides = array<i32>} : memref<192xf32, #tpu.memory_space<vmem>>, vector<16xf32>,
      %add3A_57 = arith.constant -1.000000e+30 : f32
      %add3A_58 = vector.broadcast %add3A_57 : f32 to vector<16xf32>
      %add3A_59 = arith.addf %broadcast_in_dim3A_39, %add3A_58 : vector<16xf32>
      %swap3A_60 = arith.constant 16 : index
      %swap3A_61 = tpu.vector_load %arg17[%swap3A_60] {strides = array<i32>} : memref<192xf32, #tpu.memory_space<vmem>>, vector<16xf32>,
      tpu.vector_store %arg17[%swap3A_60], %add3A_59 {strides = array<i32>} : memref<192xf32, #tpu.memory_space<vmem>>, vector<16xf32>,
      %mul3A_62 = arith.constant 0 : i32
      %mul3A_63 = vector.broadcast %mul3A_62 : i32 to vector<16xi32>
      %mul3A_64 = arith.muli %iota3A, %mul3A_63 : vector<16xi32>
      %swap3A_65 = arith.constant 16 : index
      %swap3A_66 = tpu.vector_load %arg18[%swap3A_65] {strides = array<i32>} : memref<192xi32, #tpu.memory_space<vmem>>, vector<16xi32>,
      tpu.vector_store %arg18[%swap3A_65], %mul3A_64 {strides = array<i32>} : memref<192xi32, #tpu.memory_space<vmem>>, vector<16xi32>,
      %swap3A_67 = arith.constant 16 : index
      %swap3A_68 = tpu.vector_load %arg19[%swap3A_67] {strides = array<i32>} : memref<192xf32, #tpu.memory_space<vmem>>, vector<16xf32>,
      tpu.vector_store %arg19[%swap3A_67], %broadcast_in_dim3A_39 {strides = array<i32>} : memref<192xf32, #tpu.memory_space<vmem>>, vector<16xf32>,
      %swap3A_69 = arith.constant 16 : index
      %swap3A_70 = tpu.vector_load %arg20[%swap3A_69] {strides = array<i32>} : memref<192xf32, #tpu.memory_space<vmem>>, vector<16xf32>,
      tpu.vector_store %arg20[%swap3A_69], %broadcast_in_dim3A_39 {strides = array<i32>} : memref<192xf32, #tpu.memory_space<vmem>>, vector<16xf32>,
      %swap3A_71 = arith.constant 16 : index
      %swap3A_72 = tpu.vector_load %arg21[%swap3A_71] {strides = array<i32>} : memref<192xf32, #tpu.memory_space<vmem>>, vector<16xf32>,
      tpu.vector_store %arg21[%swap3A_71], %broadcast_in_dim3A_39 {strides = array<i32>} : memref<192xf32, #tpu.memory_space<vmem>>, vector<16xf32>,
      %swap3A_73 = arith.constant 16 : index
      %swap3A_74 = tpu.vector_load %arg22[%swap3A_73] {strides = array<i32>} : memref<192xf32, #tpu.memory_space<vmem>>, vector<16xf32>,
      tpu.vector_store %arg22[%swap3A_73], %broadcast_in_dim3A_39 {strides = array<i32>} : memref<192xf32, #tpu.memory_space<vmem>>, vector<16xf32>,
      %add3A_75 = arith.constant -1.000000e+30 : f32
      %add3A_76 = vector.broadcast %add3A_75 : f32 to vector<16xf32>
      %add3A_77 = arith.addf %broadcast_in_dim3A_39, %add3A_76 : vector<16xf32>
      %swap3A_78 = arith.constant 32 : index
      %swap3A_79 = tpu.vector_load %arg17[%swap3A_78] {strides = array<i32>} : memref<192xf32, #tpu.memory_space<vmem>>, vector<16xf32>,
      tpu.vector_store %arg17[%swap3A_78], %add3A_77 {strides = array<i32>} : memref<192xf32, #tpu.memory_space<vmem>>, vector<16xf32>,
      %mul3A_80 = arith.constant 0 : i32
      %mul3A_81 = vector.broadcast %mul3A_80 : i32 to vector<16xi32>
      %mul3A_82 = arith.muli %iota3A, %mul3A_81 : vector<16xi32>
      %swap3A_83 = arith.constant 32 : index
      %swap3A_84 = tpu.vector_load %arg18[%swap3A_83] {strides = array<i32>} : memref<192xi32, #tpu.memory_space<vmem>>, vector<16xi32>,
      tpu.vector_store %arg18[%swap3A_83], %mul3A_82 {strides = array<i32>} : memref<192xi32, #tpu.memory_space<vmem>>, vector<16xi32>,
      %swap3A_85 = arith.constant 32 : index
      %swap3A_86 = tpu.vector_load %arg19[%swap3A_85] {strides = array<i32>} : memref<192xf32, #tpu.memory_space<vmem>>, vector<16xf32>,
      tpu.vector_store %arg19[%swap3A_85], %broadcast_in_dim3A_39 {strides = array<i32>} : memref<192xf32, #tpu.memory_space<vmem>>, vector<16xf32>,
      %swap3A_87 = arith.constant 32 : index
      %swap3A_88 = tpu.vector_load %arg20[%swap3A_87] {strides = array<i32>} : memref<192xf32, #tpu.memory_space<vmem>>, vector<16xf32>,
      tpu.vector_store %arg20[%swap3A_87], %broadcast_in_dim3A_39 {strides = array<i32>} : memref<192xf32, #tpu.memory_space<vmem>>, vector<16xf32>,
      %swap3A_89 = arith.constant 32 : index
      %swap3A_90 = tpu.vector_load %arg21[%swap3A_89] {strides = array<i32>} : memref<192xf32, #tpu.memory_space<vmem>>, vector<16xf32>,
      tpu.vector_store %arg21[%swap3A_89], %broadcast_in_dim3A_39 {strides = array<i32>} : memref<192xf32, #tpu.memory_space<vmem>>, vector<16xf32>,
      %swap3A_91 = arith.constant 32 : index
      %swap3A_92 = tpu.vector_load %arg22[%swap3A_91] {strides = array<i32>} : memref<192xf32, #tpu.memory_space<vmem>>, vector<16xf32>,
      tpu.vector_store %arg22[%swap3A_91], %broadcast_in_dim3A_39 {strides = array<i32>} : memref<192xf32, #tpu.memory_space<vmem>>, vector<16xf32>,
      %add3A_93 = arith.constant -1.000000e+30 : f32
      %add3A_94 = vector.broadcast %add3A_93 : f32 to vector<16xf32>
      %add3A_95 = arith.addf %broadcast_in_dim3A_39, %add3A_94 : vector<16xf32>
      %swap3A_96 = arith.constant 48 : index
      %swap3A_97 = tpu.vector_load %arg17[%swap3A_96] {strides = array<i32>} : memref<192xf32, #tpu.memory_space<vmem>>, vector<16xf32>,
      tpu.vector_store %arg17[%swap3A_96], %add3A_95 {strides = array<i32>} : memref<192xf32, #tpu.memory_space<vmem>>, vector<16xf32>,
      %mul3A_98 = arith.constant 0 : i32
      %mul3A_99 = vector.broadcast %mul3A_98 : i32 to vector<16xi32>
      %mul3A_100 = arith.muli %iota3A, %mul3A_99 : vector<16xi32>
      %swap3A_101 = arith.constant 48 : index
      %swap3A_102 = tpu.vector_load %arg18[%swap3A_101] {strides = array<i32>} : memref<192xi32, #tpu.memory_space<vmem>>, vector<16xi32>,
      tpu.vector_store %arg18[%swap3A_101], %mul3A_100 {strides = array<i32>} : memref<192xi32, #tpu.memory_space<vmem>>, vector<16xi32>,
      %swap3A_103 = arith.constant 48 : index
      %swap3A_104 = tpu.vector_load %arg19[%swap3A_103] {strides = array<i32>} : memref<192xf32, #tpu.memory_space<vmem>>, vector<16xf32>,
      tpu.vector_store %arg19[%swap3A_103], %broadcast_in_dim3A_39 {strides = array<i32>} : memref<192xf32, #tpu.memory_space<vmem>>, vector<16xf32>,
      %swap3A_105 = arith.constant 48 : index
      %swap3A_106 = tpu.vector_load %arg20[%swap3A_105] {strides = array<i32>} : memref<192xf32, #tpu.memory_space<vmem>>, vector<16xf32>,
      tpu.vector_store %arg20[%swap3A_105], %broadcast_in_dim3A_39 {strides = array<i32>} : memref<192xf32, #tpu.memory_space<vmem>>, vector<16xf32>,
      %swap3A_107 = arith.constant 48 : index
      %swap3A_108 = tpu.vector_load %arg21[%swap3A_107] {strides = array<i32>} : memref<192xf32, #tpu.memory_space<vmem>>, vector<16xf32>,
      tpu.vector_store %arg21[%swap3A_107], %broadcast_in_dim3A_39 {strides = array<i32>} : memref<192xf32, #tpu.memory_space<vmem>>, vector<16xf32>,
      %swap3A_109 = arith.constant 48 : index
      %swap3A_110 = tpu.vector_load %arg22[%swap3A_109] {strides = array<i32>} : memref<192xf32, #tpu.memory_space<vmem>>, vector<16xf32>,
      tpu.vector_store %arg22[%swap3A_109], %broadcast_in_dim3A_39 {strides = array<i32>} : memref<192xf32, #tpu.memory_space<vmem>>, vector<16xf32>,
      %add3A_111 = arith.constant -1.000000e+30 : f32
      %add3A_112 = vector.broadcast %add3A_111 : f32 to vector<16xf32>
      %add3A_113 = arith.addf %broadcast_in_dim3A_39, %add3A_112 : vector<16xf32>
      %swap3A_114 = arith.constant 64 : index
      %swap3A_115 = tpu.vector_load %arg17[%swap3A_114] {strides = array<i32>} : memref<192xf32, #tpu.memory_space<vmem>>, vector<16xf32>,
      tpu.vector_store %arg17[%swap3A_114], %add3A_113 {strides = array<i32>} : memref<192xf32, #tpu.memory_space<vmem>>, vector<16xf32>,
      %mul3A_116 = arith.constant 0 : i32
      %mul3A_117 = vector.broadcast %mul3A_116 : i32 to vector<16xi32>
      %mul3A_118 = arith.muli %iota3A, %mul3A_117 : vector<16xi32>
      %swap3A_119 = arith.constant 64 : index
      %swap3A_120 = tpu.vector_load %arg18[%swap3A_119] {strides = array<i32>} : memref<192xi32, #tpu.memory_space<vmem>>, vector<16xi32>,
      tpu.vector_store %arg18[%swap3A_119], %mul3A_118 {strides = array<i32>} : memref<192xi32, #tpu.memory_space<vmem>>, vector<16xi32>,
      %swap3A_121 = arith.constant 64 : index
      %swap3A_122 = tpu.vector_load %arg19[%swap3A_121] {strides = array<i32>} : memref<192xf32, #tpu.memory_space<vmem>>, vector<16xf32>,
      tpu.vector_store %arg19[%swap3A_121], %broadcast_in_dim3A_39 {strides = array<i32>} : memref<192xf32, #tpu.memory_space<vmem>>, vector<16xf32>,
      %swap3A_123 = arith.constant 64 : index
      %swap3A_124 = tpu.vector_load %arg20[%swap3A_123] {strides = array<i32>} : memref<192xf32, #tpu.memory_space<vmem>>, vector<16xf32>,
      tpu.vector_store %arg20[%swap3A_123], %broadcast_in_dim3A_39 {strides = array<i32>} : memref<192xf32, #tpu.memory_space<vmem>>, vector<16xf32>,
      %swap3A_125 = arith.constant 64 : index
      %swap3A_126 = tpu.vector_load %arg21[%swap3A_125] {strides = array<i32>} : memref<192xf32, #tpu.memory_space<vmem>>, vector<16xf32>,
      tpu.vector_store %arg21[%swap3A_125], %broadcast_in_dim3A_39 {strides = array<i32>} : memref<192xf32, #tpu.memory_space<vmem>>, vector<16xf32>,
      %swap3A_127 = arith.constant 64 : index
      %swap3A_128 = tpu.vector_load %arg22[%swap3A_127] {strides = array<i32>} : memref<192xf32, #tpu.memory_space<vmem>>, vector<16xf32>,
      tpu.vector_store %arg22[%swap3A_127], %broadcast_in_dim3A_39 {strides = array<i32>} : memref<192xf32, #tpu.memory_space<vmem>>, vector<16xf32>,
      %add3A_129 = arith.constant -1.000000e+30 : f32
      %add3A_130 = vector.broadcast %add3A_129 : f32 to vector<16xf32>
      %add3A_131 = arith.addf %broadcast_in_dim3A_39, %add3A_130 : vector<16xf32>
      %swap3A_132 = arith.constant 80 : index
      %swap3A_133 = tpu.vector_load %arg17[%swap3A_132] {strides = array<i32>} : memref<192xf32, #tpu.memory_space<vmem>>, vector<16xf32>,
      tpu.vector_store %arg17[%swap3A_132], %add3A_131 {strides = array<i32>} : memref<192xf32, #tpu.memory_space<vmem>>, vector<16xf32>,
      %mul3A_134 = arith.constant 0 : i32
      %mul3A_135 = vector.broadcast %mul3A_134 : i32 to vector<16xi32>
      %mul3A_136 = arith.muli %iota3A, %mul3A_135 : vector<16xi32>
      %swap3A_137 = arith.constant 80 : index
      %swap3A_138 = tpu.vector_load %arg18[%swap3A_137] {strides = array<i32>} : memref<192xi32, #tpu.memory_space<vmem>>, vector<16xi32>,
      tpu.vector_store %arg18[%swap3A_137], %mul3A_136 {strides = array<i32>} : memref<192xi32, #tpu.memory_space<vmem>>, vector<16xi32>,
      %swap3A_139 = arith.constant 80 : index
      %swap3A_140 = tpu.vector_load %arg19[%swap3A_139] {strides = array<i32>} : memref<192xf32, #tpu.memory_space<vmem>>, vector<16xf32>,
      tpu.vector_store %arg19[%swap3A_139], %broadcast_in_dim3A_39 {strides = array<i32>} : memref<192xf32, #tpu.memory_space<vmem>>, vector<16xf32>,
      %swap3A_141 = arith.constant 80 : index
      %swap3A_142 = tpu.vector_load %arg20[%swap3A_141] {strides = array<i32>} : memref<192xf32, #tpu.memory_space<vmem>>, vector<16xf32>,
      tpu.vector_store %arg20[%swap3A_141], %broadcast_in_dim3A_39 {strides = array<i32>} : memref<192xf32, #tpu.memory_space<vmem>>, vector<16xf32>,
      %swap3A_143 = arith.constant 80 : index
      %swap3A_144 = tpu.vector_load %arg21[%swap3A_143] {strides = array<i32>} : memref<192xf32, #tpu.memory_space<vmem>>, vector<16xf32>,
      tpu.vector_store %arg21[%swap3A_143], %broadcast_in_dim3A_39 {strides = array<i32>} : memref<192xf32, #tpu.memory_space<vmem>>, vector<16xf32>,
      %swap3A_145 = arith.constant 80 : index
      %swap3A_146 = tpu.vector_load %arg22[%swap3A_145] {strides = array<i32>} : memref<192xf32, #tpu.memory_space<vmem>>, vector<16xf32>,
      tpu.vector_store %arg22[%swap3A_145], %broadcast_in_dim3A_39 {strides = array<i32>} : memref<192xf32, #tpu.memory_space<vmem>>, vector<16xf32>,
      %add3A_147 = arith.constant -1.000000e+30 : f32
      %add3A_148 = vector.broadcast %add3A_147 : f32 to vector<16xf32>
      %add3A_149 = arith.addf %broadcast_in_dim3A_39, %add3A_148 : vector<16xf32>
      %swap3A_150 = arith.constant 96 : index
      %swap3A_151 = tpu.vector_load %arg17[%swap3A_150] {strides = array<i32>} : memref<192xf32, #tpu.memory_space<vmem>>, vector<16xf32>,
      tpu.vector_store %arg17[%swap3A_150], %add3A_149 {strides = array<i32>} : memref<192xf32, #tpu.memory_space<vmem>>, vector<16xf32>,
      %mul3A_152 = arith.constant 0 : i32
      %mul3A_153 = vector.broadcast %mul3A_152 : i32 to vector<16xi32>
      %mul3A_154 = arith.muli %iota3A, %mul3A_153 : vector<16xi32>
      %swap3A_155 = arith.constant 96 : index
      %swap3A_156 = tpu.vector_load %arg18[%swap3A_155] {strides = array<i32>} : memref<192xi32, #tpu.memory_space<vmem>>, vector<16xi32>,
      tpu.vector_store %arg18[%swap3A_155], %mul3A_154 {strides = array<i32>} : memref<192xi32, #tpu.memory_space<vmem>>, vector<16xi32>,
      %swap3A_157 = arith.constant 96 : index
      %swap3A_158 = tpu.vector_load %arg19[%swap3A_157] {strides = array<i32>} : memref<192xf32, #tpu.memory_space<vmem>>, vector<16xf32>,
      tpu.vector_store %arg19[%swap3A_157], %broadcast_in_dim3A_39 {strides = array<i32>} : memref<192xf32, #tpu.memory_space<vmem>>, vector<16xf32>,
      %swap3A_159 = arith.constant 96 : index
      %swap3A_160 = tpu.vector_load %arg20[%swap3A_159] {strides = array<i32>} : memref<192xf32, #tpu.memory_space<vmem>>, vector<16xf32>,
      tpu.vector_store %arg20[%swap3A_159], %broadcast_in_dim3A_39 {strides = array<i32>} : memref<192xf32, #tpu.memory_space<vmem>>, vector<16xf32>,
      %swap3A_161 = arith.constant 96 : index
      %swap3A_162 = tpu.vector_load %arg21[%swap3A_161] {strides = array<i32>} : memref<192xf32, #tpu.memory_space<vmem>>, vector<16xf32>,
      tpu.vector_store %arg21[%swap3A_161], %broadcast_in_dim3A_39 {strides = array<i32>} : memref<192xf32, #tpu.memory_space<vmem>>, vector<16xf32>,
      %swap3A_163 = arith.constant 96 : index
      %swap3A_164 = tpu.vector_load %arg22[%swap3A_163] {strides = array<i32>} : memref<192xf32, #tpu.memory_space<vmem>>, vector<16xf32>,
      tpu.vector_store %arg22[%swap3A_163], %broadcast_in_dim3A_39 {strides = array<i32>} : memref<192xf32, #tpu.memory_space<vmem>>, vector<16xf32>,
      %add3A_165 = arith.constant -1.000000e+30 : f32
      %add3A_166 = vector.broadcast %add3A_165 : f32 to vector<16xf32>
      %add3A_167 = arith.addf %broadcast_in_dim3A_39, %add3A_166 : vector<16xf32>
      %swap3A_168 = arith.constant 112 : index
      %swap3A_169 = tpu.vector_load %arg17[%swap3A_168] {strides = array<i32>} : memref<192xf32, #tpu.memory_space<vmem>>, vector<16xf32>,
      tpu.vector_store %arg17[%swap3A_168], %add3A_167 {strides = array<i32>} : memref<192xf32, #tpu.memory_space<vmem>>, vector<16xf32>,
      %mul3A_170 = arith.constant 0 : i32
      %mul3A_171 = vector.broadcast %mul3A_170 : i32 to vector<16xi32>
      %mul3A_172 = arith.muli %iota3A, %mul3A_171 : vector<16xi32>
      %swap3A_173 = arith.constant 112 : index
      %swap3A_174 = tpu.vector_load %arg18[%swap3A_173] {strides = array<i32>} : memref<192xi32, #tpu.memory_space<vmem>>, vector<16xi32>,
      tpu.vector_store %arg18[%swap3A_173], %mul3A_172 {strides = array<i32>} : memref<192xi32, #tpu.memory_space<vmem>>, vector<16xi32>,
      %swap3A_175 = arith.constant 112 : index
      %swap3A_176 = tpu.vector_load %arg19[%swap3A_175] {strides = array<i32>} : memref<192xf32, #tpu.memory_space<vmem>>, vector<16xf32>,
      tpu.vector_store %arg19[%swap3A_175], %broadcast_in_dim3A_39 {strides = array<i32>} : memref<192xf32, #tpu.memory_space<vmem>>, vector<16xf32>,
      %swap3A_177 = arith.constant 112 : index
      %swap3A_178 = tpu.vector_load %arg20[%swap3A_177] {strides = array<i32>} : memref<192xf32, #tpu.memory_space<vmem>>, vector<16xf32>,
      tpu.vector_store %arg20[%swap3A_177], %broadcast_in_dim3A_39 {strides = array<i32>} : memref<192xf32, #tpu.memory_space<vmem>>, vector<16xf32>,
      %swap3A_179 = arith.constant 112 : index
      %swap3A_180 = tpu.vector_load %arg21[%swap3A_179] {strides = array<i32>} : memref<192xf32, #tpu.memory_space<vmem>>, vector<16xf32>,
      tpu.vector_store %arg21[%swap3A_179], %broadcast_in_dim3A_39 {strides = array<i32>} : memref<192xf32, #tpu.memory_space<vmem>>, vector<16xf32>,
      %swap3A_181 = arith.constant 112 : index
      %swap3A_182 = tpu.vector_load %arg22[%swap3A_181] {strides = array<i32>} : memref<192xf32, #tpu.memory_space<vmem>>, vector<16xf32>,
      tpu.vector_store %arg22[%swap3A_181], %broadcast_in_dim3A_39 {strides = array<i32>} : memref<192xf32, #tpu.memory_space<vmem>>, vector<16xf32>,
      %add3A_183 = arith.constant -1.000000e+30 : f32
      %add3A_184 = vector.broadcast %add3A_183 : f32 to vector<16xf32>
      %add3A_185 = arith.addf %broadcast_in_dim3A_39, %add3A_184 : vector<16xf32>
      %swap3A_186 = arith.constant 128 : index
      %swap3A_187 = tpu.vector_load %arg17[%swap3A_186] {strides = array<i32>} : memref<192xf32, #tpu.memory_space<vmem>>, vector<16xf32>,
      tpu.vector_store %arg17[%swap3A_186], %add3A_185 {strides = array<i32>} : memref<192xf32, #tpu.memory_space<vmem>>, vector<16xf32>,
      %mul3A_188 = arith.constant 0 : i32
      %mul3A_189 = vector.broadcast %mul3A_188 : i32 to vector<16xi32>
      %mul3A_190 = arith.muli %iota3A, %mul3A_189 : vector<16xi32>
      %swap3A_191 = arith.constant 128 : index
      %swap3A_192 = tpu.vector_load %arg18[%swap3A_191] {strides = array<i32>} : memref<192xi32, #tpu.memory_space<vmem>>, vector<16xi32>,
      tpu.vector_store %arg18[%swap3A_191], %mul3A_190 {strides = array<i32>} : memref<192xi32, #tpu.memory_space<vmem>>, vector<16xi32>,
      %swap3A_193 = arith.constant 128 : index
      %swap3A_194 = tpu.vector_load %arg19[%swap3A_193] {strides = array<i32>} : memref<192xf32, #tpu.memory_space<vmem>>, vector<16xf32>,
      tpu.vector_store %arg19[%swap3A_193], %broadcast_in_dim3A_39 {strides = array<i32>} : memref<192xf32, #tpu.memory_space<vmem>>, vector<16xf32>,
      %swap3A_195 = arith.constant 128 : index
      %swap3A_196 = tpu.vector_load %arg20[%swap3A_195] {strides = array<i32>} : memref<192xf32, #tpu.memory_space<vmem>>, vector<16xf32>,
      tpu.vector_store %arg20[%swap3A_195], %broadcast_in_dim3A_39 {strides = array<i32>} : memref<192xf32, #tpu.memory_space<vmem>>, vector<16xf32>,
      %swap3A_197 = arith.constant 128 : index
      %swap3A_198 = tpu.vector_load %arg21[%swap3A_197] {strides = array<i32>} : memref<192xf32, #tpu.memory_space<vmem>>, vector<16xf32>,
      tpu.vector_store %arg21[%swap3A_197], %broadcast_in_dim3A_39 {strides = array<i32>} : memref<192xf32, #tpu.memory_space<vmem>>, vector<16xf32>,
      %swap3A_199 = arith.constant 128 : index
      %swap3A_200 = tpu.vector_load %arg22[%swap3A_199] {strides = array<i32>} : memref<192xf32, #tpu.memory_space<vmem>>, vector<16xf32>,
      tpu.vector_store %arg22[%swap3A_199], %broadcast_in_dim3A_39 {strides = array<i32>} : memref<192xf32, #tpu.memory_space<vmem>>, vector<16xf32>,
      %add3A_201 = arith.constant -1.000000e+30 : f32
      %add3A_202 = vector.broadcast %add3A_201 : f32 to vector<16xf32>
      %add3A_203 = arith.addf %broadcast_in_dim3A_39, %add3A_202 : vector<16xf32>
      %swap3A_204 = arith.constant 144 : index
      %swap3A_205 = tpu.vector_load %arg17[%swap3A_204] {strides = array<i32>} : memref<192xf32, #tpu.memory_space<vmem>>, vector<16xf32>,
      tpu.vector_store %arg17[%swap3A_204], %add3A_203 {strides = array<i32>} : memref<192xf32, #tpu.memory_space<vmem>>, vector<16xf32>,
      %mul3A_206 = arith.constant 0 : i32
      %mul3A_207 = vector.broadcast %mul3A_206 : i32 to vector<16xi32>
      %mul3A_208 = arith.muli %iota3A, %mul3A_207 : vector<16xi32>
      %swap3A_209 = arith.constant 144 : index
      %swap3A_210 = tpu.vector_load %arg18[%swap3A_209] {strides = array<i32>} : memref<192xi32, #tpu.memory_space<vmem>>, vector<16xi32>,
      tpu.vector_store %arg18[%swap3A_209], %mul3A_208 {strides = array<i32>} : memref<192xi32, #tpu.memory_space<vmem>>, vector<16xi32>,
      %swap3A_211 = arith.constant 144 : index
      %swap3A_212 = tpu.vector_load %arg19[%swap3A_211] {strides = array<i32>} : memref<192xf32, #tpu.memory_space<vmem>>, vector<16xf32>,
      tpu.vector_store %arg19[%swap3A_211], %broadcast_in_dim3A_39 {strides = array<i32>} : memref<192xf32, #tpu.memory_space<vmem>>, vector<16xf32>,
      %swap3A_213 = arith.constant 144 : index
      %swap3A_214 = tpu.vector_load %arg20[%swap3A_213] {strides = array<i32>} : memref<192xf32, #tpu.memory_space<vmem>>, vector<16xf32>,
      tpu.vector_store %arg20[%swap3A_213], %broadcast_in_dim3A_39 {strides = array<i32>} : memref<192xf32, #tpu.memory_space<vmem>>, vector<16xf32>,
      %swap3A_215 = arith.constant 144 : index
      %swap3A_216 = tpu.vector_load %arg21[%swap3A_215] {strides = array<i32>} : memref<192xf32, #tpu.memory_space<vmem>>, vector<16xf32>,
      tpu.vector_store %arg21[%swap3A_215], %broadcast_in_dim3A_39 {strides = array<i32>} : memref<192xf32, #tpu.memory_space<vmem>>, vector<16xf32>,
      %swap3A_217 = arith.constant 144 : index
      %swap3A_218 = tpu.vector_load %arg22[%swap3A_217] {strides = array<i32>} : memref<192xf32, #tpu.memory_space<vmem>>, vector<16xf32>,
      tpu.vector_store %arg22[%swap3A_217], %broadcast_in_dim3A_39 {strides = array<i32>} : memref<192xf32, #tpu.memory_space<vmem>>, vector<16xf32>,
      %add3A_219 = arith.constant -1.000000e+30 : f32
      %add3A_220 = vector.broadcast %add3A_219 : f32 to vector<16xf32>
      %add3A_221 = arith.addf %broadcast_in_dim3A_39, %add3A_220 : vector<16xf32>
      %swap3A_222 = arith.constant 160 : index
      %swap3A_223 = tpu.vector_load %arg17[%swap3A_222] {strides = array<i32>} : memref<192xf32, #tpu.memory_space<vmem>>, vector<16xf32>,
      tpu.vector_store %arg17[%swap3A_222], %add3A_221 {strides = array<i32>} : memref<192xf32, #tpu.memory_space<vmem>>, vector<16xf32>,
      %mul3A_224 = arith.constant 0 : i32
      %mul3A_225 = vector.broadcast %mul3A_224 : i32 to vector<16xi32>
      %mul3A_226 = arith.muli %iota3A, %mul3A_225 : vector<16xi32>
      %swap3A_227 = arith.constant 160 : index
      %swap3A_228 = tpu.vector_load %arg18[%swap3A_227] {strides = array<i32>} : memref<192xi32, #tpu.memory_space<vmem>>, vector<16xi32>,
      tpu.vector_store %arg18[%swap3A_227], %mul3A_226 {strides = array<i32>} : memref<192xi32, #tpu.memory_space<vmem>>, vector<16xi32>,
      %swap3A_229 = arith.constant 160 : index
      %swap3A_230 = tpu.vector_load %arg19[%swap3A_229] {strides = array<i32>} : memref<192xf32, #tpu.memory_space<vmem>>, vector<16xf32>,
      tpu.vector_store %arg19[%swap3A_229], %broadcast_in_dim3A_39 {strides = array<i32>} : memref<192xf32, #tpu.memory_space<vmem>>, vector<16xf32>,
      %swap3A_231 = arith.constant 160 : index
      %swap3A_232 = tpu.vector_load %arg20[%swap3A_231] {strides = array<i32>} : memref<192xf32, #tpu.memory_space<vmem>>, vector<16xf32>,
      tpu.vector_store %arg20[%swap3A_231], %broadcast_in_dim3A_39 {strides = array<i32>} : memref<192xf32, #tpu.memory_space<vmem>>, vector<16xf32>,
      %swap3A_233 = arith.constant 160 : index
      %swap3A_234 = tpu.vector_load %arg21[%swap3A_233] {strides = array<i32>} : memref<192xf32, #tpu.memory_space<vmem>>, vector<16xf32>,
      tpu.vector_store %arg21[%swap3A_233], %broadcast_in_dim3A_39 {strides = array<i32>} : memref<192xf32, #tpu.memory_space<vmem>>, vector<16xf32>,
      %swap3A_235 = arith.constant 160 : index
      %swap3A_236 = tpu.vector_load %arg22[%swap3A_235] {strides = array<i32>} : memref<192xf32, #tpu.memory_space<vmem>>, vector<16xf32>,
      tpu.vector_store %arg22[%swap3A_235], %broadcast_in_dim3A_39 {strides = array<i32>} : memref<192xf32, #tpu.memory_space<vmem>>, vector<16xf32>,
      %add3A_237 = arith.constant -1.000000e+30 : f32
      %add3A_238 = vector.broadcast %add3A_237 : f32 to vector<16xf32>
      %add3A_239 = arith.addf %broadcast_in_dim3A_39, %add3A_238 : vector<16xf32>
      %swap3A_240 = arith.constant 176 : index
      %swap3A_241 = tpu.vector_load %arg17[%swap3A_240] {strides = array<i32>} : memref<192xf32, #tpu.memory_space<vmem>>, vector<16xf32>,
      tpu.vector_store %arg17[%swap3A_240], %add3A_239 {strides = array<i32>} : memref<192xf32, #tpu.memory_space<vmem>>, vector<16xf32>,
      %mul3A_242 = arith.constant 0 : i32
      %mul3A_243 = vector.broadcast %mul3A_242 : i32 to vector<16xi32>
      %mul3A_244 = arith.muli %iota3A, %mul3A_243 : vector<16xi32>
      %swap3A_245 = arith.constant 176 : index
      %swap3A_246 = tpu.vector_load %arg18[%swap3A_245] {strides = array<i32>} : memref<192xi32, #tpu.memory_space<vmem>>, vector<16xi32>,
      tpu.vector_store %arg18[%swap3A_245], %mul3A_244 {strides = array<i32>} : memref<192xi32, #tpu.memory_space<vmem>>, vector<16xi32>,
      %swap3A_247 = arith.constant 176 : index
      %swap3A_248 = tpu.vector_load %arg19[%swap3A_247] {strides = array<i32>} : memref<192xf32, #tpu.memory_space<vmem>>, vector<16xf32>,
      tpu.vector_store %arg19[%swap3A_247], %broadcast_in_dim3A_39 {strides = array<i32>} : memref<192xf32, #tpu.memory_space<vmem>>, vector<16xf32>,
      %swap3A_249 = arith.constant 176 : index
      %swap3A_250 = tpu.vector_load %arg20[%swap3A_249] {strides = array<i32>} : memref<192xf32, #tpu.memory_space<vmem>>, vector<16xf32>,
      tpu.vector_store %arg20[%swap3A_249], %broadcast_in_dim3A_39 {strides = array<i32>} : memref<192xf32, #tpu.memory_space<vmem>>, vector<16xf32>,
      %swap3A_251 = arith.constant 176 : index
      %swap3A_252 = tpu.vector_load %arg21[%swap3A_251] {strides = array<i32>} : memref<192xf32, #tpu.memory_space<vmem>>, vector<16xf32>,
      tpu.vector_store %arg21[%swap3A_251], %broadcast_in_dim3A_39 {strides = array<i32>} : memref<192xf32, #tpu.memory_space<vmem>>, vector<16xf32>,
      %swap3A_253 = arith.constant 176 : index
      %swap3A_254 = tpu.vector_load %arg22[%swap3A_253] {strides = array<i32>} : memref<192xf32, #tpu.memory_space<vmem>>, vector<16xf32>,
      tpu.vector_store %arg22[%swap3A_253], %broadcast_in_dim3A_39 {strides = array<i32>} : memref<192xf32, #tpu.memory_space<vmem>>, vector<16xf32>,
      %mul3A_255 = arith.constant 0 : i32
      %mul3A_256 = vector.broadcast %mul3A_255 : i32 to vector<16xi32>
      %mul3A_257 = arith.muli %iota3A, %mul3A_256 : vector<16xi32>
      %add3A_258 = vector.broadcast %select_n3A : i32 to vector<16xi32>
      %add3A_259 = arith.addi %mul3A_257, %add3A_258 : vector<16xi32>
      %gather3A = tpu.vector_load_idx %arg16[%add3A_259] : memref<16xf32, #tpu.memory_space<vmem>>[vector<16xi32>], vector<16xf32>,
      %add3A_260 = vector.broadcast %mul3A_35 : i32 to vector<16xi32>
      %add3A_261 = arith.addi %iota3A, %add3A_260 : vector<16xi32>
      %broadcast_in_dim3A_262 = arith.constant 0 : i32
      %broadcast_in_dim3A_263 = vector.broadcast %broadcast_in_dim3A_262 : i32 to vector<16xi32>
      %scan3A = arith.constant 0 : i32
      %scan3A_264 = arith.constant 157 : i32
      %scan3A_265 = arith.addi %scan3A, %scan3A_264 : i32
      %scan3A_266 = arith.constant 1 : i32
      %scan3A_267 = scf.for %scan3A_271 = %scan3A to %scan3A_265 step %scan3A_266 iter_args(%scan3A_272 = %broadcast_in_dim3A_263) -> (vector<16xi32>)  : i32 {
        %mul3A_273 = arith.constant 64 : i32
        %mul3A_274 = arith.muli %scan3A_271, %mul3A_273 : i32
        %add3A_275 = arith.constant 0 : i32
        %add3A_276 = arith.addi %mul3A_274, %add3A_275 : i32
        %get3A = arith.index_cast %add3A_276 : i32 to index
        %get3A_277 = tpu.vector_load %arg11[%get3A] {strides = array<i32>} : memref<10048xf32, #tpu.memory_space<vmem>>, vector<16xf32>,
        %gt3A = arith.cmpf ogt, %get3A_277, %gather3A : vector<16xf32>
        %convert_element_type3A_278 = arith.extui %gt3A : vector<16xi1> to vector<16xi32>
        %broadcast_in_dim3A_279 = arith.constant true
        %broadcast_in_dim3A_280 = vector.broadcast %broadcast_in_dim3A_279 : i1 to vector<16xi1>
        %masked_cumsum3A = tpu.scan <sum>, %convert_element_type3A_278 masked %broadcast_in_dim3A_280 : vector<16xi32>, vector<16xi1> -> vector<16xi32>
        %add3A_281 = arith.addi %scan3A_272, %masked_cumsum3A : vector<16xi32>
        %sub3A_282 = arith.constant 1 : i32
        %sub3A_283 = vector.broadcast %sub3A_282 : i32 to vector<16xi32>
        %sub3A_284 = arith.subi %add3A_281, %sub3A_283 : vector<16xi32>
        %lt3A_285 = arith.constant 192 : i32
        %lt3A_286 = vector.broadcast %lt3A_285 : i32 to vector<16xi32>
        %lt3A_287 = arith.cmpi slt, %sub3A_284, %lt3A_286 : vector<16xi32>
        %and3A_288 = arith.andi %gt3A, %lt3A_287 : vector<16xi1>
        tpu.vector_store_idx %arg17[%sub3A_284], %get3A_277 masked %and3A_288 : memref<192xf32, #tpu.memory_space<vmem>>[vector<16xi32>], vector<16xf32>, vector<16xi1>
        %add3A_289 = vector.broadcast %add3A_276 : i32 to vector<16xi32>
        %add3A_290 = arith.addi %add3A_261, %add3A_289 : vector<16xi32>
        tpu.vector_store_idx %arg18[%sub3A_284], %add3A_290 masked %and3A_288 : memref<192xi32, #tpu.memory_space<vmem>>[vector<16xi32>], vector<16xi32>, vector<16xi1>
        %get3A_291 = arith.index_cast %add3A_276 : i32 to index
        %get3A_292 = tpu.vector_load %arg12[%get3A_291] {strides = array<i32>} : memref<10048xf32, #tpu.memory_space<vmem>>, vector<16xf32>,
        tpu.vector_store_idx %arg19[%sub3A_284], %get3A_292 masked %and3A_288 : memref<192xf32, #tpu.memory_space<vmem>>[vector<16xi32>], vector<16xf32>, vector<16xi1>
        %get3A_293 = arith.index_cast %add3A_276 : i32 to index
        %get3A_294 = tpu.vector_load %arg13[%get3A_293] {strides = array<i32>} : memref<10048xf32, #tpu.memory_space<vmem>>, vector<16xf32>,
        tpu.vector_store_idx %arg20[%sub3A_284], %get3A_294 masked %and3A_288 : memref<192xf32, #tpu.memory_space<vmem>>[vector<16xi32>], vector<16xf32>, vector<16xi1>
        %get3A_295 = arith.index_cast %add3A_276 : i32 to index
        %get3A_296 = tpu.vector_load %arg14[%get3A_295] {strides = array<i32>} : memref<10048xf32, #tpu.memory_space<vmem>>, vector<16xf32>,
        tpu.vector_store_idx %arg21[%sub3A_284], %get3A_296 masked %and3A_288 : memref<192xf32, #tpu.memory_space<vmem>>[vector<16xi32>], vector<16xf32>, vector<16xi1>
        %get3A_297 = arith.index_cast %add3A_276 : i32 to index
        %get3A_298 = tpu.vector_load %arg15[%get3A_297] {strides = array<i32>} : memref<10048xf32, #tpu.memory_space<vmem>>, vector<16xf32>,
        tpu.vector_store_idx %arg22[%sub3A_284], %get3A_298 masked %and3A_288 : memref<192xf32, #tpu.memory_space<vmem>>[vector<16xi32>], vector<16xf32>, vector<16xi1>
        %all_reduce_population_count3A = tpu.all_reduce %gt3A {dim = 0 : i64, kind = #tpu.reduction_kind<sum>} : vector<16xi1> -> vector<16xi32>
        %add3A_299 = arith.addi %scan3A_272, %all_reduce_population_count3A : vector<16xi32>
        %mul3A_300 = arith.constant 64 : i32
        %mul3A_301 = arith.muli %scan3A_271, %mul3A_300 : i32
        %add3A_302 = arith.constant 16 : i32
        %add3A_303 = arith.addi %mul3A_301, %add3A_302 : i32
        %get3A_304 = arith.index_cast %add3A_303 : i32 to index
        %get3A_305 = tpu.vector_load %arg11[%get3A_304] {strides = array<i32>} : memref<10048xf32, #tpu.memory_space<vmem>>, vector<16xf32>,
        %gt3A_306 = arith.cmpf ogt, %get3A_305, %gather3A : vector<16xf32>
        %convert_element_type3A_307 = arith.extui %gt3A_306 : vector<16xi1> to vector<16xi32>
        %broadcast_in_dim3A_308 = arith.constant true
        %broadcast_in_dim3A_309 = vector.broadcast %broadcast_in_dim3A_308 : i1 to vector<16xi1>
        %masked_cumsum3A_310 = tpu.scan <sum>, %convert_element_type3A_307 masked %broadcast_in_dim3A_309 : vector<16xi32>, vector<16xi1> -> vector<16xi32>
        %add3A_311 = arith.addi %add3A_299, %masked_cumsum3A_310 : vector<16xi32>
        %sub3A_312 = arith.constant 1 : i32
        %sub3A_313 = vector.broadcast %sub3A_312 : i32 to vector<16xi32>
        %sub3A_314 = arith.subi %add3A_311, %sub3A_313 : vector<16xi32>
        %lt3A_315 = arith.constant 192 : i32
        %lt3A_316 = vector.broadcast %lt3A_315 : i32 to vector<16xi32>
        %lt3A_317 = arith.cmpi slt, %sub3A_314, %lt3A_316 : vector<16xi32>
        %and3A_318 = arith.andi %gt3A_306, %lt3A_317 : vector<16xi1>
        tpu.vector_store_idx %arg17[%sub3A_314], %get3A_305 masked %and3A_318 : memref<192xf32, #tpu.memory_space<vmem>>[vector<16xi32>], vector<16xf32>, vector<16xi1>
        %add3A_319 = vector.broadcast %add3A_303 : i32 to vector<16xi32>
        %add3A_320 = arith.addi %add3A_261, %add3A_319 : vector<16xi32>
        tpu.vector_store_idx %arg18[%sub3A_314], %add3A_320 masked %and3A_318 : memref<192xi32, #tpu.memory_space<vmem>>[vector<16xi32>], vector<16xi32>, vector<16xi1>
        %get3A_321 = arith.index_cast %add3A_303 : i32 to index
        %get3A_322 = tpu.vector_load %arg12[%get3A_321] {strides = array<i32>} : memref<10048xf32, #tpu.memory_space<vmem>>, vector<16xf32>,
        tpu.vector_store_idx %arg19[%sub3A_314], %get3A_322 masked %and3A_318 : memref<192xf32, #tpu.memory_space<vmem>>[vector<16xi32>], vector<16xf32>, vector<16xi1>
        %get3A_323 = arith.index_cast %add3A_303 : i32 to index
        %get3A_324 = tpu.vector_load %arg13[%get3A_323] {strides = array<i32>} : memref<10048xf32, #tpu.memory_space<vmem>>, vector<16xf32>,
        tpu.vector_store_idx %arg20[%sub3A_314], %get3A_324 masked %and3A_318 : memref<192xf32, #tpu.memory_space<vmem>>[vector<16xi32>], vector<16xf32>, vector<16xi1>
        %get3A_325 = arith.index_cast %add3A_303 : i32 to index
        %get3A_326 = tpu.vector_load %arg14[%get3A_325] {strides = array<i32>} : memref<10048xf32, #tpu.memory_space<vmem>>, vector<16xf32>,
        tpu.vector_store_idx %arg21[%sub3A_314], %get3A_326 masked %and3A_318 : memref<192xf32, #tpu.memory_space<vmem>>[vector<16xi32>], vector<16xf32>, vector<16xi1>
        %get3A_327 = arith.index_cast %add3A_303 : i32 to index
        %get3A_328 = tpu.vector_load %arg15[%get3A_327] {strides = array<i32>} : memref<10048xf32, #tpu.memory_space<vmem>>, vector<16xf32>,
        tpu.vector_store_idx %arg22[%sub3A_314], %get3A_328 masked %and3A_318 : memref<192xf32, #tpu.memory_space<vmem>>[vector<16xi32>], vector<16xf32>, vector<16xi1>
        %all_reduce_population_count3A_329 = tpu.all_reduce %gt3A_306 {dim = 0 : i64, kind = #tpu.reduction_kind<sum>} : vector<16xi1> -> vector<16xi32>
        %add3A_330 = arith.addi %add3A_299, %all_reduce_population_count3A_329 : vector<16xi32>
        %mul3A_331 = arith.constant 64 : i32
        %mul3A_332 = arith.muli %scan3A_271, %mul3A_331 : i32
        %add3A_333 = arith.constant 32 : i32
        %add3A_334 = arith.addi %mul3A_332, %add3A_333 : i32
        %get3A_335 = arith.index_cast %add3A_334 : i32 to index
        %get3A_336 = tpu.vector_load %arg11[%get3A_335] {strides = array<i32>} : memref<10048xf32, #tpu.memory_space<vmem>>, vector<16xf32>,
        %gt3A_337 = arith.cmpf ogt, %get3A_336, %gather3A : vector<16xf32>
        %convert_element_type3A_338 = arith.extui %gt3A_337 : vector<16xi1> to vector<16xi32>
        %broadcast_in_dim3A_339 = arith.constant true
        %broadcast_in_dim3A_340 = vector.broadcast %broadcast_in_dim3A_339 : i1 to vector<16xi1>
        %masked_cumsum3A_341 = tpu.scan <sum>, %convert_element_type3A_338 masked %broadcast_in_dim3A_340 : vector<16xi32>, vector<16xi1> -> vector<16xi32>
        %add3A_342 = arith.addi %add3A_330, %masked_cumsum3A_341 : vector<16xi32>
        %sub3A_343 = arith.constant 1 : i32
        %sub3A_344 = vector.broadcast %sub3A_343 : i32 to vector<16xi32>
        %sub3A_345 = arith.subi %add3A_342, %sub3A_344 : vector<16xi32>
        %lt3A_346 = arith.constant 192 : i32
        %lt3A_347 = vector.broadcast %lt3A_346 : i32 to vector<16xi32>
        %lt3A_348 = arith.cmpi slt, %sub3A_345, %lt3A_347 : vector<16xi32>
        %and3A_349 = arith.andi %gt3A_337, %lt3A_348 : vector<16xi1>
        tpu.vector_store_idx %arg17[%sub3A_345], %get3A_336 masked %and3A_349 : memref<192xf32, #tpu.memory_space<vmem>>[vector<16xi32>], vector<16xf32>, vector<16xi1>
        %add3A_350 = vector.broadcast %add3A_334 : i32 to vector<16xi32>
        %add3A_351 = arith.addi %add3A_261, %add3A_350 : vector<16xi32>
        tpu.vector_store_idx %arg18[%sub3A_345], %add3A_351 masked %and3A_349 : memref<192xi32, #tpu.memory_space<vmem>>[vector<16xi32>], vector<16xi32>, vector<16xi1>
        %get3A_352 = arith.index_cast %add3A_334 : i32 to index
        %get3A_353 = tpu.vector_load %arg12[%get3A_352] {strides = array<i32>} : memref<10048xf32, #tpu.memory_space<vmem>>, vector<16xf32>,
        tpu.vector_store_idx %arg19[%sub3A_345], %get3A_353 masked %and3A_349 : memref<192xf32, #tpu.memory_space<vmem>>[vector<16xi32>], vector<16xf32>, vector<16xi1>
        %get3A_354 = arith.index_cast %add3A_334 : i32 to index
        %get3A_355 = tpu.vector_load %arg13[%get3A_354] {strides = array<i32>} : memref<10048xf32, #tpu.memory_space<vmem>>, vector<16xf32>,
        tpu.vector_store_idx %arg20[%sub3A_345], %get3A_355 masked %and3A_349 : memref<192xf32, #tpu.memory_space<vmem>>[vector<16xi32>], vector<16xf32>, vector<16xi1>
        %get3A_356 = arith.index_cast %add3A_334 : i32 to index
        %get3A_357 = tpu.vector_load %arg14[%get3A_356] {strides = array<i32>} : memref<10048xf32, #tpu.memory_space<vmem>>, vector<16xf32>,
        tpu.vector_store_idx %arg21[%sub3A_345], %get3A_357 masked %and3A_349 : memref<192xf32, #tpu.memory_space<vmem>>[vector<16xi32>], vector<16xf32>, vector<16xi1>
        %get3A_358 = arith.index_cast %add3A_334 : i32 to index
        %get3A_359 = tpu.vector_load %arg15[%get3A_358] {strides = array<i32>} : memref<10048xf32, #tpu.memory_space<vmem>>, vector<16xf32>,
        tpu.vector_store_idx %arg22[%sub3A_345], %get3A_359 masked %and3A_349 : memref<192xf32, #tpu.memory_space<vmem>>[vector<16xi32>], vector<16xf32>, vector<16xi1>
        %all_reduce_population_count3A_360 = tpu.all_reduce %gt3A_337 {dim = 0 : i64, kind = #tpu.reduction_kind<sum>} : vector<16xi1> -> vector<16xi32>
        %add3A_361 = arith.addi %add3A_330, %all_reduce_population_count3A_360 : vector<16xi32>
        %mul3A_362 = arith.constant 64 : i32
        %mul3A_363 = arith.muli %scan3A_271, %mul3A_362 : i32
        %add3A_364 = arith.constant 48 : i32
        %add3A_365 = arith.addi %mul3A_363, %add3A_364 : i32
        %get3A_366 = arith.index_cast %add3A_365 : i32 to index
        %get3A_367 = tpu.vector_load %arg11[%get3A_366] {strides = array<i32>} : memref<10048xf32, #tpu.memory_space<vmem>>, vector<16xf32>,
        %gt3A_368 = arith.cmpf ogt, %get3A_367, %gather3A : vector<16xf32>
        %convert_element_type3A_369 = arith.extui %gt3A_368 : vector<16xi1> to vector<16xi32>
        %broadcast_in_dim3A_370 = arith.constant true
        %broadcast_in_dim3A_371 = vector.broadcast %broadcast_in_dim3A_370 : i1 to vector<16xi1>
        %masked_cumsum3A_372 = tpu.scan <sum>, %convert_element_type3A_369 masked %broadcast_in_dim3A_371 : vector<16xi32>, vector<16xi1> -> vector<16xi32>
        %add3A_373 = arith.addi %add3A_361, %masked_cumsum3A_372 : vector<16xi32>
        %sub3A_374 = arith.constant 1 : i32
        %sub3A_375 = vector.broadcast %sub3A_374 : i32 to vector<16xi32>
        %sub3A_376 = arith.subi %add3A_373, %sub3A_375 : vector<16xi32>
        %lt3A_377 = arith.constant 192 : i32
        %lt3A_378 = vector.broadcast %lt3A_377 : i32 to vector<16xi32>
        %lt3A_379 = arith.cmpi slt, %sub3A_376, %lt3A_378 : vector<16xi32>
        %and3A_380 = arith.andi %gt3A_368, %lt3A_379 : vector<16xi1>
        tpu.vector_store_idx %arg17[%sub3A_376], %get3A_367 masked %and3A_380 : memref<192xf32, #tpu.memory_space<vmem>>[vector<16xi32>], vector<16xf32>, vector<16xi1>
        %add3A_381 = vector.broadcast %add3A_365 : i32 to vector<16xi32>
        %add3A_382 = arith.addi %add3A_261, %add3A_381 : vector<16xi32>
        tpu.vector_store_idx %arg18[%sub3A_376], %add3A_382 masked %and3A_380 : memref<192xi32, #tpu.memory_space<vmem>>[vector<16xi32>], vector<16xi32>, vector<16xi1>
        %get3A_383 = arith.index_cast %add3A_365 : i32 to index
        %get3A_384 = tpu.vector_load %arg12[%get3A_383] {strides = array<i32>} : memref<10048xf32, #tpu.memory_space<vmem>>, vector<16xf32>,
        tpu.vector_store_idx %arg19[%sub3A_376], %get3A_384 masked %and3A_380 : memref<192xf32, #tpu.memory_space<vmem>>[vector<16xi32>], vector<16xf32>, vector<16xi1>
        %get3A_385 = arith.index_cast %add3A_365 : i32 to index
        %get3A_386 = tpu.vector_load %arg13[%get3A_385] {strides = array<i32>} : memref<10048xf32, #tpu.memory_space<vmem>>, vector<16xf32>,
        tpu.vector_store_idx %arg20[%sub3A_376], %get3A_386 masked %and3A_380 : memref<192xf32, #tpu.memory_space<vmem>>[vector<16xi32>], vector<16xf32>, vector<16xi1>
        %get3A_387 = arith.index_cast %add3A_365 : i32 to index
        %get3A_388 = tpu.vector_load %arg14[%get3A_387] {strides = array<i32>} : memref<10048xf32, #tpu.memory_space<vmem>>, vector<16xf32>,
        tpu.vector_store_idx %arg21[%sub3A_376], %get3A_388 masked %and3A_380 : memref<192xf32, #tpu.memory_space<vmem>>[vector<16xi32>], vector<16xf32>, vector<16xi1>
        %get3A_389 = arith.index_cast %add3A_365 : i32 to index
        %get3A_390 = tpu.vector_load %arg15[%get3A_389] {strides = array<i32>} : memref<10048xf32, #tpu.memory_space<vmem>>, vector<16xf32>,
        tpu.vector_store_idx %arg22[%sub3A_376], %get3A_390 masked %and3A_380 : memref<192xf32, #tpu.memory_space<vmem>>[vector<16xi32>], vector<16xf32>, vector<16xi1>
        %all_reduce_population_count3A_391 = tpu.all_reduce %gt3A_368 {dim = 0 : i64, kind = #tpu.reduction_kind<sum>} : vector<16xi1> -> vector<16xi32>
        %add3A_392 = arith.addi %add3A_361, %all_reduce_population_count3A_391 : vector<16xi32>
        scf.yield %add3A_392 : vector<16xi32>
      }
      %scan3A_268 = arith.constant 157 : i32
      %mul3A_269 = arith.constant 192 : i32
      %mul3A_270 = arith.muli %select_n3A_33, %mul3A_269 : i32
      "tpu.region"() ({
        %run_scoped3A_271 = tpu.sem_alloc : memref<!tpu.dma_semaphore, #tpu.memory_space<semaphore_mem>>
        %dma_start3A = tpu.memref_slice %arg5[%select_n3A, %mul3A_270] : memref<8x384xf32, #tpu.memory_space<hbm>> -> memref<1x192xf32, #tpu.memory_space<hbm>>
        %dma_start3A_272 = tpu.memref_squeeze %dma_start3A : memref<1x192xf32, #tpu.memory_space<hbm>> -> memref<192xf32, #tpu.memory_space<hbm>>
        %dma_start3A_273 = tpu.memref_slice %arg5[%select_n3A, %mul3A_270] : memref<8x384xf32, #tpu.memory_space<hbm>> -> memref<1x192xf32, #tpu.memory_space<hbm>>
        %dma_start3A_274 = tpu.memref_squeeze %dma_start3A_273 : memref<1x192xf32, #tpu.memory_space<hbm>> -> memref<192xf32, #tpu.memory_space<hbm>>
        tpu.enqueue_dma source(%arg17 : memref<192xf32, #tpu.memory_space<vmem>>) target(%dma_start3A_274 : memref<192xf32, #tpu.memory_space<hbm>>) target_semaphore(%run_scoped3A_271 : memref<!tpu.dma_semaphore, #tpu.memory_space<semaphore_mem>>)
        %dma_wait3A = tpu.memref_slice %arg5[%select_n3A, %mul3A_270] : memref<8x384xf32, #tpu.memory_space<hbm>> -> memref<1x192xf32, #tpu.memory_space<hbm>>
        %dma_wait3A_275 = tpu.memref_squeeze %dma_wait3A : memref<1x192xf32, #tpu.memory_space<hbm>> -> memref<192xf32, #tpu.memory_space<hbm>>
        %dma_wait3A_276 = tpu.memref_slice %arg5[%select_n3A, %mul3A_270] : memref<8x384xf32, #tpu.memory_space<hbm>> -> memref<1x192xf32, #tpu.memory_space<hbm>>
        %dma_wait3A_277 = tpu.memref_squeeze %dma_wait3A_276 : memref<1x192xf32, #tpu.memory_space<hbm>> -> memref<192xf32, #tpu.memory_space<hbm>>
        tpu.wait_dma2 semaphore(%run_scoped3A_271 : memref<!tpu.dma_semaphore, #tpu.memory_space<semaphore_mem>>) src(%arg17 : memref<192xf32, #tpu.memory_space<vmem>>) dst(%dma_wait3A_277 : memref<192xf32, #tpu.memory_space<hbm>>)
        tpu.yield
      }) : () -> ()
      "tpu.region"() ({
        %run_scoped3A_271 = tpu.sem_alloc : memref<!tpu.dma_semaphore, #tpu.memory_space<semaphore_mem>>
        %dma_start3A = tpu.memref_slice %arg6[%select_n3A, %mul3A_270] : memref<8x384xi32, #tpu.memory_space<hbm>> -> memref<1x192xi32, #tpu.memory_space<hbm>>
        %dma_start3A_272 = tpu.memref_squeeze %dma_start3A : memref<1x192xi32, #tpu.memory_space<hbm>> -> memref<192xi32, #tpu.memory_space<hbm>>
        %dma_start3A_273 = tpu.memref_slice %arg6[%select_n3A, %mul3A_270] : memref<8x384xi32, #tpu.memory_space<hbm>> -> memref<1x192xi32, #tpu.memory_space<hbm>>
        %dma_start3A_274 = tpu.memref_squeeze %dma_start3A_273 : memref<1x192xi32, #tpu.memory_space<hbm>> -> memref<192xi32, #tpu.memory_space<hbm>>
        tpu.enqueue_dma source(%arg18 : memref<192xi32, #tpu.memory_space<vmem>>) target(%dma_start3A_274 : memref<192xi32, #tpu.memory_space<hbm>>) target_semaphore(%run_scoped3A_271 : memref<!tpu.dma_semaphore, #tpu.memory_space<semaphore_mem>>)
        %dma_wait3A = tpu.memref_slice %arg6[%select_n3A, %mul3A_270] : memref<8x384xi32, #tpu.memory_space<hbm>> -> memref<1x192xi32, #tpu.memory_space<hbm>>
        %dma_wait3A_275 = tpu.memref_squeeze %dma_wait3A : memref<1x192xi32, #tpu.memory_space<hbm>> -> memref<192xi32, #tpu.memory_space<hbm>>
        %dma_wait3A_276 = tpu.memref_slice %arg6[%select_n3A, %mul3A_270] : memref<8x384xi32, #tpu.memory_space<hbm>> -> memref<1x192xi32, #tpu.memory_space<hbm>>
        %dma_wait3A_277 = tpu.memref_squeeze %dma_wait3A_276 : memref<1x192xi32, #tpu.memory_space<hbm>> -> memref<192xi32, #tpu.memory_space<hbm>>
        tpu.wait_dma2 semaphore(%run_scoped3A_271 : memref<!tpu.dma_semaphore, #tpu.memory_space<semaphore_mem>>) src(%arg18 : memref<192xi32, #tpu.memory_space<vmem>>) dst(%dma_wait3A_277 : memref<192xi32, #tpu.memory_space<hbm>>)
        tpu.yield
      }) : () -> ()
      "tpu.region"() ({
        %run_scoped3A_271 = tpu.sem_alloc : memref<!tpu.dma_semaphore, #tpu.memory_space<semaphore_mem>>
        %dma_start3A = tpu.memref_slice %arg7[%select_n3A, %mul3A_270] : memref<8x384xf32, #tpu.memory_space<hbm>> -> memref<1x192xf32, #tpu.memory_space<hbm>>
        %dma_start3A_272 = tpu.memref_squeeze %dma_start3A : memref<1x192xf32, #tpu.memory_space<hbm>> -> memref<192xf32, #tpu.memory_space<hbm>>
        %dma_start3A_273 = tpu.memref_slice %arg7[%select_n3A, %mul3A_270] : memref<8x384xf32, #tpu.memory_space<hbm>> -> memref<1x192xf32, #tpu.memory_space<hbm>>
        %dma_start3A_274 = tpu.memref_squeeze %dma_start3A_273 : memref<1x192xf32, #tpu.memory_space<hbm>> -> memref<192xf32, #tpu.memory_space<hbm>>
        tpu.enqueue_dma source(%arg19 : memref<192xf32, #tpu.memory_space<vmem>>) target(%dma_start3A_274 : memref<192xf32, #tpu.memory_space<hbm>>) target_semaphore(%run_scoped3A_271 : memref<!tpu.dma_semaphore, #tpu.memory_space<semaphore_mem>>)
        %dma_wait3A = tpu.memref_slice %arg7[%select_n3A, %mul3A_270] : memref<8x384xf32, #tpu.memory_space<hbm>> -> memref<1x192xf32, #tpu.memory_space<hbm>>
        %dma_wait3A_275 = tpu.memref_squeeze %dma_wait3A : memref<1x192xf32, #tpu.memory_space<hbm>> -> memref<192xf32, #tpu.memory_space<hbm>>
        %dma_wait3A_276 = tpu.memref_slice %arg7[%select_n3A, %mul3A_270] : memref<8x384xf32, #tpu.memory_space<hbm>> -> memref<1x192xf32, #tpu.memory_space<hbm>>
        %dma_wait3A_277 = tpu.memref_squeeze %dma_wait3A_276 : memref<1x192xf32, #tpu.memory_space<hbm>> -> memref<192xf32, #tpu.memory_space<hbm>>
        tpu.wait_dma2 semaphore(%run_scoped3A_271 : memref<!tpu.dma_semaphore, #tpu.memory_space<semaphore_mem>>) src(%arg19 : memref<192xf32, #tpu.memory_space<vmem>>) dst(%dma_wait3A_277 : memref<192xf32, #tpu.memory_space<hbm>>)
        tpu.yield
      }) : () -> ()
      "tpu.region"() ({
        %run_scoped3A_271 = tpu.sem_alloc : memref<!tpu.dma_semaphore, #tpu.memory_space<semaphore_mem>>
        %dma_start3A = tpu.memref_slice %arg8[%select_n3A, %mul3A_270] : memref<8x384xf32, #tpu.memory_space<hbm>> -> memref<1x192xf32, #tpu.memory_space<hbm>>
        %dma_start3A_272 = tpu.memref_squeeze %dma_start3A : memref<1x192xf32, #tpu.memory_space<hbm>> -> memref<192xf32, #tpu.memory_space<hbm>>
        %dma_start3A_273 = tpu.memref_slice %arg8[%select_n3A, %mul3A_270] : memref<8x384xf32, #tpu.memory_space<hbm>> -> memref<1x192xf32, #tpu.memory_space<hbm>>
        %dma_start3A_274 = tpu.memref_squeeze %dma_start3A_273 : memref<1x192xf32, #tpu.memory_space<hbm>> -> memref<192xf32, #tpu.memory_space<hbm>>
        tpu.enqueue_dma source(%arg20 : memref<192xf32, #tpu.memory_space<vmem>>) target(%dma_start3A_274 : memref<192xf32, #tpu.memory_space<hbm>>) target_semaphore(%run_scoped3A_271 : memref<!tpu.dma_semaphore, #tpu.memory_space<semaphore_mem>>)
        %dma_wait3A = tpu.memref_slice %arg8[%select_n3A, %mul3A_270] : memref<8x384xf32, #tpu.memory_space<hbm>> -> memref<1x192xf32, #tpu.memory_space<hbm>>
        %dma_wait3A_275 = tpu.memref_squeeze %dma_wait3A : memref<1x192xf32, #tpu.memory_space<hbm>> -> memref<192xf32, #tpu.memory_space<hbm>>
        %dma_wait3A_276 = tpu.memref_slice %arg8[%select_n3A, %mul3A_270] : memref<8x384xf32, #tpu.memory_space<hbm>> -> memref<1x192xf32, #tpu.memory_space<hbm>>
        %dma_wait3A_277 = tpu.memref_squeeze %dma_wait3A_276 : memref<1x192xf32, #tpu.memory_space<hbm>> -> memref<192xf32, #tpu.memory_space<hbm>>
        tpu.wait_dma2 semaphore(%run_scoped3A_271 : memref<!tpu.dma_semaphore, #tpu.memory_space<semaphore_mem>>) src(%arg20 : memref<192xf32, #tpu.memory_space<vmem>>) dst(%dma_wait3A_277 : memref<192xf32, #tpu.memory_space<hbm>>)
        tpu.yield
      }) : () -> ()
      "tpu.region"() ({
        %run_scoped3A_271 = tpu.sem_alloc : memref<!tpu.dma_semaphore, #tpu.memory_space<semaphore_mem>>
        %dma_start3A = tpu.memref_slice %arg9[%select_n3A, %mul3A_270] : memref<8x384xf32, #tpu.memory_space<hbm>> -> memref<1x192xf32, #tpu.memory_space<hbm>>
        %dma_start3A_272 = tpu.memref_squeeze %dma_start3A : memref<1x192xf32, #tpu.memory_space<hbm>> -> memref<192xf32, #tpu.memory_space<hbm>>
        %dma_start3A_273 = tpu.memref_slice %arg9[%select_n3A, %mul3A_270] : memref<8x384xf32, #tpu.memory_space<hbm>> -> memref<1x192xf32, #tpu.memory_space<hbm>>
        %dma_start3A_274 = tpu.memref_squeeze %dma_start3A_273 : memref<1x192xf32, #tpu.memory_space<hbm>> -> memref<192xf32, #tpu.memory_space<hbm>>
        tpu.enqueue_dma source(%arg21 : memref<192xf32, #tpu.memory_space<vmem>>) target(%dma_start3A_274 : memref<192xf32, #tpu.memory_space<hbm>>) target_semaphore(%run_scoped3A_271 : memref<!tpu.dma_semaphore, #tpu.memory_space<semaphore_mem>>)
        %dma_wait3A = tpu.memref_slice %arg9[%select_n3A, %mul3A_270] : memref<8x384xf32, #tpu.memory_space<hbm>> -> memref<1x192xf32, #tpu.memory_space<hbm>>
        %dma_wait3A_275 = tpu.memref_squeeze %dma_wait3A : memref<1x192xf32, #tpu.memory_space<hbm>> -> memref<192xf32, #tpu.memory_space<hbm>>
        %dma_wait3A_276 = tpu.memref_slice %arg9[%select_n3A, %mul3A_270] : memref<8x384xf32, #tpu.memory_space<hbm>> -> memref<1x192xf32, #tpu.memory_space<hbm>>
        %dma_wait3A_277 = tpu.memref_squeeze %dma_wait3A_276 : memref<1x192xf32, #tpu.memory_space<hbm>> -> memref<192xf32, #tpu.memory_space<hbm>>
        tpu.wait_dma2 semaphore(%run_scoped3A_271 : memref<!tpu.dma_semaphore, #tpu.memory_space<semaphore_mem>>) src(%arg21 : memref<192xf32, #tpu.memory_space<vmem>>) dst(%dma_wait3A_277 : memref<192xf32, #tpu.memory_space<hbm>>)
        tpu.yield
      }) : () -> ()
      "tpu.region"() ({
        %run_scoped3A_271 = tpu.sem_alloc : memref<!tpu.dma_semaphore, #tpu.memory_space<semaphore_mem>>
        %dma_start3A = tpu.memref_slice %arg10[%select_n3A, %mul3A_270] : memref<8x384xf32, #tpu.memory_space<hbm>> -> memref<1x192xf32, #tpu.memory_space<hbm>>
        %dma_start3A_272 = tpu.memref_squeeze %dma_start3A : memref<1x192xf32, #tpu.memory_space<hbm>> -> memref<192xf32, #tpu.memory_space<hbm>>
        %dma_start3A_273 = tpu.memref_slice %arg10[%select_n3A, %mul3A_270] : memref<8x384xf32, #tpu.memory_space<hbm>> -> memref<1x192xf32, #tpu.memory_space<hbm>>
        %dma_start3A_274 = tpu.memref_squeeze %dma_start3A_273 : memref<1x192xf32, #tpu.memory_space<hbm>> -> memref<192xf32, #tpu.memory_space<hbm>>
        tpu.enqueue_dma source(%arg22 : memref<192xf32, #tpu.memory_space<vmem>>) target(%dma_start3A_274 : memref<192xf32, #tpu.memory_space<hbm>>) target_semaphore(%run_scoped3A_271 : memref<!tpu.dma_semaphore, #tpu.memory_space<semaphore_mem>>)
        %dma_wait3A = tpu.memref_slice %arg10[%select_n3A, %mul3A_270] : memref<8x384xf32, #tpu.memory_space<hbm>> -> memref<1x192xf32, #tpu.memory_space<hbm>>
        %dma_wait3A_275 = tpu.memref_squeeze %dma_wait3A : memref<1x192xf32, #tpu.memory_space<hbm>> -> memref<192xf32, #tpu.memory_space<hbm>>
        %dma_wait3A_276 = tpu.memref_slice %arg10[%select_n3A, %mul3A_270] : memref<8x384xf32, #tpu.memory_space<hbm>> -> memref<1x192xf32, #tpu.memory_space<hbm>>
        %dma_wait3A_277 = tpu.memref_squeeze %dma_wait3A_276 : memref<1x192xf32, #tpu.memory_space<hbm>> -> memref<192xf32, #tpu.memory_space<hbm>>
        tpu.wait_dma2 semaphore(%run_scoped3A_271 : memref<!tpu.dma_semaphore, #tpu.memory_space<semaphore_mem>>) src(%arg22 : memref<192xf32, #tpu.memory_space<vmem>>) dst(%dma_wait3A_277 : memref<192xf32, #tpu.memory_space<hbm>>)
        tpu.yield
      }) : () -> ()
    } else {
    }
    return
  }
}

#map = affine_map<(d0, d1) -> (0)>
#map1 = affine_map<(d0, d1) -> (0, 0)>
module attributes {stable_mosaic.version = 14 : i64} {
  func.func @gather_k(%arg0: i32, %arg1: i32, %arg2: memref<128xi32, #tpu.memory_space<hbm>>, %arg3: memref<20000x80xf32, #tpu.memory_space<hbm>>, %arg4: memref<128x80xf32, #tpu.memory_space<hbm>>, %arg5: memref<32xi32, #tpu.memory_space<vmem>>, %arg6: memref<32x80xf32, #tpu.memory_space<vmem>>, %arg7: memref<!tpu.dma_semaphore, #tpu.memory_space<semaphore_mem>>) attributes {dimension_semantics = [#tpu.dimension_semantics<core_parallel>, #tpu.dimension_semantics<subcore_parallel>], iteration_bounds = array<i64: 2, 16>, scalar_prefetch = 0 : i64, scratch_operands = 3 : i64, tpu.core_type = #tpu.core_type<sc_vector_subcore>, window_params = [{transform_indices = #map}, {transform_indices = #map1}, {transform_indices = #map1}]} {
    %mul3A = arith.constant 2 : i32
    %mul3A_0 = arith.muli %arg1, %mul3A : i32
    %add3A = arith.addi %mul3A_0, %arg0 : i32
    %lt3A = arith.constant 4 : i32
    %lt3A_1 = arith.cmpi slt, %add3A, %lt3A : i32
    %convert_element_type3A = arith.extui %lt3A_1 : i1 to i32
    %cond3A = arith.constant 0 : i32
    %cond3A_2 = arith.cmpi ne, %convert_element_type3A, %cond3A : i32
    scf.if %cond3A_2 {
      %mul3A_3 = arith.constant 32 : i32
      %mul3A_4 = arith.muli %add3A, %mul3A_3 : i32
      "tpu.region"() ({
        %run_scoped3A = tpu.sem_alloc : memref<!tpu.dma_semaphore, #tpu.memory_space<semaphore_mem>>
        %dma_start3A_11 = tpu.memref_slice %arg2[%mul3A_4] : memref<128xi32, #tpu.memory_space<hbm>> -> memref<32xi32, #tpu.memory_space<hbm>>
        %dma_start3A_12 = tpu.memref_slice %arg2[%mul3A_4] : memref<128xi32, #tpu.memory_space<hbm>> -> memref<32xi32, #tpu.memory_space<hbm>>
        tpu.enqueue_dma source(%dma_start3A_12 : memref<32xi32, #tpu.memory_space<hbm>>) target(%arg5 : memref<32xi32, #tpu.memory_space<vmem>>) target_semaphore(%run_scoped3A : memref<!tpu.dma_semaphore, #tpu.memory_space<semaphore_mem>>)
        %dma_wait3A_13 = tpu.memref_slice %arg2[%mul3A_4] : memref<128xi32, #tpu.memory_space<hbm>> -> memref<32xi32, #tpu.memory_space<hbm>>
        %dma_wait3A_14 = tpu.memref_slice %arg2[%mul3A_4] : memref<128xi32, #tpu.memory_space<hbm>> -> memref<32xi32, #tpu.memory_space<hbm>>
        tpu.wait_dma2 semaphore(%run_scoped3A : memref<!tpu.dma_semaphore, #tpu.memory_space<semaphore_mem>>) src(%dma_wait3A_14 : memref<32xi32, #tpu.memory_space<hbm>>) dst(%arg5 : memref<32xi32, #tpu.memory_space<vmem>>)
        tpu.yield
      }) : () -> ()
      %dma_start3A = arith.constant 0 : i32
      %dma_start3A_5 = arith.constant 0 : i32
      %dma_start3A_6 = tpu.memref_slice %arg3[%dma_start3A, %dma_start3A_5] : memref<20000x80xf32, #tpu.memory_space<hbm>> -> memref<20000x80xf32, #tpu.memory_space<hbm>>
      tpu.enqueue_indirect_dma source(%dma_start3A_6 : memref<20000x80xf32, #tpu.memory_space<hbm>>) target(%arg6 : memref<32x80xf32, #tpu.memory_space<vmem>>) offsets(%arg5 : memref<32xi32, #tpu.memory_space<vmem>>) semaphore(%arg7 : memref<!tpu.dma_semaphore, #tpu.memory_space<semaphore_mem>>)
      %dma_wait3A = arith.constant 0 : i32
      %dma_wait3A_7 = arith.constant 0 : i32
      %dma_wait3A_8 = tpu.memref_slice %arg3[%dma_wait3A, %dma_wait3A_7] : memref<20000x80xf32, #tpu.memory_space<hbm>> -> memref<20000x80xf32, #tpu.memory_space<hbm>>
      tpu.wait_indirect_dma semaphore(%arg7 : memref<!tpu.dma_semaphore, #tpu.memory_space<semaphore_mem>>) src(%dma_wait3A_8 : memref<20000x80xf32, #tpu.memory_space<hbm>>) dst(%arg6 : memref<32x80xf32, #tpu.memory_space<vmem>>)
      %mul3A_9 = arith.constant 32 : i32
      %mul3A_10 = arith.muli %add3A, %mul3A_9 : i32
      "tpu.region"() ({
        %run_scoped3A = tpu.sem_alloc : memref<!tpu.dma_semaphore, #tpu.memory_space<semaphore_mem>>
        %dma_start3A_11 = arith.constant 0 : i32
        %dma_start3A_12 = tpu.memref_slice %arg4[%mul3A_10, %dma_start3A_11] : memref<128x80xf32, #tpu.memory_space<hbm>> -> memref<32x80xf32, #tpu.memory_space<hbm>>
        %dma_start3A_13 = arith.constant 0 : i32
        %dma_start3A_14 = tpu.memref_slice %arg4[%mul3A_10, %dma_start3A_13] : memref<128x80xf32, #tpu.memory_space<hbm>> -> memref<32x80xf32, #tpu.memory_space<hbm>>
        tpu.enqueue_dma source(%arg6 : memref<32x80xf32, #tpu.memory_space<vmem>>) target(%dma_start3A_14 : memref<32x80xf32, #tpu.memory_space<hbm>>) target_semaphore(%run_scoped3A : memref<!tpu.dma_semaphore, #tpu.memory_space<semaphore_mem>>)
        %dma_wait3A_15 = arith.constant 0 : i32
        %dma_wait3A_16 = tpu.memref_slice %arg4[%mul3A_10, %dma_wait3A_15] : memref<128x80xf32, #tpu.memory_space<hbm>> -> memref<32x80xf32, #tpu.memory_space<hbm>>
        %dma_wait3A_17 = arith.constant 0 : i32
        %dma_wait3A_18 = tpu.memref_slice %arg4[%mul3A_10, %dma_wait3A_17] : memref<128x80xf32, #tpu.memory_space<hbm>> -> memref<32x80xf32, #tpu.memory_space<hbm>>
        tpu.wait_dma2 semaphore(%run_scoped3A : memref<!tpu.dma_semaphore, #tpu.memory_space<semaphore_mem>>) src(%arg6 : memref<32x80xf32, #tpu.memory_space<vmem>>) dst(%dma_wait3A_18 : memref<32x80xf32, #tpu.memory_space<hbm>>)
        tpu.yield
      }) : () -> ()
    } else {
    }
    return
  }
}

module attributes {stable_mosaic.version = 14 : i64} {
  func.func @_tau_body(%arg0: memref<8x20096xf32, #tpu.memory_space<vmem>>, %arg1: memref<8x128xf32, #tpu.memory_space<vmem>>, %arg2: memref<8x128xi32, #tpu.memory_space<vmem>>, %arg3: memref<8x20096xf32, #tpu.memory_space<vmem>>) attributes {dimension_semantics = [], scalar_prefetch = 0 : i64, scratch_operands = 1 : i64, tpu.core_type = #tpu.core_type<tc>} {
    %get3A = arith.constant 0 : index
    %get3A_0 = arith.constant 0 : index
    %get3A_1 = vector.load %arg0[%get3A, %get3A_0] : memref<8x20096xf32, #tpu.memory_space<vmem>>, vector<8x20096xf32>
    %gt3A = arith.constant 0.00999999977 : f32
    %gt3A_2 = vector.broadcast %gt3A : f32 to vector<8x20096xf32>
    %gt3A_3 = arith.cmpf ogt, %get3A_1, %gt3A_2 : vector<8x20096xf32>
    %jit3A = arith.constant -1.000000e+30 : f32
    %broadcast_in_dim3A = vector.broadcast %jit3A : f32 to vector<8x20096xf32>
    %select_n3A = arith.select %gt3A_3, %get3A_1, %broadcast_in_dim3A : vector<8x20096xi1>, vector<8x20096xf32>
    %swap3A = arith.constant 0 : index
    %swap3A_4 = arith.constant 0 : index
    %swap3A_5 = vector.load %arg3[%swap3A, %swap3A_4] : memref<8x20096xf32, #tpu.memory_space<vmem>>, vector<8x20096xf32>
    tpu.vector_store %arg3[%swap3A, %swap3A_4], %select_n3A {strides = array<i32>} : memref<8x20096xf32, #tpu.memory_space<vmem>>, vector<8x20096xf32>,
    %gt3A_6 = arith.constant -1.000000e+20 : f32
    %gt3A_7 = vector.broadcast %gt3A_6 : f32 to vector<8x20096xf32>
    %gt3A_8 = arith.cmpf ogt, %select_n3A, %gt3A_7 : vector<8x20096xf32>
    %convert_element_type3A = arith.extui %gt3A_8 : vector<8x20096xi1> to vector<8x20096xi32>
    %reduce_sum3A = arith.constant dense<0> : vector<8xi32>
    %reduce_sum3A_9 = vector.multi_reduction <add>, %convert_element_type3A, %reduce_sum3A [1] : vector<8x20096xi32> to vector<8xi32>
    %broadcast_in_dim3A_10 = vector.shape_cast %reduce_sum3A_9 : vector<8xi32> to vector<8x1xi32>
    %reduce_max3A = arith.constant dense<0xFF800000> : vector<8xf32>
    %reduce_max3A_11 = vector.multi_reduction <maximumf>, %select_n3A, %reduce_max3A [1] : vector<8x20096xf32> to vector<8xf32>
    %broadcast_in_dim3A_12 = vector.shape_cast %reduce_max3A_11 : vector<8xf32> to vector<8x1xf32>
    %broadcast_in_dim3A_13 = arith.constant 0.00999999977 : f32
    %broadcast_in_dim3A_14 = vector.broadcast %broadcast_in_dim3A_13 : f32 to vector<8x1xf32>
    %max3A = arith.maximumf %broadcast_in_dim3A_12, %broadcast_in_dim3A_14 : vector<8x1xf32>
    %scan3A = arith.constant 0 : i32
    %scan3A_15 = arith.constant 20 : i32
    %scan3A_16 = arith.addi %scan3A, %scan3A_15 : i32
    %scan3A_17 = arith.constant 1 : i32
    %scan3A_18:2 = scf.for %scan3A_29 = %scan3A to %scan3A_16 step %scan3A_17 iter_args(%scan3A_30 = %broadcast_in_dim3A_14, %scan3A_31 = %max3A) -> (vector<8x1xf32>, vector<8x1xf32>)  : i32 {
      %add3A = arith.addf %scan3A_30, %scan3A_31 : vector<8x1xf32>
      %mul3A = arith.constant 5.000000e-01 : f32
      %mul3A_32 = vector.broadcast %mul3A : f32 to vector<8x1xf32>
      %mul3A_33 = arith.mulf %mul3A_32, %add3A : vector<8x1xf32>
      %get3A_34 = arith.constant 0 : index
      %get3A_35 = arith.constant 0 : index
      %get3A_36 = vector.load %arg3[%get3A_34, %get3A_35] : memref<8x20096xf32, #tpu.memory_space<vmem>>, vector<8x20096xf32>
      %gt3A_37 = vector.broadcast %mul3A_33 : vector<8x1xf32> to vector<8x20096xf32>
      %gt3A_38 = arith.cmpf ogt, %get3A_36, %gt3A_37 : vector<8x20096xf32>
      %convert_element_type3A_39 = arith.extui %gt3A_38 : vector<8x20096xi1> to vector<8x20096xi32>
      %reduce_sum3A_40 = arith.constant dense<0> : vector<8xi32>
      %reduce_sum3A_41 = vector.multi_reduction <add>, %convert_element_type3A_39, %reduce_sum3A_40 [1] : vector<8x20096xi32> to vector<8xi32>
      %broadcast_in_dim3A_42 = vector.shape_cast %reduce_sum3A_41 : vector<8xi32> to vector<8x1xi32>
      %gt3A_43 = arith.constant 192 : i32
      %gt3A_44 = vector.broadcast %gt3A_43 : i32 to vector<8x1xi32>
      %gt3A_45 = arith.cmpi sgt, %broadcast_in_dim3A_42, %gt3A_44 : vector<8x1xi32>
      %select_n3A_46 = arith.select %gt3A_45, %mul3A_33, %scan3A_30 : vector<8x1xi1>, vector<8x1xf32>
      %select_n3A_47 = arith.select %gt3A_45, %scan3A_31, %mul3A_33 : vector<8x1xi1>, vector<8x1xf32>
      scf.yield %select_n3A_46, %select_n3A_47 : vector<8x1xf32>, vector<8x1xf32>
    }
    %broadcast_in_dim3A_19 = vector.shape_cast %scan3A_18#1 : vector<8x1xf32> to vector<8x1xf32>
    %broadcast_in_dim3A_20 = vector.broadcast %broadcast_in_dim3A_19 : vector<8x1xf32> to vector<8x128xf32>
    %swap3A_21 = arith.constant 0 : index
    %swap3A_22 = arith.constant 0 : index
    %swap3A_23 = vector.load %arg1[%swap3A_21, %swap3A_22] : memref<8x128xf32, #tpu.memory_space<vmem>>, vector<8x128xf32>
    tpu.vector_store %arg1[%swap3A_21, %swap3A_22], %broadcast_in_dim3A_20 {strides = array<i32>} : memref<8x128xf32, #tpu.memory_space<vmem>>, vector<8x128xf32>,
    %broadcast_in_dim3A_24 = vector.shape_cast %broadcast_in_dim3A_10 : vector<8x1xi32> to vector<8x1xi32>
    %broadcast_in_dim3A_25 = vector.broadcast %broadcast_in_dim3A_24 : vector<8x1xi32> to vector<8x128xi32>
    %swap3A_26 = arith.constant 0 : index
    %swap3A_27 = arith.constant 0 : index
    %swap3A_28 = vector.load %arg2[%swap3A_26, %swap3A_27] : memref<8x128xi32, #tpu.memory_space<vmem>>, vector<8x128xi32>
    tpu.vector_store %arg2[%swap3A_26, %swap3A_27], %broadcast_in_dim3A_25 {strides = array<i32>} : memref<8x128xi32, #tpu.memory_space<vmem>>, vector<8x128xi32>,
    return
  }
}

module attributes {stable_mosaic.version = 14 : i64} {
  func.func @_hot_body(%arg0: memref<8x384xf32, #tpu.memory_space<vmem>>, %arg1: memref<8x384xi32, #tpu.memory_space<vmem>>, %arg2: memref<8x384xf32, #tpu.memory_space<vmem>>, %arg3: memref<8x384xf32, #tpu.memory_space<vmem>>, %arg4: memref<8x384xf32, #tpu.memory_space<vmem>>, %arg5: memref<8x384xf32, #tpu.memory_space<vmem>>, %arg6: memref<8x128xi32, #tpu.memory_space<vmem>>, %arg7: memref<8x20096xf32, #tpu.memory_space<vmem>>, %arg8: memref<8x20096xf32, #tpu.memory_space<vmem>>, %arg9: memref<1x128xi32, #tpu.memory_space<vmem>>, %arg10: memref<1x128xi32, #tpu.memory_space<vmem>>, %arg11: memref<1x128xi32, #tpu.memory_space<vmem>>, %arg12: memref<1x128xf32, #tpu.memory_space<vmem>>, %arg13: memref<8x384xf32, #tpu.memory_space<vmem>>, %arg14: memref<8x20096xf32, #tpu.memory_space<vmem>>, %arg15: memref<40x384xf32, #tpu.memory_space<vmem>>, %arg16: memref<40x20096xf32, #tpu.memory_space<vmem>>) attributes {dimension_semantics = [], scalar_prefetch = 0 : i64, scratch_operands = 4 : i64, tpu.core_type = #tpu.core_type<tc>} {
    %get3A = arith.constant 0 : index
    %get3A_0 = arith.constant 0 : index
    %get3A_1 = vector.load %arg0[%get3A, %get3A_0] : memref<8x384xf32, #tpu.memory_space<vmem>>, vector<8x384xf32>
    %swap3A = arith.constant 0 : index
    %swap3A_2 = arith.constant 0 : index
    %swap3A_3 = vector.load %arg13[%swap3A, %swap3A_2] : memref<8x384xf32, #tpu.memory_space<vmem>>, vector<8x384xf32>
    tpu.vector_store %arg13[%swap3A, %swap3A_2], %get3A_1 {strides = array<i32>} : memref<8x384xf32, #tpu.memory_space<vmem>>, vector<8x384xf32>,
    %get3A_4 = arith.constant 0 : index
    %get3A_5 = arith.constant 0 : index
    %get3A_6 = vector.load %arg0[%get3A_4, %get3A_5] : memref<8x384xf32, #tpu.memory_space<vmem>>, vector<8x384xf32>
    %gt3A = arith.constant -1.000000e+20 : f32
    %gt3A_7 = vector.broadcast %gt3A : f32 to vector<8x384xf32>
    %gt3A_8 = arith.cmpf ogt, %get3A_6, %gt3A_7 : vector<8x384xf32>
    %convert_element_type3A = arith.extui %gt3A_8 : vector<8x384xi1> to vector<8x384xi32>
    %reduce_sum3A = arith.constant dense<0> : vector<8xi32>
    %reduce_sum3A_9 = vector.multi_reduction <add>, %convert_element_type3A, %reduce_sum3A [1] : vector<8x384xi32> to vector<8xi32>
    %broadcast_in_dim3A = vector.shape_cast %reduce_sum3A_9 : vector<8xi32> to vector<8x1xi32>
    %get3A_10 = arith.constant 0 : index
    %get3A_11 = arith.constant 0 : index
    %get3A_12 = vector.load %arg2[%get3A_10, %get3A_11] : memref<8x384xf32, #tpu.memory_space<vmem>>, vector<8x384xf32>
    %get3A_13 = arith.constant 0 : index
    %get3A_14 = arith.constant 0 : index
    %get3A_15 = vector.load %arg3[%get3A_13, %get3A_14] : memref<8x384xf32, #tpu.memory_space<vmem>>, vector<8x384xf32>
    %get3A_16 = arith.constant 0 : index
    %get3A_17 = arith.constant 0 : index
    %get3A_18 = vector.load %arg4[%get3A_16, %get3A_17] : memref<8x384xf32, #tpu.memory_space<vmem>>, vector<8x384xf32>
    %get3A_19 = arith.constant 0 : index
    %get3A_20 = arith.constant 0 : index
    %get3A_21 = vector.load %arg5[%get3A_19, %get3A_20] : memref<8x384xf32, #tpu.memory_space<vmem>>, vector<8x384xf32>
    %get3A_22 = arith.constant 0 : index
    %get3A_23 = arith.constant 0 : index
    %get3A_24 = vector.load %arg1[%get3A_22, %get3A_23] : memref<8x384xi32, #tpu.memory_space<vmem>>, vector<8x384xi32>
    %sub3A = arith.subf %get3A_18, %get3A_12 : vector<8x384xf32>
    %sub3A_25 = arith.subf %get3A_21, %get3A_15 : vector<8x384xf32>
    %mul3A = arith.mulf %sub3A, %sub3A_25 : vector<8x384xf32>
    %iota3A = tpu.iota {dimensions = array<i32: 1>} : vector<8x384xi32>
    %iota3A_26 = tpu.iota {dimensions = array<i32: 1>} : vector<8x128xi32>
    %broadcast_in_dim3A_27 = arith.constant 0 : i32
    %broadcast_in_dim3A_28 = vector.broadcast %broadcast_in_dim3A_27 : i32 to vector<8x128xi32>
    %broadcast_in_dim3A_29 = arith.constant 0 : i32
    %broadcast_in_dim3A_30 = vector.broadcast %broadcast_in_dim3A_29 : i32 to vector<8x128xi32>
    %broadcast_in_dim3A_31 = arith.constant -1.000000e+30 : f32
    %broadcast_in_dim3A_32 = vector.broadcast %broadcast_in_dim3A_31 : f32 to vector<8x128xf32>
    %scan3A = arith.constant 1073741824 : i32
    %scan3A_33 = arith.constant 0 : i32
    %scan3A_34 = arith.constant 100 : i32
    %scan3A_35 = arith.addi %scan3A_33, %scan3A_34 : i32
    %scan3A_36 = arith.constant 1 : i32
    %scan3A_37:3 = scf.for %scan3A_1882 = %scan3A_33 to %scan3A_35 step %scan3A_36 iter_args(%scan3A_1883 = %broadcast_in_dim3A_28, %scan3A_1884 = %broadcast_in_dim3A_30, %scan3A_1885 = %broadcast_in_dim3A_32) -> (vector<8x128xi32>, vector<8x128xi32>, vector<8x128xf32>)  : i32 {
      %get3A_1886 = arith.constant 0 : index
      %get3A_1887 = arith.constant 0 : index
      %get3A_1888 = vector.load %arg13[%get3A_1886, %get3A_1887] : memref<8x384xf32, #tpu.memory_space<vmem>>, vector<8x384xf32>
      %reduce_max3A_1889 = arith.constant dense<0xFF800000> : vector<8xf32>
      %reduce_max3A_1890 = vector.multi_reduction <maximumf>, %get3A_1888, %reduce_max3A_1889 [1] : vector<8x384xf32> to vector<8xf32>
      %broadcast_in_dim3A_1891 = vector.shape_cast %reduce_max3A_1890 : vector<8xf32> to vector<8x1xf32>
      %eq3A_1892 = vector.broadcast %broadcast_in_dim3A_1891 : vector<8x1xf32> to vector<8x384xf32>
      %eq3A_1893 = arith.cmpf oeq, %get3A_1888, %eq3A_1892 : vector<8x384xf32>
      %broadcast_in_dim3A_1894 = vector.broadcast %scan3A : i32 to vector<8x384xi32>
      %select_n3A_1895 = arith.select %eq3A_1893, %iota3A, %broadcast_in_dim3A_1894 : vector<8x384xi1>, vector<8x384xi32>
      %reduce_min3A = arith.constant dense<2147483647> : vector<8xi32>
      %reduce_min3A_1896 = vector.multi_reduction <minsi>, %select_n3A_1895, %reduce_min3A [1] : vector<8x384xi32> to vector<8xi32>
      %broadcast_in_dim3A_1897 = vector.shape_cast %reduce_min3A_1896 : vector<8xi32> to vector<8x1xi32>
      %eq3A_1898 = vector.broadcast %broadcast_in_dim3A_1897 : vector<8x1xi32> to vector<8x384xi32>
      %eq3A_1899 = arith.cmpi eq, %iota3A, %eq3A_1898 : vector<8x384xi32>
      %gt3A_1900 = arith.constant -1.000000e+20 : f32
      %gt3A_1901 = vector.broadcast %gt3A_1900 : f32 to vector<8x1xf32>
      %gt3A_1902 = arith.cmpf ogt, %broadcast_in_dim3A_1891, %gt3A_1901 : vector<8x1xf32>
      %jit3A_1903 = arith.constant -1.000000e+30 : f32
      %broadcast_in_dim3A_1904 = vector.broadcast %jit3A_1903 : f32 to vector<8x384xf32>
      %select_n3A_1905 = arith.select %eq3A_1899, %get3A_12, %broadcast_in_dim3A_1904 : vector<8x384xi1>, vector<8x384xf32>
      %swap3A_1906 = arith.constant 0 : index
      %swap3A_1907 = arith.constant 0 : index
      %swap3A_1908 = vector.load %arg15[%swap3A_1906, %swap3A_1907] : memref<40x384xf32, #tpu.memory_space<vmem>>, vector<8x384xf32>
      tpu.vector_store %arg15[%swap3A_1906, %swap3A_1907], %select_n3A_1905 {strides = array<i32>} : memref<40x384xf32, #tpu.memory_space<vmem>>, vector<8x384xf32>,
      %jit3A_1909 = arith.constant -1.000000e+30 : f32
      %broadcast_in_dim3A_1910 = vector.broadcast %jit3A_1909 : f32 to vector<8x384xf32>
      %select_n3A_1911 = arith.select %eq3A_1899, %get3A_15, %broadcast_in_dim3A_1910 : vector<8x384xi1>, vector<8x384xf32>
      %swap3A_1912 = arith.constant 8 : index
      %swap3A_1913 = arith.constant 0 : index
      %swap3A_1914 = vector.load %arg15[%swap3A_1912, %swap3A_1913] : memref<40x384xf32, #tpu.memory_space<vmem>>, vector<8x384xf32>
      tpu.vector_store %arg15[%swap3A_1912, %swap3A_1913], %select_n3A_1911 {strides = array<i32>} : memref<40x384xf32, #tpu.memory_space<vmem>>, vector<8x384xf32>,
      %jit3A_1915 = arith.constant -1.000000e+30 : f32
      %broadcast_in_dim3A_1916 = vector.broadcast %jit3A_1915 : f32 to vector<8x384xf32>
      %select_n3A_1917 = arith.select %eq3A_1899, %get3A_18, %broadcast_in_dim3A_1916 : vector<8x384xi1>, vector<8x384xf32>
      %swap3A_1918 = arith.constant 16 : index
      %swap3A_1919 = arith.constant 0 : index
      %swap3A_1920 = vector.load %arg15[%swap3A_1918, %swap3A_1919] : memref<40x384xf32, #tpu.memory_space<vmem>>, vector<8x384xf32>
      tpu.vector_store %arg15[%swap3A_1918, %swap3A_1919], %select_n3A_1917 {strides = array<i32>} : memref<40x384xf32, #tpu.memory_space<vmem>>, vector<8x384xf32>,
      %jit3A_1921 = arith.constant -1.000000e+30 : f32
      %broadcast_in_dim3A_1922 = vector.broadcast %jit3A_1921 : f32 to vector<8x384xf32>
      %select_n3A_1923 = arith.select %eq3A_1899, %get3A_21, %broadcast_in_dim3A_1922 : vector<8x384xi1>, vector<8x384xf32>
      %swap3A_1924 = arith.constant 24 : index
      %swap3A_1925 = arith.constant 0 : index
      %swap3A_1926 = vector.load %arg15[%swap3A_1924, %swap3A_1925] : memref<40x384xf32, #tpu.memory_space<vmem>>, vector<8x384xf32>
      tpu.vector_store %arg15[%swap3A_1924, %swap3A_1925], %select_n3A_1923 {strides = array<i32>} : memref<40x384xf32, #tpu.memory_space<vmem>>, vector<8x384xf32>,
      %convert_element_type3A_1927 = arith.sitofp %get3A_24 : vector<8x384xi32> to vector<8x384xf32>
      %jit3A_1928 = arith.constant -1.000000e+30 : f32
      %broadcast_in_dim3A_1929 = vector.broadcast %jit3A_1928 : f32 to vector<8x384xf32>
      %select_n3A_1930 = arith.select %eq3A_1899, %convert_element_type3A_1927, %broadcast_in_dim3A_1929 : vector<8x384xi1>, vector<8x384xf32>
      %swap3A_1931 = arith.constant 32 : index
      %swap3A_1932 = arith.constant 0 : index
      %swap3A_1933 = vector.load %arg15[%swap3A_1931, %swap3A_1932] : memref<40x384xf32, #tpu.memory_space<vmem>>, vector<8x384xf32>
      tpu.vector_store %arg15[%swap3A_1931, %swap3A_1932], %select_n3A_1930 {strides = array<i32>} : memref<40x384xf32, #tpu.memory_space<vmem>>, vector<8x384xf32>,
      %get3A_1934 = arith.constant 0 : index
      %get3A_1935 = arith.constant 0 : index
      %get3A_1936 = vector.load %arg15[%get3A_1934, %get3A_1935] : memref<40x384xf32, #tpu.memory_space<vmem>>, vector<40x384xf32>
      %reduce_max3A_1937 = arith.constant dense<0xFF800000> : vector<40xf32>
      %reduce_max3A_1938 = vector.multi_reduction <maximumf>, %get3A_1936, %reduce_max3A_1937 [1] : vector<40x384xf32> to vector<40xf32>
      %broadcast_in_dim3A_1939 = vector.shape_cast %reduce_max3A_1938 : vector<40xf32> to vector<40x1xf32>
      %slice3A_1940 = vector.extract_strided_slice %broadcast_in_dim3A_1939 {offsets = [0, 0], sizes = [8, 1], strides = [1, 1]} : vector<40x1xf32> to vector<8x1xf32>
      %slice3A_1941 = vector.extract_strided_slice %broadcast_in_dim3A_1939 {offsets = [8, 0], sizes = [8, 1], strides = [1, 1]} : vector<40x1xf32> to vector<8x1xf32>
      %slice3A_1942 = vector.extract_strided_slice %broadcast_in_dim3A_1939 {offsets = [16, 0], sizes = [8, 1], strides = [1, 1]} : vector<40x1xf32> to vector<8x1xf32>
      %slice3A_1943 = vector.extract_strided_slice %broadcast_in_dim3A_1939 {offsets = [24, 0], sizes = [8, 1], strides = [1, 1]} : vector<40x1xf32> to vector<8x1xf32>
      %slice3A_1944 = vector.extract_strided_slice %broadcast_in_dim3A_1939 {offsets = [32, 0], sizes = [8, 1], strides = [1, 1]} : vector<40x1xf32> to vector<8x1xf32>
      %jit3A_1945 = arith.constant 0.000000e+00 : f32
      %broadcast_in_dim3A_1946 = vector.broadcast %jit3A_1945 : f32 to vector<8x1xf32>
      %select_n3A_1947 = arith.select %gt3A_1902, %slice3A_1944, %broadcast_in_dim3A_1946 : vector<8x1xi1>, vector<8x1xf32>
      %convert_element_type3A_1948 = arith.fptosi %select_n3A_1947 : vector<8x1xf32> to vector<8x1xi32>
      %sub3A_1949 = arith.subf %slice3A_1942, %slice3A_1940 : vector<8x1xf32>
      %sub3A_1950 = arith.subf %slice3A_1943, %slice3A_1941 : vector<8x1xf32>
      %mul3A_1951 = arith.mulf %sub3A_1949, %sub3A_1950 : vector<8x1xf32>
      %min3A = vector.broadcast %slice3A_1942 : vector<8x1xf32> to vector<8x384xf32>
      %min3A_1952 = arith.minimumf %min3A, %get3A_18 : vector<8x384xf32>
      %max3A = vector.broadcast %slice3A_1940 : vector<8x1xf32> to vector<8x384xf32>
      %max3A_1953 = arith.maximumf %max3A, %get3A_12 : vector<8x384xf32>
      %sub3A_1954 = arith.subf %min3A_1952, %max3A_1953 : vector<8x384xf32>
      %max3A_1955 = arith.constant 0.000000e+00 : f32
      %max3A_1956 = vector.broadcast %max3A_1955 : f32 to vector<8x384xf32>
      %max3A_1957 = arith.maximumf %max3A_1956, %sub3A_1954 : vector<8x384xf32>
      %min3A_1958 = vector.broadcast %slice3A_1943 : vector<8x1xf32> to vector<8x384xf32>
      %min3A_1959 = arith.minimumf %min3A_1958, %get3A_21 : vector<8x384xf32>
      %max3A_1960 = vector.broadcast %slice3A_1941 : vector<8x1xf32> to vector<8x384xf32>
      %max3A_1961 = arith.maximumf %max3A_1960, %get3A_15 : vector<8x384xf32>
      %sub3A_1962 = arith.subf %min3A_1959, %max3A_1961 : vector<8x384xf32>
      %max3A_1963 = arith.constant 0.000000e+00 : f32
      %max3A_1964 = vector.broadcast %max3A_1963 : f32 to vector<8x384xf32>
      %max3A_1965 = arith.maximumf %max3A_1964, %sub3A_1962 : vector<8x384xf32>
      %mul3A_1966 = arith.mulf %max3A_1957, %max3A_1965 : vector<8x384xf32>
      %add3A_1967 = vector.broadcast %mul3A_1951 : vector<8x1xf32> to vector<8x384xf32>
      %add3A_1968 = arith.addf %add3A_1967, %mul3A : vector<8x384xf32>
      %sub3A_1969 = arith.subf %add3A_1968, %mul3A_1966 : vector<8x384xf32>
      %add3A_1970 = arith.constant 9.99999971E-10 : f32
      %add3A_1971 = vector.broadcast %add3A_1970 : f32 to vector<8x384xf32>
      %add3A_1972 = arith.addf %sub3A_1969, %add3A_1971 : vector<8x384xf32>
      %div3A = arith.divf %mul3A_1966, %add3A_1972 : vector<8x384xf32>
      %gt3A_1973 = arith.constant 5.000000e-01 : f32
      %gt3A_1974 = vector.broadcast %gt3A_1973 : f32 to vector<8x384xf32>
      %gt3A_1975 = arith.cmpf ogt, %div3A, %gt3A_1974 : vector<8x384xf32>
      %or3A_1976 = arith.ori %gt3A_1975, %eq3A_1899 : vector<8x384xi1>
      %and3A_1977 = vector.broadcast %gt3A_1902 : vector<8x1xi1> to vector<8x384xi1>
      %and3A_1978 = arith.andi %and3A_1977, %or3A_1976 : vector<8x384xi1>
      %jit3A_1979 = arith.constant -1.000000e+30 : f32
      %broadcast_in_dim3A_1980 = vector.broadcast %jit3A_1979 : f32 to vector<8x384xf32>
      %select_n3A_1981 = arith.select %and3A_1978, %broadcast_in_dim3A_1980, %get3A_1888 : vector<8x384xi1>, vector<8x384xf32>
      %swap3A_1982 = arith.constant 0 : index
      %swap3A_1983 = arith.constant 0 : index
      %swap3A_1984 = vector.load %arg13[%swap3A_1982, %swap3A_1983] : memref<8x384xf32, #tpu.memory_space<vmem>>, vector<8x384xf32>
      tpu.vector_store %arg13[%swap3A_1982, %swap3A_1983], %select_n3A_1981 {strides = array<i32>} : memref<8x384xf32, #tpu.memory_space<vmem>>, vector<8x384xf32>,
      %eq3A_1985 = vector.broadcast %scan3A_1882 : i32 to vector<8x128xi32>
      %eq3A_1986 = arith.cmpi eq, %iota3A_26, %eq3A_1985 : vector<8x128xi32>
      %jit3A_1987 = arith.constant 0 : i32
      %broadcast_in_dim3A_1988 = vector.broadcast %jit3A_1987 : i32 to vector<8x1xi32>
      %select_n3A_1989 = arith.select %gt3A_1902, %convert_element_type3A_1948, %broadcast_in_dim3A_1988 : vector<8x1xi1>, vector<8x1xi32>
      %broadcast_in_dim3A_1990 = vector.shape_cast %select_n3A_1989 : vector<8x1xi32> to vector<8x1xi32>
      %broadcast_in_dim3A_1991 = vector.broadcast %broadcast_in_dim3A_1990 : vector<8x1xi32> to vector<8x128xi32>
      %select_n3A_1992 = arith.select %eq3A_1986, %broadcast_in_dim3A_1991, %scan3A_1883 : vector<8x128xi1>, vector<8x128xi32>
      %convert_element_type3A_1993 = arith.extui %gt3A_1902 : vector<8x1xi1> to vector<8x1xi32>
      %broadcast_in_dim3A_1994 = vector.shape_cast %convert_element_type3A_1993 : vector<8x1xi32> to vector<8x1xi32>
      %broadcast_in_dim3A_1995 = vector.broadcast %broadcast_in_dim3A_1994 : vector<8x1xi32> to vector<8x128xi32>
      %select_n3A_1996 = arith.select %eq3A_1986, %broadcast_in_dim3A_1995, %scan3A_1884 : vector<8x128xi1>, vector<8x128xi32>
      %broadcast_in_dim3A_1997 = vector.shape_cast %broadcast_in_dim3A_1891 : vector<8x1xf32> to vector<8x1xf32>
      %broadcast_in_dim3A_1998 = vector.broadcast %broadcast_in_dim3A_1997 : vector<8x1xf32> to vector<8x128xf32>
      %select_n3A_1999 = arith.select %eq3A_1986, %broadcast_in_dim3A_1998, %scan3A_1885 : vector<8x128xi1>, vector<8x128xf32>
      scf.yield %select_n3A_1992, %select_n3A_1996, %select_n3A_1999 : vector<8x128xi32>, vector<8x128xi32>, vector<8x128xf32>
    }
    %scan3A_38 = arith.constant 100 : i32
    %reduce_sum3A_39 = arith.constant dense<0> : vector<8xi32>
    %reduce_sum3A_40 = vector.multi_reduction <add>, %scan3A_37#1, %reduce_sum3A_39 [1] : vector<8x128xi32> to vector<8xi32>
    %broadcast_in_dim3A_41 = vector.shape_cast %reduce_sum3A_40 : vector<8xi32> to vector<8x1xi32>
    %lt3A = arith.constant 100 : i32
    %lt3A_42 = vector.broadcast %lt3A : i32 to vector<8x1xi32>
    %lt3A_43 = arith.cmpi slt, %broadcast_in_dim3A_41, %lt3A_42 : vector<8x1xi32>
    %get3A_44 = arith.constant 0 : index
    %get3A_45 = arith.constant 0 : index
    %get3A_46 = vector.load %arg6[%get3A_44, %get3A_45] : memref<8x128xi32, #tpu.memory_space<vmem>>, vector<8x1xi32>
    %gt3A_47 = arith.cmpi sgt, %get3A_46, %broadcast_in_dim3A : vector<8x1xi32>
    %and3A = arith.andi %lt3A_43, %gt3A_47 : vector<8x1xi1>
    %convert_element_type3A_48 = arith.extui %and3A : vector<8x1xi1> to vector<8x1xi32>
    %reduce_max3A = vector.shape_cast %convert_element_type3A_48 : vector<8x1xi32> to vector<1x8x1xi32>
    %reduce_max3A_49 = arith.constant dense<-2147483648> : vector<1xi32>
    %reduce_max3A_50 = vector.multi_reduction <maxsi>, %reduce_max3A, %reduce_max3A_49 [1, 2] : vector<1x8x1xi32> to vector<1xi32>
    %reduce_max3A_51 = vector.shape_cast %reduce_max3A_50 : vector<1xi32> to vector<1x1x1xi32>
    %reduce_max3A_52 = vector.extract %reduce_max3A_51[0, 0, 0] : i32 from vector<1x1x1xi32>
    %gt3A_53 = arith.constant 0 : i32
    %gt3A_54 = arith.cmpi sgt, %reduce_max3A_52, %gt3A_53 : i32
    %convert_element_type3A_55 = arith.extui %gt3A_54 : i1 to i32
    %cond3A = arith.constant 0 : i32
    %cond3A_56 = arith.cmpi ne, %convert_element_type3A_55, %cond3A : i32
    %cond3A_57:3 = scf.if %cond3A_56 -> (vector<8x128xi32>, vector<8x128xi32>, vector<8x128xf32>) {
      %get3A_1882 = arith.constant 0 : index
      %get3A_1883 = arith.constant 0 : index
      %get3A_1884 = vector.load %arg7[%get3A_1882, %get3A_1883] : memref<8x20096xf32, #tpu.memory_space<vmem>>, vector<8x20096xf32>
      %gt3A_1885 = arith.constant 0.00999999977 : f32
      %gt3A_1886 = vector.broadcast %gt3A_1885 : f32 to vector<8x20096xf32>
      %gt3A_1887 = arith.cmpf ogt, %get3A_1884, %gt3A_1886 : vector<8x20096xf32>
      %jit3A_1888 = arith.constant -1.000000e+30 : f32
      %broadcast_in_dim3A_1889 = vector.broadcast %jit3A_1888 : f32 to vector<8x20096xf32>
      %select_n3A_1890 = arith.select %gt3A_1887, %get3A_1884, %broadcast_in_dim3A_1889 : vector<8x20096xi1>, vector<8x20096xf32>
      %swap3A_1891 = arith.constant 0 : index
      %swap3A_1892 = arith.constant 0 : index
      %swap3A_1893 = vector.load %arg14[%swap3A_1891, %swap3A_1892] : memref<8x20096xf32, #tpu.memory_space<vmem>>, vector<8x20096xf32>
      tpu.vector_store %arg14[%swap3A_1891, %swap3A_1892], %select_n3A_1890 {strides = array<i32>} : memref<8x20096xf32, #tpu.memory_space<vmem>>, vector<8x20096xf32>,
      %iota3A_1894 = tpu.iota {dimensions = array<i32: 1>} : vector<8x20096xi32>
      %get3A_1895 = arith.constant 0 : index
      %get3A_1896 = arith.constant 0 : index
      %get3A_1897 = vector.load %arg8[%get3A_1895, %get3A_1896] : memref<8x20096xf32, #tpu.memory_space<vmem>>, vector<1x20096xf32>
      %get3A_1898 = arith.constant 1 : index
      %get3A_1899 = arith.constant 0 : index
      %get3A_1900 = vector.load %arg8[%get3A_1898, %get3A_1899] : memref<8x20096xf32, #tpu.memory_space<vmem>>, vector<1x20096xf32>
      %get3A_1901 = arith.constant 2 : index
      %get3A_1902 = arith.constant 0 : index
      %get3A_1903 = vector.load %arg8[%get3A_1901, %get3A_1902] : memref<8x20096xf32, #tpu.memory_space<vmem>>, vector<1x20096xf32>
      %get3A_1904 = arith.constant 3 : index
      %get3A_1905 = arith.constant 0 : index
      %get3A_1906 = vector.load %arg8[%get3A_1904, %get3A_1905] : memref<8x20096xf32, #tpu.memory_space<vmem>>, vector<1x20096xf32>
      %sub3A_1907 = arith.subf %get3A_1903, %get3A_1897 : vector<1x20096xf32>
      %sub3A_1908 = arith.subf %get3A_1906, %get3A_1900 : vector<1x20096xf32>
      %mul3A_1909 = arith.mulf %sub3A_1907, %sub3A_1908 : vector<1x20096xf32>
      %iota3A_1910 = tpu.iota {dimensions = array<i32: 1>} : vector<8x20096xi32>
      %iota3A_1911 = tpu.iota {dimensions = array<i32: 1>} : vector<8x128xi32>
      %broadcast_in_dim3A_1912 = arith.constant 0 : i32
      %broadcast_in_dim3A_1913 = vector.broadcast %broadcast_in_dim3A_1912 : i32 to vector<8x128xi32>
      %broadcast_in_dim3A_1914 = arith.constant 0 : i32
      %broadcast_in_dim3A_1915 = vector.broadcast %broadcast_in_dim3A_1914 : i32 to vector<8x128xi32>
      %broadcast_in_dim3A_1916 = arith.constant -1.000000e+30 : f32
      %broadcast_in_dim3A_1917 = vector.broadcast %broadcast_in_dim3A_1916 : f32 to vector<8x128xf32>
      %scan3A_1918 = arith.constant 1073741824 : i32
      %scan3A_1919 = arith.constant 0 : i32
      %scan3A_1920 = arith.constant 100 : i32
      %scan3A_1921 = arith.addi %scan3A_1919, %scan3A_1920 : i32
      %scan3A_1922 = arith.constant 1 : i32
      %scan3A_1923:3 = scf.for %scan3A_1925 = %scan3A_1919 to %scan3A_1921 step %scan3A_1922 iter_args(%scan3A_1926 = %broadcast_in_dim3A_1913, %scan3A_1927 = %broadcast_in_dim3A_1915, %scan3A_1928 = %broadcast_in_dim3A_1917) -> (vector<8x128xi32>, vector<8x128xi32>, vector<8x128xf32>)  : i32 {
        %get3A_1929 = arith.constant 0 : index
        %get3A_1930 = arith.constant 0 : index
        %get3A_1931 = vector.load %arg14[%get3A_1929, %get3A_1930] : memref<8x20096xf32, #tpu.memory_space<vmem>>, vector<8x20096xf32>
        %reduce_max3A_1932 = arith.constant dense<0xFF800000> : vector<8xf32>
        %reduce_max3A_1933 = vector.multi_reduction <maximumf>, %get3A_1931, %reduce_max3A_1932 [1] : vector<8x20096xf32> to vector<8xf32>
        %broadcast_in_dim3A_1934 = vector.shape_cast %reduce_max3A_1933 : vector<8xf32> to vector<8x1xf32>
        %eq3A_1935 = vector.broadcast %broadcast_in_dim3A_1934 : vector<8x1xf32> to vector<8x20096xf32>
        %eq3A_1936 = arith.cmpf oeq, %get3A_1931, %eq3A_1935 : vector<8x20096xf32>
        %broadcast_in_dim3A_1937 = vector.broadcast %scan3A_1918 : i32 to vector<8x20096xi32>
        %select_n3A_1938 = arith.select %eq3A_1936, %iota3A_1910, %broadcast_in_dim3A_1937 : vector<8x20096xi1>, vector<8x20096xi32>
        %reduce_min3A = arith.constant dense<2147483647> : vector<8xi32>
        %reduce_min3A_1939 = vector.multi_reduction <minsi>, %select_n3A_1938, %reduce_min3A [1] : vector<8x20096xi32> to vector<8xi32>
        %broadcast_in_dim3A_1940 = vector.shape_cast %reduce_min3A_1939 : vector<8xi32> to vector<8x1xi32>
        %eq3A_1941 = vector.broadcast %broadcast_in_dim3A_1940 : vector<8x1xi32> to vector<8x20096xi32>
        %eq3A_1942 = arith.cmpi eq, %iota3A_1910, %eq3A_1941 : vector<8x20096xi32>
        %gt3A_1943 = arith.constant -1.000000e+20 : f32
        %gt3A_1944 = vector.broadcast %gt3A_1943 : f32 to vector<8x1xf32>
        %gt3A_1945 = arith.cmpf ogt, %broadcast_in_dim3A_1934, %gt3A_1944 : vector<8x1xf32>
        %jit3A_1946 = arith.constant -1.000000e+30 : f32
        %broadcast_in_dim3A_1947 = vector.shape_cast %get3A_1897 : vector<1x20096xf32> to vector<1x20096xf32>
        %broadcast_in_dim3A_1948 = vector.broadcast %broadcast_in_dim3A_1947 : vector<1x20096xf32> to vector<8x20096xf32>
        %broadcast_in_dim3A_1949 = vector.broadcast %jit3A_1946 : f32 to vector<8x20096xf32>
        %select_n3A_1950 = arith.select %eq3A_1942, %broadcast_in_dim3A_1948, %broadcast_in_dim3A_1949 : vector<8x20096xi1>, vector<8x20096xf32>
        %swap3A_1951 = arith.constant 0 : index
        %swap3A_1952 = arith.constant 0 : index
        %swap3A_1953 = vector.load %arg16[%swap3A_1951, %swap3A_1952] : memref<40x20096xf32, #tpu.memory_space<vmem>>, vector<8x20096xf32>
        tpu.vector_store %arg16[%swap3A_1951, %swap3A_1952], %select_n3A_1950 {strides = array<i32>} : memref<40x20096xf32, #tpu.memory_space<vmem>>, vector<8x20096xf32>,
        %jit3A_1954 = arith.constant -1.000000e+30 : f32
        %broadcast_in_dim3A_1955 = vector.shape_cast %get3A_1900 : vector<1x20096xf32> to vector<1x20096xf32>
        %broadcast_in_dim3A_1956 = vector.broadcast %broadcast_in_dim3A_1955 : vector<1x20096xf32> to vector<8x20096xf32>
        %broadcast_in_dim3A_1957 = vector.broadcast %jit3A_1954 : f32 to vector<8x20096xf32>
        %select_n3A_1958 = arith.select %eq3A_1942, %broadcast_in_dim3A_1956, %broadcast_in_dim3A_1957 : vector<8x20096xi1>, vector<8x20096xf32>
        %swap3A_1959 = arith.constant 8 : index
        %swap3A_1960 = arith.constant 0 : index
        %swap3A_1961 = vector.load %arg16[%swap3A_1959, %swap3A_1960] : memref<40x20096xf32, #tpu.memory_space<vmem>>, vector<8x20096xf32>
        tpu.vector_store %arg16[%swap3A_1959, %swap3A_1960], %select_n3A_1958 {strides = array<i32>} : memref<40x20096xf32, #tpu.memory_space<vmem>>, vector<8x20096xf32>,
        %jit3A_1962 = arith.constant -1.000000e+30 : f32
        %broadcast_in_dim3A_1963 = vector.shape_cast %get3A_1903 : vector<1x20096xf32> to vector<1x20096xf32>
        %broadcast_in_dim3A_1964 = vector.broadcast %broadcast_in_dim3A_1963 : vector<1x20096xf32> to vector<8x20096xf32>
        %broadcast_in_dim3A_1965 = vector.broadcast %jit3A_1962 : f32 to vector<8x20096xf32>
        %select_n3A_1966 = arith.select %eq3A_1942, %broadcast_in_dim3A_1964, %broadcast_in_dim3A_1965 : vector<8x20096xi1>, vector<8x20096xf32>
        %swap3A_1967 = arith.constant 16 : index
        %swap3A_1968 = arith.constant 0 : index
        %swap3A_1969 = vector.load %arg16[%swap3A_1967, %swap3A_1968] : memref<40x20096xf32, #tpu.memory_space<vmem>>, vector<8x20096xf32>
        tpu.vector_store %arg16[%swap3A_1967, %swap3A_1968], %select_n3A_1966 {strides = array<i32>} : memref<40x20096xf32, #tpu.memory_space<vmem>>, vector<8x20096xf32>,
        %jit3A_1970 = arith.constant -1.000000e+30 : f32
        %broadcast_in_dim3A_1971 = vector.shape_cast %get3A_1906 : vector<1x20096xf32> to vector<1x20096xf32>
        %broadcast_in_dim3A_1972 = vector.broadcast %broadcast_in_dim3A_1971 : vector<1x20096xf32> to vector<8x20096xf32>
        %broadcast_in_dim3A_1973 = vector.broadcast %jit3A_1970 : f32 to vector<8x20096xf32>
        %select_n3A_1974 = arith.select %eq3A_1942, %broadcast_in_dim3A_1972, %broadcast_in_dim3A_1973 : vector<8x20096xi1>, vector<8x20096xf32>
        %swap3A_1975 = arith.constant 24 : index
        %swap3A_1976 = arith.constant 0 : index
        %swap3A_1977 = vector.load %arg16[%swap3A_1975, %swap3A_1976] : memref<40x20096xf32, #tpu.memory_space<vmem>>, vector<8x20096xf32>
        tpu.vector_store %arg16[%swap3A_1975, %swap3A_1976], %select_n3A_1974 {strides = array<i32>} : memref<40x20096xf32, #tpu.memory_space<vmem>>, vector<8x20096xf32>,
        %convert_element_type3A_1978 = arith.sitofp %iota3A_1894 : vector<8x20096xi32> to vector<8x20096xf32>
        %jit3A_1979 = arith.constant -1.000000e+30 : f32
        %broadcast_in_dim3A_1980 = vector.broadcast %jit3A_1979 : f32 to vector<8x20096xf32>
        %select_n3A_1981 = arith.select %eq3A_1942, %convert_element_type3A_1978, %broadcast_in_dim3A_1980 : vector<8x20096xi1>, vector<8x20096xf32>
        %swap3A_1982 = arith.constant 32 : index
        %swap3A_1983 = arith.constant 0 : index
        %swap3A_1984 = vector.load %arg16[%swap3A_1982, %swap3A_1983] : memref<40x20096xf32, #tpu.memory_space<vmem>>, vector<8x20096xf32>
        tpu.vector_store %arg16[%swap3A_1982, %swap3A_1983], %select_n3A_1981 {strides = array<i32>} : memref<40x20096xf32, #tpu.memory_space<vmem>>, vector<8x20096xf32>,
        %get3A_1985 = arith.constant 0 : index
        %get3A_1986 = arith.constant 0 : index
        %get3A_1987 = vector.load %arg16[%get3A_1985, %get3A_1986] : memref<40x20096xf32, #tpu.memory_space<vmem>>, vector<40x20096xf32>
        %reduce_max3A_1988 = arith.constant dense<0xFF800000> : vector<40xf32>
        %reduce_max3A_1989 = vector.multi_reduction <maximumf>, %get3A_1987, %reduce_max3A_1988 [1] : vector<40x20096xf32> to vector<40xf32>
        %broadcast_in_dim3A_1990 = vector.shape_cast %reduce_max3A_1989 : vector<40xf32> to vector<40x1xf32>
        %slice3A_1991 = vector.extract_strided_slice %broadcast_in_dim3A_1990 {offsets = [0, 0], sizes = [8, 1], strides = [1, 1]} : vector<40x1xf32> to vector<8x1xf32>
        %slice3A_1992 = vector.extract_strided_slice %broadcast_in_dim3A_1990 {offsets = [8, 0], sizes = [8, 1], strides = [1, 1]} : vector<40x1xf32> to vector<8x1xf32>
        %slice3A_1993 = vector.extract_strided_slice %broadcast_in_dim3A_1990 {offsets = [16, 0], sizes = [8, 1], strides = [1, 1]} : vector<40x1xf32> to vector<8x1xf32>
        %slice3A_1994 = vector.extract_strided_slice %broadcast_in_dim3A_1990 {offsets = [24, 0], sizes = [8, 1], strides = [1, 1]} : vector<40x1xf32> to vector<8x1xf32>
        %slice3A_1995 = vector.extract_strided_slice %broadcast_in_dim3A_1990 {offsets = [32, 0], sizes = [8, 1], strides = [1, 1]} : vector<40x1xf32> to vector<8x1xf32>
        %jit3A_1996 = arith.constant 0.000000e+00 : f32
        %broadcast_in_dim3A_1997 = vector.broadcast %jit3A_1996 : f32 to vector<8x1xf32>
        %select_n3A_1998 = arith.select %gt3A_1945, %slice3A_1995, %broadcast_in_dim3A_1997 : vector<8x1xi1>, vector<8x1xf32>
        %convert_element_type3A_1999 = arith.fptosi %select_n3A_1998 : vector<8x1xf32> to vector<8x1xi32>
        %sub3A_2000 = arith.subf %slice3A_1993, %slice3A_1991 : vector<8x1xf32>
        %sub3A_2001 = arith.subf %slice3A_1994, %slice3A_1992 : vector<8x1xf32>
        %mul3A_2002 = arith.mulf %sub3A_2000, %sub3A_2001 : vector<8x1xf32>
        %min3A = vector.broadcast %slice3A_1993 : vector<8x1xf32> to vector<8x20096xf32>
        %min3A_2003 = vector.broadcast %get3A_1903 : vector<1x20096xf32> to vector<8x20096xf32>
        %min3A_2004 = arith.minimumf %min3A, %min3A_2003 : vector<8x20096xf32>
        %max3A = vector.broadcast %slice3A_1991 : vector<8x1xf32> to vector<8x20096xf32>
        %max3A_2005 = vector.broadcast %get3A_1897 : vector<1x20096xf32> to vector<8x20096xf32>
        %max3A_2006 = arith.maximumf %max3A, %max3A_2005 : vector<8x20096xf32>
        %sub3A_2007 = arith.subf %min3A_2004, %max3A_2006 : vector<8x20096xf32>
        %max3A_2008 = arith.constant 0.000000e+00 : f32
        %max3A_2009 = vector.broadcast %max3A_2008 : f32 to vector<8x20096xf32>
        %max3A_2010 = arith.maximumf %max3A_2009, %sub3A_2007 : vector<8x20096xf32>
        %min3A_2011 = vector.broadcast %slice3A_1994 : vector<8x1xf32> to vector<8x20096xf32>
        %min3A_2012 = vector.broadcast %get3A_1906 : vector<1x20096xf32> to vector<8x20096xf32>
        %min3A_2013 = arith.minimumf %min3A_2011, %min3A_2012 : vector<8x20096xf32>
        %max3A_2014 = vector.broadcast %slice3A_1992 : vector<8x1xf32> to vector<8x20096xf32>
        %max3A_2015 = vector.broadcast %get3A_1900 : vector<1x20096xf32> to vector<8x20096xf32>
        %max3A_2016 = arith.maximumf %max3A_2014, %max3A_2015 : vector<8x20096xf32>
        %sub3A_2017 = arith.subf %min3A_2013, %max3A_2016 : vector<8x20096xf32>
        %max3A_2018 = arith.constant 0.000000e+00 : f32
        %max3A_2019 = vector.broadcast %max3A_2018 : f32 to vector<8x20096xf32>
        %max3A_2020 = arith.maximumf %max3A_2019, %sub3A_2017 : vector<8x20096xf32>
        %mul3A_2021 = arith.mulf %max3A_2010, %max3A_2020 : vector<8x20096xf32>
        %add3A_2022 = vector.broadcast %mul3A_2002 : vector<8x1xf32> to vector<8x20096xf32>
        %add3A_2023 = vector.broadcast %mul3A_1909 : vector<1x20096xf32> to vector<8x20096xf32>
        %add3A_2024 = arith.addf %add3A_2022, %add3A_2023 : vector<8x20096xf32>
        %sub3A_2025 = arith.subf %add3A_2024, %mul3A_2021 : vector<8x20096xf32>
        %add3A_2026 = arith.constant 9.99999971E-10 : f32
        %add3A_2027 = vector.broadcast %add3A_2026 : f32 to vector<8x20096xf32>
        %add3A_2028 = arith.addf %sub3A_2025, %add3A_2027 : vector<8x20096xf32>
        %div3A = arith.divf %mul3A_2021, %add3A_2028 : vector<8x20096xf32>
        %gt3A_2029 = arith.constant 5.000000e-01 : f32
        %gt3A_2030 = vector.broadcast %gt3A_2029 : f32 to vector<8x20096xf32>
        %gt3A_2031 = arith.cmpf ogt, %div3A, %gt3A_2030 : vector<8x20096xf32>
        %or3A_2032 = arith.ori %gt3A_2031, %eq3A_1942 : vector<8x20096xi1>
        %and3A_2033 = vector.broadcast %gt3A_1945 : vector<8x1xi1> to vector<8x20096xi1>
        %and3A_2034 = arith.andi %and3A_2033, %or3A_2032 : vector<8x20096xi1>
        %jit3A_2035 = arith.constant -1.000000e+30 : f32
        %broadcast_in_dim3A_2036 = vector.broadcast %jit3A_2035 : f32 to vector<8x20096xf32>
        %select_n3A_2037 = arith.select %and3A_2034, %broadcast_in_dim3A_2036, %get3A_1931 : vector<8x20096xi1>, vector<8x20096xf32>
        %swap3A_2038 = arith.constant 0 : index
        %swap3A_2039 = arith.constant 0 : index
        %swap3A_2040 = vector.load %arg14[%swap3A_2038, %swap3A_2039] : memref<8x20096xf32, #tpu.memory_space<vmem>>, vector<8x20096xf32>
        tpu.vector_store %arg14[%swap3A_2038, %swap3A_2039], %select_n3A_2037 {strides = array<i32>} : memref<8x20096xf32, #tpu.memory_space<vmem>>, vector<8x20096xf32>,
        %eq3A_2041 = vector.broadcast %scan3A_1925 : i32 to vector<8x128xi32>
        %eq3A_2042 = arith.cmpi eq, %iota3A_1911, %eq3A_2041 : vector<8x128xi32>
        %jit3A_2043 = arith.constant 0 : i32
        %broadcast_in_dim3A_2044 = vector.broadcast %jit3A_2043 : i32 to vector<8x1xi32>
        %select_n3A_2045 = arith.select %gt3A_1945, %convert_element_type3A_1999, %broadcast_in_dim3A_2044 : vector<8x1xi1>, vector<8x1xi32>
        %broadcast_in_dim3A_2046 = vector.shape_cast %select_n3A_2045 : vector<8x1xi32> to vector<8x1xi32>
        %broadcast_in_dim3A_2047 = vector.broadcast %broadcast_in_dim3A_2046 : vector<8x1xi32> to vector<8x128xi32>
        %select_n3A_2048 = arith.select %eq3A_2042, %broadcast_in_dim3A_2047, %scan3A_1926 : vector<8x128xi1>, vector<8x128xi32>
        %convert_element_type3A_2049 = arith.extui %gt3A_1945 : vector<8x1xi1> to vector<8x1xi32>
        %broadcast_in_dim3A_2050 = vector.shape_cast %convert_element_type3A_2049 : vector<8x1xi32> to vector<8x1xi32>
        %broadcast_in_dim3A_2051 = vector.broadcast %broadcast_in_dim3A_2050 : vector<8x1xi32> to vector<8x128xi32>
        %select_n3A_2052 = arith.select %eq3A_2042, %broadcast_in_dim3A_2051, %scan3A_1927 : vector<8x128xi1>, vector<8x128xi32>
        %broadcast_in_dim3A_2053 = vector.shape_cast %broadcast_in_dim3A_1934 : vector<8x1xf32> to vector<8x1xf32>
        %broadcast_in_dim3A_2054 = vector.broadcast %broadcast_in_dim3A_2053 : vector<8x1xf32> to vector<8x128xf32>
        %select_n3A_2055 = arith.select %eq3A_2042, %broadcast_in_dim3A_2054, %scan3A_1928 : vector<8x128xi1>, vector<8x128xf32>
        scf.yield %select_n3A_2048, %select_n3A_2052, %select_n3A_2055 : vector<8x128xi32>, vector<8x128xi32>, vector<8x128xf32>
      }
      %scan3A_1924 = arith.constant 100 : i32
      scf.yield %scan3A_1923#0, %scan3A_1923#1, %scan3A_1923#2 : vector<8x128xi32>, vector<8x128xi32>, vector<8x128xf32>
    } else {
      scf.yield %scan3A_37#0, %scan3A_37#1, %scan3A_37#2 : vector<8x128xi32>, vector<8x128xi32>, vector<8x128xf32>
    }
    %iota3A_58 = tpu.iota {dimensions = array<i32: 0>} : vector<128x128xi32>
    %iota3A_59 = tpu.iota {dimensions = array<i32: 1>} : vector<128x128xi32>
    %eq3A = arith.cmpi eq, %iota3A_58, %iota3A_59 : vector<128x128xi32>
    %iota3A_60 = tpu.iota {dimensions = array<i32: 1>} : vector<1x128xi32>
    %iota3A_61 = tpu.iota {dimensions = array<i32: 0>} : vector<128x1xi32>
    %bitcast_convert_type3A = tpu.bitcast %cond3A_57#2 : vector<8x128xf32> -> vector<8x128xi32>
    %broadcast_in_dim3A_62 = arith.constant 0.000000e+00 : f32
    %broadcast_in_dim3A_63 = vector.broadcast %broadcast_in_dim3A_62 : f32 to vector<10x128xf32>
    %slice3A = vector.extract_strided_slice %cond3A_57#2 {offsets = [0, 0], sizes = [1, 128], strides = [1, 1]} : vector<8x128xf32> to vector<1x128xf32>
    %broadcast_in_dim3A_64 = vector.shape_cast %slice3A : vector<1x128xf32> to vector<1x128xf32>
    %broadcast_in_dim3A_65 = vector.broadcast %broadcast_in_dim3A_64 : vector<1x128xf32> to vector<128x128xf32>
    %jit3A = arith.constant -1.000000e+30 : f32
    %broadcast_in_dim3A_66 = vector.broadcast %jit3A : f32 to vector<128x128xf32>
    %select_n3A = arith.select %eq3A, %broadcast_in_dim3A_65, %broadcast_in_dim3A_66 : vector<128x128xi1>, vector<128x128xf32>
    %reduce_max3A_67 = arith.constant dense<0xFF800000> : vector<128xf32>
    %reduce_max3A_68 = vector.multi_reduction <maximumf>, %select_n3A, %reduce_max3A_67 [1] : vector<128x128xf32> to vector<128xf32>
    %broadcast_in_dim3A_69 = vector.shape_cast %reduce_max3A_68 : vector<128xf32> to vector<128x1xf32>
    %add3A = arith.constant 0 : i32
    %add3A_70 = vector.broadcast %add3A : i32 to vector<128x1xi32>
    %add3A_71 = arith.addi %add3A_70, %iota3A_61 : vector<128x1xi32>
    %broadcast_in_dim3A_72 = arith.constant 0 : i32
    %broadcast_in_dim3A_73 = vector.broadcast %broadcast_in_dim3A_72 : i32 to vector<128x128xi32>
    %slice3A_74 = vector.extract_strided_slice %cond3A_57#2 {offsets = [0, 0], sizes = [1, 128], strides = [1, 1]} : vector<8x128xf32> to vector<1x128xf32>
    %add3A_75 = arith.constant 0 : i32
    %add3A_76 = vector.broadcast %add3A_75 : i32 to vector<1x128xi32>
    %add3A_77 = arith.addi %add3A_76, %iota3A_60 : vector<1x128xi32>
    %gt3A_78 = vector.broadcast %slice3A_74 : vector<1x128xf32> to vector<128x128xf32>
    %gt3A_79 = vector.broadcast %broadcast_in_dim3A_69 : vector<128x1xf32> to vector<128x128xf32>
    %gt3A_80 = arith.cmpf ogt, %gt3A_78, %gt3A_79 : vector<128x128xf32>
    %eq3A_81 = vector.broadcast %slice3A_74 : vector<1x128xf32> to vector<128x128xf32>
    %eq3A_82 = vector.broadcast %broadcast_in_dim3A_69 : vector<128x1xf32> to vector<128x128xf32>
    %eq3A_83 = arith.cmpf oeq, %eq3A_81, %eq3A_82 : vector<128x128xf32>
    %lt3A_84 = vector.broadcast %add3A_77 : vector<1x128xi32> to vector<128x128xi32>
    %lt3A_85 = vector.broadcast %add3A_71 : vector<128x1xi32> to vector<128x128xi32>
    %lt3A_86 = arith.cmpi slt, %lt3A_84, %lt3A_85 : vector<128x128xi32>
    %and3A_87 = arith.andi %eq3A_83, %lt3A_86 : vector<128x128xi1>
    %or3A = arith.ori %gt3A_80, %and3A_87 : vector<128x128xi1>
    %convert_element_type3A_88 = arith.extui %or3A : vector<128x128xi1> to vector<128x128xi32>
    %add3A_89 = arith.addi %broadcast_in_dim3A_73, %convert_element_type3A_88 : vector<128x128xi32>
    %slice3A_90 = vector.extract_strided_slice %cond3A_57#2 {offsets = [1, 0], sizes = [1, 128], strides = [1, 1]} : vector<8x128xf32> to vector<1x128xf32>
    %add3A_91 = arith.constant 128 : i32
    %add3A_92 = vector.broadcast %add3A_91 : i32 to vector<1x128xi32>
    %add3A_93 = arith.addi %add3A_92, %iota3A_60 : vector<1x128xi32>
    %gt3A_94 = vector.broadcast %slice3A_90 : vector<1x128xf32> to vector<128x128xf32>
    %gt3A_95 = vector.broadcast %broadcast_in_dim3A_69 : vector<128x1xf32> to vector<128x128xf32>
    %gt3A_96 = arith.cmpf ogt, %gt3A_94, %gt3A_95 : vector<128x128xf32>
    %eq3A_97 = vector.broadcast %slice3A_90 : vector<1x128xf32> to vector<128x128xf32>
    %eq3A_98 = vector.broadcast %broadcast_in_dim3A_69 : vector<128x1xf32> to vector<128x128xf32>
    %eq3A_99 = arith.cmpf oeq, %eq3A_97, %eq3A_98 : vector<128x128xf32>
    %lt3A_100 = vector.broadcast %add3A_93 : vector<1x128xi32> to vector<128x128xi32>
    %lt3A_101 = vector.broadcast %add3A_71 : vector<128x1xi32> to vector<128x128xi32>
    %lt3A_102 = arith.cmpi slt, %lt3A_100, %lt3A_101 : vector<128x128xi32>
    %and3A_103 = arith.andi %eq3A_99, %lt3A_102 : vector<128x128xi1>
    %or3A_104 = arith.ori %gt3A_96, %and3A_103 : vector<128x128xi1>
    %convert_element_type3A_105 = arith.extui %or3A_104 : vector<128x128xi1> to vector<128x128xi32>
    %add3A_106 = arith.addi %add3A_89, %convert_element_type3A_105 : vector<128x128xi32>
    %slice3A_107 = vector.extract_strided_slice %cond3A_57#2 {offsets = [2, 0], sizes = [1, 128], strides = [1, 1]} : vector<8x128xf32> to vector<1x128xf32>
    %add3A_108 = arith.constant 256 : i32
    %add3A_109 = vector.broadcast %add3A_108 : i32 to vector<1x128xi32>
    %add3A_110 = arith.addi %add3A_109, %iota3A_60 : vector<1x128xi32>
    %gt3A_111 = vector.broadcast %slice3A_107 : vector<1x128xf32> to vector<128x128xf32>
    %gt3A_112 = vector.broadcast %broadcast_in_dim3A_69 : vector<128x1xf32> to vector<128x128xf32>
    %gt3A_113 = arith.cmpf ogt, %gt3A_111, %gt3A_112 : vector<128x128xf32>
    %eq3A_114 = vector.broadcast %slice3A_107 : vector<1x128xf32> to vector<128x128xf32>
    %eq3A_115 = vector.broadcast %broadcast_in_dim3A_69 : vector<128x1xf32> to vector<128x128xf32>
    %eq3A_116 = arith.cmpf oeq, %eq3A_114, %eq3A_115 : vector<128x128xf32>
    %lt3A_117 = vector.broadcast %add3A_110 : vector<1x128xi32> to vector<128x128xi32>
    %lt3A_118 = vector.broadcast %add3A_71 : vector<128x1xi32> to vector<128x128xi32>
    %lt3A_119 = arith.cmpi slt, %lt3A_117, %lt3A_118 : vector<128x128xi32>
    %and3A_120 = arith.andi %eq3A_116, %lt3A_119 : vector<128x128xi1>
    %or3A_121 = arith.ori %gt3A_113, %and3A_120 : vector<128x128xi1>
    %convert_element_type3A_122 = arith.extui %or3A_121 : vector<128x128xi1> to vector<128x128xi32>
    %add3A_123 = arith.addi %add3A_106, %convert_element_type3A_122 : vector<128x128xi32>
    %slice3A_124 = vector.extract_strided_slice %cond3A_57#2 {offsets = [3, 0], sizes = [1, 128], strides = [1, 1]} : vector<8x128xf32> to vector<1x128xf32>
    %add3A_125 = arith.constant 384 : i32
    %add3A_126 = vector.broadcast %add3A_125 : i32 to vector<1x128xi32>
    %add3A_127 = arith.addi %add3A_126, %iota3A_60 : vector<1x128xi32>
    %gt3A_128 = vector.broadcast %slice3A_124 : vector<1x128xf32> to vector<128x128xf32>
    %gt3A_129 = vector.broadcast %broadcast_in_dim3A_69 : vector<128x1xf32> to vector<128x128xf32>
    %gt3A_130 = arith.cmpf ogt, %gt3A_128, %gt3A_129 : vector<128x128xf32>
    %eq3A_131 = vector.broadcast %slice3A_124 : vector<1x128xf32> to vector<128x128xf32>
    %eq3A_132 = vector.broadcast %broadcast_in_dim3A_69 : vector<128x1xf32> to vector<128x128xf32>
    %eq3A_133 = arith.cmpf oeq, %eq3A_131, %eq3A_132 : vector<128x128xf32>
    %lt3A_134 = vector.broadcast %add3A_127 : vector<1x128xi32> to vector<128x128xi32>
    %lt3A_135 = vector.broadcast %add3A_71 : vector<128x1xi32> to vector<128x128xi32>
    %lt3A_136 = arith.cmpi slt, %lt3A_134, %lt3A_135 : vector<128x128xi32>
    %and3A_137 = arith.andi %eq3A_133, %lt3A_136 : vector<128x128xi1>
    %or3A_138 = arith.ori %gt3A_130, %and3A_137 : vector<128x128xi1>
    %convert_element_type3A_139 = arith.extui %or3A_138 : vector<128x128xi1> to vector<128x128xi32>
    %add3A_140 = arith.addi %add3A_123, %convert_element_type3A_139 : vector<128x128xi32>
    %slice3A_141 = vector.extract_strided_slice %cond3A_57#2 {offsets = [4, 0], sizes = [1, 128], strides = [1, 1]} : vector<8x128xf32> to vector<1x128xf32>
    %add3A_142 = arith.constant 512 : i32
    %add3A_143 = vector.broadcast %add3A_142 : i32 to vector<1x128xi32>
    %add3A_144 = arith.addi %add3A_143, %iota3A_60 : vector<1x128xi32>
    %gt3A_145 = vector.broadcast %slice3A_141 : vector<1x128xf32> to vector<128x128xf32>
    %gt3A_146 = vector.broadcast %broadcast_in_dim3A_69 : vector<128x1xf32> to vector<128x128xf32>
    %gt3A_147 = arith.cmpf ogt, %gt3A_145, %gt3A_146 : vector<128x128xf32>
    %eq3A_148 = vector.broadcast %slice3A_141 : vector<1x128xf32> to vector<128x128xf32>
    %eq3A_149 = vector.broadcast %broadcast_in_dim3A_69 : vector<128x1xf32> to vector<128x128xf32>
    %eq3A_150 = arith.cmpf oeq, %eq3A_148, %eq3A_149 : vector<128x128xf32>
    %lt3A_151 = vector.broadcast %add3A_144 : vector<1x128xi32> to vector<128x128xi32>
    %lt3A_152 = vector.broadcast %add3A_71 : vector<128x1xi32> to vector<128x128xi32>
    %lt3A_153 = arith.cmpi slt, %lt3A_151, %lt3A_152 : vector<128x128xi32>
    %and3A_154 = arith.andi %eq3A_150, %lt3A_153 : vector<128x128xi1>
    %or3A_155 = arith.ori %gt3A_147, %and3A_154 : vector<128x128xi1>
    %convert_element_type3A_156 = arith.extui %or3A_155 : vector<128x128xi1> to vector<128x128xi32>
    %add3A_157 = arith.addi %add3A_140, %convert_element_type3A_156 : vector<128x128xi32>
    %slice3A_158 = vector.extract_strided_slice %cond3A_57#2 {offsets = [5, 0], sizes = [1, 128], strides = [1, 1]} : vector<8x128xf32> to vector<1x128xf32>
    %add3A_159 = arith.constant 640 : i32
    %add3A_160 = vector.broadcast %add3A_159 : i32 to vector<1x128xi32>
    %add3A_161 = arith.addi %add3A_160, %iota3A_60 : vector<1x128xi32>
    %gt3A_162 = vector.broadcast %slice3A_158 : vector<1x128xf32> to vector<128x128xf32>
    %gt3A_163 = vector.broadcast %broadcast_in_dim3A_69 : vector<128x1xf32> to vector<128x128xf32>
    %gt3A_164 = arith.cmpf ogt, %gt3A_162, %gt3A_163 : vector<128x128xf32>
    %eq3A_165 = vector.broadcast %slice3A_158 : vector<1x128xf32> to vector<128x128xf32>
    %eq3A_166 = vector.broadcast %broadcast_in_dim3A_69 : vector<128x1xf32> to vector<128x128xf32>
    %eq3A_167 = arith.cmpf oeq, %eq3A_165, %eq3A_166 : vector<128x128xf32>
    %lt3A_168 = vector.broadcast %add3A_161 : vector<1x128xi32> to vector<128x128xi32>
    %lt3A_169 = vector.broadcast %add3A_71 : vector<128x1xi32> to vector<128x128xi32>
    %lt3A_170 = arith.cmpi slt, %lt3A_168, %lt3A_169 : vector<128x128xi32>
    %and3A_171 = arith.andi %eq3A_167, %lt3A_170 : vector<128x128xi1>
    %or3A_172 = arith.ori %gt3A_164, %and3A_171 : vector<128x128xi1>
    %convert_element_type3A_173 = arith.extui %or3A_172 : vector<128x128xi1> to vector<128x128xi32>
    %add3A_174 = arith.addi %add3A_157, %convert_element_type3A_173 : vector<128x128xi32>
    %slice3A_175 = vector.extract_strided_slice %cond3A_57#2 {offsets = [6, 0], sizes = [1, 128], strides = [1, 1]} : vector<8x128xf32> to vector<1x128xf32>
    %add3A_176 = arith.constant 768 : i32
    %add3A_177 = vector.broadcast %add3A_176 : i32 to vector<1x128xi32>
    %add3A_178 = arith.addi %add3A_177, %iota3A_60 : vector<1x128xi32>
    %gt3A_179 = vector.broadcast %slice3A_175 : vector<1x128xf32> to vector<128x128xf32>
    %gt3A_180 = vector.broadcast %broadcast_in_dim3A_69 : vector<128x1xf32> to vector<128x128xf32>
    %gt3A_181 = arith.cmpf ogt, %gt3A_179, %gt3A_180 : vector<128x128xf32>
    %eq3A_182 = vector.broadcast %slice3A_175 : vector<1x128xf32> to vector<128x128xf32>
    %eq3A_183 = vector.broadcast %broadcast_in_dim3A_69 : vector<128x1xf32> to vector<128x128xf32>
    %eq3A_184 = arith.cmpf oeq, %eq3A_182, %eq3A_183 : vector<128x128xf32>
    %lt3A_185 = vector.broadcast %add3A_178 : vector<1x128xi32> to vector<128x128xi32>
    %lt3A_186 = vector.broadcast %add3A_71 : vector<128x1xi32> to vector<128x128xi32>
    %lt3A_187 = arith.cmpi slt, %lt3A_185, %lt3A_186 : vector<128x128xi32>
    %and3A_188 = arith.andi %eq3A_184, %lt3A_187 : vector<128x128xi1>
    %or3A_189 = arith.ori %gt3A_181, %and3A_188 : vector<128x128xi1>
    %convert_element_type3A_190 = arith.extui %or3A_189 : vector<128x128xi1> to vector<128x128xi32>
    %add3A_191 = arith.addi %add3A_174, %convert_element_type3A_190 : vector<128x128xi32>
    %slice3A_192 = vector.extract_strided_slice %cond3A_57#2 {offsets = [7, 0], sizes = [1, 128], strides = [1, 1]} : vector<8x128xf32> to vector<1x128xf32>
    %add3A_193 = arith.constant 896 : i32
    %add3A_194 = vector.broadcast %add3A_193 : i32 to vector<1x128xi32>
    %add3A_195 = arith.addi %add3A_194, %iota3A_60 : vector<1x128xi32>
    %gt3A_196 = vector.broadcast %slice3A_192 : vector<1x128xf32> to vector<128x128xf32>
    %gt3A_197 = vector.broadcast %broadcast_in_dim3A_69 : vector<128x1xf32> to vector<128x128xf32>
    %gt3A_198 = arith.cmpf ogt, %gt3A_196, %gt3A_197 : vector<128x128xf32>
    %eq3A_199 = vector.broadcast %slice3A_192 : vector<1x128xf32> to vector<128x128xf32>
    %eq3A_200 = vector.broadcast %broadcast_in_dim3A_69 : vector<128x1xf32> to vector<128x128xf32>
    %eq3A_201 = arith.cmpf oeq, %eq3A_199, %eq3A_200 : vector<128x128xf32>
    %lt3A_202 = vector.broadcast %add3A_195 : vector<1x128xi32> to vector<128x128xi32>
    %lt3A_203 = vector.broadcast %add3A_71 : vector<128x1xi32> to vector<128x128xi32>
    %lt3A_204 = arith.cmpi slt, %lt3A_202, %lt3A_203 : vector<128x128xi32>
    %and3A_205 = arith.andi %eq3A_201, %lt3A_204 : vector<128x128xi1>
    %or3A_206 = arith.ori %gt3A_198, %and3A_205 : vector<128x128xi1>
    %convert_element_type3A_207 = arith.extui %or3A_206 : vector<128x128xi1> to vector<128x128xi32>
    %add3A_208 = arith.addi %add3A_191, %convert_element_type3A_207 : vector<128x128xi32>
    %reduce_sum3A_209 = arith.constant dense<0> : vector<128xi32>
    %reduce_sum3A_210 = vector.multi_reduction <add>, %add3A_208, %reduce_sum3A_209 [1] : vector<128x128xi32> to vector<128xi32>
    %broadcast_in_dim3A_211 = vector.shape_cast %reduce_sum3A_210 : vector<128xi32> to vector<128x1xi32>
    %eq3A_212 = vector.broadcast %broadcast_in_dim3A_211 : vector<128x1xi32> to vector<128x128xi32>
    %eq3A_213 = vector.broadcast %iota3A_60 : vector<1x128xi32> to vector<128x128xi32>
    %eq3A_214 = arith.cmpi eq, %eq3A_212, %eq3A_213 : vector<128x128xi32>
    %convert_element_type3A_215 = arith.extui %eq3A_214 : vector<128x128xi1> to vector<128x128xi32>
    %convert_element_type3A_216 = arith.sitofp %convert_element_type3A_215 : vector<128x128xi32> to vector<128x128xf32>
    %slice3A_217 = vector.extract_strided_slice %bitcast_convert_type3A {offsets = [0, 0], sizes = [1, 128], strides = [1, 1]} : vector<8x128xi32> to vector<1x128xi32>
    %slice3A_218 = vector.extract_strided_slice %cond3A_57#0 {offsets = [0, 0], sizes = [1, 128], strides = [1, 1]} : vector<8x128xi32> to vector<1x128xi32>
    %shift_right_logical3A = arith.constant 0 : i32
    %shift_right_logical3A_219 = vector.broadcast %shift_right_logical3A : i32 to vector<1x128xi32>
    %shift_right_logical3A_220 = arith.shrui %slice3A_217, %shift_right_logical3A_219 : vector<1x128xi32>
    %and3A_221 = arith.constant 127 : i32
    %and3A_222 = vector.broadcast %and3A_221 : i32 to vector<1x128xi32>
    %and3A_223 = arith.andi %shift_right_logical3A_220, %and3A_222 : vector<1x128xi32>
    %shift_right_logical3A_224 = arith.constant 7 : i32
    %shift_right_logical3A_225 = vector.broadcast %shift_right_logical3A_224 : i32 to vector<1x128xi32>
    %shift_right_logical3A_226 = arith.shrui %slice3A_217, %shift_right_logical3A_225 : vector<1x128xi32>
    %and3A_227 = arith.constant 127 : i32
    %and3A_228 = vector.broadcast %and3A_227 : i32 to vector<1x128xi32>
    %and3A_229 = arith.andi %shift_right_logical3A_226, %and3A_228 : vector<1x128xi32>
    %shift_right_logical3A_230 = arith.constant 14 : i32
    %shift_right_logical3A_231 = vector.broadcast %shift_right_logical3A_230 : i32 to vector<1x128xi32>
    %shift_right_logical3A_232 = arith.shrui %slice3A_217, %shift_right_logical3A_231 : vector<1x128xi32>
    %and3A_233 = arith.constant 127 : i32
    %and3A_234 = vector.broadcast %and3A_233 : i32 to vector<1x128xi32>
    %and3A_235 = arith.andi %shift_right_logical3A_232, %and3A_234 : vector<1x128xi32>
    %shift_right_logical3A_236 = arith.constant 21 : i32
    %shift_right_logical3A_237 = vector.broadcast %shift_right_logical3A_236 : i32 to vector<1x128xi32>
    %shift_right_logical3A_238 = arith.shrui %slice3A_217, %shift_right_logical3A_237 : vector<1x128xi32>
    %and3A_239 = arith.constant 127 : i32
    %and3A_240 = vector.broadcast %and3A_239 : i32 to vector<1x128xi32>
    %and3A_241 = arith.andi %shift_right_logical3A_238, %and3A_240 : vector<1x128xi32>
    %shift_right_logical3A_242 = arith.constant 28 : i32
    %shift_right_logical3A_243 = vector.broadcast %shift_right_logical3A_242 : i32 to vector<1x128xi32>
    %shift_right_logical3A_244 = arith.shrui %slice3A_217, %shift_right_logical3A_243 : vector<1x128xi32>
    %and3A_245 = arith.constant 15 : i32
    %and3A_246 = vector.broadcast %and3A_245 : i32 to vector<1x128xi32>
    %and3A_247 = arith.andi %shift_right_logical3A_244, %and3A_246 : vector<1x128xi32>
    %and3A_248 = arith.constant 127 : i32
    %and3A_249 = vector.broadcast %and3A_248 : i32 to vector<1x128xi32>
    %and3A_250 = arith.andi %slice3A_218, %and3A_249 : vector<1x128xi32>
    %shift_right_logical3A_251 = arith.constant 7 : i32
    %shift_right_logical3A_252 = vector.broadcast %shift_right_logical3A_251 : i32 to vector<1x128xi32>
    %shift_right_logical3A_253 = arith.shrui %slice3A_218, %shift_right_logical3A_252 : vector<1x128xi32>
    %and3A_254 = arith.constant 127 : i32
    %and3A_255 = vector.broadcast %and3A_254 : i32 to vector<1x128xi32>
    %and3A_256 = arith.andi %shift_right_logical3A_253, %and3A_255 : vector<1x128xi32>
    %shift_right_logical3A_257 = arith.constant 14 : i32
    %shift_right_logical3A_258 = vector.broadcast %shift_right_logical3A_257 : i32 to vector<1x128xi32>
    %shift_right_logical3A_259 = arith.shrui %slice3A_218, %shift_right_logical3A_258 : vector<1x128xi32>
    %and3A_260 = arith.constant 127 : i32
    %and3A_261 = vector.broadcast %and3A_260 : i32 to vector<1x128xi32>
    %and3A_262 = arith.andi %shift_right_logical3A_259, %and3A_261 : vector<1x128xi32>
    %slice3A_263 = vector.extract_strided_slice %cond3A_57#1 {offsets = [0, 0], sizes = [1, 128], strides = [1, 1]} : vector<8x128xi32> to vector<1x128xi32>
    %broadcast_in_dim3A_264 = arith.constant 0 : i32
    %broadcast_in_dim3A_265 = vector.broadcast %broadcast_in_dim3A_264 : i32 to vector<1x128xi32>
    %convert_element_type3A_266 = arith.sitofp %and3A_223 : vector<1x128xi32> to vector<1x128xf32>
    %convert_element_type3A_267 = arith.sitofp %and3A_229 : vector<1x128xi32> to vector<1x128xf32>
    %convert_element_type3A_268 = arith.sitofp %and3A_235 : vector<1x128xi32> to vector<1x128xf32>
    %convert_element_type3A_269 = arith.sitofp %and3A_241 : vector<1x128xi32> to vector<1x128xf32>
    %convert_element_type3A_270 = arith.sitofp %and3A_247 : vector<1x128xi32> to vector<1x128xf32>
    %convert_element_type3A_271 = arith.sitofp %and3A_250 : vector<1x128xi32> to vector<1x128xf32>
    %convert_element_type3A_272 = arith.sitofp %and3A_256 : vector<1x128xi32> to vector<1x128xf32>
    %convert_element_type3A_273 = arith.sitofp %and3A_262 : vector<1x128xi32> to vector<1x128xf32>
    %convert_element_type3A_274 = arith.sitofp %slice3A_263 : vector<1x128xi32> to vector<1x128xf32>
    %convert_element_type3A_275 = arith.sitofp %broadcast_in_dim3A_265 : vector<1x128xi32> to vector<1x128xf32>
    %concatenate3A = tpu.concatenate %convert_element_type3A_266, %convert_element_type3A_267, %convert_element_type3A_268, %convert_element_type3A_269, %convert_element_type3A_270, %convert_element_type3A_271, %convert_element_type3A_272, %convert_element_type3A_273, %convert_element_type3A_274, %convert_element_type3A_275 in 0 : vector<1x128xf32>, vector<1x128xf32>, vector<1x128xf32>, vector<1x128xf32>, vector<1x128xf32>, vector<1x128xf32>, vector<1x128xf32>, vector<1x128xf32>, vector<1x128xf32>, vector<1x128xf32> -> vector<10x128xf32>
    %dot_general3A = arith.constant dense<0.000000e+00> : vector<10x128xf32>
    %dot_general3A_276 = tpu.matmul %concatenate3A, %convert_element_type3A_216, %dot_general3A {dimension_numbers = #tpu.dot_dimension_numbers<[1], [0], [0], [1], [0, 0, 1, 1], [], []>, transpose_lhs_hint = false} : vector<10x128xf32>, vector<128x128xf32>, vector<10x128xf32> -> vector<10x128xf32>
    %add3A_277 = arith.addf %broadcast_in_dim3A_63, %dot_general3A_276 : vector<10x128xf32>
    %slice3A_278 = vector.extract_strided_slice %cond3A_57#2 {offsets = [1, 0], sizes = [1, 128], strides = [1, 1]} : vector<8x128xf32> to vector<1x128xf32>
    %broadcast_in_dim3A_279 = vector.shape_cast %slice3A_278 : vector<1x128xf32> to vector<1x128xf32>
    %broadcast_in_dim3A_280 = vector.broadcast %broadcast_in_dim3A_279 : vector<1x128xf32> to vector<128x128xf32>
    %jit3A_281 = arith.constant -1.000000e+30 : f32
    %broadcast_in_dim3A_282 = vector.broadcast %jit3A_281 : f32 to vector<128x128xf32>
    %select_n3A_283 = arith.select %eq3A, %broadcast_in_dim3A_280, %broadcast_in_dim3A_282 : vector<128x128xi1>, vector<128x128xf32>
    %reduce_max3A_284 = arith.constant dense<0xFF800000> : vector<128xf32>
    %reduce_max3A_285 = vector.multi_reduction <maximumf>, %select_n3A_283, %reduce_max3A_284 [1] : vector<128x128xf32> to vector<128xf32>
    %broadcast_in_dim3A_286 = vector.shape_cast %reduce_max3A_285 : vector<128xf32> to vector<128x1xf32>
    %add3A_287 = arith.constant 128 : i32
    %add3A_288 = vector.broadcast %add3A_287 : i32 to vector<128x1xi32>
    %add3A_289 = arith.addi %add3A_288, %iota3A_61 : vector<128x1xi32>
    %broadcast_in_dim3A_290 = arith.constant 0 : i32
    %broadcast_in_dim3A_291 = vector.broadcast %broadcast_in_dim3A_290 : i32 to vector<128x128xi32>
    %slice3A_292 = vector.extract_strided_slice %cond3A_57#2 {offsets = [0, 0], sizes = [1, 128], strides = [1, 1]} : vector<8x128xf32> to vector<1x128xf32>
    %add3A_293 = arith.constant 0 : i32
    %add3A_294 = vector.broadcast %add3A_293 : i32 to vector<1x128xi32>
    %add3A_295 = arith.addi %add3A_294, %iota3A_60 : vector<1x128xi32>
    %gt3A_296 = vector.broadcast %slice3A_292 : vector<1x128xf32> to vector<128x128xf32>
    %gt3A_297 = vector.broadcast %broadcast_in_dim3A_286 : vector<128x1xf32> to vector<128x128xf32>
    %gt3A_298 = arith.cmpf ogt, %gt3A_296, %gt3A_297 : vector<128x128xf32>
    %eq3A_299 = vector.broadcast %slice3A_292 : vector<1x128xf32> to vector<128x128xf32>
    %eq3A_300 = vector.broadcast %broadcast_in_dim3A_286 : vector<128x1xf32> to vector<128x128xf32>
    %eq3A_301 = arith.cmpf oeq, %eq3A_299, %eq3A_300 : vector<128x128xf32>
    %lt3A_302 = vector.broadcast %add3A_295 : vector<1x128xi32> to vector<128x128xi32>
    %lt3A_303 = vector.broadcast %add3A_289 : vector<128x1xi32> to vector<128x128xi32>
    %lt3A_304 = arith.cmpi slt, %lt3A_302, %lt3A_303 : vector<128x128xi32>
    %and3A_305 = arith.andi %eq3A_301, %lt3A_304 : vector<128x128xi1>
    %or3A_306 = arith.ori %gt3A_298, %and3A_305 : vector<128x128xi1>
    %convert_element_type3A_307 = arith.extui %or3A_306 : vector<128x128xi1> to vector<128x128xi32>
    %add3A_308 = arith.addi %broadcast_in_dim3A_291, %convert_element_type3A_307 : vector<128x128xi32>
    %slice3A_309 = vector.extract_strided_slice %cond3A_57#2 {offsets = [1, 0], sizes = [1, 128], strides = [1, 1]} : vector<8x128xf32> to vector<1x128xf32>
    %add3A_310 = arith.constant 128 : i32
    %add3A_311 = vector.broadcast %add3A_310 : i32 to vector<1x128xi32>
    %add3A_312 = arith.addi %add3A_311, %iota3A_60 : vector<1x128xi32>
    %gt3A_313 = vector.broadcast %slice3A_309 : vector<1x128xf32> to vector<128x128xf32>
    %gt3A_314 = vector.broadcast %broadcast_in_dim3A_286 : vector<128x1xf32> to vector<128x128xf32>
    %gt3A_315 = arith.cmpf ogt, %gt3A_313, %gt3A_314 : vector<128x128xf32>
    %eq3A_316 = vector.broadcast %slice3A_309 : vector<1x128xf32> to vector<128x128xf32>
    %eq3A_317 = vector.broadcast %broadcast_in_dim3A_286 : vector<128x1xf32> to vector<128x128xf32>
    %eq3A_318 = arith.cmpf oeq, %eq3A_316, %eq3A_317 : vector<128x128xf32>
    %lt3A_319 = vector.broadcast %add3A_312 : vector<1x128xi32> to vector<128x128xi32>
    %lt3A_320 = vector.broadcast %add3A_289 : vector<128x1xi32> to vector<128x128xi32>
    %lt3A_321 = arith.cmpi slt, %lt3A_319, %lt3A_320 : vector<128x128xi32>
    %and3A_322 = arith.andi %eq3A_318, %lt3A_321 : vector<128x128xi1>
    %or3A_323 = arith.ori %gt3A_315, %and3A_322 : vector<128x128xi1>
    %convert_element_type3A_324 = arith.extui %or3A_323 : vector<128x128xi1> to vector<128x128xi32>
    %add3A_325 = arith.addi %add3A_308, %convert_element_type3A_324 : vector<128x128xi32>
    %slice3A_326 = vector.extract_strided_slice %cond3A_57#2 {offsets = [2, 0], sizes = [1, 128], strides = [1, 1]} : vector<8x128xf32> to vector<1x128xf32>
    %add3A_327 = arith.constant 256 : i32
    %add3A_328 = vector.broadcast %add3A_327 : i32 to vector<1x128xi32>
    %add3A_329 = arith.addi %add3A_328, %iota3A_60 : vector<1x128xi32>
    %gt3A_330 = vector.broadcast %slice3A_326 : vector<1x128xf32> to vector<128x128xf32>
    %gt3A_331 = vector.broadcast %broadcast_in_dim3A_286 : vector<128x1xf32> to vector<128x128xf32>
    %gt3A_332 = arith.cmpf ogt, %gt3A_330, %gt3A_331 : vector<128x128xf32>
    %eq3A_333 = vector.broadcast %slice3A_326 : vector<1x128xf32> to vector<128x128xf32>
    %eq3A_334 = vector.broadcast %broadcast_in_dim3A_286 : vector<128x1xf32> to vector<128x128xf32>
    %eq3A_335 = arith.cmpf oeq, %eq3A_333, %eq3A_334 : vector<128x128xf32>
    %lt3A_336 = vector.broadcast %add3A_329 : vector<1x128xi32> to vector<128x128xi32>
    %lt3A_337 = vector.broadcast %add3A_289 : vector<128x1xi32> to vector<128x128xi32>
    %lt3A_338 = arith.cmpi slt, %lt3A_336, %lt3A_337 : vector<128x128xi32>
    %and3A_339 = arith.andi %eq3A_335, %lt3A_338 : vector<128x128xi1>
    %or3A_340 = arith.ori %gt3A_332, %and3A_339 : vector<128x128xi1>
    %convert_element_type3A_341 = arith.extui %or3A_340 : vector<128x128xi1> to vector<128x128xi32>
    %add3A_342 = arith.addi %add3A_325, %convert_element_type3A_341 : vector<128x128xi32>
    %slice3A_343 = vector.extract_strided_slice %cond3A_57#2 {offsets = [3, 0], sizes = [1, 128], strides = [1, 1]} : vector<8x128xf32> to vector<1x128xf32>
    %add3A_344 = arith.constant 384 : i32
    %add3A_345 = vector.broadcast %add3A_344 : i32 to vector<1x128xi32>
    %add3A_346 = arith.addi %add3A_345, %iota3A_60 : vector<1x128xi32>
    %gt3A_347 = vector.broadcast %slice3A_343 : vector<1x128xf32> to vector<128x128xf32>
    %gt3A_348 = vector.broadcast %broadcast_in_dim3A_286 : vector<128x1xf32> to vector<128x128xf32>
    %gt3A_349 = arith.cmpf ogt, %gt3A_347, %gt3A_348 : vector<128x128xf32>
    %eq3A_350 = vector.broadcast %slice3A_343 : vector<1x128xf32> to vector<128x128xf32>
    %eq3A_351 = vector.broadcast %broadcast_in_dim3A_286 : vector<128x1xf32> to vector<128x128xf32>
    %eq3A_352 = arith.cmpf oeq, %eq3A_350, %eq3A_351 : vector<128x128xf32>
    %lt3A_353 = vector.broadcast %add3A_346 : vector<1x128xi32> to vector<128x128xi32>
    %lt3A_354 = vector.broadcast %add3A_289 : vector<128x1xi32> to vector<128x128xi32>
    %lt3A_355 = arith.cmpi slt, %lt3A_353, %lt3A_354 : vector<128x128xi32>
    %and3A_356 = arith.andi %eq3A_352, %lt3A_355 : vector<128x128xi1>
    %or3A_357 = arith.ori %gt3A_349, %and3A_356 : vector<128x128xi1>
    %convert_element_type3A_358 = arith.extui %or3A_357 : vector<128x128xi1> to vector<128x128xi32>
    %add3A_359 = arith.addi %add3A_342, %convert_element_type3A_358 : vector<128x128xi32>
    %slice3A_360 = vector.extract_strided_slice %cond3A_57#2 {offsets = [4, 0], sizes = [1, 128], strides = [1, 1]} : vector<8x128xf32> to vector<1x128xf32>
    %add3A_361 = arith.constant 512 : i32
    %add3A_362 = vector.broadcast %add3A_361 : i32 to vector<1x128xi32>
    %add3A_363 = arith.addi %add3A_362, %iota3A_60 : vector<1x128xi32>
    %gt3A_364 = vector.broadcast %slice3A_360 : vector<1x128xf32> to vector<128x128xf32>
    %gt3A_365 = vector.broadcast %broadcast_in_dim3A_286 : vector<128x1xf32> to vector<128x128xf32>
    %gt3A_366 = arith.cmpf ogt, %gt3A_364, %gt3A_365 : vector<128x128xf32>
    %eq3A_367 = vector.broadcast %slice3A_360 : vector<1x128xf32> to vector<128x128xf32>
    %eq3A_368 = vector.broadcast %broadcast_in_dim3A_286 : vector<128x1xf32> to vector<128x128xf32>
    %eq3A_369 = arith.cmpf oeq, %eq3A_367, %eq3A_368 : vector<128x128xf32>
    %lt3A_370 = vector.broadcast %add3A_363 : vector<1x128xi32> to vector<128x128xi32>
    %lt3A_371 = vector.broadcast %add3A_289 : vector<128x1xi32> to vector<128x128xi32>
    %lt3A_372 = arith.cmpi slt, %lt3A_370, %lt3A_371 : vector<128x128xi32>
    %and3A_373 = arith.andi %eq3A_369, %lt3A_372 : vector<128x128xi1>
    %or3A_374 = arith.ori %gt3A_366, %and3A_373 : vector<128x128xi1>
    %convert_element_type3A_375 = arith.extui %or3A_374 : vector<128x128xi1> to vector<128x128xi32>
    %add3A_376 = arith.addi %add3A_359, %convert_element_type3A_375 : vector<128x128xi32>
    %slice3A_377 = vector.extract_strided_slice %cond3A_57#2 {offsets = [5, 0], sizes = [1, 128], strides = [1, 1]} : vector<8x128xf32> to vector<1x128xf32>
    %add3A_378 = arith.constant 640 : i32
    %add3A_379 = vector.broadcast %add3A_378 : i32 to vector<1x128xi32>
    %add3A_380 = arith.addi %add3A_379, %iota3A_60 : vector<1x128xi32>
    %gt3A_381 = vector.broadcast %slice3A_377 : vector<1x128xf32> to vector<128x128xf32>
    %gt3A_382 = vector.broadcast %broadcast_in_dim3A_286 : vector<128x1xf32> to vector<128x128xf32>
    %gt3A_383 = arith.cmpf ogt, %gt3A_381, %gt3A_382 : vector<128x128xf32>
    %eq3A_384 = vector.broadcast %slice3A_377 : vector<1x128xf32> to vector<128x128xf32>
    %eq3A_385 = vector.broadcast %broadcast_in_dim3A_286 : vector<128x1xf32> to vector<128x128xf32>
    %eq3A_386 = arith.cmpf oeq, %eq3A_384, %eq3A_385 : vector<128x128xf32>
    %lt3A_387 = vector.broadcast %add3A_380 : vector<1x128xi32> to vector<128x128xi32>
    %lt3A_388 = vector.broadcast %add3A_289 : vector<128x1xi32> to vector<128x128xi32>
    %lt3A_389 = arith.cmpi slt, %lt3A_387, %lt3A_388 : vector<128x128xi32>
    %and3A_390 = arith.andi %eq3A_386, %lt3A_389 : vector<128x128xi1>
    %or3A_391 = arith.ori %gt3A_383, %and3A_390 : vector<128x128xi1>
    %convert_element_type3A_392 = arith.extui %or3A_391 : vector<128x128xi1> to vector<128x128xi32>
    %add3A_393 = arith.addi %add3A_376, %convert_element_type3A_392 : vector<128x128xi32>
    %slice3A_394 = vector.extract_strided_slice %cond3A_57#2 {offsets = [6, 0], sizes = [1, 128], strides = [1, 1]} : vector<8x128xf32> to vector<1x128xf32>
    %add3A_395 = arith.constant 768 : i32
    %add3A_396 = vector.broadcast %add3A_395 : i32 to vector<1x128xi32>
    %add3A_397 = arith.addi %add3A_396, %iota3A_60 : vector<1x128xi32>
    %gt3A_398 = vector.broadcast %slice3A_394 : vector<1x128xf32> to vector<128x128xf32>
    %gt3A_399 = vector.broadcast %broadcast_in_dim3A_286 : vector<128x1xf32> to vector<128x128xf32>
    %gt3A_400 = arith.cmpf ogt, %gt3A_398, %gt3A_399 : vector<128x128xf32>
    %eq3A_401 = vector.broadcast %slice3A_394 : vector<1x128xf32> to vector<128x128xf32>
    %eq3A_402 = vector.broadcast %broadcast_in_dim3A_286 : vector<128x1xf32> to vector<128x128xf32>
    %eq3A_403 = arith.cmpf oeq, %eq3A_401, %eq3A_402 : vector<128x128xf32>
    %lt3A_404 = vector.broadcast %add3A_397 : vector<1x128xi32> to vector<128x128xi32>
    %lt3A_405 = vector.broadcast %add3A_289 : vector<128x1xi32> to vector<128x128xi32>
    %lt3A_406 = arith.cmpi slt, %lt3A_404, %lt3A_405 : vector<128x128xi32>
    %and3A_407 = arith.andi %eq3A_403, %lt3A_406 : vector<128x128xi1>
    %or3A_408 = arith.ori %gt3A_400, %and3A_407 : vector<128x128xi1>
    %convert_element_type3A_409 = arith.extui %or3A_408 : vector<128x128xi1> to vector<128x128xi32>
    %add3A_410 = arith.addi %add3A_393, %convert_element_type3A_409 : vector<128x128xi32>
    %slice3A_411 = vector.extract_strided_slice %cond3A_57#2 {offsets = [7, 0], sizes = [1, 128], strides = [1, 1]} : vector<8x128xf32> to vector<1x128xf32>
    %add3A_412 = arith.constant 896 : i32
    %add3A_413 = vector.broadcast %add3A_412 : i32 to vector<1x128xi32>
    %add3A_414 = arith.addi %add3A_413, %iota3A_60 : vector<1x128xi32>
    %gt3A_415 = vector.broadcast %slice3A_411 : vector<1x128xf32> to vector<128x128xf32>
    %gt3A_416 = vector.broadcast %broadcast_in_dim3A_286 : vector<128x1xf32> to vector<128x128xf32>
    %gt3A_417 = arith.cmpf ogt, %gt3A_415, %gt3A_416 : vector<128x128xf32>
    %eq3A_418 = vector.broadcast %slice3A_411 : vector<1x128xf32> to vector<128x128xf32>
    %eq3A_419 = vector.broadcast %broadcast_in_dim3A_286 : vector<128x1xf32> to vector<128x128xf32>
    %eq3A_420 = arith.cmpf oeq, %eq3A_418, %eq3A_419 : vector<128x128xf32>
    %lt3A_421 = vector.broadcast %add3A_414 : vector<1x128xi32> to vector<128x128xi32>
    %lt3A_422 = vector.broadcast %add3A_289 : vector<128x1xi32> to vector<128x128xi32>
    %lt3A_423 = arith.cmpi slt, %lt3A_421, %lt3A_422 : vector<128x128xi32>
    %and3A_424 = arith.andi %eq3A_420, %lt3A_423 : vector<128x128xi1>
    %or3A_425 = arith.ori %gt3A_417, %and3A_424 : vector<128x128xi1>
    %convert_element_type3A_426 = arith.extui %or3A_425 : vector<128x128xi1> to vector<128x128xi32>
    %add3A_427 = arith.addi %add3A_410, %convert_element_type3A_426 : vector<128x128xi32>
    %reduce_sum3A_428 = arith.constant dense<0> : vector<128xi32>
    %reduce_sum3A_429 = vector.multi_reduction <add>, %add3A_427, %reduce_sum3A_428 [1] : vector<128x128xi32> to vector<128xi32>
    %broadcast_in_dim3A_430 = vector.shape_cast %reduce_sum3A_429 : vector<128xi32> to vector<128x1xi32>
    %eq3A_431 = vector.broadcast %broadcast_in_dim3A_430 : vector<128x1xi32> to vector<128x128xi32>
    %eq3A_432 = vector.broadcast %iota3A_60 : vector<1x128xi32> to vector<128x128xi32>
    %eq3A_433 = arith.cmpi eq, %eq3A_431, %eq3A_432 : vector<128x128xi32>
    %convert_element_type3A_434 = arith.extui %eq3A_433 : vector<128x128xi1> to vector<128x128xi32>
    %convert_element_type3A_435 = arith.sitofp %convert_element_type3A_434 : vector<128x128xi32> to vector<128x128xf32>
    %slice3A_436 = vector.extract_strided_slice %bitcast_convert_type3A {offsets = [1, 0], sizes = [1, 128], strides = [1, 1]} : vector<8x128xi32> to vector<1x128xi32>
    %slice3A_437 = vector.extract_strided_slice %cond3A_57#0 {offsets = [1, 0], sizes = [1, 128], strides = [1, 1]} : vector<8x128xi32> to vector<1x128xi32>
    %shift_right_logical3A_438 = arith.constant 0 : i32
    %shift_right_logical3A_439 = vector.broadcast %shift_right_logical3A_438 : i32 to vector<1x128xi32>
    %shift_right_logical3A_440 = arith.shrui %slice3A_436, %shift_right_logical3A_439 : vector<1x128xi32>
    %and3A_441 = arith.constant 127 : i32
    %and3A_442 = vector.broadcast %and3A_441 : i32 to vector<1x128xi32>
    %and3A_443 = arith.andi %shift_right_logical3A_440, %and3A_442 : vector<1x128xi32>
    %shift_right_logical3A_444 = arith.constant 7 : i32
    %shift_right_logical3A_445 = vector.broadcast %shift_right_logical3A_444 : i32 to vector<1x128xi32>
    %shift_right_logical3A_446 = arith.shrui %slice3A_436, %shift_right_logical3A_445 : vector<1x128xi32>
    %and3A_447 = arith.constant 127 : i32
    %and3A_448 = vector.broadcast %and3A_447 : i32 to vector<1x128xi32>
    %and3A_449 = arith.andi %shift_right_logical3A_446, %and3A_448 : vector<1x128xi32>
    %shift_right_logical3A_450 = arith.constant 14 : i32
    %shift_right_logical3A_451 = vector.broadcast %shift_right_logical3A_450 : i32 to vector<1x128xi32>
    %shift_right_logical3A_452 = arith.shrui %slice3A_436, %shift_right_logical3A_451 : vector<1x128xi32>
    %and3A_453 = arith.constant 127 : i32
    %and3A_454 = vector.broadcast %and3A_453 : i32 to vector<1x128xi32>
    %and3A_455 = arith.andi %shift_right_logical3A_452, %and3A_454 : vector<1x128xi32>
    %shift_right_logical3A_456 = arith.constant 21 : i32
    %shift_right_logical3A_457 = vector.broadcast %shift_right_logical3A_456 : i32 to vector<1x128xi32>
    %shift_right_logical3A_458 = arith.shrui %slice3A_436, %shift_right_logical3A_457 : vector<1x128xi32>
    %and3A_459 = arith.constant 127 : i32
    %and3A_460 = vector.broadcast %and3A_459 : i32 to vector<1x128xi32>
    %and3A_461 = arith.andi %shift_right_logical3A_458, %and3A_460 : vector<1x128xi32>
    %shift_right_logical3A_462 = arith.constant 28 : i32
    %shift_right_logical3A_463 = vector.broadcast %shift_right_logical3A_462 : i32 to vector<1x128xi32>
    %shift_right_logical3A_464 = arith.shrui %slice3A_436, %shift_right_logical3A_463 : vector<1x128xi32>
    %and3A_465 = arith.constant 15 : i32
    %and3A_466 = vector.broadcast %and3A_465 : i32 to vector<1x128xi32>
    %and3A_467 = arith.andi %shift_right_logical3A_464, %and3A_466 : vector<1x128xi32>
    %and3A_468 = arith.constant 127 : i32
    %and3A_469 = vector.broadcast %and3A_468 : i32 to vector<1x128xi32>
    %and3A_470 = arith.andi %slice3A_437, %and3A_469 : vector<1x128xi32>
    %shift_right_logical3A_471 = arith.constant 7 : i32
    %shift_right_logical3A_472 = vector.broadcast %shift_right_logical3A_471 : i32 to vector<1x128xi32>
    %shift_right_logical3A_473 = arith.shrui %slice3A_437, %shift_right_logical3A_472 : vector<1x128xi32>
    %and3A_474 = arith.constant 127 : i32
    %and3A_475 = vector.broadcast %and3A_474 : i32 to vector<1x128xi32>
    %and3A_476 = arith.andi %shift_right_logical3A_473, %and3A_475 : vector<1x128xi32>
    %shift_right_logical3A_477 = arith.constant 14 : i32
    %shift_right_logical3A_478 = vector.broadcast %shift_right_logical3A_477 : i32 to vector<1x128xi32>
    %shift_right_logical3A_479 = arith.shrui %slice3A_437, %shift_right_logical3A_478 : vector<1x128xi32>
    %and3A_480 = arith.constant 127 : i32
    %and3A_481 = vector.broadcast %and3A_480 : i32 to vector<1x128xi32>
    %and3A_482 = arith.andi %shift_right_logical3A_479, %and3A_481 : vector<1x128xi32>
    %slice3A_483 = vector.extract_strided_slice %cond3A_57#1 {offsets = [1, 0], sizes = [1, 128], strides = [1, 1]} : vector<8x128xi32> to vector<1x128xi32>
    %broadcast_in_dim3A_484 = arith.constant 1 : i32
    %broadcast_in_dim3A_485 = vector.broadcast %broadcast_in_dim3A_484 : i32 to vector<1x128xi32>
    %convert_element_type3A_486 = arith.sitofp %and3A_443 : vector<1x128xi32> to vector<1x128xf32>
    %convert_element_type3A_487 = arith.sitofp %and3A_449 : vector<1x128xi32> to vector<1x128xf32>
    %convert_element_type3A_488 = arith.sitofp %and3A_455 : vector<1x128xi32> to vector<1x128xf32>
    %convert_element_type3A_489 = arith.sitofp %and3A_461 : vector<1x128xi32> to vector<1x128xf32>
    %convert_element_type3A_490 = arith.sitofp %and3A_467 : vector<1x128xi32> to vector<1x128xf32>
    %convert_element_type3A_491 = arith.sitofp %and3A_470 : vector<1x128xi32> to vector<1x128xf32>
    %convert_element_type3A_492 = arith.sitofp %and3A_476 : vector<1x128xi32> to vector<1x128xf32>
    %convert_element_type3A_493 = arith.sitofp %and3A_482 : vector<1x128xi32> to vector<1x128xf32>
    %convert_element_type3A_494 = arith.sitofp %slice3A_483 : vector<1x128xi32> to vector<1x128xf32>
    %convert_element_type3A_495 = arith.sitofp %broadcast_in_dim3A_485 : vector<1x128xi32> to vector<1x128xf32>
    %concatenate3A_496 = tpu.concatenate %convert_element_type3A_486, %convert_element_type3A_487, %convert_element_type3A_488, %convert_element_type3A_489, %convert_element_type3A_490, %convert_element_type3A_491, %convert_element_type3A_492, %convert_element_type3A_493, %convert_element_type3A_494, %convert_element_type3A_495 in 0 : vector<1x128xf32>, vector<1x128xf32>, vector<1x128xf32>, vector<1x128xf32>, vector<1x128xf32>, vector<1x128xf32>, vector<1x128xf32>, vector<1x128xf32>, vector<1x128xf32>, vector<1x128xf32> -> vector<10x128xf32>
    %dot_general3A_497 = arith.constant dense<0.000000e+00> : vector<10x128xf32>
    %dot_general3A_498 = tpu.matmul %concatenate3A_496, %convert_element_type3A_435, %dot_general3A_497 {dimension_numbers = #tpu.dot_dimension_numbers<[1], [0], [0], [1], [0, 0, 1, 1], [], []>, transpose_lhs_hint = false} : vector<10x128xf32>, vector<128x128xf32>, vector<10x128xf32> -> vector<10x128xf32>
    %add3A_499 = arith.addf %add3A_277, %dot_general3A_498 : vector<10x128xf32>
    %slice3A_500 = vector.extract_strided_slice %cond3A_57#2 {offsets = [2, 0], sizes = [1, 128], strides = [1, 1]} : vector<8x128xf32> to vector<1x128xf32>
    %broadcast_in_dim3A_501 = vector.shape_cast %slice3A_500 : vector<1x128xf32> to vector<1x128xf32>
    %broadcast_in_dim3A_502 = vector.broadcast %broadcast_in_dim3A_501 : vector<1x128xf32> to vector<128x128xf32>
    %jit3A_503 = arith.constant -1.000000e+30 : f32
    %broadcast_in_dim3A_504 = vector.broadcast %jit3A_503 : f32 to vector<128x128xf32>
    %select_n3A_505 = arith.select %eq3A, %broadcast_in_dim3A_502, %broadcast_in_dim3A_504 : vector<128x128xi1>, vector<128x128xf32>
    %reduce_max3A_506 = arith.constant dense<0xFF800000> : vector<128xf32>
    %reduce_max3A_507 = vector.multi_reduction <maximumf>, %select_n3A_505, %reduce_max3A_506 [1] : vector<128x128xf32> to vector<128xf32>
    %broadcast_in_dim3A_508 = vector.shape_cast %reduce_max3A_507 : vector<128xf32> to vector<128x1xf32>
    %add3A_509 = arith.constant 256 : i32
    %add3A_510 = vector.broadcast %add3A_509 : i32 to vector<128x1xi32>
    %add3A_511 = arith.addi %add3A_510, %iota3A_61 : vector<128x1xi32>
    %broadcast_in_dim3A_512 = arith.constant 0 : i32
    %broadcast_in_dim3A_513 = vector.broadcast %broadcast_in_dim3A_512 : i32 to vector<128x128xi32>
    %slice3A_514 = vector.extract_strided_slice %cond3A_57#2 {offsets = [0, 0], sizes = [1, 128], strides = [1, 1]} : vector<8x128xf32> to vector<1x128xf32>
    %add3A_515 = arith.constant 0 : i32
    %add3A_516 = vector.broadcast %add3A_515 : i32 to vector<1x128xi32>
    %add3A_517 = arith.addi %add3A_516, %iota3A_60 : vector<1x128xi32>
    %gt3A_518 = vector.broadcast %slice3A_514 : vector<1x128xf32> to vector<128x128xf32>
    %gt3A_519 = vector.broadcast %broadcast_in_dim3A_508 : vector<128x1xf32> to vector<128x128xf32>
    %gt3A_520 = arith.cmpf ogt, %gt3A_518, %gt3A_519 : vector<128x128xf32>
    %eq3A_521 = vector.broadcast %slice3A_514 : vector<1x128xf32> to vector<128x128xf32>
    %eq3A_522 = vector.broadcast %broadcast_in_dim3A_508 : vector<128x1xf32> to vector<128x128xf32>
    %eq3A_523 = arith.cmpf oeq, %eq3A_521, %eq3A_522 : vector<128x128xf32>
    %lt3A_524 = vector.broadcast %add3A_517 : vector<1x128xi32> to vector<128x128xi32>
    %lt3A_525 = vector.broadcast %add3A_511 : vector<128x1xi32> to vector<128x128xi32>
    %lt3A_526 = arith.cmpi slt, %lt3A_524, %lt3A_525 : vector<128x128xi32>
    %and3A_527 = arith.andi %eq3A_523, %lt3A_526 : vector<128x128xi1>
    %or3A_528 = arith.ori %gt3A_520, %and3A_527 : vector<128x128xi1>
    %convert_element_type3A_529 = arith.extui %or3A_528 : vector<128x128xi1> to vector<128x128xi32>
    %add3A_530 = arith.addi %broadcast_in_dim3A_513, %convert_element_type3A_529 : vector<128x128xi32>
    %slice3A_531 = vector.extract_strided_slice %cond3A_57#2 {offsets = [1, 0], sizes = [1, 128], strides = [1, 1]} : vector<8x128xf32> to vector<1x128xf32>
    %add3A_532 = arith.constant 128 : i32
    %add3A_533 = vector.broadcast %add3A_532 : i32 to vector<1x128xi32>
    %add3A_534 = arith.addi %add3A_533, %iota3A_60 : vector<1x128xi32>
    %gt3A_535 = vector.broadcast %slice3A_531 : vector<1x128xf32> to vector<128x128xf32>
    %gt3A_536 = vector.broadcast %broadcast_in_dim3A_508 : vector<128x1xf32> to vector<128x128xf32>
    %gt3A_537 = arith.cmpf ogt, %gt3A_535, %gt3A_536 : vector<128x128xf32>
    %eq3A_538 = vector.broadcast %slice3A_531 : vector<1x128xf32> to vector<128x128xf32>
    %eq3A_539 = vector.broadcast %broadcast_in_dim3A_508 : vector<128x1xf32> to vector<128x128xf32>
    %eq3A_540 = arith.cmpf oeq, %eq3A_538, %eq3A_539 : vector<128x128xf32>
    %lt3A_541 = vector.broadcast %add3A_534 : vector<1x128xi32> to vector<128x128xi32>
    %lt3A_542 = vector.broadcast %add3A_511 : vector<128x1xi32> to vector<128x128xi32>
    %lt3A_543 = arith.cmpi slt, %lt3A_541, %lt3A_542 : vector<128x128xi32>
    %and3A_544 = arith.andi %eq3A_540, %lt3A_543 : vector<128x128xi1>
    %or3A_545 = arith.ori %gt3A_537, %and3A_544 : vector<128x128xi1>
    %convert_element_type3A_546 = arith.extui %or3A_545 : vector<128x128xi1> to vector<128x128xi32>
    %add3A_547 = arith.addi %add3A_530, %convert_element_type3A_546 : vector<128x128xi32>
    %slice3A_548 = vector.extract_strided_slice %cond3A_57#2 {offsets = [2, 0], sizes = [1, 128], strides = [1, 1]} : vector<8x128xf32> to vector<1x128xf32>
    %add3A_549 = arith.constant 256 : i32
    %add3A_550 = vector.broadcast %add3A_549 : i32 to vector<1x128xi32>
    %add3A_551 = arith.addi %add3A_550, %iota3A_60 : vector<1x128xi32>
    %gt3A_552 = vector.broadcast %slice3A_548 : vector<1x128xf32> to vector<128x128xf32>
    %gt3A_553 = vector.broadcast %broadcast_in_dim3A_508 : vector<128x1xf32> to vector<128x128xf32>
    %gt3A_554 = arith.cmpf ogt, %gt3A_552, %gt3A_553 : vector<128x128xf32>
    %eq3A_555 = vector.broadcast %slice3A_548 : vector<1x128xf32> to vector<128x128xf32>
    %eq3A_556 = vector.broadcast %broadcast_in_dim3A_508 : vector<128x1xf32> to vector<128x128xf32>
    %eq3A_557 = arith.cmpf oeq, %eq3A_555, %eq3A_556 : vector<128x128xf32>
    %lt3A_558 = vector.broadcast %add3A_551 : vector<1x128xi32> to vector<128x128xi32>
    %lt3A_559 = vector.broadcast %add3A_511 : vector<128x1xi32> to vector<128x128xi32>
    %lt3A_560 = arith.cmpi slt, %lt3A_558, %lt3A_559 : vector<128x128xi32>
    %and3A_561 = arith.andi %eq3A_557, %lt3A_560 : vector<128x128xi1>
    %or3A_562 = arith.ori %gt3A_554, %and3A_561 : vector<128x128xi1>
    %convert_element_type3A_563 = arith.extui %or3A_562 : vector<128x128xi1> to vector<128x128xi32>
    %add3A_564 = arith.addi %add3A_547, %convert_element_type3A_563 : vector<128x128xi32>
    %slice3A_565 = vector.extract_strided_slice %cond3A_57#2 {offsets = [3, 0], sizes = [1, 128], strides = [1, 1]} : vector<8x128xf32> to vector<1x128xf32>
    %add3A_566 = arith.constant 384 : i32
    %add3A_567 = vector.broadcast %add3A_566 : i32 to vector<1x128xi32>
    %add3A_568 = arith.addi %add3A_567, %iota3A_60 : vector<1x128xi32>
    %gt3A_569 = vector.broadcast %slice3A_565 : vector<1x128xf32> to vector<128x128xf32>
    %gt3A_570 = vector.broadcast %broadcast_in_dim3A_508 : vector<128x1xf32> to vector<128x128xf32>
    %gt3A_571 = arith.cmpf ogt, %gt3A_569, %gt3A_570 : vector<128x128xf32>
    %eq3A_572 = vector.broadcast %slice3A_565 : vector<1x128xf32> to vector<128x128xf32>
    %eq3A_573 = vector.broadcast %broadcast_in_dim3A_508 : vector<128x1xf32> to vector<128x128xf32>
    %eq3A_574 = arith.cmpf oeq, %eq3A_572, %eq3A_573 : vector<128x128xf32>
    %lt3A_575 = vector.broadcast %add3A_568 : vector<1x128xi32> to vector<128x128xi32>
    %lt3A_576 = vector.broadcast %add3A_511 : vector<128x1xi32> to vector<128x128xi32>
    %lt3A_577 = arith.cmpi slt, %lt3A_575, %lt3A_576 : vector<128x128xi32>
    %and3A_578 = arith.andi %eq3A_574, %lt3A_577 : vector<128x128xi1>
    %or3A_579 = arith.ori %gt3A_571, %and3A_578 : vector<128x128xi1>
    %convert_element_type3A_580 = arith.extui %or3A_579 : vector<128x128xi1> to vector<128x128xi32>
    %add3A_581 = arith.addi %add3A_564, %convert_element_type3A_580 : vector<128x128xi32>
    %slice3A_582 = vector.extract_strided_slice %cond3A_57#2 {offsets = [4, 0], sizes = [1, 128], strides = [1, 1]} : vector<8x128xf32> to vector<1x128xf32>
    %add3A_583 = arith.constant 512 : i32
    %add3A_584 = vector.broadcast %add3A_583 : i32 to vector<1x128xi32>
    %add3A_585 = arith.addi %add3A_584, %iota3A_60 : vector<1x128xi32>
    %gt3A_586 = vector.broadcast %slice3A_582 : vector<1x128xf32> to vector<128x128xf32>
    %gt3A_587 = vector.broadcast %broadcast_in_dim3A_508 : vector<128x1xf32> to vector<128x128xf32>
    %gt3A_588 = arith.cmpf ogt, %gt3A_586, %gt3A_587 : vector<128x128xf32>
    %eq3A_589 = vector.broadcast %slice3A_582 : vector<1x128xf32> to vector<128x128xf32>
    %eq3A_590 = vector.broadcast %broadcast_in_dim3A_508 : vector<128x1xf32> to vector<128x128xf32>
    %eq3A_591 = arith.cmpf oeq, %eq3A_589, %eq3A_590 : vector<128x128xf32>
    %lt3A_592 = vector.broadcast %add3A_585 : vector<1x128xi32> to vector<128x128xi32>
    %lt3A_593 = vector.broadcast %add3A_511 : vector<128x1xi32> to vector<128x128xi32>
    %lt3A_594 = arith.cmpi slt, %lt3A_592, %lt3A_593 : vector<128x128xi32>
    %and3A_595 = arith.andi %eq3A_591, %lt3A_594 : vector<128x128xi1>
    %or3A_596 = arith.ori %gt3A_588, %and3A_595 : vector<128x128xi1>
    %convert_element_type3A_597 = arith.extui %or3A_596 : vector<128x128xi1> to vector<128x128xi32>
    %add3A_598 = arith.addi %add3A_581, %convert_element_type3A_597 : vector<128x128xi32>
    %slice3A_599 = vector.extract_strided_slice %cond3A_57#2 {offsets = [5, 0], sizes = [1, 128], strides = [1, 1]} : vector<8x128xf32> to vector<1x128xf32>
    %add3A_600 = arith.constant 640 : i32
    %add3A_601 = vector.broadcast %add3A_600 : i32 to vector<1x128xi32>
    %add3A_602 = arith.addi %add3A_601, %iota3A_60 : vector<1x128xi32>
    %gt3A_603 = vector.broadcast %slice3A_599 : vector<1x128xf32> to vector<128x128xf32>
    %gt3A_604 = vector.broadcast %broadcast_in_dim3A_508 : vector<128x1xf32> to vector<128x128xf32>
    %gt3A_605 = arith.cmpf ogt, %gt3A_603, %gt3A_604 : vector<128x128xf32>
    %eq3A_606 = vector.broadcast %slice3A_599 : vector<1x128xf32> to vector<128x128xf32>
    %eq3A_607 = vector.broadcast %broadcast_in_dim3A_508 : vector<128x1xf32> to vector<128x128xf32>
    %eq3A_608 = arith.cmpf oeq, %eq3A_606, %eq3A_607 : vector<128x128xf32>
    %lt3A_609 = vector.broadcast %add3A_602 : vector<1x128xi32> to vector<128x128xi32>
    %lt3A_610 = vector.broadcast %add3A_511 : vector<128x1xi32> to vector<128x128xi32>
    %lt3A_611 = arith.cmpi slt, %lt3A_609, %lt3A_610 : vector<128x128xi32>
    %and3A_612 = arith.andi %eq3A_608, %lt3A_611 : vector<128x128xi1>
    %or3A_613 = arith.ori %gt3A_605, %and3A_612 : vector<128x128xi1>
    %convert_element_type3A_614 = arith.extui %or3A_613 : vector<128x128xi1> to vector<128x128xi32>
    %add3A_615 = arith.addi %add3A_598, %convert_element_type3A_614 : vector<128x128xi32>
    %slice3A_616 = vector.extract_strided_slice %cond3A_57#2 {offsets = [6, 0], sizes = [1, 128], strides = [1, 1]} : vector<8x128xf32> to vector<1x128xf32>
    %add3A_617 = arith.constant 768 : i32
    %add3A_618 = vector.broadcast %add3A_617 : i32 to vector<1x128xi32>
    %add3A_619 = arith.addi %add3A_618, %iota3A_60 : vector<1x128xi32>
    %gt3A_620 = vector.broadcast %slice3A_616 : vector<1x128xf32> to vector<128x128xf32>
    %gt3A_621 = vector.broadcast %broadcast_in_dim3A_508 : vector<128x1xf32> to vector<128x128xf32>
    %gt3A_622 = arith.cmpf ogt, %gt3A_620, %gt3A_621 : vector<128x128xf32>
    %eq3A_623 = vector.broadcast %slice3A_616 : vector<1x128xf32> to vector<128x128xf32>
    %eq3A_624 = vector.broadcast %broadcast_in_dim3A_508 : vector<128x1xf32> to vector<128x128xf32>
    %eq3A_625 = arith.cmpf oeq, %eq3A_623, %eq3A_624 : vector<128x128xf32>
    %lt3A_626 = vector.broadcast %add3A_619 : vector<1x128xi32> to vector<128x128xi32>
    %lt3A_627 = vector.broadcast %add3A_511 : vector<128x1xi32> to vector<128x128xi32>
    %lt3A_628 = arith.cmpi slt, %lt3A_626, %lt3A_627 : vector<128x128xi32>
    %and3A_629 = arith.andi %eq3A_625, %lt3A_628 : vector<128x128xi1>
    %or3A_630 = arith.ori %gt3A_622, %and3A_629 : vector<128x128xi1>
    %convert_element_type3A_631 = arith.extui %or3A_630 : vector<128x128xi1> to vector<128x128xi32>
    %add3A_632 = arith.addi %add3A_615, %convert_element_type3A_631 : vector<128x128xi32>
    %slice3A_633 = vector.extract_strided_slice %cond3A_57#2 {offsets = [7, 0], sizes = [1, 128], strides = [1, 1]} : vector<8x128xf32> to vector<1x128xf32>
    %add3A_634 = arith.constant 896 : i32
    %add3A_635 = vector.broadcast %add3A_634 : i32 to vector<1x128xi32>
    %add3A_636 = arith.addi %add3A_635, %iota3A_60 : vector<1x128xi32>
    %gt3A_637 = vector.broadcast %slice3A_633 : vector<1x128xf32> to vector<128x128xf32>
    %gt3A_638 = vector.broadcast %broadcast_in_dim3A_508 : vector<128x1xf32> to vector<128x128xf32>
    %gt3A_639 = arith.cmpf ogt, %gt3A_637, %gt3A_638 : vector<128x128xf32>
    %eq3A_640 = vector.broadcast %slice3A_633 : vector<1x128xf32> to vector<128x128xf32>
    %eq3A_641 = vector.broadcast %broadcast_in_dim3A_508 : vector<128x1xf32> to vector<128x128xf32>
    %eq3A_642 = arith.cmpf oeq, %eq3A_640, %eq3A_641 : vector<128x128xf32>
    %lt3A_643 = vector.broadcast %add3A_636 : vector<1x128xi32> to vector<128x128xi32>
    %lt3A_644 = vector.broadcast %add3A_511 : vector<128x1xi32> to vector<128x128xi32>
    %lt3A_645 = arith.cmpi slt, %lt3A_643, %lt3A_644 : vector<128x128xi32>
    %and3A_646 = arith.andi %eq3A_642, %lt3A_645 : vector<128x128xi1>
    %or3A_647 = arith.ori %gt3A_639, %and3A_646 : vector<128x128xi1>
    %convert_element_type3A_648 = arith.extui %or3A_647 : vector<128x128xi1> to vector<128x128xi32>
    %add3A_649 = arith.addi %add3A_632, %convert_element_type3A_648 : vector<128x128xi32>
    %reduce_sum3A_650 = arith.constant dense<0> : vector<128xi32>
    %reduce_sum3A_651 = vector.multi_reduction <add>, %add3A_649, %reduce_sum3A_650 [1] : vector<128x128xi32> to vector<128xi32>
    %broadcast_in_dim3A_652 = vector.shape_cast %reduce_sum3A_651 : vector<128xi32> to vector<128x1xi32>
    %eq3A_653 = vector.broadcast %broadcast_in_dim3A_652 : vector<128x1xi32> to vector<128x128xi32>
    %eq3A_654 = vector.broadcast %iota3A_60 : vector<1x128xi32> to vector<128x128xi32>
    %eq3A_655 = arith.cmpi eq, %eq3A_653, %eq3A_654 : vector<128x128xi32>
    %convert_element_type3A_656 = arith.extui %eq3A_655 : vector<128x128xi1> to vector<128x128xi32>
    %convert_element_type3A_657 = arith.sitofp %convert_element_type3A_656 : vector<128x128xi32> to vector<128x128xf32>
    %slice3A_658 = vector.extract_strided_slice %bitcast_convert_type3A {offsets = [2, 0], sizes = [1, 128], strides = [1, 1]} : vector<8x128xi32> to vector<1x128xi32>
    %slice3A_659 = vector.extract_strided_slice %cond3A_57#0 {offsets = [2, 0], sizes = [1, 128], strides = [1, 1]} : vector<8x128xi32> to vector<1x128xi32>
    %shift_right_logical3A_660 = arith.constant 0 : i32
    %shift_right_logical3A_661 = vector.broadcast %shift_right_logical3A_660 : i32 to vector<1x128xi32>
    %shift_right_logical3A_662 = arith.shrui %slice3A_658, %shift_right_logical3A_661 : vector<1x128xi32>
    %and3A_663 = arith.constant 127 : i32
    %and3A_664 = vector.broadcast %and3A_663 : i32 to vector<1x128xi32>
    %and3A_665 = arith.andi %shift_right_logical3A_662, %and3A_664 : vector<1x128xi32>
    %shift_right_logical3A_666 = arith.constant 7 : i32
    %shift_right_logical3A_667 = vector.broadcast %shift_right_logical3A_666 : i32 to vector<1x128xi32>
    %shift_right_logical3A_668 = arith.shrui %slice3A_658, %shift_right_logical3A_667 : vector<1x128xi32>
    %and3A_669 = arith.constant 127 : i32
    %and3A_670 = vector.broadcast %and3A_669 : i32 to vector<1x128xi32>
    %and3A_671 = arith.andi %shift_right_logical3A_668, %and3A_670 : vector<1x128xi32>
    %shift_right_logical3A_672 = arith.constant 14 : i32
    %shift_right_logical3A_673 = vector.broadcast %shift_right_logical3A_672 : i32 to vector<1x128xi32>
    %shift_right_logical3A_674 = arith.shrui %slice3A_658, %shift_right_logical3A_673 : vector<1x128xi32>
    %and3A_675 = arith.constant 127 : i32
    %and3A_676 = vector.broadcast %and3A_675 : i32 to vector<1x128xi32>
    %and3A_677 = arith.andi %shift_right_logical3A_674, %and3A_676 : vector<1x128xi32>
    %shift_right_logical3A_678 = arith.constant 21 : i32
    %shift_right_logical3A_679 = vector.broadcast %shift_right_logical3A_678 : i32 to vector<1x128xi32>
    %shift_right_logical3A_680 = arith.shrui %slice3A_658, %shift_right_logical3A_679 : vector<1x128xi32>
    %and3A_681 = arith.constant 127 : i32
    %and3A_682 = vector.broadcast %and3A_681 : i32 to vector<1x128xi32>
    %and3A_683 = arith.andi %shift_right_logical3A_680, %and3A_682 : vector<1x128xi32>
    %shift_right_logical3A_684 = arith.constant 28 : i32
    %shift_right_logical3A_685 = vector.broadcast %shift_right_logical3A_684 : i32 to vector<1x128xi32>
    %shift_right_logical3A_686 = arith.shrui %slice3A_658, %shift_right_logical3A_685 : vector<1x128xi32>
    %and3A_687 = arith.constant 15 : i32
    %and3A_688 = vector.broadcast %and3A_687 : i32 to vector<1x128xi32>
    %and3A_689 = arith.andi %shift_right_logical3A_686, %and3A_688 : vector<1x128xi32>
    %and3A_690 = arith.constant 127 : i32
    %and3A_691 = vector.broadcast %and3A_690 : i32 to vector<1x128xi32>
    %and3A_692 = arith.andi %slice3A_659, %and3A_691 : vector<1x128xi32>
    %shift_right_logical3A_693 = arith.constant 7 : i32
    %shift_right_logical3A_694 = vector.broadcast %shift_right_logical3A_693 : i32 to vector<1x128xi32>
    %shift_right_logical3A_695 = arith.shrui %slice3A_659, %shift_right_logical3A_694 : vector<1x128xi32>
    %and3A_696 = arith.constant 127 : i32
    %and3A_697 = vector.broadcast %and3A_696 : i32 to vector<1x128xi32>
    %and3A_698 = arith.andi %shift_right_logical3A_695, %and3A_697 : vector<1x128xi32>
    %shift_right_logical3A_699 = arith.constant 14 : i32
    %shift_right_logical3A_700 = vector.broadcast %shift_right_logical3A_699 : i32 to vector<1x128xi32>
    %shift_right_logical3A_701 = arith.shrui %slice3A_659, %shift_right_logical3A_700 : vector<1x128xi32>
    %and3A_702 = arith.constant 127 : i32
    %and3A_703 = vector.broadcast %and3A_702 : i32 to vector<1x128xi32>
    %and3A_704 = arith.andi %shift_right_logical3A_701, %and3A_703 : vector<1x128xi32>
    %slice3A_705 = vector.extract_strided_slice %cond3A_57#1 {offsets = [2, 0], sizes = [1, 128], strides = [1, 1]} : vector<8x128xi32> to vector<1x128xi32>
    %broadcast_in_dim3A_706 = arith.constant 2 : i32
    %broadcast_in_dim3A_707 = vector.broadcast %broadcast_in_dim3A_706 : i32 to vector<1x128xi32>
    %convert_element_type3A_708 = arith.sitofp %and3A_665 : vector<1x128xi32> to vector<1x128xf32>
    %convert_element_type3A_709 = arith.sitofp %and3A_671 : vector<1x128xi32> to vector<1x128xf32>
    %convert_element_type3A_710 = arith.sitofp %and3A_677 : vector<1x128xi32> to vector<1x128xf32>
    %convert_element_type3A_711 = arith.sitofp %and3A_683 : vector<1x128xi32> to vector<1x128xf32>
    %convert_element_type3A_712 = arith.sitofp %and3A_689 : vector<1x128xi32> to vector<1x128xf32>
    %convert_element_type3A_713 = arith.sitofp %and3A_692 : vector<1x128xi32> to vector<1x128xf32>
    %convert_element_type3A_714 = arith.sitofp %and3A_698 : vector<1x128xi32> to vector<1x128xf32>
    %convert_element_type3A_715 = arith.sitofp %and3A_704 : vector<1x128xi32> to vector<1x128xf32>
    %convert_element_type3A_716 = arith.sitofp %slice3A_705 : vector<1x128xi32> to vector<1x128xf32>
    %convert_element_type3A_717 = arith.sitofp %broadcast_in_dim3A_707 : vector<1x128xi32> to vector<1x128xf32>
    %concatenate3A_718 = tpu.concatenate %convert_element_type3A_708, %convert_element_type3A_709, %convert_element_type3A_710, %convert_element_type3A_711, %convert_element_type3A_712, %convert_element_type3A_713, %convert_element_type3A_714, %convert_element_type3A_715, %convert_element_type3A_716, %convert_element_type3A_717 in 0 : vector<1x128xf32>, vector<1x128xf32>, vector<1x128xf32>, vector<1x128xf32>, vector<1x128xf32>, vector<1x128xf32>, vector<1x128xf32>, vector<1x128xf32>, vector<1x128xf32>, vector<1x128xf32> -> vector<10x128xf32>
    %dot_general3A_719 = arith.constant dense<0.000000e+00> : vector<10x128xf32>
    %dot_general3A_720 = tpu.matmul %concatenate3A_718, %convert_element_type3A_657, %dot_general3A_719 {dimension_numbers = #tpu.dot_dimension_numbers<[1], [0], [0], [1], [0, 0, 1, 1], [], []>, transpose_lhs_hint = false} : vector<10x128xf32>, vector<128x128xf32>, vector<10x128xf32> -> vector<10x128xf32>
    %add3A_721 = arith.addf %add3A_499, %dot_general3A_720 : vector<10x128xf32>
    %slice3A_722 = vector.extract_strided_slice %cond3A_57#2 {offsets = [3, 0], sizes = [1, 128], strides = [1, 1]} : vector<8x128xf32> to vector<1x128xf32>
    %broadcast_in_dim3A_723 = vector.shape_cast %slice3A_722 : vector<1x128xf32> to vector<1x128xf32>
    %broadcast_in_dim3A_724 = vector.broadcast %broadcast_in_dim3A_723 : vector<1x128xf32> to vector<128x128xf32>
    %jit3A_725 = arith.constant -1.000000e+30 : f32
    %broadcast_in_dim3A_726 = vector.broadcast %jit3A_725 : f32 to vector<128x128xf32>
    %select_n3A_727 = arith.select %eq3A, %broadcast_in_dim3A_724, %broadcast_in_dim3A_726 : vector<128x128xi1>, vector<128x128xf32>
    %reduce_max3A_728 = arith.constant dense<0xFF800000> : vector<128xf32>
    %reduce_max3A_729 = vector.multi_reduction <maximumf>, %select_n3A_727, %reduce_max3A_728 [1] : vector<128x128xf32> to vector<128xf32>
    %broadcast_in_dim3A_730 = vector.shape_cast %reduce_max3A_729 : vector<128xf32> to vector<128x1xf32>
    %add3A_731 = arith.constant 384 : i32
    %add3A_732 = vector.broadcast %add3A_731 : i32 to vector<128x1xi32>
    %add3A_733 = arith.addi %add3A_732, %iota3A_61 : vector<128x1xi32>
    %broadcast_in_dim3A_734 = arith.constant 0 : i32
    %broadcast_in_dim3A_735 = vector.broadcast %broadcast_in_dim3A_734 : i32 to vector<128x128xi32>
    %slice3A_736 = vector.extract_strided_slice %cond3A_57#2 {offsets = [0, 0], sizes = [1, 128], strides = [1, 1]} : vector<8x128xf32> to vector<1x128xf32>
    %add3A_737 = arith.constant 0 : i32
    %add3A_738 = vector.broadcast %add3A_737 : i32 to vector<1x128xi32>
    %add3A_739 = arith.addi %add3A_738, %iota3A_60 : vector<1x128xi32>
    %gt3A_740 = vector.broadcast %slice3A_736 : vector<1x128xf32> to vector<128x128xf32>
    %gt3A_741 = vector.broadcast %broadcast_in_dim3A_730 : vector<128x1xf32> to vector<128x128xf32>
    %gt3A_742 = arith.cmpf ogt, %gt3A_740, %gt3A_741 : vector<128x128xf32>
    %eq3A_743 = vector.broadcast %slice3A_736 : vector<1x128xf32> to vector<128x128xf32>
    %eq3A_744 = vector.broadcast %broadcast_in_dim3A_730 : vector<128x1xf32> to vector<128x128xf32>
    %eq3A_745 = arith.cmpf oeq, %eq3A_743, %eq3A_744 : vector<128x128xf32>
    %lt3A_746 = vector.broadcast %add3A_739 : vector<1x128xi32> to vector<128x128xi32>
    %lt3A_747 = vector.broadcast %add3A_733 : vector<128x1xi32> to vector<128x128xi32>
    %lt3A_748 = arith.cmpi slt, %lt3A_746, %lt3A_747 : vector<128x128xi32>
    %and3A_749 = arith.andi %eq3A_745, %lt3A_748 : vector<128x128xi1>
    %or3A_750 = arith.ori %gt3A_742, %and3A_749 : vector<128x128xi1>
    %convert_element_type3A_751 = arith.extui %or3A_750 : vector<128x128xi1> to vector<128x128xi32>
    %add3A_752 = arith.addi %broadcast_in_dim3A_735, %convert_element_type3A_751 : vector<128x128xi32>
    %slice3A_753 = vector.extract_strided_slice %cond3A_57#2 {offsets = [1, 0], sizes = [1, 128], strides = [1, 1]} : vector<8x128xf32> to vector<1x128xf32>
    %add3A_754 = arith.constant 128 : i32
    %add3A_755 = vector.broadcast %add3A_754 : i32 to vector<1x128xi32>
    %add3A_756 = arith.addi %add3A_755, %iota3A_60 : vector<1x128xi32>
    %gt3A_757 = vector.broadcast %slice3A_753 : vector<1x128xf32> to vector<128x128xf32>
    %gt3A_758 = vector.broadcast %broadcast_in_dim3A_730 : vector<128x1xf32> to vector<128x128xf32>
    %gt3A_759 = arith.cmpf ogt, %gt3A_757, %gt3A_758 : vector<128x128xf32>
    %eq3A_760 = vector.broadcast %slice3A_753 : vector<1x128xf32> to vector<128x128xf32>
    %eq3A_761 = vector.broadcast %broadcast_in_dim3A_730 : vector<128x1xf32> to vector<128x128xf32>
    %eq3A_762 = arith.cmpf oeq, %eq3A_760, %eq3A_761 : vector<128x128xf32>
    %lt3A_763 = vector.broadcast %add3A_756 : vector<1x128xi32> to vector<128x128xi32>
    %lt3A_764 = vector.broadcast %add3A_733 : vector<128x1xi32> to vector<128x128xi32>
    %lt3A_765 = arith.cmpi slt, %lt3A_763, %lt3A_764 : vector<128x128xi32>
    %and3A_766 = arith.andi %eq3A_762, %lt3A_765 : vector<128x128xi1>
    %or3A_767 = arith.ori %gt3A_759, %and3A_766 : vector<128x128xi1>
    %convert_element_type3A_768 = arith.extui %or3A_767 : vector<128x128xi1> to vector<128x128xi32>
    %add3A_769 = arith.addi %add3A_752, %convert_element_type3A_768 : vector<128x128xi32>
    %slice3A_770 = vector.extract_strided_slice %cond3A_57#2 {offsets = [2, 0], sizes = [1, 128], strides = [1, 1]} : vector<8x128xf32> to vector<1x128xf32>
    %add3A_771 = arith.constant 256 : i32
    %add3A_772 = vector.broadcast %add3A_771 : i32 to vector<1x128xi32>
    %add3A_773 = arith.addi %add3A_772, %iota3A_60 : vector<1x128xi32>
    %gt3A_774 = vector.broadcast %slice3A_770 : vector<1x128xf32> to vector<128x128xf32>
    %gt3A_775 = vector.broadcast %broadcast_in_dim3A_730 : vector<128x1xf32> to vector<128x128xf32>
    %gt3A_776 = arith.cmpf ogt, %gt3A_774, %gt3A_775 : vector<128x128xf32>
    %eq3A_777 = vector.broadcast %slice3A_770 : vector<1x128xf32> to vector<128x128xf32>
    %eq3A_778 = vector.broadcast %broadcast_in_dim3A_730 : vector<128x1xf32> to vector<128x128xf32>
    %eq3A_779 = arith.cmpf oeq, %eq3A_777, %eq3A_778 : vector<128x128xf32>
    %lt3A_780 = vector.broadcast %add3A_773 : vector<1x128xi32> to vector<128x128xi32>
    %lt3A_781 = vector.broadcast %add3A_733 : vector<128x1xi32> to vector<128x128xi32>
    %lt3A_782 = arith.cmpi slt, %lt3A_780, %lt3A_781 : vector<128x128xi32>
    %and3A_783 = arith.andi %eq3A_779, %lt3A_782 : vector<128x128xi1>
    %or3A_784 = arith.ori %gt3A_776, %and3A_783 : vector<128x128xi1>
    %convert_element_type3A_785 = arith.extui %or3A_784 : vector<128x128xi1> to vector<128x128xi32>
    %add3A_786 = arith.addi %add3A_769, %convert_element_type3A_785 : vector<128x128xi32>
    %slice3A_787 = vector.extract_strided_slice %cond3A_57#2 {offsets = [3, 0], sizes = [1, 128], strides = [1, 1]} : vector<8x128xf32> to vector<1x128xf32>
    %add3A_788 = arith.constant 384 : i32
    %add3A_789 = vector.broadcast %add3A_788 : i32 to vector<1x128xi32>
    %add3A_790 = arith.addi %add3A_789, %iota3A_60 : vector<1x128xi32>
    %gt3A_791 = vector.broadcast %slice3A_787 : vector<1x128xf32> to vector<128x128xf32>
    %gt3A_792 = vector.broadcast %broadcast_in_dim3A_730 : vector<128x1xf32> to vector<128x128xf32>
    %gt3A_793 = arith.cmpf ogt, %gt3A_791, %gt3A_792 : vector<128x128xf32>
    %eq3A_794 = vector.broadcast %slice3A_787 : vector<1x128xf32> to vector<128x128xf32>
    %eq3A_795 = vector.broadcast %broadcast_in_dim3A_730 : vector<128x1xf32> to vector<128x128xf32>
    %eq3A_796 = arith.cmpf oeq, %eq3A_794, %eq3A_795 : vector<128x128xf32>
    %lt3A_797 = vector.broadcast %add3A_790 : vector<1x128xi32> to vector<128x128xi32>
    %lt3A_798 = vector.broadcast %add3A_733 : vector<128x1xi32> to vector<128x128xi32>
    %lt3A_799 = arith.cmpi slt, %lt3A_797, %lt3A_798 : vector<128x128xi32>
    %and3A_800 = arith.andi %eq3A_796, %lt3A_799 : vector<128x128xi1>
    %or3A_801 = arith.ori %gt3A_793, %and3A_800 : vector<128x128xi1>
    %convert_element_type3A_802 = arith.extui %or3A_801 : vector<128x128xi1> to vector<128x128xi32>
    %add3A_803 = arith.addi %add3A_786, %convert_element_type3A_802 : vector<128x128xi32>
    %slice3A_804 = vector.extract_strided_slice %cond3A_57#2 {offsets = [4, 0], sizes = [1, 128], strides = [1, 1]} : vector<8x128xf32> to vector<1x128xf32>
    %add3A_805 = arith.constant 512 : i32
    %add3A_806 = vector.broadcast %add3A_805 : i32 to vector<1x128xi32>
    %add3A_807 = arith.addi %add3A_806, %iota3A_60 : vector<1x128xi32>
    %gt3A_808 = vector.broadcast %slice3A_804 : vector<1x128xf32> to vector<128x128xf32>
    %gt3A_809 = vector.broadcast %broadcast_in_dim3A_730 : vector<128x1xf32> to vector<128x128xf32>
    %gt3A_810 = arith.cmpf ogt, %gt3A_808, %gt3A_809 : vector<128x128xf32>
    %eq3A_811 = vector.broadcast %slice3A_804 : vector<1x128xf32> to vector<128x128xf32>
    %eq3A_812 = vector.broadcast %broadcast_in_dim3A_730 : vector<128x1xf32> to vector<128x128xf32>
    %eq3A_813 = arith.cmpf oeq, %eq3A_811, %eq3A_812 : vector<128x128xf32>
    %lt3A_814 = vector.broadcast %add3A_807 : vector<1x128xi32> to vector<128x128xi32>
    %lt3A_815 = vector.broadcast %add3A_733 : vector<128x1xi32> to vector<128x128xi32>
    %lt3A_816 = arith.cmpi slt, %lt3A_814, %lt3A_815 : vector<128x128xi32>
    %and3A_817 = arith.andi %eq3A_813, %lt3A_816 : vector<128x128xi1>
    %or3A_818 = arith.ori %gt3A_810, %and3A_817 : vector<128x128xi1>
    %convert_element_type3A_819 = arith.extui %or3A_818 : vector<128x128xi1> to vector<128x128xi32>
    %add3A_820 = arith.addi %add3A_803, %convert_element_type3A_819 : vector<128x128xi32>
    %slice3A_821 = vector.extract_strided_slice %cond3A_57#2 {offsets = [5, 0], sizes = [1, 128], strides = [1, 1]} : vector<8x128xf32> to vector<1x128xf32>
    %add3A_822 = arith.constant 640 : i32
    %add3A_823 = vector.broadcast %add3A_822 : i32 to vector<1x128xi32>
    %add3A_824 = arith.addi %add3A_823, %iota3A_60 : vector<1x128xi32>
    %gt3A_825 = vector.broadcast %slice3A_821 : vector<1x128xf32> to vector<128x128xf32>
    %gt3A_826 = vector.broadcast %broadcast_in_dim3A_730 : vector<128x1xf32> to vector<128x128xf32>
    %gt3A_827 = arith.cmpf ogt, %gt3A_825, %gt3A_826 : vector<128x128xf32>
    %eq3A_828 = vector.broadcast %slice3A_821 : vector<1x128xf32> to vector<128x128xf32>
    %eq3A_829 = vector.broadcast %broadcast_in_dim3A_730 : vector<128x1xf32> to vector<128x128xf32>
    %eq3A_830 = arith.cmpf oeq, %eq3A_828, %eq3A_829 : vector<128x128xf32>
    %lt3A_831 = vector.broadcast %add3A_824 : vector<1x128xi32> to vector<128x128xi32>
    %lt3A_832 = vector.broadcast %add3A_733 : vector<128x1xi32> to vector<128x128xi32>
    %lt3A_833 = arith.cmpi slt, %lt3A_831, %lt3A_832 : vector<128x128xi32>
    %and3A_834 = arith.andi %eq3A_830, %lt3A_833 : vector<128x128xi1>
    %or3A_835 = arith.ori %gt3A_827, %and3A_834 : vector<128x128xi1>
    %convert_element_type3A_836 = arith.extui %or3A_835 : vector<128x128xi1> to vector<128x128xi32>
    %add3A_837 = arith.addi %add3A_820, %convert_element_type3A_836 : vector<128x128xi32>
    %slice3A_838 = vector.extract_strided_slice %cond3A_57#2 {offsets = [6, 0], sizes = [1, 128], strides = [1, 1]} : vector<8x128xf32> to vector<1x128xf32>
    %add3A_839 = arith.constant 768 : i32
    %add3A_840 = vector.broadcast %add3A_839 : i32 to vector<1x128xi32>
    %add3A_841 = arith.addi %add3A_840, %iota3A_60 : vector<1x128xi32>
    %gt3A_842 = vector.broadcast %slice3A_838 : vector<1x128xf32> to vector<128x128xf32>
    %gt3A_843 = vector.broadcast %broadcast_in_dim3A_730 : vector<128x1xf32> to vector<128x128xf32>
    %gt3A_844 = arith.cmpf ogt, %gt3A_842, %gt3A_843 : vector<128x128xf32>
    %eq3A_845 = vector.broadcast %slice3A_838 : vector<1x128xf32> to vector<128x128xf32>
    %eq3A_846 = vector.broadcast %broadcast_in_dim3A_730 : vector<128x1xf32> to vector<128x128xf32>
    %eq3A_847 = arith.cmpf oeq, %eq3A_845, %eq3A_846 : vector<128x128xf32>
    %lt3A_848 = vector.broadcast %add3A_841 : vector<1x128xi32> to vector<128x128xi32>
    %lt3A_849 = vector.broadcast %add3A_733 : vector<128x1xi32> to vector<128x128xi32>
    %lt3A_850 = arith.cmpi slt, %lt3A_848, %lt3A_849 : vector<128x128xi32>
    %and3A_851 = arith.andi %eq3A_847, %lt3A_850 : vector<128x128xi1>
    %or3A_852 = arith.ori %gt3A_844, %and3A_851 : vector<128x128xi1>
    %convert_element_type3A_853 = arith.extui %or3A_852 : vector<128x128xi1> to vector<128x128xi32>
    %add3A_854 = arith.addi %add3A_837, %convert_element_type3A_853 : vector<128x128xi32>
    %slice3A_855 = vector.extract_strided_slice %cond3A_57#2 {offsets = [7, 0], sizes = [1, 128], strides = [1, 1]} : vector<8x128xf32> to vector<1x128xf32>
    %add3A_856 = arith.constant 896 : i32
    %add3A_857 = vector.broadcast %add3A_856 : i32 to vector<1x128xi32>
    %add3A_858 = arith.addi %add3A_857, %iota3A_60 : vector<1x128xi32>
    %gt3A_859 = vector.broadcast %slice3A_855 : vector<1x128xf32> to vector<128x128xf32>
    %gt3A_860 = vector.broadcast %broadcast_in_dim3A_730 : vector<128x1xf32> to vector<128x128xf32>
    %gt3A_861 = arith.cmpf ogt, %gt3A_859, %gt3A_860 : vector<128x128xf32>
    %eq3A_862 = vector.broadcast %slice3A_855 : vector<1x128xf32> to vector<128x128xf32>
    %eq3A_863 = vector.broadcast %broadcast_in_dim3A_730 : vector<128x1xf32> to vector<128x128xf32>
    %eq3A_864 = arith.cmpf oeq, %eq3A_862, %eq3A_863 : vector<128x128xf32>
    %lt3A_865 = vector.broadcast %add3A_858 : vector<1x128xi32> to vector<128x128xi32>
    %lt3A_866 = vector.broadcast %add3A_733 : vector<128x1xi32> to vector<128x128xi32>
    %lt3A_867 = arith.cmpi slt, %lt3A_865, %lt3A_866 : vector<128x128xi32>
    %and3A_868 = arith.andi %eq3A_864, %lt3A_867 : vector<128x128xi1>
    %or3A_869 = arith.ori %gt3A_861, %and3A_868 : vector<128x128xi1>
    %convert_element_type3A_870 = arith.extui %or3A_869 : vector<128x128xi1> to vector<128x128xi32>
    %add3A_871 = arith.addi %add3A_854, %convert_element_type3A_870 : vector<128x128xi32>
    %reduce_sum3A_872 = arith.constant dense<0> : vector<128xi32>
    %reduce_sum3A_873 = vector.multi_reduction <add>, %add3A_871, %reduce_sum3A_872 [1] : vector<128x128xi32> to vector<128xi32>
    %broadcast_in_dim3A_874 = vector.shape_cast %reduce_sum3A_873 : vector<128xi32> to vector<128x1xi32>
    %eq3A_875 = vector.broadcast %broadcast_in_dim3A_874 : vector<128x1xi32> to vector<128x128xi32>
    %eq3A_876 = vector.broadcast %iota3A_60 : vector<1x128xi32> to vector<128x128xi32>
    %eq3A_877 = arith.cmpi eq, %eq3A_875, %eq3A_876 : vector<128x128xi32>
    %convert_element_type3A_878 = arith.extui %eq3A_877 : vector<128x128xi1> to vector<128x128xi32>
    %convert_element_type3A_879 = arith.sitofp %convert_element_type3A_878 : vector<128x128xi32> to vector<128x128xf32>
    %slice3A_880 = vector.extract_strided_slice %bitcast_convert_type3A {offsets = [3, 0], sizes = [1, 128], strides = [1, 1]} : vector<8x128xi32> to vector<1x128xi32>
    %slice3A_881 = vector.extract_strided_slice %cond3A_57#0 {offsets = [3, 0], sizes = [1, 128], strides = [1, 1]} : vector<8x128xi32> to vector<1x128xi32>
    %shift_right_logical3A_882 = arith.constant 0 : i32
    %shift_right_logical3A_883 = vector.broadcast %shift_right_logical3A_882 : i32 to vector<1x128xi32>
    %shift_right_logical3A_884 = arith.shrui %slice3A_880, %shift_right_logical3A_883 : vector<1x128xi32>
    %and3A_885 = arith.constant 127 : i32
    %and3A_886 = vector.broadcast %and3A_885 : i32 to vector<1x128xi32>
    %and3A_887 = arith.andi %shift_right_logical3A_884, %and3A_886 : vector<1x128xi32>
    %shift_right_logical3A_888 = arith.constant 7 : i32
    %shift_right_logical3A_889 = vector.broadcast %shift_right_logical3A_888 : i32 to vector<1x128xi32>
    %shift_right_logical3A_890 = arith.shrui %slice3A_880, %shift_right_logical3A_889 : vector<1x128xi32>
    %and3A_891 = arith.constant 127 : i32
    %and3A_892 = vector.broadcast %and3A_891 : i32 to vector<1x128xi32>
    %and3A_893 = arith.andi %shift_right_logical3A_890, %and3A_892 : vector<1x128xi32>
    %shift_right_logical3A_894 = arith.constant 14 : i32
    %shift_right_logical3A_895 = vector.broadcast %shift_right_logical3A_894 : i32 to vector<1x128xi32>
    %shift_right_logical3A_896 = arith.shrui %slice3A_880, %shift_right_logical3A_895 : vector<1x128xi32>
    %and3A_897 = arith.constant 127 : i32
    %and3A_898 = vector.broadcast %and3A_897 : i32 to vector<1x128xi32>
    %and3A_899 = arith.andi %shift_right_logical3A_896, %and3A_898 : vector<1x128xi32>
    %shift_right_logical3A_900 = arith.constant 21 : i32
    %shift_right_logical3A_901 = vector.broadcast %shift_right_logical3A_900 : i32 to vector<1x128xi32>
    %shift_right_logical3A_902 = arith.shrui %slice3A_880, %shift_right_logical3A_901 : vector<1x128xi32>
    %and3A_903 = arith.constant 127 : i32
    %and3A_904 = vector.broadcast %and3A_903 : i32 to vector<1x128xi32>
    %and3A_905 = arith.andi %shift_right_logical3A_902, %and3A_904 : vector<1x128xi32>
    %shift_right_logical3A_906 = arith.constant 28 : i32
    %shift_right_logical3A_907 = vector.broadcast %shift_right_logical3A_906 : i32 to vector<1x128xi32>
    %shift_right_logical3A_908 = arith.shrui %slice3A_880, %shift_right_logical3A_907 : vector<1x128xi32>
    %and3A_909 = arith.constant 15 : i32
    %and3A_910 = vector.broadcast %and3A_909 : i32 to vector<1x128xi32>
    %and3A_911 = arith.andi %shift_right_logical3A_908, %and3A_910 : vector<1x128xi32>
    %and3A_912 = arith.constant 127 : i32
    %and3A_913 = vector.broadcast %and3A_912 : i32 to vector<1x128xi32>
    %and3A_914 = arith.andi %slice3A_881, %and3A_913 : vector<1x128xi32>
    %shift_right_logical3A_915 = arith.constant 7 : i32
    %shift_right_logical3A_916 = vector.broadcast %shift_right_logical3A_915 : i32 to vector<1x128xi32>
    %shift_right_logical3A_917 = arith.shrui %slice3A_881, %shift_right_logical3A_916 : vector<1x128xi32>
    %and3A_918 = arith.constant 127 : i32
    %and3A_919 = vector.broadcast %and3A_918 : i32 to vector<1x128xi32>
    %and3A_920 = arith.andi %shift_right_logical3A_917, %and3A_919 : vector<1x128xi32>
    %shift_right_logical3A_921 = arith.constant 14 : i32
    %shift_right_logical3A_922 = vector.broadcast %shift_right_logical3A_921 : i32 to vector<1x128xi32>
    %shift_right_logical3A_923 = arith.shrui %slice3A_881, %shift_right_logical3A_922 : vector<1x128xi32>
    %and3A_924 = arith.constant 127 : i32
    %and3A_925 = vector.broadcast %and3A_924 : i32 to vector<1x128xi32>
    %and3A_926 = arith.andi %shift_right_logical3A_923, %and3A_925 : vector<1x128xi32>
    %slice3A_927 = vector.extract_strided_slice %cond3A_57#1 {offsets = [3, 0], sizes = [1, 128], strides = [1, 1]} : vector<8x128xi32> to vector<1x128xi32>
    %broadcast_in_dim3A_928 = arith.constant 3 : i32
    %broadcast_in_dim3A_929 = vector.broadcast %broadcast_in_dim3A_928 : i32 to vector<1x128xi32>
    %convert_element_type3A_930 = arith.sitofp %and3A_887 : vector<1x128xi32> to vector<1x128xf32>
    %convert_element_type3A_931 = arith.sitofp %and3A_893 : vector<1x128xi32> to vector<1x128xf32>
    %convert_element_type3A_932 = arith.sitofp %and3A_899 : vector<1x128xi32> to vector<1x128xf32>
    %convert_element_type3A_933 = arith.sitofp %and3A_905 : vector<1x128xi32> to vector<1x128xf32>
    %convert_element_type3A_934 = arith.sitofp %and3A_911 : vector<1x128xi32> to vector<1x128xf32>
    %convert_element_type3A_935 = arith.sitofp %and3A_914 : vector<1x128xi32> to vector<1x128xf32>
    %convert_element_type3A_936 = arith.sitofp %and3A_920 : vector<1x128xi32> to vector<1x128xf32>
    %convert_element_type3A_937 = arith.sitofp %and3A_926 : vector<1x128xi32> to vector<1x128xf32>
    %convert_element_type3A_938 = arith.sitofp %slice3A_927 : vector<1x128xi32> to vector<1x128xf32>
    %convert_element_type3A_939 = arith.sitofp %broadcast_in_dim3A_929 : vector<1x128xi32> to vector<1x128xf32>
    %concatenate3A_940 = tpu.concatenate %convert_element_type3A_930, %convert_element_type3A_931, %convert_element_type3A_932, %convert_element_type3A_933, %convert_element_type3A_934, %convert_element_type3A_935, %convert_element_type3A_936, %convert_element_type3A_937, %convert_element_type3A_938, %convert_element_type3A_939 in 0 : vector<1x128xf32>, vector<1x128xf32>, vector<1x128xf32>, vector<1x128xf32>, vector<1x128xf32>, vector<1x128xf32>, vector<1x128xf32>, vector<1x128xf32>, vector<1x128xf32>, vector<1x128xf32> -> vector<10x128xf32>
    %dot_general3A_941 = arith.constant dense<0.000000e+00> : vector<10x128xf32>
    %dot_general3A_942 = tpu.matmul %concatenate3A_940, %convert_element_type3A_879, %dot_general3A_941 {dimension_numbers = #tpu.dot_dimension_numbers<[1], [0], [0], [1], [0, 0, 1, 1], [], []>, transpose_lhs_hint = false} : vector<10x128xf32>, vector<128x128xf32>, vector<10x128xf32> -> vector<10x128xf32>
    %add3A_943 = arith.addf %add3A_721, %dot_general3A_942 : vector<10x128xf32>
    %slice3A_944 = vector.extract_strided_slice %cond3A_57#2 {offsets = [4, 0], sizes = [1, 128], strides = [1, 1]} : vector<8x128xf32> to vector<1x128xf32>
    %broadcast_in_dim3A_945 = vector.shape_cast %slice3A_944 : vector<1x128xf32> to vector<1x128xf32>
    %broadcast_in_dim3A_946 = vector.broadcast %broadcast_in_dim3A_945 : vector<1x128xf32> to vector<128x128xf32>
    %jit3A_947 = arith.constant -1.000000e+30 : f32
    %broadcast_in_dim3A_948 = vector.broadcast %jit3A_947 : f32 to vector<128x128xf32>
    %select_n3A_949 = arith.select %eq3A, %broadcast_in_dim3A_946, %broadcast_in_dim3A_948 : vector<128x128xi1>, vector<128x128xf32>
    %reduce_max3A_950 = arith.constant dense<0xFF800000> : vector<128xf32>
    %reduce_max3A_951 = vector.multi_reduction <maximumf>, %select_n3A_949, %reduce_max3A_950 [1] : vector<128x128xf32> to vector<128xf32>
    %broadcast_in_dim3A_952 = vector.shape_cast %reduce_max3A_951 : vector<128xf32> to vector<128x1xf32>
    %add3A_953 = arith.constant 512 : i32
    %add3A_954 = vector.broadcast %add3A_953 : i32 to vector<128x1xi32>
    %add3A_955 = arith.addi %add3A_954, %iota3A_61 : vector<128x1xi32>
    %broadcast_in_dim3A_956 = arith.constant 0 : i32
    %broadcast_in_dim3A_957 = vector.broadcast %broadcast_in_dim3A_956 : i32 to vector<128x128xi32>
    %slice3A_958 = vector.extract_strided_slice %cond3A_57#2 {offsets = [0, 0], sizes = [1, 128], strides = [1, 1]} : vector<8x128xf32> to vector<1x128xf32>
    %add3A_959 = arith.constant 0 : i32
    %add3A_960 = vector.broadcast %add3A_959 : i32 to vector<1x128xi32>
    %add3A_961 = arith.addi %add3A_960, %iota3A_60 : vector<1x128xi32>
    %gt3A_962 = vector.broadcast %slice3A_958 : vector<1x128xf32> to vector<128x128xf32>
    %gt3A_963 = vector.broadcast %broadcast_in_dim3A_952 : vector<128x1xf32> to vector<128x128xf32>
    %gt3A_964 = arith.cmpf ogt, %gt3A_962, %gt3A_963 : vector<128x128xf32>
    %eq3A_965 = vector.broadcast %slice3A_958 : vector<1x128xf32> to vector<128x128xf32>
    %eq3A_966 = vector.broadcast %broadcast_in_dim3A_952 : vector<128x1xf32> to vector<128x128xf32>
    %eq3A_967 = arith.cmpf oeq, %eq3A_965, %eq3A_966 : vector<128x128xf32>
    %lt3A_968 = vector.broadcast %add3A_961 : vector<1x128xi32> to vector<128x128xi32>
    %lt3A_969 = vector.broadcast %add3A_955 : vector<128x1xi32> to vector<128x128xi32>
    %lt3A_970 = arith.cmpi slt, %lt3A_968, %lt3A_969 : vector<128x128xi32>
    %and3A_971 = arith.andi %eq3A_967, %lt3A_970 : vector<128x128xi1>
    %or3A_972 = arith.ori %gt3A_964, %and3A_971 : vector<128x128xi1>
    %convert_element_type3A_973 = arith.extui %or3A_972 : vector<128x128xi1> to vector<128x128xi32>
    %add3A_974 = arith.addi %broadcast_in_dim3A_957, %convert_element_type3A_973 : vector<128x128xi32>
    %slice3A_975 = vector.extract_strided_slice %cond3A_57#2 {offsets = [1, 0], sizes = [1, 128], strides = [1, 1]} : vector<8x128xf32> to vector<1x128xf32>
    %add3A_976 = arith.constant 128 : i32
    %add3A_977 = vector.broadcast %add3A_976 : i32 to vector<1x128xi32>
    %add3A_978 = arith.addi %add3A_977, %iota3A_60 : vector<1x128xi32>
    %gt3A_979 = vector.broadcast %slice3A_975 : vector<1x128xf32> to vector<128x128xf32>
    %gt3A_980 = vector.broadcast %broadcast_in_dim3A_952 : vector<128x1xf32> to vector<128x128xf32>
    %gt3A_981 = arith.cmpf ogt, %gt3A_979, %gt3A_980 : vector<128x128xf32>
    %eq3A_982 = vector.broadcast %slice3A_975 : vector<1x128xf32> to vector<128x128xf32>
    %eq3A_983 = vector.broadcast %broadcast_in_dim3A_952 : vector<128x1xf32> to vector<128x128xf32>
    %eq3A_984 = arith.cmpf oeq, %eq3A_982, %eq3A_983 : vector<128x128xf32>
    %lt3A_985 = vector.broadcast %add3A_978 : vector<1x128xi32> to vector<128x128xi32>
    %lt3A_986 = vector.broadcast %add3A_955 : vector<128x1xi32> to vector<128x128xi32>
    %lt3A_987 = arith.cmpi slt, %lt3A_985, %lt3A_986 : vector<128x128xi32>
    %and3A_988 = arith.andi %eq3A_984, %lt3A_987 : vector<128x128xi1>
    %or3A_989 = arith.ori %gt3A_981, %and3A_988 : vector<128x128xi1>
    %convert_element_type3A_990 = arith.extui %or3A_989 : vector<128x128xi1> to vector<128x128xi32>
    %add3A_991 = arith.addi %add3A_974, %convert_element_type3A_990 : vector<128x128xi32>
    %slice3A_992 = vector.extract_strided_slice %cond3A_57#2 {offsets = [2, 0], sizes = [1, 128], strides = [1, 1]} : vector<8x128xf32> to vector<1x128xf32>
    %add3A_993 = arith.constant 256 : i32
    %add3A_994 = vector.broadcast %add3A_993 : i32 to vector<1x128xi32>
    %add3A_995 = arith.addi %add3A_994, %iota3A_60 : vector<1x128xi32>
    %gt3A_996 = vector.broadcast %slice3A_992 : vector<1x128xf32> to vector<128x128xf32>
    %gt3A_997 = vector.broadcast %broadcast_in_dim3A_952 : vector<128x1xf32> to vector<128x128xf32>
    %gt3A_998 = arith.cmpf ogt, %gt3A_996, %gt3A_997 : vector<128x128xf32>
    %eq3A_999 = vector.broadcast %slice3A_992 : vector<1x128xf32> to vector<128x128xf32>
    %eq3A_1000 = vector.broadcast %broadcast_in_dim3A_952 : vector<128x1xf32> to vector<128x128xf32>
    %eq3A_1001 = arith.cmpf oeq, %eq3A_999, %eq3A_1000 : vector<128x128xf32>
    %lt3A_1002 = vector.broadcast %add3A_995 : vector<1x128xi32> to vector<128x128xi32>
    %lt3A_1003 = vector.broadcast %add3A_955 : vector<128x1xi32> to vector<128x128xi32>
    %lt3A_1004 = arith.cmpi slt, %lt3A_1002, %lt3A_1003 : vector<128x128xi32>
    %and3A_1005 = arith.andi %eq3A_1001, %lt3A_1004 : vector<128x128xi1>
    %or3A_1006 = arith.ori %gt3A_998, %and3A_1005 : vector<128x128xi1>
    %convert_element_type3A_1007 = arith.extui %or3A_1006 : vector<128x128xi1> to vector<128x128xi32>
    %add3A_1008 = arith.addi %add3A_991, %convert_element_type3A_1007 : vector<128x128xi32>
    %slice3A_1009 = vector.extract_strided_slice %cond3A_57#2 {offsets = [3, 0], sizes = [1, 128], strides = [1, 1]} : vector<8x128xf32> to vector<1x128xf32>
    %add3A_1010 = arith.constant 384 : i32
    %add3A_1011 = vector.broadcast %add3A_1010 : i32 to vector<1x128xi32>
    %add3A_1012 = arith.addi %add3A_1011, %iota3A_60 : vector<1x128xi32>
    %gt3A_1013 = vector.broadcast %slice3A_1009 : vector<1x128xf32> to vector<128x128xf32>
    %gt3A_1014 = vector.broadcast %broadcast_in_dim3A_952 : vector<128x1xf32> to vector<128x128xf32>
    %gt3A_1015 = arith.cmpf ogt, %gt3A_1013, %gt3A_1014 : vector<128x128xf32>
    %eq3A_1016 = vector.broadcast %slice3A_1009 : vector<1x128xf32> to vector<128x128xf32>
    %eq3A_1017 = vector.broadcast %broadcast_in_dim3A_952 : vector<128x1xf32> to vector<128x128xf32>
    %eq3A_1018 = arith.cmpf oeq, %eq3A_1016, %eq3A_1017 : vector<128x128xf32>
    %lt3A_1019 = vector.broadcast %add3A_1012 : vector<1x128xi32> to vector<128x128xi32>
    %lt3A_1020 = vector.broadcast %add3A_955 : vector<128x1xi32> to vector<128x128xi32>
    %lt3A_1021 = arith.cmpi slt, %lt3A_1019, %lt3A_1020 : vector<128x128xi32>
    %and3A_1022 = arith.andi %eq3A_1018, %lt3A_1021 : vector<128x128xi1>
    %or3A_1023 = arith.ori %gt3A_1015, %and3A_1022 : vector<128x128xi1>
    %convert_element_type3A_1024 = arith.extui %or3A_1023 : vector<128x128xi1> to vector<128x128xi32>
    %add3A_1025 = arith.addi %add3A_1008, %convert_element_type3A_1024 : vector<128x128xi32>
    %slice3A_1026 = vector.extract_strided_slice %cond3A_57#2 {offsets = [4, 0], sizes = [1, 128], strides = [1, 1]} : vector<8x128xf32> to vector<1x128xf32>
    %add3A_1027 = arith.constant 512 : i32
    %add3A_1028 = vector.broadcast %add3A_1027 : i32 to vector<1x128xi32>
    %add3A_1029 = arith.addi %add3A_1028, %iota3A_60 : vector<1x128xi32>
    %gt3A_1030 = vector.broadcast %slice3A_1026 : vector<1x128xf32> to vector<128x128xf32>
    %gt3A_1031 = vector.broadcast %broadcast_in_dim3A_952 : vector<128x1xf32> to vector<128x128xf32>
    %gt3A_1032 = arith.cmpf ogt, %gt3A_1030, %gt3A_1031 : vector<128x128xf32>
    %eq3A_1033 = vector.broadcast %slice3A_1026 : vector<1x128xf32> to vector<128x128xf32>
    %eq3A_1034 = vector.broadcast %broadcast_in_dim3A_952 : vector<128x1xf32> to vector<128x128xf32>
    %eq3A_1035 = arith.cmpf oeq, %eq3A_1033, %eq3A_1034 : vector<128x128xf32>
    %lt3A_1036 = vector.broadcast %add3A_1029 : vector<1x128xi32> to vector<128x128xi32>
    %lt3A_1037 = vector.broadcast %add3A_955 : vector<128x1xi32> to vector<128x128xi32>
    %lt3A_1038 = arith.cmpi slt, %lt3A_1036, %lt3A_1037 : vector<128x128xi32>
    %and3A_1039 = arith.andi %eq3A_1035, %lt3A_1038 : vector<128x128xi1>
    %or3A_1040 = arith.ori %gt3A_1032, %and3A_1039 : vector<128x128xi1>
    %convert_element_type3A_1041 = arith.extui %or3A_1040 : vector<128x128xi1> to vector<128x128xi32>
    %add3A_1042 = arith.addi %add3A_1025, %convert_element_type3A_1041 : vector<128x128xi32>
    %slice3A_1043 = vector.extract_strided_slice %cond3A_57#2 {offsets = [5, 0], sizes = [1, 128], strides = [1, 1]} : vector<8x128xf32> to vector<1x128xf32>
    %add3A_1044 = arith.constant 640 : i32
    %add3A_1045 = vector.broadcast %add3A_1044 : i32 to vector<1x128xi32>
    %add3A_1046 = arith.addi %add3A_1045, %iota3A_60 : vector<1x128xi32>
    %gt3A_1047 = vector.broadcast %slice3A_1043 : vector<1x128xf32> to vector<128x128xf32>
    %gt3A_1048 = vector.broadcast %broadcast_in_dim3A_952 : vector<128x1xf32> to vector<128x128xf32>
    %gt3A_1049 = arith.cmpf ogt, %gt3A_1047, %gt3A_1048 : vector<128x128xf32>
    %eq3A_1050 = vector.broadcast %slice3A_1043 : vector<1x128xf32> to vector<128x128xf32>
    %eq3A_1051 = vector.broadcast %broadcast_in_dim3A_952 : vector<128x1xf32> to vector<128x128xf32>
    %eq3A_1052 = arith.cmpf oeq, %eq3A_1050, %eq3A_1051 : vector<128x128xf32>
    %lt3A_1053 = vector.broadcast %add3A_1046 : vector<1x128xi32> to vector<128x128xi32>
    %lt3A_1054 = vector.broadcast %add3A_955 : vector<128x1xi32> to vector<128x128xi32>
    %lt3A_1055 = arith.cmpi slt, %lt3A_1053, %lt3A_1054 : vector<128x128xi32>
    %and3A_1056 = arith.andi %eq3A_1052, %lt3A_1055 : vector<128x128xi1>
    %or3A_1057 = arith.ori %gt3A_1049, %and3A_1056 : vector<128x128xi1>
    %convert_element_type3A_1058 = arith.extui %or3A_1057 : vector<128x128xi1> to vector<128x128xi32>
    %add3A_1059 = arith.addi %add3A_1042, %convert_element_type3A_1058 : vector<128x128xi32>
    %slice3A_1060 = vector.extract_strided_slice %cond3A_57#2 {offsets = [6, 0], sizes = [1, 128], strides = [1, 1]} : vector<8x128xf32> to vector<1x128xf32>
    %add3A_1061 = arith.constant 768 : i32
    %add3A_1062 = vector.broadcast %add3A_1061 : i32 to vector<1x128xi32>
    %add3A_1063 = arith.addi %add3A_1062, %iota3A_60 : vector<1x128xi32>
    %gt3A_1064 = vector.broadcast %slice3A_1060 : vector<1x128xf32> to vector<128x128xf32>
    %gt3A_1065 = vector.broadcast %broadcast_in_dim3A_952 : vector<128x1xf32> to vector<128x128xf32>
    %gt3A_1066 = arith.cmpf ogt, %gt3A_1064, %gt3A_1065 : vector<128x128xf32>
    %eq3A_1067 = vector.broadcast %slice3A_1060 : vector<1x128xf32> to vector<128x128xf32>
    %eq3A_1068 = vector.broadcast %broadcast_in_dim3A_952 : vector<128x1xf32> to vector<128x128xf32>
    %eq3A_1069 = arith.cmpf oeq, %eq3A_1067, %eq3A_1068 : vector<128x128xf32>
    %lt3A_1070 = vector.broadcast %add3A_1063 : vector<1x128xi32> to vector<128x128xi32>
    %lt3A_1071 = vector.broadcast %add3A_955 : vector<128x1xi32> to vector<128x128xi32>
    %lt3A_1072 = arith.cmpi slt, %lt3A_1070, %lt3A_1071 : vector<128x128xi32>
    %and3A_1073 = arith.andi %eq3A_1069, %lt3A_1072 : vector<128x128xi1>
    %or3A_1074 = arith.ori %gt3A_1066, %and3A_1073 : vector<128x128xi1>
    %convert_element_type3A_1075 = arith.extui %or3A_1074 : vector<128x128xi1> to vector<128x128xi32>
    %add3A_1076 = arith.addi %add3A_1059, %convert_element_type3A_1075 : vector<128x128xi32>
    %slice3A_1077 = vector.extract_strided_slice %cond3A_57#2 {offsets = [7, 0], sizes = [1, 128], strides = [1, 1]} : vector<8x128xf32> to vector<1x128xf32>
    %add3A_1078 = arith.constant 896 : i32
    %add3A_1079 = vector.broadcast %add3A_1078 : i32 to vector<1x128xi32>
    %add3A_1080 = arith.addi %add3A_1079, %iota3A_60 : vector<1x128xi32>
    %gt3A_1081 = vector.broadcast %slice3A_1077 : vector<1x128xf32> to vector<128x128xf32>
    %gt3A_1082 = vector.broadcast %broadcast_in_dim3A_952 : vector<128x1xf32> to vector<128x128xf32>
    %gt3A_1083 = arith.cmpf ogt, %gt3A_1081, %gt3A_1082 : vector<128x128xf32>
    %eq3A_1084 = vector.broadcast %slice3A_1077 : vector<1x128xf32> to vector<128x128xf32>
    %eq3A_1085 = vector.broadcast %broadcast_in_dim3A_952 : vector<128x1xf32> to vector<128x128xf32>
    %eq3A_1086 = arith.cmpf oeq, %eq3A_1084, %eq3A_1085 : vector<128x128xf32>
    %lt3A_1087 = vector.broadcast %add3A_1080 : vector<1x128xi32> to vector<128x128xi32>
    %lt3A_1088 = vector.broadcast %add3A_955 : vector<128x1xi32> to vector<128x128xi32>
    %lt3A_1089 = arith.cmpi slt, %lt3A_1087, %lt3A_1088 : vector<128x128xi32>
    %and3A_1090 = arith.andi %eq3A_1086, %lt3A_1089 : vector<128x128xi1>
    %or3A_1091 = arith.ori %gt3A_1083, %and3A_1090 : vector<128x128xi1>
    %convert_element_type3A_1092 = arith.extui %or3A_1091 : vector<128x128xi1> to vector<128x128xi32>
    %add3A_1093 = arith.addi %add3A_1076, %convert_element_type3A_1092 : vector<128x128xi32>
    %reduce_sum3A_1094 = arith.constant dense<0> : vector<128xi32>
    %reduce_sum3A_1095 = vector.multi_reduction <add>, %add3A_1093, %reduce_sum3A_1094 [1] : vector<128x128xi32> to vector<128xi32>
    %broadcast_in_dim3A_1096 = vector.shape_cast %reduce_sum3A_1095 : vector<128xi32> to vector<128x1xi32>
    %eq3A_1097 = vector.broadcast %broadcast_in_dim3A_1096 : vector<128x1xi32> to vector<128x128xi32>
    %eq3A_1098 = vector.broadcast %iota3A_60 : vector<1x128xi32> to vector<128x128xi32>
    %eq3A_1099 = arith.cmpi eq, %eq3A_1097, %eq3A_1098 : vector<128x128xi32>
    %convert_element_type3A_1100 = arith.extui %eq3A_1099 : vector<128x128xi1> to vector<128x128xi32>
    %convert_element_type3A_1101 = arith.sitofp %convert_element_type3A_1100 : vector<128x128xi32> to vector<128x128xf32>
    %slice3A_1102 = vector.extract_strided_slice %bitcast_convert_type3A {offsets = [4, 0], sizes = [1, 128], strides = [1, 1]} : vector<8x128xi32> to vector<1x128xi32>
    %slice3A_1103 = vector.extract_strided_slice %cond3A_57#0 {offsets = [4, 0], sizes = [1, 128], strides = [1, 1]} : vector<8x128xi32> to vector<1x128xi32>
    %shift_right_logical3A_1104 = arith.constant 0 : i32
    %shift_right_logical3A_1105 = vector.broadcast %shift_right_logical3A_1104 : i32 to vector<1x128xi32>
    %shift_right_logical3A_1106 = arith.shrui %slice3A_1102, %shift_right_logical3A_1105 : vector<1x128xi32>
    %and3A_1107 = arith.constant 127 : i32
    %and3A_1108 = vector.broadcast %and3A_1107 : i32 to vector<1x128xi32>
    %and3A_1109 = arith.andi %shift_right_logical3A_1106, %and3A_1108 : vector<1x128xi32>
    %shift_right_logical3A_1110 = arith.constant 7 : i32
    %shift_right_logical3A_1111 = vector.broadcast %shift_right_logical3A_1110 : i32 to vector<1x128xi32>
    %shift_right_logical3A_1112 = arith.shrui %slice3A_1102, %shift_right_logical3A_1111 : vector<1x128xi32>
    %and3A_1113 = arith.constant 127 : i32
    %and3A_1114 = vector.broadcast %and3A_1113 : i32 to vector<1x128xi32>
    %and3A_1115 = arith.andi %shift_right_logical3A_1112, %and3A_1114 : vector<1x128xi32>
    %shift_right_logical3A_1116 = arith.constant 14 : i32
    %shift_right_logical3A_1117 = vector.broadcast %shift_right_logical3A_1116 : i32 to vector<1x128xi32>
    %shift_right_logical3A_1118 = arith.shrui %slice3A_1102, %shift_right_logical3A_1117 : vector<1x128xi32>
    %and3A_1119 = arith.constant 127 : i32
    %and3A_1120 = vector.broadcast %and3A_1119 : i32 to vector<1x128xi32>
    %and3A_1121 = arith.andi %shift_right_logical3A_1118, %and3A_1120 : vector<1x128xi32>
    %shift_right_logical3A_1122 = arith.constant 21 : i32
    %shift_right_logical3A_1123 = vector.broadcast %shift_right_logical3A_1122 : i32 to vector<1x128xi32>
    %shift_right_logical3A_1124 = arith.shrui %slice3A_1102, %shift_right_logical3A_1123 : vector<1x128xi32>
    %and3A_1125 = arith.constant 127 : i32
    %and3A_1126 = vector.broadcast %and3A_1125 : i32 to vector<1x128xi32>
    %and3A_1127 = arith.andi %shift_right_logical3A_1124, %and3A_1126 : vector<1x128xi32>
    %shift_right_logical3A_1128 = arith.constant 28 : i32
    %shift_right_logical3A_1129 = vector.broadcast %shift_right_logical3A_1128 : i32 to vector<1x128xi32>
    %shift_right_logical3A_1130 = arith.shrui %slice3A_1102, %shift_right_logical3A_1129 : vector<1x128xi32>
    %and3A_1131 = arith.constant 15 : i32
    %and3A_1132 = vector.broadcast %and3A_1131 : i32 to vector<1x128xi32>
    %and3A_1133 = arith.andi %shift_right_logical3A_1130, %and3A_1132 : vector<1x128xi32>
    %and3A_1134 = arith.constant 127 : i32
    %and3A_1135 = vector.broadcast %and3A_1134 : i32 to vector<1x128xi32>
    %and3A_1136 = arith.andi %slice3A_1103, %and3A_1135 : vector<1x128xi32>
    %shift_right_logical3A_1137 = arith.constant 7 : i32
    %shift_right_logical3A_1138 = vector.broadcast %shift_right_logical3A_1137 : i32 to vector<1x128xi32>
    %shift_right_logical3A_1139 = arith.shrui %slice3A_1103, %shift_right_logical3A_1138 : vector<1x128xi32>
    %and3A_1140 = arith.constant 127 : i32
    %and3A_1141 = vector.broadcast %and3A_1140 : i32 to vector<1x128xi32>
    %and3A_1142 = arith.andi %shift_right_logical3A_1139, %and3A_1141 : vector<1x128xi32>
    %shift_right_logical3A_1143 = arith.constant 14 : i32
    %shift_right_logical3A_1144 = vector.broadcast %shift_right_logical3A_1143 : i32 to vector<1x128xi32>
    %shift_right_logical3A_1145 = arith.shrui %slice3A_1103, %shift_right_logical3A_1144 : vector<1x128xi32>
    %and3A_1146 = arith.constant 127 : i32
    %and3A_1147 = vector.broadcast %and3A_1146 : i32 to vector<1x128xi32>
    %and3A_1148 = arith.andi %shift_right_logical3A_1145, %and3A_1147 : vector<1x128xi32>
    %slice3A_1149 = vector.extract_strided_slice %cond3A_57#1 {offsets = [4, 0], sizes = [1, 128], strides = [1, 1]} : vector<8x128xi32> to vector<1x128xi32>
    %broadcast_in_dim3A_1150 = arith.constant 4 : i32
    %broadcast_in_dim3A_1151 = vector.broadcast %broadcast_in_dim3A_1150 : i32 to vector<1x128xi32>
    %convert_element_type3A_1152 = arith.sitofp %and3A_1109 : vector<1x128xi32> to vector<1x128xf32>
    %convert_element_type3A_1153 = arith.sitofp %and3A_1115 : vector<1x128xi32> to vector<1x128xf32>
    %convert_element_type3A_1154 = arith.sitofp %and3A_1121 : vector<1x128xi32> to vector<1x128xf32>
    %convert_element_type3A_1155 = arith.sitofp %and3A_1127 : vector<1x128xi32> to vector<1x128xf32>
    %convert_element_type3A_1156 = arith.sitofp %and3A_1133 : vector<1x128xi32> to vector<1x128xf32>
    %convert_element_type3A_1157 = arith.sitofp %and3A_1136 : vector<1x128xi32> to vector<1x128xf32>
    %convert_element_type3A_1158 = arith.sitofp %and3A_1142 : vector<1x128xi32> to vector<1x128xf32>
    %convert_element_type3A_1159 = arith.sitofp %and3A_1148 : vector<1x128xi32> to vector<1x128xf32>
    %convert_element_type3A_1160 = arith.sitofp %slice3A_1149 : vector<1x128xi32> to vector<1x128xf32>
    %convert_element_type3A_1161 = arith.sitofp %broadcast_in_dim3A_1151 : vector<1x128xi32> to vector<1x128xf32>
    %concatenate3A_1162 = tpu.concatenate %convert_element_type3A_1152, %convert_element_type3A_1153, %convert_element_type3A_1154, %convert_element_type3A_1155, %convert_element_type3A_1156, %convert_element_type3A_1157, %convert_element_type3A_1158, %convert_element_type3A_1159, %convert_element_type3A_1160, %convert_element_type3A_1161 in 0 : vector<1x128xf32>, vector<1x128xf32>, vector<1x128xf32>, vector<1x128xf32>, vector<1x128xf32>, vector<1x128xf32>, vector<1x128xf32>, vector<1x128xf32>, vector<1x128xf32>, vector<1x128xf32> -> vector<10x128xf32>
    %dot_general3A_1163 = arith.constant dense<0.000000e+00> : vector<10x128xf32>
    %dot_general3A_1164 = tpu.matmul %concatenate3A_1162, %convert_element_type3A_1101, %dot_general3A_1163 {dimension_numbers = #tpu.dot_dimension_numbers<[1], [0], [0], [1], [0, 0, 1, 1], [], []>, transpose_lhs_hint = false} : vector<10x128xf32>, vector<128x128xf32>, vector<10x128xf32> -> vector<10x128xf32>
    %add3A_1165 = arith.addf %add3A_943, %dot_general3A_1164 : vector<10x128xf32>
    %slice3A_1166 = vector.extract_strided_slice %cond3A_57#2 {offsets = [5, 0], sizes = [1, 128], strides = [1, 1]} : vector<8x128xf32> to vector<1x128xf32>
    %broadcast_in_dim3A_1167 = vector.shape_cast %slice3A_1166 : vector<1x128xf32> to vector<1x128xf32>
    %broadcast_in_dim3A_1168 = vector.broadcast %broadcast_in_dim3A_1167 : vector<1x128xf32> to vector<128x128xf32>
    %jit3A_1169 = arith.constant -1.000000e+30 : f32
    %broadcast_in_dim3A_1170 = vector.broadcast %jit3A_1169 : f32 to vector<128x128xf32>
    %select_n3A_1171 = arith.select %eq3A, %broadcast_in_dim3A_1168, %broadcast_in_dim3A_1170 : vector<128x128xi1>, vector<128x128xf32>
    %reduce_max3A_1172 = arith.constant dense<0xFF800000> : vector<128xf32>
    %reduce_max3A_1173 = vector.multi_reduction <maximumf>, %select_n3A_1171, %reduce_max3A_1172 [1] : vector<128x128xf32> to vector<128xf32>
    %broadcast_in_dim3A_1174 = vector.shape_cast %reduce_max3A_1173 : vector<128xf32> to vector<128x1xf32>
    %add3A_1175 = arith.constant 640 : i32
    %add3A_1176 = vector.broadcast %add3A_1175 : i32 to vector<128x1xi32>
    %add3A_1177 = arith.addi %add3A_1176, %iota3A_61 : vector<128x1xi32>
    %broadcast_in_dim3A_1178 = arith.constant 0 : i32
    %broadcast_in_dim3A_1179 = vector.broadcast %broadcast_in_dim3A_1178 : i32 to vector<128x128xi32>
    %slice3A_1180 = vector.extract_strided_slice %cond3A_57#2 {offsets = [0, 0], sizes = [1, 128], strides = [1, 1]} : vector<8x128xf32> to vector<1x128xf32>
    %add3A_1181 = arith.constant 0 : i32
    %add3A_1182 = vector.broadcast %add3A_1181 : i32 to vector<1x128xi32>
    %add3A_1183 = arith.addi %add3A_1182, %iota3A_60 : vector<1x128xi32>
    %gt3A_1184 = vector.broadcast %slice3A_1180 : vector<1x128xf32> to vector<128x128xf32>
    %gt3A_1185 = vector.broadcast %broadcast_in_dim3A_1174 : vector<128x1xf32> to vector<128x128xf32>
    %gt3A_1186 = arith.cmpf ogt, %gt3A_1184, %gt3A_1185 : vector<128x128xf32>
    %eq3A_1187 = vector.broadcast %slice3A_1180 : vector<1x128xf32> to vector<128x128xf32>
    %eq3A_1188 = vector.broadcast %broadcast_in_dim3A_1174 : vector<128x1xf32> to vector<128x128xf32>
    %eq3A_1189 = arith.cmpf oeq, %eq3A_1187, %eq3A_1188 : vector<128x128xf32>
    %lt3A_1190 = vector.broadcast %add3A_1183 : vector<1x128xi32> to vector<128x128xi32>
    %lt3A_1191 = vector.broadcast %add3A_1177 : vector<128x1xi32> to vector<128x128xi32>
    %lt3A_1192 = arith.cmpi slt, %lt3A_1190, %lt3A_1191 : vector<128x128xi32>
    %and3A_1193 = arith.andi %eq3A_1189, %lt3A_1192 : vector<128x128xi1>
    %or3A_1194 = arith.ori %gt3A_1186, %and3A_1193 : vector<128x128xi1>
    %convert_element_type3A_1195 = arith.extui %or3A_1194 : vector<128x128xi1> to vector<128x128xi32>
    %add3A_1196 = arith.addi %broadcast_in_dim3A_1179, %convert_element_type3A_1195 : vector<128x128xi32>
    %slice3A_1197 = vector.extract_strided_slice %cond3A_57#2 {offsets = [1, 0], sizes = [1, 128], strides = [1, 1]} : vector<8x128xf32> to vector<1x128xf32>
    %add3A_1198 = arith.constant 128 : i32
    %add3A_1199 = vector.broadcast %add3A_1198 : i32 to vector<1x128xi32>
    %add3A_1200 = arith.addi %add3A_1199, %iota3A_60 : vector<1x128xi32>
    %gt3A_1201 = vector.broadcast %slice3A_1197 : vector<1x128xf32> to vector<128x128xf32>
    %gt3A_1202 = vector.broadcast %broadcast_in_dim3A_1174 : vector<128x1xf32> to vector<128x128xf32>
    %gt3A_1203 = arith.cmpf ogt, %gt3A_1201, %gt3A_1202 : vector<128x128xf32>
    %eq3A_1204 = vector.broadcast %slice3A_1197 : vector<1x128xf32> to vector<128x128xf32>
    %eq3A_1205 = vector.broadcast %broadcast_in_dim3A_1174 : vector<128x1xf32> to vector<128x128xf32>
    %eq3A_1206 = arith.cmpf oeq, %eq3A_1204, %eq3A_1205 : vector<128x128xf32>
    %lt3A_1207 = vector.broadcast %add3A_1200 : vector<1x128xi32> to vector<128x128xi32>
    %lt3A_1208 = vector.broadcast %add3A_1177 : vector<128x1xi32> to vector<128x128xi32>
    %lt3A_1209 = arith.cmpi slt, %lt3A_1207, %lt3A_1208 : vector<128x128xi32>
    %and3A_1210 = arith.andi %eq3A_1206, %lt3A_1209 : vector<128x128xi1>
    %or3A_1211 = arith.ori %gt3A_1203, %and3A_1210 : vector<128x128xi1>
    %convert_element_type3A_1212 = arith.extui %or3A_1211 : vector<128x128xi1> to vector<128x128xi32>
    %add3A_1213 = arith.addi %add3A_1196, %convert_element_type3A_1212 : vector<128x128xi32>
    %slice3A_1214 = vector.extract_strided_slice %cond3A_57#2 {offsets = [2, 0], sizes = [1, 128], strides = [1, 1]} : vector<8x128xf32> to vector<1x128xf32>
    %add3A_1215 = arith.constant 256 : i32
    %add3A_1216 = vector.broadcast %add3A_1215 : i32 to vector<1x128xi32>
    %add3A_1217 = arith.addi %add3A_1216, %iota3A_60 : vector<1x128xi32>
    %gt3A_1218 = vector.broadcast %slice3A_1214 : vector<1x128xf32> to vector<128x128xf32>
    %gt3A_1219 = vector.broadcast %broadcast_in_dim3A_1174 : vector<128x1xf32> to vector<128x128xf32>
    %gt3A_1220 = arith.cmpf ogt, %gt3A_1218, %gt3A_1219 : vector<128x128xf32>
    %eq3A_1221 = vector.broadcast %slice3A_1214 : vector<1x128xf32> to vector<128x128xf32>
    %eq3A_1222 = vector.broadcast %broadcast_in_dim3A_1174 : vector<128x1xf32> to vector<128x128xf32>
    %eq3A_1223 = arith.cmpf oeq, %eq3A_1221, %eq3A_1222 : vector<128x128xf32>
    %lt3A_1224 = vector.broadcast %add3A_1217 : vector<1x128xi32> to vector<128x128xi32>
    %lt3A_1225 = vector.broadcast %add3A_1177 : vector<128x1xi32> to vector<128x128xi32>
    %lt3A_1226 = arith.cmpi slt, %lt3A_1224, %lt3A_1225 : vector<128x128xi32>
    %and3A_1227 = arith.andi %eq3A_1223, %lt3A_1226 : vector<128x128xi1>
    %or3A_1228 = arith.ori %gt3A_1220, %and3A_1227 : vector<128x128xi1>
    %convert_element_type3A_1229 = arith.extui %or3A_1228 : vector<128x128xi1> to vector<128x128xi32>
    %add3A_1230 = arith.addi %add3A_1213, %convert_element_type3A_1229 : vector<128x128xi32>
    %slice3A_1231 = vector.extract_strided_slice %cond3A_57#2 {offsets = [3, 0], sizes = [1, 128], strides = [1, 1]} : vector<8x128xf32> to vector<1x128xf32>
    %add3A_1232 = arith.constant 384 : i32
    %add3A_1233 = vector.broadcast %add3A_1232 : i32 to vector<1x128xi32>
    %add3A_1234 = arith.addi %add3A_1233, %iota3A_60 : vector<1x128xi32>
    %gt3A_1235 = vector.broadcast %slice3A_1231 : vector<1x128xf32> to vector<128x128xf32>
    %gt3A_1236 = vector.broadcast %broadcast_in_dim3A_1174 : vector<128x1xf32> to vector<128x128xf32>
    %gt3A_1237 = arith.cmpf ogt, %gt3A_1235, %gt3A_1236 : vector<128x128xf32>
    %eq3A_1238 = vector.broadcast %slice3A_1231 : vector<1x128xf32> to vector<128x128xf32>
    %eq3A_1239 = vector.broadcast %broadcast_in_dim3A_1174 : vector<128x1xf32> to vector<128x128xf32>
    %eq3A_1240 = arith.cmpf oeq, %eq3A_1238, %eq3A_1239 : vector<128x128xf32>
    %lt3A_1241 = vector.broadcast %add3A_1234 : vector<1x128xi32> to vector<128x128xi32>
    %lt3A_1242 = vector.broadcast %add3A_1177 : vector<128x1xi32> to vector<128x128xi32>
    %lt3A_1243 = arith.cmpi slt, %lt3A_1241, %lt3A_1242 : vector<128x128xi32>
    %and3A_1244 = arith.andi %eq3A_1240, %lt3A_1243 : vector<128x128xi1>
    %or3A_1245 = arith.ori %gt3A_1237, %and3A_1244 : vector<128x128xi1>
    %convert_element_type3A_1246 = arith.extui %or3A_1245 : vector<128x128xi1> to vector<128x128xi32>
    %add3A_1247 = arith.addi %add3A_1230, %convert_element_type3A_1246 : vector<128x128xi32>
    %slice3A_1248 = vector.extract_strided_slice %cond3A_57#2 {offsets = [4, 0], sizes = [1, 128], strides = [1, 1]} : vector<8x128xf32> to vector<1x128xf32>
    %add3A_1249 = arith.constant 512 : i32
    %add3A_1250 = vector.broadcast %add3A_1249 : i32 to vector<1x128xi32>
    %add3A_1251 = arith.addi %add3A_1250, %iota3A_60 : vector<1x128xi32>
    %gt3A_1252 = vector.broadcast %slice3A_1248 : vector<1x128xf32> to vector<128x128xf32>
    %gt3A_1253 = vector.broadcast %broadcast_in_dim3A_1174 : vector<128x1xf32> to vector<128x128xf32>
    %gt3A_1254 = arith.cmpf ogt, %gt3A_1252, %gt3A_1253 : vector<128x128xf32>
    %eq3A_1255 = vector.broadcast %slice3A_1248 : vector<1x128xf32> to vector<128x128xf32>
    %eq3A_1256 = vector.broadcast %broadcast_in_dim3A_1174 : vector<128x1xf32> to vector<128x128xf32>
    %eq3A_1257 = arith.cmpf oeq, %eq3A_1255, %eq3A_1256 : vector<128x128xf32>
    %lt3A_1258 = vector.broadcast %add3A_1251 : vector<1x128xi32> to vector<128x128xi32>
    %lt3A_1259 = vector.broadcast %add3A_1177 : vector<128x1xi32> to vector<128x128xi32>
    %lt3A_1260 = arith.cmpi slt, %lt3A_1258, %lt3A_1259 : vector<128x128xi32>
    %and3A_1261 = arith.andi %eq3A_1257, %lt3A_1260 : vector<128x128xi1>
    %or3A_1262 = arith.ori %gt3A_1254, %and3A_1261 : vector<128x128xi1>
    %convert_element_type3A_1263 = arith.extui %or3A_1262 : vector<128x128xi1> to vector<128x128xi32>
    %add3A_1264 = arith.addi %add3A_1247, %convert_element_type3A_1263 : vector<128x128xi32>
    %slice3A_1265 = vector.extract_strided_slice %cond3A_57#2 {offsets = [5, 0], sizes = [1, 128], strides = [1, 1]} : vector<8x128xf32> to vector<1x128xf32>
    %add3A_1266 = arith.constant 640 : i32
    %add3A_1267 = vector.broadcast %add3A_1266 : i32 to vector<1x128xi32>
    %add3A_1268 = arith.addi %add3A_1267, %iota3A_60 : vector<1x128xi32>
    %gt3A_1269 = vector.broadcast %slice3A_1265 : vector<1x128xf32> to vector<128x128xf32>
    %gt3A_1270 = vector.broadcast %broadcast_in_dim3A_1174 : vector<128x1xf32> to vector<128x128xf32>
    %gt3A_1271 = arith.cmpf ogt, %gt3A_1269, %gt3A_1270 : vector<128x128xf32>
    %eq3A_1272 = vector.broadcast %slice3A_1265 : vector<1x128xf32> to vector<128x128xf32>
    %eq3A_1273 = vector.broadcast %broadcast_in_dim3A_1174 : vector<128x1xf32> to vector<128x128xf32>
    %eq3A_1274 = arith.cmpf oeq, %eq3A_1272, %eq3A_1273 : vector<128x128xf32>
    %lt3A_1275 = vector.broadcast %add3A_1268 : vector<1x128xi32> to vector<128x128xi32>
    %lt3A_1276 = vector.broadcast %add3A_1177 : vector<128x1xi32> to vector<128x128xi32>
    %lt3A_1277 = arith.cmpi slt, %lt3A_1275, %lt3A_1276 : vector<128x128xi32>
    %and3A_1278 = arith.andi %eq3A_1274, %lt3A_1277 : vector<128x128xi1>
    %or3A_1279 = arith.ori %gt3A_1271, %and3A_1278 : vector<128x128xi1>
    %convert_element_type3A_1280 = arith.extui %or3A_1279 : vector<128x128xi1> to vector<128x128xi32>
    %add3A_1281 = arith.addi %add3A_1264, %convert_element_type3A_1280 : vector<128x128xi32>
    %slice3A_1282 = vector.extract_strided_slice %cond3A_57#2 {offsets = [6, 0], sizes = [1, 128], strides = [1, 1]} : vector<8x128xf32> to vector<1x128xf32>
    %add3A_1283 = arith.constant 768 : i32
    %add3A_1284 = vector.broadcast %add3A_1283 : i32 to vector<1x128xi32>
    %add3A_1285 = arith.addi %add3A_1284, %iota3A_60 : vector<1x128xi32>
    %gt3A_1286 = vector.broadcast %slice3A_1282 : vector<1x128xf32> to vector<128x128xf32>
    %gt3A_1287 = vector.broadcast %broadcast_in_dim3A_1174 : vector<128x1xf32> to vector<128x128xf32>
    %gt3A_1288 = arith.cmpf ogt, %gt3A_1286, %gt3A_1287 : vector<128x128xf32>
    %eq3A_1289 = vector.broadcast %slice3A_1282 : vector<1x128xf32> to vector<128x128xf32>
    %eq3A_1290 = vector.broadcast %broadcast_in_dim3A_1174 : vector<128x1xf32> to vector<128x128xf32>
    %eq3A_1291 = arith.cmpf oeq, %eq3A_1289, %eq3A_1290 : vector<128x128xf32>
    %lt3A_1292 = vector.broadcast %add3A_1285 : vector<1x128xi32> to vector<128x128xi32>
    %lt3A_1293 = vector.broadcast %add3A_1177 : vector<128x1xi32> to vector<128x128xi32>
    %lt3A_1294 = arith.cmpi slt, %lt3A_1292, %lt3A_1293 : vector<128x128xi32>
    %and3A_1295 = arith.andi %eq3A_1291, %lt3A_1294 : vector<128x128xi1>
    %or3A_1296 = arith.ori %gt3A_1288, %and3A_1295 : vector<128x128xi1>
    %convert_element_type3A_1297 = arith.extui %or3A_1296 : vector<128x128xi1> to vector<128x128xi32>
    %add3A_1298 = arith.addi %add3A_1281, %convert_element_type3A_1297 : vector<128x128xi32>
    %slice3A_1299 = vector.extract_strided_slice %cond3A_57#2 {offsets = [7, 0], sizes = [1, 128], strides = [1, 1]} : vector<8x128xf32> to vector<1x128xf32>
    %add3A_1300 = arith.constant 896 : i32
    %add3A_1301 = vector.broadcast %add3A_1300 : i32 to vector<1x128xi32>
    %add3A_1302 = arith.addi %add3A_1301, %iota3A_60 : vector<1x128xi32>
    %gt3A_1303 = vector.broadcast %slice3A_1299 : vector<1x128xf32> to vector<128x128xf32>
    %gt3A_1304 = vector.broadcast %broadcast_in_dim3A_1174 : vector<128x1xf32> to vector<128x128xf32>
    %gt3A_1305 = arith.cmpf ogt, %gt3A_1303, %gt3A_1304 : vector<128x128xf32>
    %eq3A_1306 = vector.broadcast %slice3A_1299 : vector<1x128xf32> to vector<128x128xf32>
    %eq3A_1307 = vector.broadcast %broadcast_in_dim3A_1174 : vector<128x1xf32> to vector<128x128xf32>
    %eq3A_1308 = arith.cmpf oeq, %eq3A_1306, %eq3A_1307 : vector<128x128xf32>
    %lt3A_1309 = vector.broadcast %add3A_1302 : vector<1x128xi32> to vector<128x128xi32>
    %lt3A_1310 = vector.broadcast %add3A_1177 : vector<128x1xi32> to vector<128x128xi32>
    %lt3A_1311 = arith.cmpi slt, %lt3A_1309, %lt3A_1310 : vector<128x128xi32>
    %and3A_1312 = arith.andi %eq3A_1308, %lt3A_1311 : vector<128x128xi1>
    %or3A_1313 = arith.ori %gt3A_1305, %and3A_1312 : vector<128x128xi1>
    %convert_element_type3A_1314 = arith.extui %or3A_1313 : vector<128x128xi1> to vector<128x128xi32>
    %add3A_1315 = arith.addi %add3A_1298, %convert_element_type3A_1314 : vector<128x128xi32>
    %reduce_sum3A_1316 = arith.constant dense<0> : vector<128xi32>
    %reduce_sum3A_1317 = vector.multi_reduction <add>, %add3A_1315, %reduce_sum3A_1316 [1] : vector<128x128xi32> to vector<128xi32>
    %broadcast_in_dim3A_1318 = vector.shape_cast %reduce_sum3A_1317 : vector<128xi32> to vector<128x1xi32>
    %eq3A_1319 = vector.broadcast %broadcast_in_dim3A_1318 : vector<128x1xi32> to vector<128x128xi32>
    %eq3A_1320 = vector.broadcast %iota3A_60 : vector<1x128xi32> to vector<128x128xi32>
    %eq3A_1321 = arith.cmpi eq, %eq3A_1319, %eq3A_1320 : vector<128x128xi32>
    %convert_element_type3A_1322 = arith.extui %eq3A_1321 : vector<128x128xi1> to vector<128x128xi32>
    %convert_element_type3A_1323 = arith.sitofp %convert_element_type3A_1322 : vector<128x128xi32> to vector<128x128xf32>
    %slice3A_1324 = vector.extract_strided_slice %bitcast_convert_type3A {offsets = [5, 0], sizes = [1, 128], strides = [1, 1]} : vector<8x128xi32> to vector<1x128xi32>
    %slice3A_1325 = vector.extract_strided_slice %cond3A_57#0 {offsets = [5, 0], sizes = [1, 128], strides = [1, 1]} : vector<8x128xi32> to vector<1x128xi32>
    %shift_right_logical3A_1326 = arith.constant 0 : i32
    %shift_right_logical3A_1327 = vector.broadcast %shift_right_logical3A_1326 : i32 to vector<1x128xi32>
    %shift_right_logical3A_1328 = arith.shrui %slice3A_1324, %shift_right_logical3A_1327 : vector<1x128xi32>
    %and3A_1329 = arith.constant 127 : i32
    %and3A_1330 = vector.broadcast %and3A_1329 : i32 to vector<1x128xi32>
    %and3A_1331 = arith.andi %shift_right_logical3A_1328, %and3A_1330 : vector<1x128xi32>
    %shift_right_logical3A_1332 = arith.constant 7 : i32
    %shift_right_logical3A_1333 = vector.broadcast %shift_right_logical3A_1332 : i32 to vector<1x128xi32>
    %shift_right_logical3A_1334 = arith.shrui %slice3A_1324, %shift_right_logical3A_1333 : vector<1x128xi32>
    %and3A_1335 = arith.constant 127 : i32
    %and3A_1336 = vector.broadcast %and3A_1335 : i32 to vector<1x128xi32>
    %and3A_1337 = arith.andi %shift_right_logical3A_1334, %and3A_1336 : vector<1x128xi32>
    %shift_right_logical3A_1338 = arith.constant 14 : i32
    %shift_right_logical3A_1339 = vector.broadcast %shift_right_logical3A_1338 : i32 to vector<1x128xi32>
    %shift_right_logical3A_1340 = arith.shrui %slice3A_1324, %shift_right_logical3A_1339 : vector<1x128xi32>
    %and3A_1341 = arith.constant 127 : i32
    %and3A_1342 = vector.broadcast %and3A_1341 : i32 to vector<1x128xi32>
    %and3A_1343 = arith.andi %shift_right_logical3A_1340, %and3A_1342 : vector<1x128xi32>
    %shift_right_logical3A_1344 = arith.constant 21 : i32
    %shift_right_logical3A_1345 = vector.broadcast %shift_right_logical3A_1344 : i32 to vector<1x128xi32>
    %shift_right_logical3A_1346 = arith.shrui %slice3A_1324, %shift_right_logical3A_1345 : vector<1x128xi32>
    %and3A_1347 = arith.constant 127 : i32
    %and3A_1348 = vector.broadcast %and3A_1347 : i32 to vector<1x128xi32>
    %and3A_1349 = arith.andi %shift_right_logical3A_1346, %and3A_1348 : vector<1x128xi32>
    %shift_right_logical3A_1350 = arith.constant 28 : i32
    %shift_right_logical3A_1351 = vector.broadcast %shift_right_logical3A_1350 : i32 to vector<1x128xi32>
    %shift_right_logical3A_1352 = arith.shrui %slice3A_1324, %shift_right_logical3A_1351 : vector<1x128xi32>
    %and3A_1353 = arith.constant 15 : i32
    %and3A_1354 = vector.broadcast %and3A_1353 : i32 to vector<1x128xi32>
    %and3A_1355 = arith.andi %shift_right_logical3A_1352, %and3A_1354 : vector<1x128xi32>
    %and3A_1356 = arith.constant 127 : i32
    %and3A_1357 = vector.broadcast %and3A_1356 : i32 to vector<1x128xi32>
    %and3A_1358 = arith.andi %slice3A_1325, %and3A_1357 : vector<1x128xi32>
    %shift_right_logical3A_1359 = arith.constant 7 : i32
    %shift_right_logical3A_1360 = vector.broadcast %shift_right_logical3A_1359 : i32 to vector<1x128xi32>
    %shift_right_logical3A_1361 = arith.shrui %slice3A_1325, %shift_right_logical3A_1360 : vector<1x128xi32>
    %and3A_1362 = arith.constant 127 : i32
    %and3A_1363 = vector.broadcast %and3A_1362 : i32 to vector<1x128xi32>
    %and3A_1364 = arith.andi %shift_right_logical3A_1361, %and3A_1363 : vector<1x128xi32>
    %shift_right_logical3A_1365 = arith.constant 14 : i32
    %shift_right_logical3A_1366 = vector.broadcast %shift_right_logical3A_1365 : i32 to vector<1x128xi32>
    %shift_right_logical3A_1367 = arith.shrui %slice3A_1325, %shift_right_logical3A_1366 : vector<1x128xi32>
    %and3A_1368 = arith.constant 127 : i32
    %and3A_1369 = vector.broadcast %and3A_1368 : i32 to vector<1x128xi32>
    %and3A_1370 = arith.andi %shift_right_logical3A_1367, %and3A_1369 : vector<1x128xi32>
    %slice3A_1371 = vector.extract_strided_slice %cond3A_57#1 {offsets = [5, 0], sizes = [1, 128], strides = [1, 1]} : vector<8x128xi32> to vector<1x128xi32>
    %broadcast_in_dim3A_1372 = arith.constant 5 : i32
    %broadcast_in_dim3A_1373 = vector.broadcast %broadcast_in_dim3A_1372 : i32 to vector<1x128xi32>
    %convert_element_type3A_1374 = arith.sitofp %and3A_1331 : vector<1x128xi32> to vector<1x128xf32>
    %convert_element_type3A_1375 = arith.sitofp %and3A_1337 : vector<1x128xi32> to vector<1x128xf32>
    %convert_element_type3A_1376 = arith.sitofp %and3A_1343 : vector<1x128xi32> to vector<1x128xf32>
    %convert_element_type3A_1377 = arith.sitofp %and3A_1349 : vector<1x128xi32> to vector<1x128xf32>
    %convert_element_type3A_1378 = arith.sitofp %and3A_1355 : vector<1x128xi32> to vector<1x128xf32>
    %convert_element_type3A_1379 = arith.sitofp %and3A_1358 : vector<1x128xi32> to vector<1x128xf32>
    %convert_element_type3A_1380 = arith.sitofp %and3A_1364 : vector<1x128xi32> to vector<1x128xf32>
    %convert_element_type3A_1381 = arith.sitofp %and3A_1370 : vector<1x128xi32> to vector<1x128xf32>
    %convert_element_type3A_1382 = arith.sitofp %slice3A_1371 : vector<1x128xi32> to vector<1x128xf32>
    %convert_element_type3A_1383 = arith.sitofp %broadcast_in_dim3A_1373 : vector<1x128xi32> to vector<1x128xf32>
    %concatenate3A_1384 = tpu.concatenate %convert_element_type3A_1374, %convert_element_type3A_1375, %convert_element_type3A_1376, %convert_element_type3A_1377, %convert_element_type3A_1378, %convert_element_type3A_1379, %convert_element_type3A_1380, %convert_element_type3A_1381, %convert_element_type3A_1382, %convert_element_type3A_1383 in 0 : vector<1x128xf32>, vector<1x128xf32>, vector<1x128xf32>, vector<1x128xf32>, vector<1x128xf32>, vector<1x128xf32>, vector<1x128xf32>, vector<1x128xf32>, vector<1x128xf32>, vector<1x128xf32> -> vector<10x128xf32>
    %dot_general3A_1385 = arith.constant dense<0.000000e+00> : vector<10x128xf32>
    %dot_general3A_1386 = tpu.matmul %concatenate3A_1384, %convert_element_type3A_1323, %dot_general3A_1385 {dimension_numbers = #tpu.dot_dimension_numbers<[1], [0], [0], [1], [0, 0, 1, 1], [], []>, transpose_lhs_hint = false} : vector<10x128xf32>, vector<128x128xf32>, vector<10x128xf32> -> vector<10x128xf32>
    %add3A_1387 = arith.addf %add3A_1165, %dot_general3A_1386 : vector<10x128xf32>
    %slice3A_1388 = vector.extract_strided_slice %cond3A_57#2 {offsets = [6, 0], sizes = [1, 128], strides = [1, 1]} : vector<8x128xf32> to vector<1x128xf32>
    %broadcast_in_dim3A_1389 = vector.shape_cast %slice3A_1388 : vector<1x128xf32> to vector<1x128xf32>
    %broadcast_in_dim3A_1390 = vector.broadcast %broadcast_in_dim3A_1389 : vector<1x128xf32> to vector<128x128xf32>
    %jit3A_1391 = arith.constant -1.000000e+30 : f32
    %broadcast_in_dim3A_1392 = vector.broadcast %jit3A_1391 : f32 to vector<128x128xf32>
    %select_n3A_1393 = arith.select %eq3A, %broadcast_in_dim3A_1390, %broadcast_in_dim3A_1392 : vector<128x128xi1>, vector<128x128xf32>
    %reduce_max3A_1394 = arith.constant dense<0xFF800000> : vector<128xf32>
    %reduce_max3A_1395 = vector.multi_reduction <maximumf>, %select_n3A_1393, %reduce_max3A_1394 [1] : vector<128x128xf32> to vector<128xf32>
    %broadcast_in_dim3A_1396 = vector.shape_cast %reduce_max3A_1395 : vector<128xf32> to vector<128x1xf32>
    %add3A_1397 = arith.constant 768 : i32
    %add3A_1398 = vector.broadcast %add3A_1397 : i32 to vector<128x1xi32>
    %add3A_1399 = arith.addi %add3A_1398, %iota3A_61 : vector<128x1xi32>
    %broadcast_in_dim3A_1400 = arith.constant 0 : i32
    %broadcast_in_dim3A_1401 = vector.broadcast %broadcast_in_dim3A_1400 : i32 to vector<128x128xi32>
    %slice3A_1402 = vector.extract_strided_slice %cond3A_57#2 {offsets = [0, 0], sizes = [1, 128], strides = [1, 1]} : vector<8x128xf32> to vector<1x128xf32>
    %add3A_1403 = arith.constant 0 : i32
    %add3A_1404 = vector.broadcast %add3A_1403 : i32 to vector<1x128xi32>
    %add3A_1405 = arith.addi %add3A_1404, %iota3A_60 : vector<1x128xi32>
    %gt3A_1406 = vector.broadcast %slice3A_1402 : vector<1x128xf32> to vector<128x128xf32>
    %gt3A_1407 = vector.broadcast %broadcast_in_dim3A_1396 : vector<128x1xf32> to vector<128x128xf32>
    %gt3A_1408 = arith.cmpf ogt, %gt3A_1406, %gt3A_1407 : vector<128x128xf32>
    %eq3A_1409 = vector.broadcast %slice3A_1402 : vector<1x128xf32> to vector<128x128xf32>
    %eq3A_1410 = vector.broadcast %broadcast_in_dim3A_1396 : vector<128x1xf32> to vector<128x128xf32>
    %eq3A_1411 = arith.cmpf oeq, %eq3A_1409, %eq3A_1410 : vector<128x128xf32>
    %lt3A_1412 = vector.broadcast %add3A_1405 : vector<1x128xi32> to vector<128x128xi32>
    %lt3A_1413 = vector.broadcast %add3A_1399 : vector<128x1xi32> to vector<128x128xi32>
    %lt3A_1414 = arith.cmpi slt, %lt3A_1412, %lt3A_1413 : vector<128x128xi32>
    %and3A_1415 = arith.andi %eq3A_1411, %lt3A_1414 : vector<128x128xi1>
    %or3A_1416 = arith.ori %gt3A_1408, %and3A_1415 : vector<128x128xi1>
    %convert_element_type3A_1417 = arith.extui %or3A_1416 : vector<128x128xi1> to vector<128x128xi32>
    %add3A_1418 = arith.addi %broadcast_in_dim3A_1401, %convert_element_type3A_1417 : vector<128x128xi32>
    %slice3A_1419 = vector.extract_strided_slice %cond3A_57#2 {offsets = [1, 0], sizes = [1, 128], strides = [1, 1]} : vector<8x128xf32> to vector<1x128xf32>
    %add3A_1420 = arith.constant 128 : i32
    %add3A_1421 = vector.broadcast %add3A_1420 : i32 to vector<1x128xi32>
    %add3A_1422 = arith.addi %add3A_1421, %iota3A_60 : vector<1x128xi32>
    %gt3A_1423 = vector.broadcast %slice3A_1419 : vector<1x128xf32> to vector<128x128xf32>
    %gt3A_1424 = vector.broadcast %broadcast_in_dim3A_1396 : vector<128x1xf32> to vector<128x128xf32>
    %gt3A_1425 = arith.cmpf ogt, %gt3A_1423, %gt3A_1424 : vector<128x128xf32>
    %eq3A_1426 = vector.broadcast %slice3A_1419 : vector<1x128xf32> to vector<128x128xf32>
    %eq3A_1427 = vector.broadcast %broadcast_in_dim3A_1396 : vector<128x1xf32> to vector<128x128xf32>
    %eq3A_1428 = arith.cmpf oeq, %eq3A_1426, %eq3A_1427 : vector<128x128xf32>
    %lt3A_1429 = vector.broadcast %add3A_1422 : vector<1x128xi32> to vector<128x128xi32>
    %lt3A_1430 = vector.broadcast %add3A_1399 : vector<128x1xi32> to vector<128x128xi32>
    %lt3A_1431 = arith.cmpi slt, %lt3A_1429, %lt3A_1430 : vector<128x128xi32>
    %and3A_1432 = arith.andi %eq3A_1428, %lt3A_1431 : vector<128x128xi1>
    %or3A_1433 = arith.ori %gt3A_1425, %and3A_1432 : vector<128x128xi1>
    %convert_element_type3A_1434 = arith.extui %or3A_1433 : vector<128x128xi1> to vector<128x128xi32>
    %add3A_1435 = arith.addi %add3A_1418, %convert_element_type3A_1434 : vector<128x128xi32>
    %slice3A_1436 = vector.extract_strided_slice %cond3A_57#2 {offsets = [2, 0], sizes = [1, 128], strides = [1, 1]} : vector<8x128xf32> to vector<1x128xf32>
    %add3A_1437 = arith.constant 256 : i32
    %add3A_1438 = vector.broadcast %add3A_1437 : i32 to vector<1x128xi32>
    %add3A_1439 = arith.addi %add3A_1438, %iota3A_60 : vector<1x128xi32>
    %gt3A_1440 = vector.broadcast %slice3A_1436 : vector<1x128xf32> to vector<128x128xf32>
    %gt3A_1441 = vector.broadcast %broadcast_in_dim3A_1396 : vector<128x1xf32> to vector<128x128xf32>
    %gt3A_1442 = arith.cmpf ogt, %gt3A_1440, %gt3A_1441 : vector<128x128xf32>
    %eq3A_1443 = vector.broadcast %slice3A_1436 : vector<1x128xf32> to vector<128x128xf32>
    %eq3A_1444 = vector.broadcast %broadcast_in_dim3A_1396 : vector<128x1xf32> to vector<128x128xf32>
    %eq3A_1445 = arith.cmpf oeq, %eq3A_1443, %eq3A_1444 : vector<128x128xf32>
    %lt3A_1446 = vector.broadcast %add3A_1439 : vector<1x128xi32> to vector<128x128xi32>
    %lt3A_1447 = vector.broadcast %add3A_1399 : vector<128x1xi32> to vector<128x128xi32>
    %lt3A_1448 = arith.cmpi slt, %lt3A_1446, %lt3A_1447 : vector<128x128xi32>
    %and3A_1449 = arith.andi %eq3A_1445, %lt3A_1448 : vector<128x128xi1>
    %or3A_1450 = arith.ori %gt3A_1442, %and3A_1449 : vector<128x128xi1>
    %convert_element_type3A_1451 = arith.extui %or3A_1450 : vector<128x128xi1> to vector<128x128xi32>
    %add3A_1452 = arith.addi %add3A_1435, %convert_element_type3A_1451 : vector<128x128xi32>
    %slice3A_1453 = vector.extract_strided_slice %cond3A_57#2 {offsets = [3, 0], sizes = [1, 128], strides = [1, 1]} : vector<8x128xf32> to vector<1x128xf32>
    %add3A_1454 = arith.constant 384 : i32
    %add3A_1455 = vector.broadcast %add3A_1454 : i32 to vector<1x128xi32>
    %add3A_1456 = arith.addi %add3A_1455, %iota3A_60 : vector<1x128xi32>
    %gt3A_1457 = vector.broadcast %slice3A_1453 : vector<1x128xf32> to vector<128x128xf32>
    %gt3A_1458 = vector.broadcast %broadcast_in_dim3A_1396 : vector<128x1xf32> to vector<128x128xf32>
    %gt3A_1459 = arith.cmpf ogt, %gt3A_1457, %gt3A_1458 : vector<128x128xf32>
    %eq3A_1460 = vector.broadcast %slice3A_1453 : vector<1x128xf32> to vector<128x128xf32>
    %eq3A_1461 = vector.broadcast %broadcast_in_dim3A_1396 : vector<128x1xf32> to vector<128x128xf32>
    %eq3A_1462 = arith.cmpf oeq, %eq3A_1460, %eq3A_1461 : vector<128x128xf32>
    %lt3A_1463 = vector.broadcast %add3A_1456 : vector<1x128xi32> to vector<128x128xi32>
    %lt3A_1464 = vector.broadcast %add3A_1399 : vector<128x1xi32> to vector<128x128xi32>
    %lt3A_1465 = arith.cmpi slt, %lt3A_1463, %lt3A_1464 : vector<128x128xi32>
    %and3A_1466 = arith.andi %eq3A_1462, %lt3A_1465 : vector<128x128xi1>
    %or3A_1467 = arith.ori %gt3A_1459, %and3A_1466 : vector<128x128xi1>
    %convert_element_type3A_1468 = arith.extui %or3A_1467 : vector<128x128xi1> to vector<128x128xi32>
    %add3A_1469 = arith.addi %add3A_1452, %convert_element_type3A_1468 : vector<128x128xi32>
    %slice3A_1470 = vector.extract_strided_slice %cond3A_57#2 {offsets = [4, 0], sizes = [1, 128], strides = [1, 1]} : vector<8x128xf32> to vector<1x128xf32>
    %add3A_1471 = arith.constant 512 : i32
    %add3A_1472 = vector.broadcast %add3A_1471 : i32 to vector<1x128xi32>
    %add3A_1473 = arith.addi %add3A_1472, %iota3A_60 : vector<1x128xi32>
    %gt3A_1474 = vector.broadcast %slice3A_1470 : vector<1x128xf32> to vector<128x128xf32>
    %gt3A_1475 = vector.broadcast %broadcast_in_dim3A_1396 : vector<128x1xf32> to vector<128x128xf32>
    %gt3A_1476 = arith.cmpf ogt, %gt3A_1474, %gt3A_1475 : vector<128x128xf32>
    %eq3A_1477 = vector.broadcast %slice3A_1470 : vector<1x128xf32> to vector<128x128xf32>
    %eq3A_1478 = vector.broadcast %broadcast_in_dim3A_1396 : vector<128x1xf32> to vector<128x128xf32>
    %eq3A_1479 = arith.cmpf oeq, %eq3A_1477, %eq3A_1478 : vector<128x128xf32>
    %lt3A_1480 = vector.broadcast %add3A_1473 : vector<1x128xi32> to vector<128x128xi32>
    %lt3A_1481 = vector.broadcast %add3A_1399 : vector<128x1xi32> to vector<128x128xi32>
    %lt3A_1482 = arith.cmpi slt, %lt3A_1480, %lt3A_1481 : vector<128x128xi32>
    %and3A_1483 = arith.andi %eq3A_1479, %lt3A_1482 : vector<128x128xi1>
    %or3A_1484 = arith.ori %gt3A_1476, %and3A_1483 : vector<128x128xi1>
    %convert_element_type3A_1485 = arith.extui %or3A_1484 : vector<128x128xi1> to vector<128x128xi32>
    %add3A_1486 = arith.addi %add3A_1469, %convert_element_type3A_1485 : vector<128x128xi32>
    %slice3A_1487 = vector.extract_strided_slice %cond3A_57#2 {offsets = [5, 0], sizes = [1, 128], strides = [1, 1]} : vector<8x128xf32> to vector<1x128xf32>
    %add3A_1488 = arith.constant 640 : i32
    %add3A_1489 = vector.broadcast %add3A_1488 : i32 to vector<1x128xi32>
    %add3A_1490 = arith.addi %add3A_1489, %iota3A_60 : vector<1x128xi32>
    %gt3A_1491 = vector.broadcast %slice3A_1487 : vector<1x128xf32> to vector<128x128xf32>
    %gt3A_1492 = vector.broadcast %broadcast_in_dim3A_1396 : vector<128x1xf32> to vector<128x128xf32>
    %gt3A_1493 = arith.cmpf ogt, %gt3A_1491, %gt3A_1492 : vector<128x128xf32>
    %eq3A_1494 = vector.broadcast %slice3A_1487 : vector<1x128xf32> to vector<128x128xf32>
    %eq3A_1495 = vector.broadcast %broadcast_in_dim3A_1396 : vector<128x1xf32> to vector<128x128xf32>
    %eq3A_1496 = arith.cmpf oeq, %eq3A_1494, %eq3A_1495 : vector<128x128xf32>
    %lt3A_1497 = vector.broadcast %add3A_1490 : vector<1x128xi32> to vector<128x128xi32>
    %lt3A_1498 = vector.broadcast %add3A_1399 : vector<128x1xi32> to vector<128x128xi32>
    %lt3A_1499 = arith.cmpi slt, %lt3A_1497, %lt3A_1498 : vector<128x128xi32>
    %and3A_1500 = arith.andi %eq3A_1496, %lt3A_1499 : vector<128x128xi1>
    %or3A_1501 = arith.ori %gt3A_1493, %and3A_1500 : vector<128x128xi1>
    %convert_element_type3A_1502 = arith.extui %or3A_1501 : vector<128x128xi1> to vector<128x128xi32>
    %add3A_1503 = arith.addi %add3A_1486, %convert_element_type3A_1502 : vector<128x128xi32>
    %slice3A_1504 = vector.extract_strided_slice %cond3A_57#2 {offsets = [6, 0], sizes = [1, 128], strides = [1, 1]} : vector<8x128xf32> to vector<1x128xf32>
    %add3A_1505 = arith.constant 768 : i32
    %add3A_1506 = vector.broadcast %add3A_1505 : i32 to vector<1x128xi32>
    %add3A_1507 = arith.addi %add3A_1506, %iota3A_60 : vector<1x128xi32>
    %gt3A_1508 = vector.broadcast %slice3A_1504 : vector<1x128xf32> to vector<128x128xf32>
    %gt3A_1509 = vector.broadcast %broadcast_in_dim3A_1396 : vector<128x1xf32> to vector<128x128xf32>
    %gt3A_1510 = arith.cmpf ogt, %gt3A_1508, %gt3A_1509 : vector<128x128xf32>
    %eq3A_1511 = vector.broadcast %slice3A_1504 : vector<1x128xf32> to vector<128x128xf32>
    %eq3A_1512 = vector.broadcast %broadcast_in_dim3A_1396 : vector<128x1xf32> to vector<128x128xf32>
    %eq3A_1513 = arith.cmpf oeq, %eq3A_1511, %eq3A_1512 : vector<128x128xf32>
    %lt3A_1514 = vector.broadcast %add3A_1507 : vector<1x128xi32> to vector<128x128xi32>
    %lt3A_1515 = vector.broadcast %add3A_1399 : vector<128x1xi32> to vector<128x128xi32>
    %lt3A_1516 = arith.cmpi slt, %lt3A_1514, %lt3A_1515 : vector<128x128xi32>
    %and3A_1517 = arith.andi %eq3A_1513, %lt3A_1516 : vector<128x128xi1>
    %or3A_1518 = arith.ori %gt3A_1510, %and3A_1517 : vector<128x128xi1>
    %convert_element_type3A_1519 = arith.extui %or3A_1518 : vector<128x128xi1> to vector<128x128xi32>
    %add3A_1520 = arith.addi %add3A_1503, %convert_element_type3A_1519 : vector<128x128xi32>
    %slice3A_1521 = vector.extract_strided_slice %cond3A_57#2 {offsets = [7, 0], sizes = [1, 128], strides = [1, 1]} : vector<8x128xf32> to vector<1x128xf32>
    %add3A_1522 = arith.constant 896 : i32
    %add3A_1523 = vector.broadcast %add3A_1522 : i32 to vector<1x128xi32>
    %add3A_1524 = arith.addi %add3A_1523, %iota3A_60 : vector<1x128xi32>
    %gt3A_1525 = vector.broadcast %slice3A_1521 : vector<1x128xf32> to vector<128x128xf32>
    %gt3A_1526 = vector.broadcast %broadcast_in_dim3A_1396 : vector<128x1xf32> to vector<128x128xf32>
    %gt3A_1527 = arith.cmpf ogt, %gt3A_1525, %gt3A_1526 : vector<128x128xf32>
    %eq3A_1528 = vector.broadcast %slice3A_1521 : vector<1x128xf32> to vector<128x128xf32>
    %eq3A_1529 = vector.broadcast %broadcast_in_dim3A_1396 : vector<128x1xf32> to vector<128x128xf32>
    %eq3A_1530 = arith.cmpf oeq, %eq3A_1528, %eq3A_1529 : vector<128x128xf32>
    %lt3A_1531 = vector.broadcast %add3A_1524 : vector<1x128xi32> to vector<128x128xi32>
    %lt3A_1532 = vector.broadcast %add3A_1399 : vector<128x1xi32> to vector<128x128xi32>
    %lt3A_1533 = arith.cmpi slt, %lt3A_1531, %lt3A_1532 : vector<128x128xi32>
    %and3A_1534 = arith.andi %eq3A_1530, %lt3A_1533 : vector<128x128xi1>
    %or3A_1535 = arith.ori %gt3A_1527, %and3A_1534 : vector<128x128xi1>
    %convert_element_type3A_1536 = arith.extui %or3A_1535 : vector<128x128xi1> to vector<128x128xi32>
    %add3A_1537 = arith.addi %add3A_1520, %convert_element_type3A_1536 : vector<128x128xi32>
    %reduce_sum3A_1538 = arith.constant dense<0> : vector<128xi32>
    %reduce_sum3A_1539 = vector.multi_reduction <add>, %add3A_1537, %reduce_sum3A_1538 [1] : vector<128x128xi32> to vector<128xi32>
    %broadcast_in_dim3A_1540 = vector.shape_cast %reduce_sum3A_1539 : vector<128xi32> to vector<128x1xi32>
    %eq3A_1541 = vector.broadcast %broadcast_in_dim3A_1540 : vector<128x1xi32> to vector<128x128xi32>
    %eq3A_1542 = vector.broadcast %iota3A_60 : vector<1x128xi32> to vector<128x128xi32>
    %eq3A_1543 = arith.cmpi eq, %eq3A_1541, %eq3A_1542 : vector<128x128xi32>
    %convert_element_type3A_1544 = arith.extui %eq3A_1543 : vector<128x128xi1> to vector<128x128xi32>
    %convert_element_type3A_1545 = arith.sitofp %convert_element_type3A_1544 : vector<128x128xi32> to vector<128x128xf32>
    %slice3A_1546 = vector.extract_strided_slice %bitcast_convert_type3A {offsets = [6, 0], sizes = [1, 128], strides = [1, 1]} : vector<8x128xi32> to vector<1x128xi32>
    %slice3A_1547 = vector.extract_strided_slice %cond3A_57#0 {offsets = [6, 0], sizes = [1, 128], strides = [1, 1]} : vector<8x128xi32> to vector<1x128xi32>
    %shift_right_logical3A_1548 = arith.constant 0 : i32
    %shift_right_logical3A_1549 = vector.broadcast %shift_right_logical3A_1548 : i32 to vector<1x128xi32>
    %shift_right_logical3A_1550 = arith.shrui %slice3A_1546, %shift_right_logical3A_1549 : vector<1x128xi32>
    %and3A_1551 = arith.constant 127 : i32
    %and3A_1552 = vector.broadcast %and3A_1551 : i32 to vector<1x128xi32>
    %and3A_1553 = arith.andi %shift_right_logical3A_1550, %and3A_1552 : vector<1x128xi32>
    %shift_right_logical3A_1554 = arith.constant 7 : i32
    %shift_right_logical3A_1555 = vector.broadcast %shift_right_logical3A_1554 : i32 to vector<1x128xi32>
    %shift_right_logical3A_1556 = arith.shrui %slice3A_1546, %shift_right_logical3A_1555 : vector<1x128xi32>
    %and3A_1557 = arith.constant 127 : i32
    %and3A_1558 = vector.broadcast %and3A_1557 : i32 to vector<1x128xi32>
    %and3A_1559 = arith.andi %shift_right_logical3A_1556, %and3A_1558 : vector<1x128xi32>
    %shift_right_logical3A_1560 = arith.constant 14 : i32
    %shift_right_logical3A_1561 = vector.broadcast %shift_right_logical3A_1560 : i32 to vector<1x128xi32>
    %shift_right_logical3A_1562 = arith.shrui %slice3A_1546, %shift_right_logical3A_1561 : vector<1x128xi32>
    %and3A_1563 = arith.constant 127 : i32
    %and3A_1564 = vector.broadcast %and3A_1563 : i32 to vector<1x128xi32>
    %and3A_1565 = arith.andi %shift_right_logical3A_1562, %and3A_1564 : vector<1x128xi32>
    %shift_right_logical3A_1566 = arith.constant 21 : i32
    %shift_right_logical3A_1567 = vector.broadcast %shift_right_logical3A_1566 : i32 to vector<1x128xi32>
    %shift_right_logical3A_1568 = arith.shrui %slice3A_1546, %shift_right_logical3A_1567 : vector<1x128xi32>
    %and3A_1569 = arith.constant 127 : i32
    %and3A_1570 = vector.broadcast %and3A_1569 : i32 to vector<1x128xi32>
    %and3A_1571 = arith.andi %shift_right_logical3A_1568, %and3A_1570 : vector<1x128xi32>
    %shift_right_logical3A_1572 = arith.constant 28 : i32
    %shift_right_logical3A_1573 = vector.broadcast %shift_right_logical3A_1572 : i32 to vector<1x128xi32>
    %shift_right_logical3A_1574 = arith.shrui %slice3A_1546, %shift_right_logical3A_1573 : vector<1x128xi32>
    %and3A_1575 = arith.constant 15 : i32
    %and3A_1576 = vector.broadcast %and3A_1575 : i32 to vector<1x128xi32>
    %and3A_1577 = arith.andi %shift_right_logical3A_1574, %and3A_1576 : vector<1x128xi32>
    %and3A_1578 = arith.constant 127 : i32
    %and3A_1579 = vector.broadcast %and3A_1578 : i32 to vector<1x128xi32>
    %and3A_1580 = arith.andi %slice3A_1547, %and3A_1579 : vector<1x128xi32>
    %shift_right_logical3A_1581 = arith.constant 7 : i32
    %shift_right_logical3A_1582 = vector.broadcast %shift_right_logical3A_1581 : i32 to vector<1x128xi32>
    %shift_right_logical3A_1583 = arith.shrui %slice3A_1547, %shift_right_logical3A_1582 : vector<1x128xi32>
    %and3A_1584 = arith.constant 127 : i32
    %and3A_1585 = vector.broadcast %and3A_1584 : i32 to vector<1x128xi32>
    %and3A_1586 = arith.andi %shift_right_logical3A_1583, %and3A_1585 : vector<1x128xi32>
    %shift_right_logical3A_1587 = arith.constant 14 : i32
    %shift_right_logical3A_1588 = vector.broadcast %shift_right_logical3A_1587 : i32 to vector<1x128xi32>
    %shift_right_logical3A_1589 = arith.shrui %slice3A_1547, %shift_right_logical3A_1588 : vector<1x128xi32>
    %and3A_1590 = arith.constant 127 : i32
    %and3A_1591 = vector.broadcast %and3A_1590 : i32 to vector<1x128xi32>
    %and3A_1592 = arith.andi %shift_right_logical3A_1589, %and3A_1591 : vector<1x128xi32>
    %slice3A_1593 = vector.extract_strided_slice %cond3A_57#1 {offsets = [6, 0], sizes = [1, 128], strides = [1, 1]} : vector<8x128xi32> to vector<1x128xi32>
    %broadcast_in_dim3A_1594 = arith.constant 6 : i32
    %broadcast_in_dim3A_1595 = vector.broadcast %broadcast_in_dim3A_1594 : i32 to vector<1x128xi32>
    %convert_element_type3A_1596 = arith.sitofp %and3A_1553 : vector<1x128xi32> to vector<1x128xf32>
    %convert_element_type3A_1597 = arith.sitofp %and3A_1559 : vector<1x128xi32> to vector<1x128xf32>
    %convert_element_type3A_1598 = arith.sitofp %and3A_1565 : vector<1x128xi32> to vector<1x128xf32>
    %convert_element_type3A_1599 = arith.sitofp %and3A_1571 : vector<1x128xi32> to vector<1x128xf32>
    %convert_element_type3A_1600 = arith.sitofp %and3A_1577 : vector<1x128xi32> to vector<1x128xf32>
    %convert_element_type3A_1601 = arith.sitofp %and3A_1580 : vector<1x128xi32> to vector<1x128xf32>
    %convert_element_type3A_1602 = arith.sitofp %and3A_1586 : vector<1x128xi32> to vector<1x128xf32>
    %convert_element_type3A_1603 = arith.sitofp %and3A_1592 : vector<1x128xi32> to vector<1x128xf32>
    %convert_element_type3A_1604 = arith.sitofp %slice3A_1593 : vector<1x128xi32> to vector<1x128xf32>
    %convert_element_type3A_1605 = arith.sitofp %broadcast_in_dim3A_1595 : vector<1x128xi32> to vector<1x128xf32>
    %concatenate3A_1606 = tpu.concatenate %convert_element_type3A_1596, %convert_element_type3A_1597, %convert_element_type3A_1598, %convert_element_type3A_1599, %convert_element_type3A_1600, %convert_element_type3A_1601, %convert_element_type3A_1602, %convert_element_type3A_1603, %convert_element_type3A_1604, %convert_element_type3A_1605 in 0 : vector<1x128xf32>, vector<1x128xf32>, vector<1x128xf32>, vector<1x128xf32>, vector<1x128xf32>, vector<1x128xf32>, vector<1x128xf32>, vector<1x128xf32>, vector<1x128xf32>, vector<1x128xf32> -> vector<10x128xf32>
    %dot_general3A_1607 = arith.constant dense<0.000000e+00> : vector<10x128xf32>
    %dot_general3A_1608 = tpu.matmul %concatenate3A_1606, %convert_element_type3A_1545, %dot_general3A_1607 {dimension_numbers = #tpu.dot_dimension_numbers<[1], [0], [0], [1], [0, 0, 1, 1], [], []>, transpose_lhs_hint = false} : vector<10x128xf32>, vector<128x128xf32>, vector<10x128xf32> -> vector<10x128xf32>
    %add3A_1609 = arith.addf %add3A_1387, %dot_general3A_1608 : vector<10x128xf32>
    %slice3A_1610 = vector.extract_strided_slice %cond3A_57#2 {offsets = [7, 0], sizes = [1, 128], strides = [1, 1]} : vector<8x128xf32> to vector<1x128xf32>
    %broadcast_in_dim3A_1611 = vector.shape_cast %slice3A_1610 : vector<1x128xf32> to vector<1x128xf32>
    %broadcast_in_dim3A_1612 = vector.broadcast %broadcast_in_dim3A_1611 : vector<1x128xf32> to vector<128x128xf32>
    %jit3A_1613 = arith.constant -1.000000e+30 : f32
    %broadcast_in_dim3A_1614 = vector.broadcast %jit3A_1613 : f32 to vector<128x128xf32>
    %select_n3A_1615 = arith.select %eq3A, %broadcast_in_dim3A_1612, %broadcast_in_dim3A_1614 : vector<128x128xi1>, vector<128x128xf32>
    %reduce_max3A_1616 = arith.constant dense<0xFF800000> : vector<128xf32>
    %reduce_max3A_1617 = vector.multi_reduction <maximumf>, %select_n3A_1615, %reduce_max3A_1616 [1] : vector<128x128xf32> to vector<128xf32>
    %broadcast_in_dim3A_1618 = vector.shape_cast %reduce_max3A_1617 : vector<128xf32> to vector<128x1xf32>
    %add3A_1619 = arith.constant 896 : i32
    %add3A_1620 = vector.broadcast %add3A_1619 : i32 to vector<128x1xi32>
    %add3A_1621 = arith.addi %add3A_1620, %iota3A_61 : vector<128x1xi32>
    %broadcast_in_dim3A_1622 = arith.constant 0 : i32
    %broadcast_in_dim3A_1623 = vector.broadcast %broadcast_in_dim3A_1622 : i32 to vector<128x128xi32>
    %slice3A_1624 = vector.extract_strided_slice %cond3A_57#2 {offsets = [0, 0], sizes = [1, 128], strides = [1, 1]} : vector<8x128xf32> to vector<1x128xf32>
    %add3A_1625 = arith.constant 0 : i32
    %add3A_1626 = vector.broadcast %add3A_1625 : i32 to vector<1x128xi32>
    %add3A_1627 = arith.addi %add3A_1626, %iota3A_60 : vector<1x128xi32>
    %gt3A_1628 = vector.broadcast %slice3A_1624 : vector<1x128xf32> to vector<128x128xf32>
    %gt3A_1629 = vector.broadcast %broadcast_in_dim3A_1618 : vector<128x1xf32> to vector<128x128xf32>
    %gt3A_1630 = arith.cmpf ogt, %gt3A_1628, %gt3A_1629 : vector<128x128xf32>
    %eq3A_1631 = vector.broadcast %slice3A_1624 : vector<1x128xf32> to vector<128x128xf32>
    %eq3A_1632 = vector.broadcast %broadcast_in_dim3A_1618 : vector<128x1xf32> to vector<128x128xf32>
    %eq3A_1633 = arith.cmpf oeq, %eq3A_1631, %eq3A_1632 : vector<128x128xf32>
    %lt3A_1634 = vector.broadcast %add3A_1627 : vector<1x128xi32> to vector<128x128xi32>
    %lt3A_1635 = vector.broadcast %add3A_1621 : vector<128x1xi32> to vector<128x128xi32>
    %lt3A_1636 = arith.cmpi slt, %lt3A_1634, %lt3A_1635 : vector<128x128xi32>
    %and3A_1637 = arith.andi %eq3A_1633, %lt3A_1636 : vector<128x128xi1>
    %or3A_1638 = arith.ori %gt3A_1630, %and3A_1637 : vector<128x128xi1>
    %convert_element_type3A_1639 = arith.extui %or3A_1638 : vector<128x128xi1> to vector<128x128xi32>
    %add3A_1640 = arith.addi %broadcast_in_dim3A_1623, %convert_element_type3A_1639 : vector<128x128xi32>
    %slice3A_1641 = vector.extract_strided_slice %cond3A_57#2 {offsets = [1, 0], sizes = [1, 128], strides = [1, 1]} : vector<8x128xf32> to vector<1x128xf32>
    %add3A_1642 = arith.constant 128 : i32
    %add3A_1643 = vector.broadcast %add3A_1642 : i32 to vector<1x128xi32>
    %add3A_1644 = arith.addi %add3A_1643, %iota3A_60 : vector<1x128xi32>
    %gt3A_1645 = vector.broadcast %slice3A_1641 : vector<1x128xf32> to vector<128x128xf32>
    %gt3A_1646 = vector.broadcast %broadcast_in_dim3A_1618 : vector<128x1xf32> to vector<128x128xf32>
    %gt3A_1647 = arith.cmpf ogt, %gt3A_1645, %gt3A_1646 : vector<128x128xf32>
    %eq3A_1648 = vector.broadcast %slice3A_1641 : vector<1x128xf32> to vector<128x128xf32>
    %eq3A_1649 = vector.broadcast %broadcast_in_dim3A_1618 : vector<128x1xf32> to vector<128x128xf32>
    %eq3A_1650 = arith.cmpf oeq, %eq3A_1648, %eq3A_1649 : vector<128x128xf32>
    %lt3A_1651 = vector.broadcast %add3A_1644 : vector<1x128xi32> to vector<128x128xi32>
    %lt3A_1652 = vector.broadcast %add3A_1621 : vector<128x1xi32> to vector<128x128xi32>
    %lt3A_1653 = arith.cmpi slt, %lt3A_1651, %lt3A_1652 : vector<128x128xi32>
    %and3A_1654 = arith.andi %eq3A_1650, %lt3A_1653 : vector<128x128xi1>
    %or3A_1655 = arith.ori %gt3A_1647, %and3A_1654 : vector<128x128xi1>
    %convert_element_type3A_1656 = arith.extui %or3A_1655 : vector<128x128xi1> to vector<128x128xi32>
    %add3A_1657 = arith.addi %add3A_1640, %convert_element_type3A_1656 : vector<128x128xi32>
    %slice3A_1658 = vector.extract_strided_slice %cond3A_57#2 {offsets = [2, 0], sizes = [1, 128], strides = [1, 1]} : vector<8x128xf32> to vector<1x128xf32>
    %add3A_1659 = arith.constant 256 : i32
    %add3A_1660 = vector.broadcast %add3A_1659 : i32 to vector<1x128xi32>
    %add3A_1661 = arith.addi %add3A_1660, %iota3A_60 : vector<1x128xi32>
    %gt3A_1662 = vector.broadcast %slice3A_1658 : vector<1x128xf32> to vector<128x128xf32>
    %gt3A_1663 = vector.broadcast %broadcast_in_dim3A_1618 : vector<128x1xf32> to vector<128x128xf32>
    %gt3A_1664 = arith.cmpf ogt, %gt3A_1662, %gt3A_1663 : vector<128x128xf32>
    %eq3A_1665 = vector.broadcast %slice3A_1658 : vector<1x128xf32> to vector<128x128xf32>
    %eq3A_1666 = vector.broadcast %broadcast_in_dim3A_1618 : vector<128x1xf32> to vector<128x128xf32>
    %eq3A_1667 = arith.cmpf oeq, %eq3A_1665, %eq3A_1666 : vector<128x128xf32>
    %lt3A_1668 = vector.broadcast %add3A_1661 : vector<1x128xi32> to vector<128x128xi32>
    %lt3A_1669 = vector.broadcast %add3A_1621 : vector<128x1xi32> to vector<128x128xi32>
    %lt3A_1670 = arith.cmpi slt, %lt3A_1668, %lt3A_1669 : vector<128x128xi32>
    %and3A_1671 = arith.andi %eq3A_1667, %lt3A_1670 : vector<128x128xi1>
    %or3A_1672 = arith.ori %gt3A_1664, %and3A_1671 : vector<128x128xi1>
    %convert_element_type3A_1673 = arith.extui %or3A_1672 : vector<128x128xi1> to vector<128x128xi32>
    %add3A_1674 = arith.addi %add3A_1657, %convert_element_type3A_1673 : vector<128x128xi32>
    %slice3A_1675 = vector.extract_strided_slice %cond3A_57#2 {offsets = [3, 0], sizes = [1, 128], strides = [1, 1]} : vector<8x128xf32> to vector<1x128xf32>
    %add3A_1676 = arith.constant 384 : i32
    %add3A_1677 = vector.broadcast %add3A_1676 : i32 to vector<1x128xi32>
    %add3A_1678 = arith.addi %add3A_1677, %iota3A_60 : vector<1x128xi32>
    %gt3A_1679 = vector.broadcast %slice3A_1675 : vector<1x128xf32> to vector<128x128xf32>
    %gt3A_1680 = vector.broadcast %broadcast_in_dim3A_1618 : vector<128x1xf32> to vector<128x128xf32>
    %gt3A_1681 = arith.cmpf ogt, %gt3A_1679, %gt3A_1680 : vector<128x128xf32>
    %eq3A_1682 = vector.broadcast %slice3A_1675 : vector<1x128xf32> to vector<128x128xf32>
    %eq3A_1683 = vector.broadcast %broadcast_in_dim3A_1618 : vector<128x1xf32> to vector<128x128xf32>
    %eq3A_1684 = arith.cmpf oeq, %eq3A_1682, %eq3A_1683 : vector<128x128xf32>
    %lt3A_1685 = vector.broadcast %add3A_1678 : vector<1x128xi32> to vector<128x128xi32>
    %lt3A_1686 = vector.broadcast %add3A_1621 : vector<128x1xi32> to vector<128x128xi32>
    %lt3A_1687 = arith.cmpi slt, %lt3A_1685, %lt3A_1686 : vector<128x128xi32>
    %and3A_1688 = arith.andi %eq3A_1684, %lt3A_1687 : vector<128x128xi1>
    %or3A_1689 = arith.ori %gt3A_1681, %and3A_1688 : vector<128x128xi1>
    %convert_element_type3A_1690 = arith.extui %or3A_1689 : vector<128x128xi1> to vector<128x128xi32>
    %add3A_1691 = arith.addi %add3A_1674, %convert_element_type3A_1690 : vector<128x128xi32>
    %slice3A_1692 = vector.extract_strided_slice %cond3A_57#2 {offsets = [4, 0], sizes = [1, 128], strides = [1, 1]} : vector<8x128xf32> to vector<1x128xf32>
    %add3A_1693 = arith.constant 512 : i32
    %add3A_1694 = vector.broadcast %add3A_1693 : i32 to vector<1x128xi32>
    %add3A_1695 = arith.addi %add3A_1694, %iota3A_60 : vector<1x128xi32>
    %gt3A_1696 = vector.broadcast %slice3A_1692 : vector<1x128xf32> to vector<128x128xf32>
    %gt3A_1697 = vector.broadcast %broadcast_in_dim3A_1618 : vector<128x1xf32> to vector<128x128xf32>
    %gt3A_1698 = arith.cmpf ogt, %gt3A_1696, %gt3A_1697 : vector<128x128xf32>
    %eq3A_1699 = vector.broadcast %slice3A_1692 : vector<1x128xf32> to vector<128x128xf32>
    %eq3A_1700 = vector.broadcast %broadcast_in_dim3A_1618 : vector<128x1xf32> to vector<128x128xf32>
    %eq3A_1701 = arith.cmpf oeq, %eq3A_1699, %eq3A_1700 : vector<128x128xf32>
    %lt3A_1702 = vector.broadcast %add3A_1695 : vector<1x128xi32> to vector<128x128xi32>
    %lt3A_1703 = vector.broadcast %add3A_1621 : vector<128x1xi32> to vector<128x128xi32>
    %lt3A_1704 = arith.cmpi slt, %lt3A_1702, %lt3A_1703 : vector<128x128xi32>
    %and3A_1705 = arith.andi %eq3A_1701, %lt3A_1704 : vector<128x128xi1>
    %or3A_1706 = arith.ori %gt3A_1698, %and3A_1705 : vector<128x128xi1>
    %convert_element_type3A_1707 = arith.extui %or3A_1706 : vector<128x128xi1> to vector<128x128xi32>
    %add3A_1708 = arith.addi %add3A_1691, %convert_element_type3A_1707 : vector<128x128xi32>
    %slice3A_1709 = vector.extract_strided_slice %cond3A_57#2 {offsets = [5, 0], sizes = [1, 128], strides = [1, 1]} : vector<8x128xf32> to vector<1x128xf32>
    %add3A_1710 = arith.constant 640 : i32
    %add3A_1711 = vector.broadcast %add3A_1710 : i32 to vector<1x128xi32>
    %add3A_1712 = arith.addi %add3A_1711, %iota3A_60 : vector<1x128xi32>
    %gt3A_1713 = vector.broadcast %slice3A_1709 : vector<1x128xf32> to vector<128x128xf32>
    %gt3A_1714 = vector.broadcast %broadcast_in_dim3A_1618 : vector<128x1xf32> to vector<128x128xf32>
    %gt3A_1715 = arith.cmpf ogt, %gt3A_1713, %gt3A_1714 : vector<128x128xf32>
    %eq3A_1716 = vector.broadcast %slice3A_1709 : vector<1x128xf32> to vector<128x128xf32>
    %eq3A_1717 = vector.broadcast %broadcast_in_dim3A_1618 : vector<128x1xf32> to vector<128x128xf32>
    %eq3A_1718 = arith.cmpf oeq, %eq3A_1716, %eq3A_1717 : vector<128x128xf32>
    %lt3A_1719 = vector.broadcast %add3A_1712 : vector<1x128xi32> to vector<128x128xi32>
    %lt3A_1720 = vector.broadcast %add3A_1621 : vector<128x1xi32> to vector<128x128xi32>
    %lt3A_1721 = arith.cmpi slt, %lt3A_1719, %lt3A_1720 : vector<128x128xi32>
    %and3A_1722 = arith.andi %eq3A_1718, %lt3A_1721 : vector<128x128xi1>
    %or3A_1723 = arith.ori %gt3A_1715, %and3A_1722 : vector<128x128xi1>
    %convert_element_type3A_1724 = arith.extui %or3A_1723 : vector<128x128xi1> to vector<128x128xi32>
    %add3A_1725 = arith.addi %add3A_1708, %convert_element_type3A_1724 : vector<128x128xi32>
    %slice3A_1726 = vector.extract_strided_slice %cond3A_57#2 {offsets = [6, 0], sizes = [1, 128], strides = [1, 1]} : vector<8x128xf32> to vector<1x128xf32>
    %add3A_1727 = arith.constant 768 : i32
    %add3A_1728 = vector.broadcast %add3A_1727 : i32 to vector<1x128xi32>
    %add3A_1729 = arith.addi %add3A_1728, %iota3A_60 : vector<1x128xi32>
    %gt3A_1730 = vector.broadcast %slice3A_1726 : vector<1x128xf32> to vector<128x128xf32>
    %gt3A_1731 = vector.broadcast %broadcast_in_dim3A_1618 : vector<128x1xf32> to vector<128x128xf32>
    %gt3A_1732 = arith.cmpf ogt, %gt3A_1730, %gt3A_1731 : vector<128x128xf32>
    %eq3A_1733 = vector.broadcast %slice3A_1726 : vector<1x128xf32> to vector<128x128xf32>
    %eq3A_1734 = vector.broadcast %broadcast_in_dim3A_1618 : vector<128x1xf32> to vector<128x128xf32>
    %eq3A_1735 = arith.cmpf oeq, %eq3A_1733, %eq3A_1734 : vector<128x128xf32>
    %lt3A_1736 = vector.broadcast %add3A_1729 : vector<1x128xi32> to vector<128x128xi32>
    %lt3A_1737 = vector.broadcast %add3A_1621 : vector<128x1xi32> to vector<128x128xi32>
    %lt3A_1738 = arith.cmpi slt, %lt3A_1736, %lt3A_1737 : vector<128x128xi32>
    %and3A_1739 = arith.andi %eq3A_1735, %lt3A_1738 : vector<128x128xi1>
    %or3A_1740 = arith.ori %gt3A_1732, %and3A_1739 : vector<128x128xi1>
    %convert_element_type3A_1741 = arith.extui %or3A_1740 : vector<128x128xi1> to vector<128x128xi32>
    %add3A_1742 = arith.addi %add3A_1725, %convert_element_type3A_1741 : vector<128x128xi32>
    %slice3A_1743 = vector.extract_strided_slice %cond3A_57#2 {offsets = [7, 0], sizes = [1, 128], strides = [1, 1]} : vector<8x128xf32> to vector<1x128xf32>
    %add3A_1744 = arith.constant 896 : i32
    %add3A_1745 = vector.broadcast %add3A_1744 : i32 to vector<1x128xi32>
    %add3A_1746 = arith.addi %add3A_1745, %iota3A_60 : vector<1x128xi32>
    %gt3A_1747 = vector.broadcast %slice3A_1743 : vector<1x128xf32> to vector<128x128xf32>
    %gt3A_1748 = vector.broadcast %broadcast_in_dim3A_1618 : vector<128x1xf32> to vector<128x128xf32>
    %gt3A_1749 = arith.cmpf ogt, %gt3A_1747, %gt3A_1748 : vector<128x128xf32>
    %eq3A_1750 = vector.broadcast %slice3A_1743 : vector<1x128xf32> to vector<128x128xf32>
    %eq3A_1751 = vector.broadcast %broadcast_in_dim3A_1618 : vector<128x1xf32> to vector<128x128xf32>
    %eq3A_1752 = arith.cmpf oeq, %eq3A_1750, %eq3A_1751 : vector<128x128xf32>
    %lt3A_1753 = vector.broadcast %add3A_1746 : vector<1x128xi32> to vector<128x128xi32>
    %lt3A_1754 = vector.broadcast %add3A_1621 : vector<128x1xi32> to vector<128x128xi32>
    %lt3A_1755 = arith.cmpi slt, %lt3A_1753, %lt3A_1754 : vector<128x128xi32>
    %and3A_1756 = arith.andi %eq3A_1752, %lt3A_1755 : vector<128x128xi1>
    %or3A_1757 = arith.ori %gt3A_1749, %and3A_1756 : vector<128x128xi1>
    %convert_element_type3A_1758 = arith.extui %or3A_1757 : vector<128x128xi1> to vector<128x128xi32>
    %add3A_1759 = arith.addi %add3A_1742, %convert_element_type3A_1758 : vector<128x128xi32>
    %reduce_sum3A_1760 = arith.constant dense<0> : vector<128xi32>
    %reduce_sum3A_1761 = vector.multi_reduction <add>, %add3A_1759, %reduce_sum3A_1760 [1] : vector<128x128xi32> to vector<128xi32>
    %broadcast_in_dim3A_1762 = vector.shape_cast %reduce_sum3A_1761 : vector<128xi32> to vector<128x1xi32>
    %eq3A_1763 = vector.broadcast %broadcast_in_dim3A_1762 : vector<128x1xi32> to vector<128x128xi32>
    %eq3A_1764 = vector.broadcast %iota3A_60 : vector<1x128xi32> to vector<128x128xi32>
    %eq3A_1765 = arith.cmpi eq, %eq3A_1763, %eq3A_1764 : vector<128x128xi32>
    %convert_element_type3A_1766 = arith.extui %eq3A_1765 : vector<128x128xi1> to vector<128x128xi32>
    %convert_element_type3A_1767 = arith.sitofp %convert_element_type3A_1766 : vector<128x128xi32> to vector<128x128xf32>
    %slice3A_1768 = vector.extract_strided_slice %bitcast_convert_type3A {offsets = [7, 0], sizes = [1, 128], strides = [1, 1]} : vector<8x128xi32> to vector<1x128xi32>
    %slice3A_1769 = vector.extract_strided_slice %cond3A_57#0 {offsets = [7, 0], sizes = [1, 128], strides = [1, 1]} : vector<8x128xi32> to vector<1x128xi32>
    %shift_right_logical3A_1770 = arith.constant 0 : i32
    %shift_right_logical3A_1771 = vector.broadcast %shift_right_logical3A_1770 : i32 to vector<1x128xi32>
    %shift_right_logical3A_1772 = arith.shrui %slice3A_1768, %shift_right_logical3A_1771 : vector<1x128xi32>
    %and3A_1773 = arith.constant 127 : i32
    %and3A_1774 = vector.broadcast %and3A_1773 : i32 to vector<1x128xi32>
    %and3A_1775 = arith.andi %shift_right_logical3A_1772, %and3A_1774 : vector<1x128xi32>
    %shift_right_logical3A_1776 = arith.constant 7 : i32
    %shift_right_logical3A_1777 = vector.broadcast %shift_right_logical3A_1776 : i32 to vector<1x128xi32>
    %shift_right_logical3A_1778 = arith.shrui %slice3A_1768, %shift_right_logical3A_1777 : vector<1x128xi32>
    %and3A_1779 = arith.constant 127 : i32
    %and3A_1780 = vector.broadcast %and3A_1779 : i32 to vector<1x128xi32>
    %and3A_1781 = arith.andi %shift_right_logical3A_1778, %and3A_1780 : vector<1x128xi32>
    %shift_right_logical3A_1782 = arith.constant 14 : i32
    %shift_right_logical3A_1783 = vector.broadcast %shift_right_logical3A_1782 : i32 to vector<1x128xi32>
    %shift_right_logical3A_1784 = arith.shrui %slice3A_1768, %shift_right_logical3A_1783 : vector<1x128xi32>
    %and3A_1785 = arith.constant 127 : i32
    %and3A_1786 = vector.broadcast %and3A_1785 : i32 to vector<1x128xi32>
    %and3A_1787 = arith.andi %shift_right_logical3A_1784, %and3A_1786 : vector<1x128xi32>
    %shift_right_logical3A_1788 = arith.constant 21 : i32
    %shift_right_logical3A_1789 = vector.broadcast %shift_right_logical3A_1788 : i32 to vector<1x128xi32>
    %shift_right_logical3A_1790 = arith.shrui %slice3A_1768, %shift_right_logical3A_1789 : vector<1x128xi32>
    %and3A_1791 = arith.constant 127 : i32
    %and3A_1792 = vector.broadcast %and3A_1791 : i32 to vector<1x128xi32>
    %and3A_1793 = arith.andi %shift_right_logical3A_1790, %and3A_1792 : vector<1x128xi32>
    %shift_right_logical3A_1794 = arith.constant 28 : i32
    %shift_right_logical3A_1795 = vector.broadcast %shift_right_logical3A_1794 : i32 to vector<1x128xi32>
    %shift_right_logical3A_1796 = arith.shrui %slice3A_1768, %shift_right_logical3A_1795 : vector<1x128xi32>
    %and3A_1797 = arith.constant 15 : i32
    %and3A_1798 = vector.broadcast %and3A_1797 : i32 to vector<1x128xi32>
    %and3A_1799 = arith.andi %shift_right_logical3A_1796, %and3A_1798 : vector<1x128xi32>
    %and3A_1800 = arith.constant 127 : i32
    %and3A_1801 = vector.broadcast %and3A_1800 : i32 to vector<1x128xi32>
    %and3A_1802 = arith.andi %slice3A_1769, %and3A_1801 : vector<1x128xi32>
    %shift_right_logical3A_1803 = arith.constant 7 : i32
    %shift_right_logical3A_1804 = vector.broadcast %shift_right_logical3A_1803 : i32 to vector<1x128xi32>
    %shift_right_logical3A_1805 = arith.shrui %slice3A_1769, %shift_right_logical3A_1804 : vector<1x128xi32>
    %and3A_1806 = arith.constant 127 : i32
    %and3A_1807 = vector.broadcast %and3A_1806 : i32 to vector<1x128xi32>
    %and3A_1808 = arith.andi %shift_right_logical3A_1805, %and3A_1807 : vector<1x128xi32>
    %shift_right_logical3A_1809 = arith.constant 14 : i32
    %shift_right_logical3A_1810 = vector.broadcast %shift_right_logical3A_1809 : i32 to vector<1x128xi32>
    %shift_right_logical3A_1811 = arith.shrui %slice3A_1769, %shift_right_logical3A_1810 : vector<1x128xi32>
    %and3A_1812 = arith.constant 127 : i32
    %and3A_1813 = vector.broadcast %and3A_1812 : i32 to vector<1x128xi32>
    %and3A_1814 = arith.andi %shift_right_logical3A_1811, %and3A_1813 : vector<1x128xi32>
    %slice3A_1815 = vector.extract_strided_slice %cond3A_57#1 {offsets = [7, 0], sizes = [1, 128], strides = [1, 1]} : vector<8x128xi32> to vector<1x128xi32>
    %broadcast_in_dim3A_1816 = arith.constant 7 : i32
    %broadcast_in_dim3A_1817 = vector.broadcast %broadcast_in_dim3A_1816 : i32 to vector<1x128xi32>
    %convert_element_type3A_1818 = arith.sitofp %and3A_1775 : vector<1x128xi32> to vector<1x128xf32>
    %convert_element_type3A_1819 = arith.sitofp %and3A_1781 : vector<1x128xi32> to vector<1x128xf32>
    %convert_element_type3A_1820 = arith.sitofp %and3A_1787 : vector<1x128xi32> to vector<1x128xf32>
    %convert_element_type3A_1821 = arith.sitofp %and3A_1793 : vector<1x128xi32> to vector<1x128xf32>
    %convert_element_type3A_1822 = arith.sitofp %and3A_1799 : vector<1x128xi32> to vector<1x128xf32>
    %convert_element_type3A_1823 = arith.sitofp %and3A_1802 : vector<1x128xi32> to vector<1x128xf32>
    %convert_element_type3A_1824 = arith.sitofp %and3A_1808 : vector<1x128xi32> to vector<1x128xf32>
    %convert_element_type3A_1825 = arith.sitofp %and3A_1814 : vector<1x128xi32> to vector<1x128xf32>
    %convert_element_type3A_1826 = arith.sitofp %slice3A_1815 : vector<1x128xi32> to vector<1x128xf32>
    %convert_element_type3A_1827 = arith.sitofp %broadcast_in_dim3A_1817 : vector<1x128xi32> to vector<1x128xf32>
    %concatenate3A_1828 = tpu.concatenate %convert_element_type3A_1818, %convert_element_type3A_1819, %convert_element_type3A_1820, %convert_element_type3A_1821, %convert_element_type3A_1822, %convert_element_type3A_1823, %convert_element_type3A_1824, %convert_element_type3A_1825, %convert_element_type3A_1826, %convert_element_type3A_1827 in 0 : vector<1x128xf32>, vector<1x128xf32>, vector<1x128xf32>, vector<1x128xf32>, vector<1x128xf32>, vector<1x128xf32>, vector<1x128xf32>, vector<1x128xf32>, vector<1x128xf32>, vector<1x128xf32> -> vector<10x128xf32>
    %dot_general3A_1829 = arith.constant dense<0.000000e+00> : vector<10x128xf32>
    %dot_general3A_1830 = tpu.matmul %concatenate3A_1828, %convert_element_type3A_1767, %dot_general3A_1829 {dimension_numbers = #tpu.dot_dimension_numbers<[1], [0], [0], [1], [0, 0, 1, 1], [], []>, transpose_lhs_hint = false} : vector<10x128xf32>, vector<128x128xf32>, vector<10x128xf32> -> vector<10x128xf32>
    %add3A_1831 = arith.addf %add3A_1609, %dot_general3A_1830 : vector<10x128xf32>
    %add3A_1832 = arith.constant 5.000000e-01 : f32
    %add3A_1833 = vector.broadcast %add3A_1832 : f32 to vector<10x128xf32>
    %add3A_1834 = arith.addf %add3A_1831, %add3A_1833 : vector<10x128xf32>
    %convert_element_type3A_1835 = arith.fptosi %add3A_1834 : vector<10x128xf32> to vector<10x128xi32>
    %slice3A_1836 = vector.extract_strided_slice %convert_element_type3A_1835 {offsets = [0, 0], sizes = [1, 128], strides = [1, 1]} : vector<10x128xi32> to vector<1x128xi32>
    %slice3A_1837 = vector.extract_strided_slice %convert_element_type3A_1835 {offsets = [1, 0], sizes = [1, 128], strides = [1, 1]} : vector<10x128xi32> to vector<1x128xi32>
    %shift_left3A = arith.constant 7 : i32
    %shift_left3A_1838 = vector.broadcast %shift_left3A : i32 to vector<1x128xi32>
    %shift_left3A_1839 = arith.shli %slice3A_1837, %shift_left3A_1838 : vector<1x128xi32>
    %or3A_1840 = arith.ori %slice3A_1836, %shift_left3A_1839 : vector<1x128xi32>
    %slice3A_1841 = vector.extract_strided_slice %convert_element_type3A_1835 {offsets = [2, 0], sizes = [1, 128], strides = [1, 1]} : vector<10x128xi32> to vector<1x128xi32>
    %shift_left3A_1842 = arith.constant 14 : i32
    %shift_left3A_1843 = vector.broadcast %shift_left3A_1842 : i32 to vector<1x128xi32>
    %shift_left3A_1844 = arith.shli %slice3A_1841, %shift_left3A_1843 : vector<1x128xi32>
    %or3A_1845 = arith.ori %or3A_1840, %shift_left3A_1844 : vector<1x128xi32>
    %slice3A_1846 = vector.extract_strided_slice %convert_element_type3A_1835 {offsets = [3, 0], sizes = [1, 128], strides = [1, 1]} : vector<10x128xi32> to vector<1x128xi32>
    %shift_left3A_1847 = arith.constant 21 : i32
    %shift_left3A_1848 = vector.broadcast %shift_left3A_1847 : i32 to vector<1x128xi32>
    %shift_left3A_1849 = arith.shli %slice3A_1846, %shift_left3A_1848 : vector<1x128xi32>
    %or3A_1850 = arith.ori %or3A_1845, %shift_left3A_1849 : vector<1x128xi32>
    %slice3A_1851 = vector.extract_strided_slice %convert_element_type3A_1835 {offsets = [4, 0], sizes = [1, 128], strides = [1, 1]} : vector<10x128xi32> to vector<1x128xi32>
    %shift_left3A_1852 = arith.constant 28 : i32
    %shift_left3A_1853 = vector.broadcast %shift_left3A_1852 : i32 to vector<1x128xi32>
    %shift_left3A_1854 = arith.shli %slice3A_1851, %shift_left3A_1853 : vector<1x128xi32>
    %or3A_1855 = arith.ori %or3A_1850, %shift_left3A_1854 : vector<1x128xi32>
    %bitcast_convert_type3A_1856 = tpu.bitcast %or3A_1855 : vector<1x128xi32> -> vector<1x128xf32>
    %swap3A_1857 = arith.constant 0 : index
    %swap3A_1858 = arith.constant 0 : index
    %swap3A_1859 = vector.load %arg12[%swap3A_1857, %swap3A_1858] : memref<1x128xf32, #tpu.memory_space<vmem>>, vector<1x128xf32>
    tpu.vector_store %arg12[%swap3A_1857, %swap3A_1858], %bitcast_convert_type3A_1856 {strides = array<i32>} : memref<1x128xf32, #tpu.memory_space<vmem>>, vector<1x128xf32>,
    %slice3A_1860 = vector.extract_strided_slice %convert_element_type3A_1835 {offsets = [5, 0], sizes = [1, 128], strides = [1, 1]} : vector<10x128xi32> to vector<1x128xi32>
    %slice3A_1861 = vector.extract_strided_slice %convert_element_type3A_1835 {offsets = [6, 0], sizes = [1, 128], strides = [1, 1]} : vector<10x128xi32> to vector<1x128xi32>
    %shift_left3A_1862 = arith.constant 7 : i32
    %shift_left3A_1863 = vector.broadcast %shift_left3A_1862 : i32 to vector<1x128xi32>
    %shift_left3A_1864 = arith.shli %slice3A_1861, %shift_left3A_1863 : vector<1x128xi32>
    %or3A_1865 = arith.ori %slice3A_1860, %shift_left3A_1864 : vector<1x128xi32>
    %slice3A_1866 = vector.extract_strided_slice %convert_element_type3A_1835 {offsets = [7, 0], sizes = [1, 128], strides = [1, 1]} : vector<10x128xi32> to vector<1x128xi32>
    %shift_left3A_1867 = arith.constant 14 : i32
    %shift_left3A_1868 = vector.broadcast %shift_left3A_1867 : i32 to vector<1x128xi32>
    %shift_left3A_1869 = arith.shli %slice3A_1866, %shift_left3A_1868 : vector<1x128xi32>
    %or3A_1870 = arith.ori %or3A_1865, %shift_left3A_1869 : vector<1x128xi32>
    %swap3A_1871 = arith.constant 0 : index
    %swap3A_1872 = arith.constant 0 : index
    %swap3A_1873 = vector.load %arg9[%swap3A_1871, %swap3A_1872] : memref<1x128xi32, #tpu.memory_space<vmem>>, vector<1x128xi32>
    tpu.vector_store %arg9[%swap3A_1871, %swap3A_1872], %or3A_1870 {strides = array<i32>} : memref<1x128xi32, #tpu.memory_space<vmem>>, vector<1x128xi32>,
    %slice3A_1874 = vector.extract_strided_slice %convert_element_type3A_1835 {offsets = [8, 0], sizes = [1, 128], strides = [1, 1]} : vector<10x128xi32> to vector<1x128xi32>
    %swap3A_1875 = arith.constant 0 : index
    %swap3A_1876 = arith.constant 0 : index
    %swap3A_1877 = vector.load %arg11[%swap3A_1875, %swap3A_1876] : memref<1x128xi32, #tpu.memory_space<vmem>>, vector<1x128xi32>
    tpu.vector_store %arg11[%swap3A_1875, %swap3A_1876], %slice3A_1874 {strides = array<i32>} : memref<1x128xi32, #tpu.memory_space<vmem>>, vector<1x128xi32>,
    %slice3A_1878 = vector.extract_strided_slice %convert_element_type3A_1835 {offsets = [9, 0], sizes = [1, 128], strides = [1, 1]} : vector<10x128xi32> to vector<1x128xi32>
    %swap3A_1879 = arith.constant 0 : index
    %swap3A_1880 = arith.constant 0 : index
    %swap3A_1881 = vector.load %arg10[%swap3A_1879, %swap3A_1880] : memref<1x128xi32, #tpu.memory_space<vmem>>, vector<1x128xi32>
    tpu.vector_store %arg10[%swap3A_1879, %swap3A_1880], %slice3A_1878 {strides = array<i32>} : memref<1x128xi32, #tpu.memory_space<vmem>>, vector<1x128xi32>,
    return
  }
}

</mosaic_0001>

<sc_bundles>
// kernel: kernel.6.cloned.1.call-start
scs
__scs_entry_jumppad:
0x0: {  	(pc) =	sbr.rel $0x88, $3  }
0x1: {  	(tag) =	ssettag $0x0;
	lr =	simm.s32 $0x1  }
0x2: {  	[smem:$0x3F9C] =	sst lr;
	_ =	strace $0xD0000000  }
0x3: {  	_ = 	snop  }
0x4: {  	_ = 	snop  }
0x5: {  	_ = 	snop  }
0x6: {  	_ = 	snop  }
0x7: {  	_ = 	snop  }
__scs_overlays_trampoline_lowered:
0x8: {  	[smem:$0x3FAB] =	sst s0  }
0x9: {  	[smem:$0x3FAC] =	sst s1  }
0xa: {  	[smem:$0x3FAD] =	sst s2  }
0xb: {  	[smem:$0x3FAE] =	sst s3  }
0xc: {  	[smem:$0x3FAF] =	sst s4  }
0xd: {  	[smem:$0x3FB0] =	sst s5  }
0xe: {  	[smem:$0x3FB1] =	sst s6  }
0xf: {  	[smem:$0x3FB2] =	sst s7  }
0x10: {  	[smem:$0x3FB3] =	sst s8  }
0x11: {  	[smem:$0x3FB4] =	sst s9;
	s0 =	simm.s32 @!p0 $0x0  }
0x12: {  	s1 =	sld [smem:$0x3F9A];
	s0 =	simm.s32 @p0 $0x1  }
0x13: {  	[smem:$0x3FB5] =	sst s0;
	s0 =	simm.s32 @!p1 $0x0  }
0x14: {  	s2 =	sld [smem:$0x3F99];
	s0 =	simm.s32 @p1 $0x1  }
0x15: {  	[smem:$0x3FB6] =	sst s0;
	s0 =	simm.s32 @!p2 $0x0  }
0x16: {  	s3 =	sld [smem:$0x3FDB];
	s0 =	simm.s32 @p2 $0x1  }
0x17: {  	s4 =	simm.s32 $0x1BF5;
	[smem:$0x3FB8] =	sst s0  }
0x18: {  	s0 =	sld [smem:$0x3F9B];
	_ =	swait.ge [sflag:s4], $0x0  }
0x19: {  	s7 =	sld [smem:$0x3F9C]  }
0x1a: {  	s8 =	sadd.s32 $0xFFFFE003, lr  }
0x1b: {  	s9 =	sadd.s32 $0xFFFFFEF7, lr;
	s5 =	simm.s32 $0xFFFFFFFF;
	p2 =	slt.u32 s8, $0xFFFFF086  }
0x1c: {  	p1 =	slt.u32 s9, $0xF7A;
	s5 =	simm.s32 @!p2 $0x0  }
0x1d: {  	s5 =	simm.s32 @p1 $0x1;
	p0 =	seq.s32 s7, s2  }
0x1e: {  	s7 =	smul.u32 @!p0 $0xF7A, s2;
	p2 =	seq.s32 @!p0 s5, $0x0  }
0x1f: {  	s9 =	smul.u32 $0xF7A, s1;
	s8 =	simm.s32 @!p0 $0x1BF5;
	p2 =	por !p2, p0  }
0x20: {  	[sflag:s8] =	ssyncset.s32 @!p0 $0xFFFFF086;
	s6 =	sadd.s32 @!p0 s3, s7;
	s7 =	simm.s32 @!p0 $0x108  }
0x21: {  	s3 =	sadd.s32 s3, s9;
	s6 =	sadd.s32 @!p0 $0x88, s6;
	s7 =	simm.s32 @p2 $0x1082  }
0x22: {  	[simem:s7], [sflag:s8] =	dma.local @!p0 [hbm:s6], $0xF7A  }
0x23: {  	s9 =	sor.u32 $0xD0000000, s2;
	s6 =	simm.s32 $0x108;
	_ =	swait.ge @!p0 [sflag:s8], $0x0  }
0x24: {  	s3 =	sadd.s32 $0x88, s3;
	s6 =	simm.s32 @!p1 $0x1082;
	[sflag:s4] =	ssyncset.s32 $0xFFFFF086  }
0x25: {  	[simem:s6], [sflag:s4] =	dma.local [hbm:s3], $0xF7A  }
0x26: {  	[smem:$0x3F9C] =	sst s1;
	(tag) =	ssettag s2;
	_ =	strace s9  }
0x27: {  	s1 =	sld [smem:$0x3FAC]  }
0x28: {  	s2 =	sld [smem:$0x3FAD]  }
0x29: {  	s4 =	sld [smem:$0x3FAF]  }
0x2a: {  	p0 =	seq.s32 s5, $0x0;
	s5 =	sld [smem:$0x3FB0]  }
0x2b: {  	s6 =	sld [smem:$0x3FB1]  }
0x2c: {  	s7 =	sld [smem:$0x3FB2]  }
0x2d: {  	s3 =	simm.s32 $0x108;
	s8 =	sld [smem:$0x3FB3]  }
0x2e: {  	s3 =	simm.s32 @!p0 $0x1082;
	s9 =	sld [smem:$0x3FB4]  }
0x2f: {  	lr =	sadd.s32 s0, s3;
	s0 =	sld [smem:$0x3FAB]  }
0x30: {  	s3 =	sld [smem:$0x3FAE]  }
0x31: {  	[smem:$0x3FB7] =	sst s10  }
0x32: {  	s10 =	sld [smem:$0x3FB5];
	_ =	sdelay $0x3  }
0x33: {  	p0 =	seq.s32 s10, $0x1;
	s10 =	sld [smem:$0x3FB7];
	_ =	sdelay $0x3  }
0x34: {  	[smem:$0x3FB7] =	sst s10  }
0x35: {  	s10 =	sld [smem:$0x3FB6];
	_ =	sdelay $0x3  }
0x36: {  	p1 =	seq.s32 s10, $0x1;
	s10 =	sld [smem:$0x3FB7];
	_ =	sdelay $0x3  }
0x37: {  	[smem:$0x3FB7] =	sst s10  }
0x38: {  	s10 =	sld [smem:$0x3FB8]  }
0x39: {  	_ = 	snop;
	(pc) =	sbr.ind lr, $3  }
0x3a: {  	_ = 	snop  }
0x3b: {  	_ = 	snop  }
0x3c: {  	p2 =	seq.s32 s10, $0x1;
	s10 =	sld [smem:$0x3FB7]  }
0x3d: {  	_ =	shalt  }
0x3e: {  	_ =	shalt  }
0x3f: {  	_ =	shalt  }
0x40: {  	_ =	shalt  }
0x41: {  	_ =	shalt  }
0x42: {  	_ =	shalt  }
0x43: {  	_ =	shalt  }
0x44: {  	_ =	shalt  }
0x45: {  	_ =	shalt  }
0x46: {  	_ =	shalt  }
0x47: {  	_ =	shalt  }
0x48: {  	_ =	shalt  }
0x49: {  	_ =	shalt  }
0x4a: {  	_ =	shalt  }
0x4b: {  	_ =	shalt  }
0x4c: {  	_ =	shalt  }
0x4d: {  	_ =	shalt  }
0x4e: {  	_ =	shalt  }
0x4f: {  	_ =	shalt  }
0x50: {  	_ =	shalt  }
0x51: {  	_ =	shalt  }
0x52: {  	_ =	shalt  }
0x53: {  	_ =	shalt  }
0x54: {  	_ =	shalt  }
0x55: {  	_ =	shalt  }
0x56: {  	_ =	shalt  }
0x57: {  	_ =	shalt  }
0x58: {  	_ =	shalt  }
0x59: {  	_ =	shalt  }
0x5a: {  	_ =	shalt  }
0x5b: {  	_ =	shalt  }
0x5c: {  	_ =	shalt  }
0x5d: {  	_ =	shalt  }
0x5e: {  	_ =	shalt  }
0x5f: {  	_ =	shalt  }
0x60: {  	_ =	shalt  }
0x61: {  	_ =	shalt  }
0x62: {  	_ =	shalt  }
0x63: {  	_ =	shalt  }
0x64: {  	_ =	shalt  }
0x65: {  	_ =	shalt  }
0x66: {  	_ =	shalt  }
0x67: {  	_ =	shalt  }
0x68: {  	_ =	shalt  }
0x69: {  	_ =	shalt  }
0x6a: {  	_ =	shalt  }
0x6b: {  	_ =	shalt  }
0x6c: {  	_ =	shalt  }
0x6d: {  	_ =	shalt  }
0x6e: {  	_ =	shalt  }
0x6f: {  	_ =	shalt  }
0x70: {  	_ =	shalt  }
0x71: {  	_ =	shalt  }
0x72: {  	_ =	shalt  }
0x73: {  	_ =	shalt  }
0x74: {  	_ =	shalt  }
0x75: {  	_ =	shalt  }
0x76: {  	_ =	shalt  }
0x77: {  	_ =	shalt  }
0x78: {  	_ =	shalt  }
0x79: {  	_ =	shalt  }
0x7a: {  	_ =	shalt  }
0x7b: {  	_ =	shalt  }
0x7c: {  	_ =	shalt  }
0x7d: {  	_ =	shalt  }
0x7e: {  	_ =	shalt  }
0x7f: {  	_ =	shalt  }
0x80: {  	_ =	shalt  }
0x81: {  	_ =	shalt  }
0x82: {  	_ =	shalt  }
0x83: {  	_ =	shalt  }
0x84: {  	_ =	shalt  }
0x85: {  	_ =	shalt  }
0x86: {  	_ =	shalt  }
0x87: {  	_ =	shalt  }
.Lfunc_end0:
.L_simem_size_0:
called_computation_lowered:
.L_overlay_start_0:
0x88: {  	s2 =	sld [smem:$0x3FD9]  }
0x89: {  	s3 =	sld [smem:$0x3FFE];
	_ =	sdelay $0x1  }
0x8a: {  	s1 =	srdreg.scid  }
0x8b: {  	s0 =	sand.u32 $0x1, s1  }
0x8c: {  	s14 =	sshll.u32 s0, $0xA;
	s2 =	sadd.s32 s3, s2  }
0x8d: {  	s2 =	sadd.s32 s2, s14  }
0x8e: {  	[smem:$0x3FC3] =	sst s2  }
0x8f: {  	_ = 	snop  }
0x90: {  	s2 =	sld [smem:$0x3FD0];
	_ =	sdelay $0x2  }
0x91: {  	s15 =	simm.s32 $0xA;
	s4 =	simm.s32 $0x10  }
0x92: {  	[smem:s4], [sflag:s15] =	dma.local [hbm:s2], $0x1  }
0x93: {  	_ =	swait.eq [sflag:s15], $0x1  }
0x94: {  	[sflag:s15] =	ssyncset.done $0x0  }
0x95: {  	s16 =	sld [smem:$0x12];
	[sflag:s15] =	ssyncadd.s32 $0xFFFFFFFF  }
0x96: {  	s17 =	sld [smem:$0x15];
	(tm) =	ssettm $0x1  }
0x97: {  	s18 =	sld [smem:$0x3FFB];
	_ =	sdelay $0x3  }
0x98: {  	_ =	strace s18  }
0x99: {  	s4 =	sld [smem:$0x3FFC];
	_ =	sdelay $0x3  }
0x9a: {  	_ =	strace s4  }
0x9b: {  	s4 =	sld [smem:$0x3FFD];
	_ =	sdelay $0x3  }
0x9c: {  	_ =	strace s4  }
0x9d: {  	_ =	strace $0x8FFFFFFF  }
0x9e: {  	s19 =	sld [smem:$0x3FDB];
	_ =	sdelay $0x1  }
0x9f: {  	s5 =	simm.s32 $_scs_section_size  }
0xa0: {  	s6 =	simm.s32 $_size__tile_overlayer_lowered;
	s7 =	simm.s32 $_tile_overlayer_lowered  }
0xa1: {  	s22 =	simm.s32 $0x1BFF;
	s21 =	sshll.u32 s7, $0x1;
	s4 =	sadd.s32 s5, s19  }
0xa2: {  	s8 =	simm.s32 $0x0;
	s20 =	sshll.u32 s6, $0x1;
	s6 =	sadd.s32 s21, s4  }
0xa3: {  	[timem:s8], [sflag:s22] =	dma.local [hbm:s6], s20  }
0xa4: {  	_ =	swait.ge [sflag:s22], s20  }
0xa5: {  	s5 =	ssub.s32 $0x0, s20;
	[sflag:s22] =	ssyncset.done $0x0  }
0xa6: {  	[sflag:s22] =	ssyncadd.s32 s5;
	_ =	sdelay $0x1  }
0xa7: {  	s23 =	simm.s32 $0x1B8B  }
0xa8: {  	_ =	swait.ge [sflag:s23], $0x1  }
0xa9: {  	[sflag:s23] =	ssyncset.done $0x0  }
0xaa: {  	s25 =	simm.s32 $0x1B8E;
	s24 =	sld [smem:$0x3FFE];
	[sflag:s23] =	ssyncadd.s32 $0xFFFFFFFF  }
0xab: {  	s26 =	simm.s32 $execute0_lowered;
	[smem:$0x3FD2] =	sst s25  }
0xac: {  	s6 =	sshll.u32 s26, $0x1;
	_ =	strace $0x80000046;
	[dreg:$0x1] =	wrdreg $0xFFFFFFFF  }
0xad: {  	s28 =	simm.s32 $_size_execute0_lowered;
	s4 =	sadd.s32 s4, s6;
	[dreg:$0x0] =	wrdreg $0x0  }
0xae: {  	s6 =	sshll.u32 s28, $0x1;
	[dreg:$0x2] =	wrdreg s4  }
0xaf: {  	[dreg:$0x3] =	wrdreg s6  }
0xb0: {  	[dreg:$0x4] =	wrdreg $0xC0  }
0xb1: {  	_ =	task [dreg:s8], $0x5FFFF  }
0xb2: {  	[dreg:$0x1] =	wrdreg $0xFFFFFFFF  }
0xb3: {  	[dreg:$0x0] =	wrdreg $0x60  }
0xb4: {  	[dreg:$0x2] =	wrdreg s24  }
0xb5: {  	[dreg:$0x3] =	wrdreg s16  }
0xb6: {  	[dreg:$0x4] =	wrdreg s17  }
0xb7: {  	[dreg:$0x5] =	wrdreg $0x9  }
0xb8: {  	_ =	task.clear_ibuf [dreg:s8], $0x6FFFF;
	_ =	strace $0x90000046  }
0xb9: {  	s29 =	simm.s32 $0x9;
	_ =	strace $0x80000048  }
0xba: {  	_ =	swait.ge [sflag:s29], $0x1  }
0xbb: {  	[sflag:s29] =	ssyncadd.s32 $0xFFFFFFFF  }
0xbc: {  	_ =	strace $0x90000048  }
0xbd: {  	_ =	sfence  }
0xbe: {  	s30 =	sld [smem:$0x0];
	_ =	sdelay $0x2  }
0xbf: {  	s31 =	sshll.u32 s1, $0xD;
	s1 =	sshrl.u32 s1, $0x2  }
0xc0: {  	s3 =	sand.u32 $0x4000, s31;
	s1 =	sadd.s32 s1, s30  }
0xc1: {  	s0 =	sor.u32 s3, s0;
	s1 =	sshll.u32 s1, $0x11  }
0xc2: {  	s0 =	sor.u32 s1, s0  }
0xc3: {  	s0 =	sadd.s32 $0x8F2B, s0  }
0xc4: {  	[sflag:s0] =	ssyncadd.remote.s32 $0x1  }
0xc5: {  	_ =	sfence.sel $0xFFFF  }
0xc6: {  	[dreg:$0x0] =	wrdreg $0xFFFFFFFF;
	(pc) =	sbr.abs _section_cstart, $3  }
0xc7: {  	[dreg:$0x1] =	wrdreg $0xFFFFFFFF  }
0xc8: {  	_ =	task.clear_ibuf [dreg:s8], $0x2FFFF;
	_ =	strace $0x9FFFFFFF  }
0xc9: {  	(tm) =	ssettm $0x7FFFFFFF  }
tec
execute0_lowered:
.L_overlay_start_1:
0x0: {  	(tag) =	ssettag $0x1  }
0x1: {  	s1 =	stileid.u32  }
0x2: {  	p0 =	sgt.u32 s1, $0x7  }
.Ltmp0:
0x3: {  	_ = 	snop;
	(pc) =	sbr.rel @p0 .LBB2_5-.Ltmp0, $4  }
0x4: {  	s5 =	rddreg [dreg:$0x0]  }
0x5: {  	s2 =	rddreg [dreg:$0x1];
	s3 =	simm.s32 $0x0  }
0x6: {  	[smem:$0x7FF] =	sst s3  }
0x7: {  	s0 =	rddreg [dreg:$0x2];
	_ =	strace $0x80000047  }
0x8: {  	s4 =	srdreg.scid;
	s1 =	stileid.u32;
	s15 =	sadd.s32 $0x1C00, s5  }
0x9: {  	s18 =	simm.s32 $0x4E80;
	s19 =	simm.s32 $0x75C0;
	s12 =	sand.u32 $0x1, s4  }
0xa: {  	s20 =	simm.s32 $0x9D00;
	s21 =	simm.s32 $0xC440;
	s4 =	sor.u32 s12, s1  }
0xb: {  	s22 =	simm.s32 $0xC450;
	p1 =	seq.s32 s12, $0x1;
	p0 =	seq.s32 s4, $0x0  }
0xc: {  	s25 =	simm.s32 $0xC690;
	s26 =	simm.s32 $0xC750;
	p0 =	por !p0, !p1  }
0xd: {  	s28 =	simm.s32 $0xC810;
	s4 =	simm.s32 $0x1;
	p0 =	por !p0, !p0  }
0xe: {  	s29 =	simm.s32 $0x0;
	s24 =	smul.u32 $0x2740, s12;
	s4 =	simm.s32 @!p0 $0x0  }
0xf: {  	s6 =	smul.u32 $0xC0, s12;
	s16 =	ssub.s32 $0x2, s12;
	s23 =	ssub.s32 s1, s4  }
0x10: {  	s17 =	sshrl.u32 s16, $0x1;
	s30 =	sshrl.u32 s24, $0x3;
	s4 =	smul.u32 $0x180, s23  }
0x11: {  	s16 =	ssub.s32 s16, s17;
	s17 =	simm.s32 $0x2740;
	s8 =	sadd.s32 s30, s5  }
0x12: {  	s16 =	smax.u32 s16, $0x1;
	s7 =	sadd.s32 $0x7FA0, s8;
	s4 =	sadd.s32 s6, s4  }
0x13: {  	s31 =	smul.u32 $0x4E80, s23;
	v0 =	vmov s23;
	s23 =	simm.s32 $0xC510;
	s9 =	sshrl.u32 s4, $0x3  }
0x14: {  	s6 =	sadd.s32 $0x75D0, s8;
	s4 =	simm.s32 $0x1;
	s14 =	sadd.s32 s9, s5  }
0x15: {  	v1 =	vlaneseq.u32;
	s5 =	sadd.s32 $0x6C00, s8;
	s8 =	sadd.s32 $0x8970, s8;
	s9 =	sadd.s32 s0, s9  }
0x16: {  	v1 =	vor.u32 s24, v1;
	s0 =	sadd.s32 s24, s31;
	s24 =	simm.s32 $0xC5D0;
	s10 =	sadd.s32 $0xBC00, s14  }
0x17: {  	s11 =	sadd.s32 $0xBE00, s14;
	s12 =	sadd.s32 $0xC000, s14;
	s0 =	sshrl.u32 s0, $0x3  }
0x18: {  	v2 =	vimm.f32 $-1.000000020e+30;
	v3 =	vimm.f32 $0.0e+00;
	v4 =	vimm.s32 $0x0;
	s13 =	sadd.s32 $0xC200, s14;
	s14 =	sadd.s32 $0xC400, s14;
	s15 =	sadd.s32 s15, s0  }
.LBB2_2:
0x19: {  	s30 =	simm.s32 $0x0  }
0x1a: {  	[tilespmem:s30], [sflag:$0x1] =	stream.linear.gather [hbm4b:s15+s30], $0x2740, $0x38;
	[tilespmem:$0xC8D0] =	vst v63  }
0x1b: {  	_ =	swait.ge [sflag:s4], $0x2740  }
0x1c: {  	[sflag:s4] =	ssyncset.done $0x0  }
0x1d: {  	[sflag:s4] =	ssyncadd.s32 $0xFFFFD8C0  }
0x1e: {  	[tilespmem:s17], [sflag:$0x1] =	stream.linear.gather [hbm4b:s5+s30], $0x2740, $0x38;
	[tilespmem:$0xC8D0] =	vst v63  }
0x1f: {  	_ =	swait.ge [sflag:s4], $0x2740  }
0x20: {  	[sflag:s4] =	ssyncset.done $0x0  }
0x21: {  	[sflag:s4] =	ssyncadd.s32 $0xFFFFD8C0  }
0x22: {  	[tilespmem:s18], [sflag:$0x1] =	stream.linear.gather [hbm4b:s6+s30], $0x2740, $0x38;
	[tilespmem:$0xC8D0] =	vst v63  }
0x23: {  	_ =	swait.ge [sflag:s4], $0x2740  }
0x24: {  	[sflag:s4] =	ssyncset.done $0x0  }
0x25: {  	[sflag:s4] =	ssyncadd.s32 $0xFFFFD8C0  }
0x26: {  	[tilespmem:s19], [sflag:$0x1] =	stream.linear.gather [hbm4b:s7+s30], $0x2740, $0x38;
	[tilespmem:$0xC8D0] =	vst v63  }
0x27: {  	_ =	swait.ge [sflag:s4], $0x2740  }
0x28: {  	[sflag:s4] =	ssyncset.done $0x0  }
0x29: {  	[sflag:s4] =	ssyncadd.s32 $0xFFFFD8C0  }
0x2a: {  	[tilespmem:s20], [sflag:$0x1] =	stream.linear.gather [hbm4b:s8+s30], $0x2740, $0x38;
	[tilespmem:$0xC8D0] =	vst v63  }
0x2b: {  	_ =	swait.ge [sflag:s4], $0x2740  }
0x2c: {  	[sflag:s4] =	ssyncset.done $0x0  }
0x2d: {  	[sflag:s4] =	ssyncadd.s32 $0xFFFFD8C0  }
0x2e: {  	[tilespmem:s21], [sflag:$0x1] =	stream.linear.gather [hbm4b:s2+s30], $0x10, $0x38;
	[tilespmem:$0xC8D0] =	vst v63  }
0x2f: {  	_ =	swait.ge [sflag:s4], $0x10  }
0x30: {  	[sflag:s4] =	ssyncset.done $0x0  }
0x31: {  	[sflag:s4] =	ssyncadd.s32 $0xFFFFFFF0  }
0x32: {  	[tilespmem:$0xC450] =	vst v2  }
0x33: {  	[tilespmem:$0xC510] =	vst v4  }
0x34: {  	[tilespmem:$0xC5D0] =	vst v3  }
0x35: {  	[tilespmem:$0xC690] =	vst v3  }
0x36: {  	[tilespmem:$0xC750] =	vst v3  }
0x37: {  	[tilespmem:$0xC810] =	vst v3  }
0x38: {  	[tilespmem:$0xC460] =	vst v2  }
0x39: {  	[tilespmem:$0xC520] =	vst v4  }
0x3a: {  	[tilespmem:$0xC5E0] =	vst v3  }
0x3b: {  	[tilespmem:$0xC6A0] =	vst v3  }
0x3c: {  	[tilespmem:$0xC760] =	vst v3  }
0x3d: {  	[tilespmem:$0xC820] =	vst v3  }
0x3e: {  	[tilespmem:$0xC470] =	vst v2  }
0x3f: {  	[tilespmem:$0xC530] =	vst v4  }
0x40: {  	[tilespmem:$0xC5F0] =	vst v3  }
0x41: {  	[tilespmem:$0xC6B0] =	vst v3  }
0x42: {  	[tilespmem:$0xC770] =	vst v3  }
0x43: {  	[tilespmem:$0xC830] =	vst v3  }
0x44: {  	[tilespmem:$0xC480] =	vst v2  }
0x45: {  	[tilespmem:$0xC540] =	vst v4  }
0x46: {  	[tilespmem:$0xC600] =	vst v3  }
0x47: {  	[tilespmem:$0xC6C0] =	vst v3  }
0x48: {  	[tilespmem:$0xC780] =	vst v3  }
0x49: {  	[tilespmem:$0xC840] =	vst v3  }
0x4a: {  	[tilespmem:$0xC490] =	vst v2  }
0x4b: {  	[tilespmem:$0xC550] =	vst v4  }
0x4c: {  	[tilespmem:$0xC610] =	vst v3  }
0x4d: {  	[tilespmem:$0xC6D0] =	vst v3  }
0x4e: {  	[tilespmem:$0xC790] =	vst v3  }
0x4f: {  	[tilespmem:$0xC850] =	vst v3  }
0x50: {  	[tilespmem:$0xC4A0] =	vst v2  }
0x51: {  	[tilespmem:$0xC560] =	vst v4  }
0x52: {  	[tilespmem:$0xC620] =	vst v3  }
0x53: {  	[tilespmem:$0xC6E0] =	vst v3  }
0x54: {  	[tilespmem:$0xC7A0] =	vst v3  }
0x55: {  	[tilespmem:$0xC860] =	vst v3  }
0x56: {  	[tilespmem:$0xC4B0] =	vst v2  }
0x57: {  	[tilespmem:$0xC570] =	vst v4  }
0x58: {  	[tilespmem:$0xC630] =	vst v3  }
0x59: {  	[tilespmem:$0xC6F0] =	vst v3  }
0x5a: {  	[tilespmem:$0xC7B0] =	vst v3  }
0x5b: {  	[tilespmem:$0xC870] =	vst v3  }
0x5c: {  	[tilespmem:$0xC4C0] =	vst v2  }
0x5d: {  	[tilespmem:$0xC580] =	vst v4  }
0x5e: {  	[tilespmem:$0xC640] =	vst v3  }
0x5f: {  	[tilespmem:$0xC700] =	vst v3  }
0x60: {  	[tilespmem:$0xC7C0] =	vst v3  }
0x61: {  	[tilespmem:$0xC880] =	vst v3  }
0x62: {  	[tilespmem:$0xC4D0] =	vst v2  }
0x63: {  	[tilespmem:$0xC590] =	vst v4  }
0x64: {  	[tilespmem:$0xC650] =	vst v3  }
0x65: {  	[tilespmem:$0xC710] =	vst v3  }
0x66: {  	[tilespmem:$0xC7D0] =	vst v3  }
0x67: {  	[tilespmem:$0xC890] =	vst v3  }
0x68: {  	[tilespmem:$0xC4E0] =	vst v2  }
0x69: {  	[tilespmem:$0xC5A0] =	vst v4  }
0x6a: {  	[tilespmem:$0xC660] =	vst v3  }
0x6b: {  	[tilespmem:$0xC720] =	vst v3  }
0x6c: {  	[tilespmem:$0xC7E0] =	vst v3  }
0x6d: {  	[tilespmem:$0xC8A0] =	vst v3  }
0x6e: {  	[tilespmem:$0xC4F0] =	vst v2  }
0x6f: {  	[tilespmem:$0xC5B0] =	vst v4  }
0x70: {  	[tilespmem:$0xC670] =	vst v3  }
0x71: {  	[tilespmem:$0xC730] =	vst v3  }
0x72: {  	[tilespmem:$0xC7F0] =	vst v3  }
0x73: {  	[tilespmem:$0xC8B0] =	vst v3  }
0x74: {  	[tilespmem:$0xC500] =	vst v2  }
0x75: {  	[tilespmem:$0xC5C0] =	vst v4  }
0x76: {  	[tilespmem:$0xC680] =	vst v3  }
0x77: {  	[tilespmem:$0xC740] =	vst v3  }
0x78: {  	[tilespmem:$0xC800] =	vst v3  }
0x79: {  	[tilespmem:$0xC8C0] =	vst v3  }
0x7a: {  	s31 =	simm.s32 $0x0;
	v6 =	vimm.s32 $0x0;
	v5 =	vld.idx.msk [tilespmem:v0+s21+$0x0], $0xffff  }
.LBB2_3:
0x7b: {  	s0 =	sshra.s32 s31, $0x2  }
0x7c: {  	v7 =	vld [tilespmem:s0+$0x0];
	_ =	sdelay $0x4  }
0x7d: {  	vm0 =	vgt.f32 v7, v5  }
0x7e: {  	v8 =	vsel vm0, $0x1, v4  }
0x7f: {  	(xrf0) =	vadd.scan.msk.s32 $0xffff, v8;
	_ =	sdelay $0x5  }
0x80: {  	v8, _, _ =	vpop (xrf0)  }
0x81: {  	v8 =	vadd.s32 v8, v6  }
0x82: {  	v8 =	vadd.s32 $0xFFFFFFFF, v8  }
0x83: {  	vm1 =	vlt.s32 v8, $0xC0  }
0x84: {  	vm1 =	vmand vm0, vm1;
	_ =	sdelay $0x5  }
0x85: {  	[tilespmem:v8+s22+$0x0] =	vst.idx.msk vm1, v7;
	v7 =	vadd.s32 s30, v1  }
0x86: {  	[tilespmem:v8+s23+$0x0] =	vst.idx.msk vm1, v7  }
0x87: {  	v7 =	vld [tilespmem:s0+$0x2740];
	_ =	sdelay $0x4  }
0x88: {  	[tilespmem:v8+s24+$0x0] =	vst.idx.msk vm1, v7  }
0x89: {  	v7 =	vld [tilespmem:s0+$0x4E80];
	_ =	sdelay $0x4  }
0x8a: {  	[tilespmem:v8+s25+$0x0] =	vst.idx.msk vm1, v7  }
0x8b: {  	v7 =	vld [tilespmem:s0+$0x75C0];
	_ =	sdelay $0x4  }
0x8c: {  	[tilespmem:v8+s26+$0x0] =	vst.idx.msk vm1, v7  }
0x8d: {  	v7 =	vld [tilespmem:s0+$0x9D00];
	_ =	sdelay $0x4  }
0x8e: {  	[tilespmem:v8+s28+$0x0] =	vst.idx.msk vm1, v7  }
0x8f: {  	v7 =	vld [tilespmem:s0+$0x10];
	_ =	sdelay $0x4  }
0x90: {  	vm10 =	vgt.f32 v7, v5  }
0x91: {  	v8 =	vsel vm10, $0x1, v4  }
0x92: {  	(xrf0) =	vadd.scan.msk.s32 $0xffff, v8;
	_ =	sdelay $0x1  }
0x93: {  	v8 =	vmpcnt.ones.xlane vm0;
	_ =	sdelay $0x3  }
0x94: {  	v6 =	vadd.s32 v6, v8;
	v8, _, _ =	vpop (xrf0)  }
0x95: {  	v8 =	vadd.s32 v8, v6  }
0x96: {  	v8 =	vadd.s32 $0xFFFFFFFF, v8  }
0x97: {  	vm11 =	vlt.s32 v8, $0xC0  }
0x98: {  	vm0 =	vmand vm10, vm11;
	_ =	sdelay $0x4  }
0x99: {  	s1 =	sadd.s32 $0x10, s30  }
0x9a: {  	[tilespmem:v8+s22+$0x0] =	vst.idx.msk vm0, v7;
	v7 =	vadd.s32 s1, v1  }
0x9b: {  	[tilespmem:v8+s23+$0x0] =	vst.idx.msk vm0, v7  }
0x9c: {  	v7 =	vld [tilespmem:s0+$0x2750];
	_ =	sdelay $0x4  }
0x9d: {  	[tilespmem:v8+s24+$0x0] =	vst.idx.msk vm0, v7  }
0x9e: {  	v7 =	vld [tilespmem:s0+$0x4E90];
	_ =	sdelay $0x4  }
0x9f: {  	[tilespmem:v8+s25+$0x0] =	vst.idx.msk vm0, v7  }
0xa0: {  	v7 =	vld [tilespmem:s0+$0x75D0];
	_ =	sdelay $0x4  }
0xa1: {  	[tilespmem:v8+s26+$0x0] =	vst.idx.msk vm0, v7  }
0xa2: {  	v7 =	vld [tilespmem:s0+$0x9D10];
	_ =	sdelay $0x4  }
0xa3: {  	[tilespmem:v8+s28+$0x0] =	vst.idx.msk vm0, v7  }
0xa4: {  	v7 =	vld [tilespmem:s0+$0x20];
	_ =	sdelay $0x4  }
0xa5: {  	vm12 =	vgt.f32 v7, v5  }
0xa6: {  	v8 =	vsel vm12, $0x1, v4  }
0xa7: {  	(xrf0) =	vadd.scan.msk.s32 $0xffff, v8;
	_ =	sdelay $0x1  }
0xa8: {  	v8 =	vmpcnt.ones.xlane vm10;
	_ =	sdelay $0x3  }
0xa9: {  	v6 =	vadd.s32 v6, v8;
	v8, _, _ =	vpop (xrf0)  }
0xaa: {  	v8 =	vadd.s32 v8, v6  }
0xab: {  	v8 =	vadd.s32 $0xFFFFFFFF, v8  }
0xac: {  	vm13 =	vlt.s32 v8, $0xC0  }
0xad: {  	vm1 =	vmand vm12, vm13;
	_ =	sdelay $0x4  }
0xae: {  	s1 =	sadd.s32 $0x20, s30  }
0xaf: {  	[tilespmem:v8+s22+$0x0] =	vst.idx.msk vm1, v7;
	v7 =	vadd.s32 s1, v1  }
0xb0: {  	[tilespmem:v8+s23+$0x0] =	vst.idx.msk vm1, v7  }
0xb1: {  	v7 =	vld [tilespmem:s0+$0x2760];
	_ =	sdelay $0x4  }
0xb2: {  	[tilespmem:v8+s24+$0x0] =	vst.idx.msk vm1, v7  }
0xb3: {  	v7 =	vld [tilespmem:s0+$0x4EA0];
	_ =	sdelay $0x4  }
0xb4: {  	[tilespmem:v8+s25+$0x0] =	vst.idx.msk vm1, v7  }
0xb5: {  	v7 =	vld [tilespmem:s0+$0x75E0];
	_ =	sdelay $0x4  }
0xb6: {  	[tilespmem:v8+s26+$0x0] =	vst.idx.msk vm1, v7  }
0xb7: {  	v7 =	vld [tilespmem:s0+$0x9D20];
	_ =	sdelay $0x4  }
0xb8: {  	[tilespmem:v8+s28+$0x0] =	vst.idx.msk vm1, v7  }
0xb9: {  	v7 =	vld [tilespmem:s0+$0x30];
	_ =	sdelay $0x4  }
0xba: {  	vm14 =	vgt.f32 v7, v5  }
0xbb: {  	v8 =	vsel vm14, $0x1, v4  }
0xbc: {  	(xrf0) =	vadd.scan.msk.s32 $0xffff, v8;
	_ =	sdelay $0x1  }
0xbd: {  	v8 =	vmpcnt.ones.xlane vm12;
	_ =	sdelay $0x3  }
0xbe: {  	v6 =	vadd.s32 v6, v8;
	v8, _, _ =	vpop (xrf0)  }
0xbf: {  	v8 =	vadd.s32 v8, v6  }
0xc0: {  	v8 =	vadd.s32 $0xFFFFFFFF, v8  }
0xc1: {  	vm15 =	vlt.s32 v8, $0xC0  }
0xc2: {  	vm0 =	vmand vm14, vm15;
	_ =	sdelay $0x4  }
0xc3: {  	s1 =	sadd.s32 $0x30, s30  }
0xc4: {  	[tilespmem:v8+s22+$0x0] =	vst.idx.msk vm0, v7;
	v7 =	vadd.s32 s1, v1  }
0xc5: {  	[tilespmem:v8+s23+$0x0] =	vst.idx.msk vm0, v7  }
0xc6: {  	v7 =	vld [tilespmem:s0+$0x2770];
	_ =	sdelay $0x4  }
0xc7: {  	[tilespmem:v8+s24+$0x0] =	vst.idx.msk vm0, v7  }
0xc8: {  	v7 =	vld [tilespmem:s0+$0x4EB0];
	_ =	sdelay $0x4  }
0xc9: {  	[tilespmem:v8+s25+$0x0] =	vst.idx.msk vm0, v7  }
0xca: {  	v7 =	vld [tilespmem:s0+$0x75F0];
	_ =	sdelay $0x4  }
0xcb: {  	[tilespmem:v8+s26+$0x0] =	vst.idx.msk vm0, v7  }
0xcc: {  	p0 =	sne.s32 s31, $0x9C00;
	v7 =	vld [tilespmem:s0+$0x9D30]  }
.Ltmp1:
0xcd: {  	_ = 	snop;
	(pc) =	sbr.rel @p0 .LBB2_3-.Ltmp1, $3  }
0xce: {  	_ = 	snop  }
0xcf: {  	v9 =	vmpcnt.ones.xlane vm14;
	_ =	sdelay $0x1  }
0xd0: {  	s31 =	sadd.s32 $0x100, s31;
	s30 =	sadd.s32 $0x40, s30;
	v6 =	vadd.s32 v6, v9;
	[tilespmem:v8+s28+$0x0] =	vst.idx.msk vm0, v7  }
0xd1: {  	[hbm4b:s9+s3] =	stream.linear.scatter [tilespmem:s22], [sflag:$0x1], $0xC0, $0x38;
	[tilespmem:$0xC8D0] =	vst v63  }
0xd2: {  	_ =	swait.ge [sflag:s4], $0xC0  }
0xd3: {  	[sflag:s4] =	ssyncset.done $0x0  }
0xd4: {  	[sflag:s4] =	ssyncadd.s32 $0xFFFFFF40  }
0xd5: {  	[hbm4b:s10+s3] =	stream.linear.scatter [tilespmem:s23], [sflag:$0x1], $0xC0, $0x38;
	[tilespmem:$0xC8D0] =	vst v63  }
0xd6: {  	_ =	swait.ge [sflag:s4], $0xC0  }
0xd7: {  	[sflag:s4] =	ssyncset.done $0x0  }
0xd8: {  	[sflag:s4] =	ssyncadd.s32 $0xFFFFFF40  }
0xd9: {  	[hbm4b:s11+s3] =	stream.linear.scatter [tilespmem:s24], [sflag:$0x1], $0xC0, $0x38;
	[tilespmem:$0xC8D0] =	vst v63  }
0xda: {  	_ =	swait.ge [sflag:s4], $0xC0  }
0xdb: {  	[sflag:s4] =	ssyncset.done $0x0  }
0xdc: {  	[sflag:s4] =	ssyncadd.s32 $0xFFFFFF40  }
0xdd: {  	[hbm4b:s12+s3] =	stream.linear.scatter [tilespmem:s25], [sflag:$0x1], $0xC0, $0x38;
	[tilespmem:$0xC8D0] =	vst v63  }
0xde: {  	_ =	swait.ge [sflag:s4], $0xC0  }
0xdf: {  	[sflag:s4] =	ssyncset.done $0x0  }
0xe0: {  	[sflag:s4] =	ssyncadd.s32 $0xFFFFFF40  }
0xe1: {  	[hbm4b:s13+s3] =	stream.linear.scatter [tilespmem:s26], [sflag:$0x1], $0xC0, $0x38;
	[tilespmem:$0xC8D0] =	vst v63  }
0xe2: {  	s29 =	sadd.s32 $0x1, s29;
	_ =	swait.ge [sflag:s4], $0xC0  }
0xe3: {  	p0 =	sne.s32 s29, s16;
	[sflag:s4] =	ssyncset.done $0x0  }
.Ltmp2:
0xe4: {  	[sflag:s4] =	ssyncadd.s32 $0xFFFFFF40;
	(pc) =	sbr.rel @p0 .LBB2_2-.Ltmp2, $4  }
0xe5: {  	[hbm4b:s14+s3] =	stream.linear.scatter [tilespmem:s28], [sflag:$0x1], $0xC0, $0x38;
	[tilespmem:$0xC8D0] =	vst v63  }
0xe6: {  	_ =	swait.ge [sflag:s4], $0xC0  }
0xe7: {  	[sflag:s4] =	ssyncset.done $0x0  }
0xe8: {  	[sflag:s4] =	ssyncadd.s32 $0xFFFFFF40  }
.LBB2_5:
0xe9: {  	_ =	sfence.sel $0x180000  }
0xea: {  	[bflag:$0x0] =	sbarrier.arrive $0xFFFF  }
0xeb: {  	_ =	strace $0x90000047  }
0xec: {  	s0 =	stileid.u32;
	[bflag:$0x2] =	sbarrier.arrive $0xFFFF  }
0xed: {  	p0 =	sne.s32 s0, $0x0;
	s0 =	rddreg [dreg:$0x3]  }
0xee: {  	s0 =	sadd.s32 @!p0 $0x100000, s0  }
0xef: {  	[sflag:s0] =	ssyncadd.tile.s32 @!p0 $0x1;
	_ =	shalt  }
.Lfunc_end2:
_tile_overlayer_lowered:
.L_overlay_start_2:
0xf0: {  	(tag) =	ssettag $0x2  }
0xf1: {  	s0 =	rddreg [dreg:$0x0];
	s2 =	stileid.u32  }
0xf2: {  	s1 =	rddreg [dreg:$0x1];
	p0 =	sne.s32 s2, $0x0  }
0xf3: {  	s3 =	rddreg [dreg:$0x2];
	[bflag:$0x3] =	sbarrier.arrive $0xFFFF;
	s2 =	simm.s32 @!p0 $0x1C01  }
0xf4: {  	[timem:s3], [sflag:s2] =	dma.local @!p0 [hbm:s0], s1  }
0xf5: {  	s0 =	simm.s32 @!p0 $0x1  }
0xf6: {  	_ =	swait.ge @!p0 [sflag:s0], s1  }
0xf7: {  	s1 =	ssub.s32 @!p0 $0x0, s1;
	[sflag:s0] =	ssyncset.done @!p0 $0x0  }
0xf8: {  	[sflag:s0] =	ssyncadd.s32 @!p0 s1  }
0xf9: {  	[bflag:$0x3] =	sbarrier.arrive $0xFFFF  }
0xfa: {  	_ =	shalt  }

// kernel: kernel.9.cloned.1.call-start
scs
__scs_entry_jumppad:
0x0: {  	(pc) =	sbr.rel $0x88, $3  }
0x1: {  	(tag) =	ssettag $0x0;
	lr =	simm.s32 $0x1  }
0x2: {  	[smem:$0x3F9C] =	sst lr;
	_ =	strace $0xD0000000  }
0x3: {  	_ = 	snop  }
0x4: {  	_ = 	snop  }
0x5: {  	_ = 	snop  }
0x6: {  	_ = 	snop  }
0x7: {  	_ = 	snop  }
__scs_overlays_trampoline_lowered:
0x8: {  	[smem:$0x3FAB] =	sst s0  }
0x9: {  	[smem:$0x3FAC] =	sst s1  }
0xa: {  	[smem:$0x3FAD] =	sst s2  }
0xb: {  	[smem:$0x3FAE] =	sst s3  }
0xc: {  	[smem:$0x3FAF] =	sst s4  }
0xd: {  	[smem:$0x3FB0] =	sst s5  }
0xe: {  	[smem:$0x3FB1] =	sst s6  }
0xf: {  	[smem:$0x3FB2] =	sst s7  }
0x10: {  	[smem:$0x3FB3] =	sst s8  }
0x11: {  	[smem:$0x3FB4] =	sst s9;
	s0 =	simm.s32 @!p0 $0x0  }
0x12: {  	s1 =	sld [smem:$0x3F9A];
	s0 =	simm.s32 @p0 $0x1  }
0x13: {  	[smem:$0x3FB5] =	sst s0;
	s0 =	simm.s32 @!p1 $0x0  }
0x14: {  	s2 =	sld [smem:$0x3F99];
	s0 =	simm.s32 @p1 $0x1  }
0x15: {  	[smem:$0x3FB6] =	sst s0;
	s0 =	simm.s32 @!p2 $0x0  }
0x16: {  	s3 =	sld [smem:$0x3FDB];
	s0 =	simm.s32 @p2 $0x1  }
0x17: {  	s4 =	simm.s32 $0x1BF5;
	[smem:$0x3FB8] =	sst s0  }
0x18: {  	s0 =	sld [smem:$0x3F9B];
	_ =	swait.ge [sflag:s4], $0x0  }
0x19: {  	s7 =	sld [smem:$0x3F9C]  }
0x1a: {  	s8 =	sadd.s32 $0xFFFFE003, lr  }
0x1b: {  	s9 =	sadd.s32 $0xFFFFFEF7, lr;
	s5 =	simm.s32 $0xFFFFFFFF;
	p2 =	slt.u32 s8, $0xFFFFF086  }
0x1c: {  	p1 =	slt.u32 s9, $0xF7A;
	s5 =	simm.s32 @!p2 $0x0  }
0x1d: {  	s5 =	simm.s32 @p1 $0x1;
	p0 =	seq.s32 s7, s2  }
0x1e: {  	s7 =	smul.u32 @!p0 $0xF7A, s2;
	p2 =	seq.s32 @!p0 s5, $0x0  }
0x1f: {  	s9 =	smul.u32 $0xF7A, s1;
	s8 =	simm.s32 @!p0 $0x1BF5;
	p2 =	por !p2, p0  }
0x20: {  	[sflag:s8] =	ssyncset.s32 @!p0 $0xFFFFF086;
	s6 =	sadd.s32 @!p0 s3, s7;
	s7 =	simm.s32 @!p0 $0x108  }
0x21: {  	s3 =	sadd.s32 s3, s9;
	s6 =	sadd.s32 @!p0 $0x88, s6;
	s7 =	simm.s32 @p2 $0x1082  }
0x22: {  	[simem:s7], [sflag:s8] =	dma.local @!p0 [hbm:s6], $0xF7A  }
0x23: {  	s9 =	sor.u32 $0xD0000000, s2;
	s6 =	simm.s32 $0x108;
	_ =	swait.ge @!p0 [sflag:s8], $0x0  }
0x24: {  	s3 =	sadd.s32 $0x88, s3;
	s6 =	simm.s32 @!p1 $0x1082;
	[sflag:s4] =	ssyncset.s32 $0xFFFFF086  }
0x25: {  	[simem:s6], [sflag:s4] =	dma.local [hbm:s3], $0xF7A  }
0x26: {  	[smem:$0x3F9C] =	sst s1;
	(tag) =	ssettag s2;
	_ =	strace s9  }
0x27: {  	s1 =	sld [smem:$0x3FAC]  }
0x28: {  	s2 =	sld [smem:$0x3FAD]  }
0x29: {  	s4 =	sld [smem:$0x3FAF]  }
0x2a: {  	p0 =	seq.s32 s5, $0x0;
	s5 =	sld [smem:$0x3FB0]  }
0x2b: {  	s6 =	sld [smem:$0x3FB1]  }
0x2c: {  	s7 =	sld [smem:$0x3FB2]  }
0x2d: {  	s3 =	simm.s32 $0x108;
	s8 =	sld [smem:$0x3FB3]  }
0x2e: {  	s3 =	simm.s32 @!p0 $0x1082;
	s9 =	sld [smem:$0x3FB4]  }
0x2f: {  	lr =	sadd.s32 s0, s3;
	s0 =	sld [smem:$0x3FAB]  }
0x30: {  	s3 =	sld [smem:$0x3FAE]  }
0x31: {  	[smem:$0x3FB7] =	sst s10  }
0x32: {  	s10 =	sld [smem:$0x3FB5];
	_ =	sdelay $0x3  }
0x33: {  	p0 =	seq.s32 s10, $0x1;
	s10 =	sld [smem:$0x3FB7];
	_ =	sdelay $0x3  }
0x34: {  	[smem:$0x3FB7] =	sst s10  }
0x35: {  	s10 =	sld [smem:$0x3FB6];
	_ =	sdelay $0x3  }
0x36: {  	p1 =	seq.s32 s10, $0x1;
	s10 =	sld [smem:$0x3FB7];
	_ =	sdelay $0x3  }
0x37: {  	[smem:$0x3FB7] =	sst s10  }
0x38: {  	s10 =	sld [smem:$0x3FB8]  }
0x39: {  	_ = 	snop;
	(pc) =	sbr.ind lr, $3  }
0x3a: {  	_ = 	snop  }
0x3b: {  	_ = 	snop  }
0x3c: {  	p2 =	seq.s32 s10, $0x1;
	s10 =	sld [smem:$0x3FB7]  }
0x3d: {  	_ =	shalt  }
0x3e: {  	_ =	shalt  }
0x3f: {  	_ =	shalt  }
0x40: {  	_ =	shalt  }
0x41: {  	_ =	shalt  }
0x42: {  	_ =	shalt  }
0x43: {  	_ =	shalt  }
0x44: {  	_ =	shalt  }
0x45: {  	_ =	shalt  }
0x46: {  	_ =	shalt  }
0x47: {  	_ =	shalt  }
0x48: {  	_ =	shalt  }
0x49: {  	_ =	shalt  }
0x4a: {  	_ =	shalt  }
0x4b: {  	_ =	shalt  }
0x4c: {  	_ =	shalt  }
0x4d: {  	_ =	shalt  }
0x4e: {  	_ =	shalt  }
0x4f: {  	_ =	shalt  }
0x50: {  	_ =	shalt  }
0x51: {  	_ =	shalt  }
0x52: {  	_ =	shalt  }
0x53: {  	_ =	shalt  }
0x54: {  	_ =	shalt  }
0x55: {  	_ =	shalt  }
0x56: {  	_ =	shalt  }
0x57: {  	_ =	shalt  }
0x58: {  	_ =	shalt  }
0x59: {  	_ =	shalt  }
0x5a: {  	_ =	shalt  }
0x5b: {  	_ =	shalt  }
0x5c: {  	_ =	shalt  }
0x5d: {  	_ =	shalt  }
0x5e: {  	_ =	shalt  }
0x5f: {  	_ =	shalt  }
0x60: {  	_ =	shalt  }
0x61: {  	_ =	shalt  }
0x62: {  	_ =	shalt  }
0x63: {  	_ =	shalt  }
0x64: {  	_ =	shalt  }
0x65: {  	_ =	shalt  }
0x66: {  	_ =	shalt  }
0x67: {  	_ =	shalt  }
0x68: {  	_ =	shalt  }
0x69: {  	_ =	shalt  }
0x6a: {  	_ =	shalt  }
0x6b: {  	_ =	shalt  }
0x6c: {  	_ =	shalt  }
0x6d: {  	_ =	shalt  }
0x6e: {  	_ =	shalt  }
0x6f: {  	_ =	shalt  }
0x70: {  	_ =	shalt  }
0x71: {  	_ =	shalt  }
0x72: {  	_ =	shalt  }
0x73: {  	_ =	shalt  }
0x74: {  	_ =	shalt  }
0x75: {  	_ =	shalt  }
0x76: {  	_ =	shalt  }
0x77: {  	_ =	shalt  }
0x78: {  	_ =	shalt  }
0x79: {  	_ =	shalt  }
0x7a: {  	_ =	shalt  }
0x7b: {  	_ =	shalt  }
0x7c: {  	_ =	shalt  }
0x7d: {  	_ =	shalt  }
0x7e: {  	_ =	shalt  }
0x7f: {  	_ =	shalt  }
0x80: {  	_ =	shalt  }
0x81: {  	_ =	shalt  }
0x82: {  	_ =	shalt  }
0x83: {  	_ =	shalt  }
0x84: {  	_ =	shalt  }
0x85: {  	_ =	shalt  }
0x86: {  	_ =	shalt  }
0x87: {  	_ =	shalt  }
.Lfunc_end0:
.L_simem_size_0:
called_computation.1_lowered:
.L_overlay_start_0:
0x88: {  	s2 =	sld [smem:$0x3FD9]  }
0x89: {  	s3 =	sld [smem:$0x3FFE];
	_ =	sdelay $0x1  }
0x8a: {  	s1 =	srdreg.scid  }
0x8b: {  	s0 =	sand.u32 $0x1, s1  }
0x8c: {  	s14 =	sshll.u32 s0, $0xA;
	s2 =	sadd.s32 s3, s2  }
0x8d: {  	s2 =	sadd.s32 s2, s14  }
0x8e: {  	[smem:$0x3FC3] =	sst s2  }
0x8f: {  	_ = 	snop  }
0x90: {  	s2 =	sld [smem:$0x3FD0];
	_ =	sdelay $0x2  }
0x91: {  	s15 =	simm.s32 $0xA;
	s4 =	simm.s32 $0x10  }
0x92: {  	[smem:s4], [sflag:s15] =	dma.local [hbm:s2], $0x1  }
0x93: {  	_ =	swait.eq [sflag:s15], $0x1  }
0x94: {  	[sflag:s15] =	ssyncset.done $0x0  }
0x95: {  	[sflag:s15] =	ssyncadd.s32 $0xFFFFFFFF  }
0x96: {  	s16 =	sld [smem:$0x14];
	(tm) =	ssettm $0x1  }
0x97: {  	s17 =	sld [smem:$0x3FFB];
	_ =	sdelay $0x3  }
0x98: {  	_ =	strace s17  }
0x99: {  	s3 =	sld [smem:$0x3FFC];
	_ =	sdelay $0x3  }
0x9a: {  	_ =	strace s3  }
0x9b: {  	s3 =	sld [smem:$0x3FFD];
	_ =	sdelay $0x3  }
0x9c: {  	_ =	strace s3  }
0x9d: {  	_ =	strace $0x8FFFFFFF  }
0x9e: {  	s18 =	sld [smem:$0x3FDB];
	_ =	sdelay $0x1  }
0x9f: {  	s19 =	simm.s32 $_scs_section_size  }
0xa0: {  	s5 =	simm.s32 $_size__tile_overlayer_lowered;
	s6 =	simm.s32 $_tile_overlayer_lowered  }
0xa1: {  	s22 =	simm.s32 $0x1BFF;
	s21 =	sshll.u32 s6, $0x1;
	s3 =	sadd.s32 s19, s18  }
0xa2: {  	s7 =	simm.s32 $0x0;
	s20 =	sshll.u32 s5, $0x1;
	s5 =	sadd.s32 s21, s3  }
0xa3: {  	[timem:s7], [sflag:s22] =	dma.local [hbm:s5], s20  }
0xa4: {  	_ =	swait.ge [sflag:s22], s20  }
0xa5: {  	s4 =	ssub.s32 $0x0, s20;
	[sflag:s22] =	ssyncset.done $0x0  }
0xa6: {  	[sflag:s22] =	ssyncadd.s32 s4;
	_ =	sdelay $0x1  }
0xa7: {  	s23 =	simm.s32 $0x1B8B  }
0xa8: {  	_ =	swait.ge [sflag:s23], $0x1  }
0xa9: {  	[sflag:s23] =	ssyncset.done $0x0  }
0xaa: {  	s25 =	simm.s32 $0x1B8E;
	s24 =	sld [smem:$0x3FFE];
	[sflag:s23] =	ssyncadd.s32 $0xFFFFFFFF  }
0xab: {  	s26 =	simm.s32 $execute0_lowered;
	[smem:$0x3FD2] =	sst s25  }
0xac: {  	s5 =	sshll.u32 s26, $0x1;
	_ =	strace $0x80000049;
	[dreg:$0x1] =	wrdreg $0xFFFFFFFF  }
0xad: {  	s28 =	simm.s32 $_size_execute0_lowered;
	s3 =	sadd.s32 s3, s5;
	[dreg:$0x0] =	wrdreg $0x0  }
0xae: {  	s5 =	sshll.u32 s28, $0x1;
	[dreg:$0x2] =	wrdreg s3  }
0xaf: {  	[dreg:$0x3] =	wrdreg s5  }
0xb0: {  	[dreg:$0x4] =	wrdreg $0xC0  }
0xb1: {  	_ =	task [dreg:s7], $0x5FFFF  }
0xb2: {  	[dreg:$0x1] =	wrdreg $0xFFFFFFFF  }
0xb3: {  	[dreg:$0x0] =	wrdreg $0x60  }
0xb4: {  	[dreg:$0x2] =	wrdreg s16  }
0xb5: {  	[dreg:$0x3] =	wrdreg s24  }
0xb6: {  	[dreg:$0x4] =	wrdreg $0x9  }
0xb7: {  	_ =	task.clear_ibuf [dreg:s7], $0x5FFFF;
	_ =	strace $0x90000049  }
0xb8: {  	s29 =	simm.s32 $0x9;
	_ =	strace $0x8000004B  }
0xb9: {  	_ =	swait.ge [sflag:s29], $0x1  }
0xba: {  	[sflag:s29] =	ssyncadd.s32 $0xFFFFFFFF  }
0xbb: {  	_ =	strace $0x9000004B  }
0xbc: {  	_ =	sfence  }
0xbd: {  	s30 =	sld [smem:$0x0];
	_ =	sdelay $0x2  }
0xbe: {  	s31 =	sshll.u32 s1, $0xD;
	s1 =	sshrl.u32 s1, $0x2  }
0xbf: {  	s3 =	sand.u32 $0x4000, s31;
	s1 =	sadd.s32 s1, s30  }
0xc0: {  	s0 =	sor.u32 s3, s0;
	s1 =	sshll.u32 s1, $0x11  }
0xc1: {  	s0 =	sor.u32 s1, s0  }
0xc2: {  	s0 =	sadd.s32 $0x8F2B, s0  }
0xc3: {  	[sflag:s0] =	ssyncadd.remote.s32 $0x1  }
0xc4: {  	_ =	sfence.sel $0xFFFF  }
0xc5: {  	[dreg:$0x0] =	wrdreg $0xFFFFFFFF;
	(pc) =	sbr.abs _section_cstart, $3  }
0xc6: {  	[dreg:$0x1] =	wrdreg $0xFFFFFFFF  }
0xc7: {  	_ =	task.clear_ibuf [dreg:s7], $0x2FFFF;
	_ =	strace $0x9FFFFFFF  }
0xc8: {  	(tm) =	ssettm $0x7FFFFFFF  }
0xc9: {  	_ =	shalt  }
tec
execute0_lowered:
.L_overlay_start_1:
0x0: {  	(tag) =	ssettag $0x1  }
0x1: {  	s1 =	stileid.u32  }
0x2: {  	p0 =	sgt.u32 s1, $0x1  }
.Ltmp0:
0x3: {  	_ = 	snop;
	(pc) =	sbr.rel @p0 .LBB2_4-.Ltmp0, $4  }
0x4: {  	s3 =	rddreg [dreg:$0x0]  }
0x5: {  	s8 =	rddreg [dreg:$0x1];
	s2 =	simm.s32 $0x0  }
0x6: {  	[smem:$0x7FF] =	sst s2  }
0x7: {  	s0 =	rddreg [dreg:$0x2];
	_ =	strace $0x8000004A  }
0x8: {  	s4 =	srdreg.scid  }
0x9: {  	s29 =	sshll.u32 s1, $0x1;
	s6 =	sand.u32 $0x1, s4  }
0xa: {  	s7 =	sor.u32 s6, s29  }
0xb: {  	s5 =	sadd.s32 $0xC600, s8;
	s10 =	ssub.s32 $0x2, s6;
	s4 =	sshll.u32 s7, $0x2  }
0xc: {  	s6 =	simm.s32 $0x20;
	s4 =	sadd.s32 s3, s4;
	s3 =	simm.s32 $0x2  }
0xd: {  	[tilespmem:s2], [sflag:$0x2] =	stream.linear.gather [hbm4b:s4+s2], $0x20, $0x38;
	[tilespmem:$0xA20] =	vst v63  }
0xe: {  	s9 =	smul.u32 $0x140, s7;
	s11 =	sshrl.u32 s10, $0x1;
	_ =	swait.ge [sflag:s3], $0x20  }
0xf: {  	s7 =	simm.s32 $0x1;
	s31 =	ssub.s32 s10, s11;
	[sflag:s3] =	ssyncset.done $0x0  }
0x10: {  	s30 =	sadd.s32 s9, s8;
	s9 =	smax.u32 s31, $0x1;
	[sflag:s3] =	ssyncadd.s32 $0xFFFFFFE0  }
0x11: {  	[tilespmem:s6], [sflag:$0x1] =	stream.indirect.gather [hbm4b:s5+s6], $0x50, s2, s6, $0xb8;
	[tilespmem:$0xA20] =	vst v63  }
0x12: {  	p0 =	sne.s32 s9, $0x1;
	_ =	swait.ge [sflag:s7], $0xA00  }
.Ltmp1:
0x13: {  	[sflag:s7] =	ssyncset.done $0x0;
	(pc) =	sbr.rel @!p0 .LBB2_3-.Ltmp1, $4  }
0x14: {  	s8 =	sadd.s32 $0x1C00, s30;
	[sflag:s7] =	ssyncadd.s32 $0xFFFFF600  }
0x15: {  	[hbm4b:s8+s2] =	stream.linear.scatter [tilespmem:s6], [sflag:$0x2], $0xA00, $0x38;
	[tilespmem:$0xA20] =	vst v63  }
0x16: {  	_ =	swait.ge [sflag:s3], $0xA00  }
0x17: {  	s9 =	sadd.s32 $0xFFFFFFFF, s9;
	[sflag:s3] =	ssyncset.done $0x0  }
.LBB2_2:
0x18: {  	p0 =	sne.s32 s9, $0x1;
	s9 =	sadd.s32 $0xFFFFFFFF, s9;
	[sflag:s3] =	ssyncadd.s32 $0xFFFFF600  }
0x19: {  	[tilespmem:s2], [sflag:$0x2] =	stream.linear.gather [hbm4b:s4+s2], $0x20, $0x38;
	[tilespmem:$0xA20] =	vst v63  }
0x1a: {  	_ =	swait.ge [sflag:s3], $0x20  }
0x1b: {  	[sflag:s3] =	ssyncset.done $0x0  }
0x1c: {  	[sflag:s3] =	ssyncadd.s32 $0xFFFFFFE0  }
0x1d: {  	[tilespmem:s6], [sflag:$0x1] =	stream.indirect.gather [hbm4b:s5+s6], $0x50, s2, s6, $0xb8;
	[tilespmem:$0xA20] =	vst v63  }
0x1e: {  	_ =	swait.ge [sflag:s7], $0xA00  }
.Ltmp2:
0x1f: {  	[sflag:s7] =	ssyncset.done $0x0;
	(pc) =	sbr.rel @p0 .LBB2_2-.Ltmp2, $4  }
0x20: {  	[sflag:s7] =	ssyncadd.s32 $0xFFFFF600  }
0x21: {  	[hbm4b:s8+s2] =	stream.linear.scatter [tilespmem:s6], [sflag:$0x2], $0xA00, $0x38;
	[tilespmem:$0xA20] =	vst v63  }
0x22: {  	_ =	swait.ge [sflag:s3], $0xA00  }
0x23: {  	[sflag:s3] =	ssyncset.done $0x0  }
.LBB2_3:
0x24: {  	[sflag:s3] =	ssyncadd.s32 $0xFFFFF600  }
.LBB2_4:
0x25: {  	_ =	sfence.sel $0x180000  }
0x26: {  	[bflag:$0x0] =	sbarrier.arrive $0xFFFF  }
0x27: {  	p0 =	sne.s32 s1, $0x0;
	_ =	strace $0x9000004A  }
0x28: {  	s0 =	sadd.s32 @!p0 $0x100000, s0;
	[bflag:$0x2] =	sbarrier.arrive $0xFFFF  }
0x29: {  	[sflag:s0] =	ssyncadd.tile.s32 @!p0 $0x1;
	_ =	shalt  }
.Lfunc_end2:
_tile_overlayer_lowered:
.L_overlay_start_2:
0x2a: {  	(tag) =	ssettag $0x2  }
0x2b: {  	s0 =	rddreg [dreg:$0x0];
	s2 =	stileid.u32  }
0x2c: {  	s1 =	rddreg [dreg:$0x1];
	p0 =	sne.s32 s2, $0x0  }
0x2d: {  	s3 =	rddreg [dreg:$0x2];
	[bflag:$0x3] =	sbarrier.arrive $0xFFFF;
	s2 =	simm.s32 @!p0 $0x1C02  }
0x2e: {  	[timem:s3], [sflag:s2] =	dma.local @!p0 [hbm:s0], s1  }
0x2f: {  	s0 =	simm.s32 @!p0 $0x2  }
0x30: {  	_ =	swait.ge @!p0 [sflag:s0], s1  }
0x31: {  	s1 =	ssub.s32 @!p0 $0x0, s1;
	[sflag:s0] =	ssyncset.done @!p0 $0x0  }
0x32: {  	[sflag:s0] =	ssyncadd.s32 @!p0 s1  }
0x33: {  	[bflag:$0x3] =	sbarrier.arrive $0xFFFF  }
0x34: {  	_ =	shalt  }

</sc_bundles>
